<compile_context>
chip_gen: v7x
topology: tpu7x:2x2x1
jax: 0.10.2.dev20260603
libtpu: 0.0.44.dev20260713+nightly
codegen_flags: <defaults>
</compile_context>

<pallas_src>
import functools

import jax
import jax.numpy as jnp
from jax import lax
from jax.experimental import pallas as pl
from jax.experimental.pallas import tpu as pltpu
from jax.experimental.pallas import tpu_sc as plsc

_L = 16


def _ceil_div(a, b):
  return -(-a // b)


@functools.lru_cache(maxsize=None)
def _make_sc_aggregate(n_nodes, d_feat, n_edges):
  NC, NS = 2, 16
  NW = NC * NS
  ED = 128
  GROUP = 8
  steps = _ceil_div(n_edges, NW * ED * GROUP) * GROUP
  pair_steps = steps * NC
  s0 = int(round(pair_steps * 0.7 / GROUP)) * GROUP
  s1 = pair_steps - s0
  npad = _ceil_div(n_nodes + 1, NS * ED) * NS * ED
  rpt = npad // NS

  mesh = plsc.VectorSubcoreMesh(core_axis_name="c", subcore_axis_name="s")

  @functools.partial(
      pl.kernel,
      out_type=(
          jax.ShapeDtypeStruct((NC, npad, d_feat), jnp.float32),
          jax.ShapeDtypeStruct((NC, npad, d_feat), jnp.float32),
      ),
      mesh=mesh,
      scratch_types=[
          pltpu.VMEM((2, GROUP, ED), jnp.int32),
          pltpu.VMEM((2, GROUP, ED), jnp.int32),
          pltpu.VMEM((ED, d_feat), jnp.float32),
          pltpu.VMEM((ED, d_feat), jnp.float32),
          pltpu.VMEM_SHARED((npad, d_feat), jnp.float32),
          pltpu.SemaphoreType.DMA,
          pltpu.SemaphoreType.DMA,
          pltpu.SemaphoreType.DMA,
          pltpu.SemaphoreType.DMA,
          pltpu.SemaphoreType.DMA,
          pltpu.SemaphoreType.DMA,
      ],
  )
  def sc_aggregate(src_hbm, dst_hbm, x_hbm, zrow_hbm,
                   agg_out, cnt_out, src_v, dst_v, rows_a, rows_b, agg_sh,
                   sem_ga, sem_gb, sem_sa, sem_sb, sem_ia, sem_ib):
    cid = lax.axis_index("c")
    sid = lax.axis_index("s")
    base_c = cid * s0
    steps_c = jnp.where(cid == 0, s0, s1)
    n_groups = steps_c // GROUP
    bufs = (rows_a, rows_b)
    gsems = (sem_ga, sem_gb)
    ssems = (sem_sa, sem_sb)
    isems = (sem_ia, sem_ib)

    def stage_idx(g, slot, what):
      @pl.when(g < n_groups)
      def _():
        off = pl.multiple_of(g * GROUP + base_c, GROUP)
        if what in ("src", "both"):
          pltpu.async_copy(
              src_hbm.at[sid].at[pl.ds(off, GROUP)], src_v.at[slot],
              isems[slot])
        if what in ("dst", "both"):
          pltpu.async_copy(
              dst_hbm.at[sid].at[pl.ds(off, GROUP)], dst_v.at[slot],
              isems[slot])

    def wait_idx(slot, n_copies):
      for _ in range(n_copies):
        pltpu.make_async_copy(
            dst_hbm.at[sid].at[pl.ds(0, GROUP)], dst_v.at[slot],
            isems[slot]).wait()

    def run_group(slot):
      dg = {0: pltpu.async_copy(
          x_hbm.at[src_v.at[slot].at[0]], rows_a, sem_ga)}
      ds = {}
      for j in range(GROUP):
        b = j % 2
        nb = 1 - b
        if j + 1 < GROUP:
          if j >= 1:
            ds[j - 1].wait()
          dg[j + 1] = pltpu.async_copy(
              x_hbm.at[src_v.at[slot].at[j + 1]], bufs[nb], gsems[nb])
        dg[j].wait()
        ds[j] = pltpu.async_copy(
            bufs[b], agg_sh.at[dst_v.at[slot].at[j]], ssems[b], add=True)
      ds[GROUP - 2].wait()
      ds[GROUP - 1].wait()

    pltpu.sync_copy(
        zrow_hbm.at[pl.ds(sid * rpt, rpt)],
        agg_sh.at[pl.ds(sid * rpt, rpt)])
    plsc.subcore_barrier()

    stage_idx(0, 0, "both")
    stage_idx(1, 1, "both")

    @pl.loop(0, (steps_c // GROUP + 1) // 2)
    def _(q):
      g = q * 2
      wait_idx(0, 2)
      run_group(0)
      stage_idx(g + 2, 0, "both")

      @pl.when(g + 1 < n_groups)
      def _():
        wait_idx(1, 2)
        run_group(1)
        stage_idx(g + 3, 1, "both")

    plsc.subcore_barrier()
    pltpu.sync_copy(
        agg_sh.at[pl.ds(sid * rpt, rpt)],
        agg_out.at[cid].at[pl.ds(sid * rpt, rpt)])

    pltpu.sync_copy(
        zrow_hbm.at[pl.ds(sid * rpt, rpt)],
        agg_sh.at[pl.ds(sid * rpt, rpt)])

    @pl.loop(0, ED)
    def _(i):
      for m in range(d_feat // _L):
        rows_a[i, pl.ds(m * _L, _L)] = jnp.full((_L,), 1.0, jnp.float32)

    plsc.subcore_barrier()

    def fire_group(slot):
      for j in range(GROUP):
        pltpu.async_copy(
            rows_a, agg_sh.at[dst_v.at[slot].at[j]], ssems[slot], add=True)

    def drain_group(slot):
      for _ in range(GROUP):
        pltpu.make_async_copy(
            rows_a, agg_sh.at[dst_v.at[slot].at[0]], ssems[slot]).wait()

    stage_idx(0, 0, "dst")
    stage_idx(1, 1, "dst")

    @pl.loop(0, (steps_c // GROUP + 1) // 2)
    def _(q):
      g = q * 2
      wait_idx(0, 1)
      fire_group(0)

      @pl.when(g + 1 < n_groups)
      def _():
        wait_idx(1, 1)
        fire_group(1)

      drain_group(0)
      stage_idx(g + 2, 0, "dst")

      @pl.when(g + 1 < n_groups)
      def _():
        drain_group(1)
        stage_idx(g + 3, 1, "dst")

    plsc.subcore_barrier()
    pltpu.sync_copy(
        agg_sh.at[pl.ds(sid * rpt, rpt)],
        cnt_out.at[cid].at[pl.ds(sid * rpt, rpt)])

  return sc_aggregate, steps, ED, NW, npad


def _tc_forward_body(aggp_ref, cntp_ref, x_ref, wl_ref, bl_ref, wr_ref,
                     wlin_ref, blin_ref, out_ref):
  agg = aggp_ref[0] + aggp_ref[1]
  cnt = cntp_ref[0, :, 0:1] + cntp_ref[1, :, 0:1]
  inv = 1.0 / jnp.maximum(cnt, 1.0)
  mean = agg * inv
  h = jnp.dot(mean, wl_ref[...], preferred_element_type=jnp.float32)
  h = h + bl_ref[...]
  h = h + jnp.dot(x_ref[...], wr_ref[...], preferred_element_type=jnp.float32)
  h = jnp.maximum(h, 0.0)
  out_ref[...] = (
      jnp.dot(h, wlin_ref[...], preferred_element_type=jnp.float32)
      + blin_ref[...])


def kernel(x_comment, edge_index, W_l, b_l, W_r, W_lin, b_lin):
  n, d = x_comment.shape
  e = edge_index.shape[1]
  hidden = W_l.shape[1]
  out_dim = W_lin.shape[1]

  ei = edge_index.astype(jnp.int32)
  ei = jnp.where(ei > n - 1, 0, ei)
  src, dst = ei[0], ei[1]

  sc_aggregate, steps, ed, nw, npad = _make_sc_aggregate(n, d, e)
  ep = nw * steps * ed
  ns = nw // 2
  src_p = jnp.concatenate(
      [src, jnp.zeros((ep - e,), jnp.int32)]).reshape(ns, 2 * steps, ed)
  dst_p = jnp.concatenate(
      [dst, jnp.full((ep - e,), n, jnp.int32)]).reshape(ns, 2 * steps, ed)
  zrow = jnp.zeros((npad, d), jnp.float32)

  aggp, cntp = sc_aggregate(src_p, dst_p, x_comment, zrow)

  rows = 2000
  grid = n // rows
  out = pl.pallas_call(
      _tc_forward_body,
      grid=(grid,),
      in_specs=[
          pl.BlockSpec((2, rows, d), lambda i: (0, i, 0)),
          pl.BlockSpec((2, rows, d), lambda i: (0, i, 0)),
          pl.BlockSpec((rows, d), lambda i: (i, 0)),
          pl.BlockSpec((d, hidden), lambda i: (0, 0)),
          pl.BlockSpec((1, hidden), lambda i: (0, 0)),
          pl.BlockSpec((d, hidden), lambda i: (0, 0)),
          pl.BlockSpec((hidden, out_dim), lambda i: (0, 0)),
          pl.BlockSpec((1, out_dim), lambda i: (0, 0)),
      ],
      out_specs=pl.BlockSpec((rows, out_dim), lambda i: (i, 0)),
      out_shape=jax.ShapeDtypeStruct((n, out_dim), jnp.float32),
  )(aggp, cntp, x_comment, W_l, b_l.reshape(1, -1), W_r, W_lin,
    b_lin.reshape(1, -1))
  return out

# --- scband reference (transcript-rebuilt; emitter-appended) ---
"""Pipeline reference for scband-hetero-gcn-53455162966031 (READ-ONLY COPY).

The authoritative reference and input builder live on the scoring server;
editing this copy changes nothing except your own understanding.
"""

import jax, jax.numpy as jnp
import numpy as np

N_NODES = 10000
D_FEAT = 128
HIDDEN = 128
OUT = 128
N_EDGES = 320000

def setup_inputs(seed: int = 0) -> dict:
    key = jax.random.key(seed)
    k1, k2, k3, k4, k5, k6, k7 = jax.random.split(key, 7)
    x_comment = jax.random.normal(k1, (N_NODES, D_FEAT), dtype=jnp.float32)
    edge_index = jax.random.randint(k2, (2, N_EDGES), 0, N_NODES, dtype=jnp.int64)
    # SAGEConv params: lin_l (neighbor agg, with bias), lin_r (root, no bias)
    W_l = jax.random.normal(k3, (D_FEAT, HIDDEN), dtype=jnp.float32) * (1.0 / np.sqrt(D_FEAT))
    b_l = jnp.zeros((HIDDEN,), dtype=jnp.float32)
    W_r = jax.random.normal(k4, (D_FEAT, HIDDEN), dtype=jnp.float32) * (1.0 / np.sqrt(D_FEAT))
    # final Linear
    W_lin = jax.random.normal(k5, (HIDDEN, OUT), dtype=jnp.float32) * (1.0 / np.sqrt(HIDDEN))
    b_lin = jnp.zeros((OUT,), dtype=jnp.float32)
    return {"x_comment": x_comment, "edge_index": edge_index, "W_l": W_l, "b_l": b_l, "W_r": W_r, "W_lin": W_lin, "b_lin": b_lin}

def reference(x_comment, edge_index, W_l, b_l, W_r, W_lin, b_lin):
    N = x_comment.shape[0]
    # forward: clamp out-of-range edge indices to 0 (as in original module)
    ei = jnp.where(edge_index > N - 1, 0, edge_index)
    src = ei[0]
    dst = ei[1]
    # SAGEConv with mean aggregation: gather src feats, scatter-mean to dst
    msg = jnp.take(x_comment, src, axis=0)
    agg = jax.ops.segment_sum(msg, dst, num_segments=N)
    cnt = jax.ops.segment_sum(jnp.ones((src.shape[0],), dtype=jnp.float32), dst, num_segments=N)
    mean = agg / jnp.clip(cnt, 1.0)[:, None]
    h = mean @ W_l + b_l + x_comment @ W_r
    # relu then final linear (as in forward)
    h = jax.nn.relu(h)
    out_book = h @ W_lin + b_lin
    return out_book

if __name__ == "__main__":
    import jax
    _d = setup_inputs()
    print(jax.jit(kernel)(*tuple(_d.values())))

</pallas_src>

<mosaic_0001>
#map = affine_map<(d0, d1) -> (0, 0, 0)>
#map1 = affine_map<(d0, d1) -> (0, 0)>
module attributes {stable_mosaic.version = 14 : i64} {
  func.func @sc_aggregate(%arg0: i32, %arg1: i32, %arg2: memref<16x160x128xi32, #tpu.memory_space<hbm>>, %arg3: memref<16x160x128xi32, #tpu.memory_space<hbm>>, %arg4: memref<10000x128xf32, #tpu.memory_space<hbm>>, %arg5: memref<10240x128xf32, #tpu.memory_space<hbm>>, %arg6: memref<2x10240x128xf32, #tpu.memory_space<hbm>>, %arg7: memref<2x10240x128xf32, #tpu.memory_space<hbm>>, %arg8: memref<2x8x128xi32, #tpu.memory_space<vmem>>, %arg9: memref<2x8x128xi32, #tpu.memory_space<vmem>>, %arg10: memref<128x128xf32, #tpu.memory_space<vmem>>, %arg11: memref<128x128xf32, #tpu.memory_space<vmem>>, %arg12: memref<10240x128xf32, #tpu.memory_space<vmem_shared>>, %arg13: memref<!tpu.dma_semaphore, #tpu.memory_space<semaphore_mem>>, %arg14: memref<!tpu.dma_semaphore, #tpu.memory_space<semaphore_mem>>, %arg15: memref<!tpu.dma_semaphore, #tpu.memory_space<semaphore_mem>>, %arg16: memref<!tpu.dma_semaphore, #tpu.memory_space<semaphore_mem>>, %arg17: memref<!tpu.dma_semaphore, #tpu.memory_space<semaphore_mem>>, %arg18: memref<!tpu.dma_semaphore, #tpu.memory_space<semaphore_mem>>) attributes {dimension_semantics = [#tpu.dimension_semantics<core_parallel>, #tpu.dimension_semantics<subcore_parallel>], iteration_bounds = array<i64: 2, 16>, scalar_prefetch = 0 : i64, scratch_operands = 11 : i64, tpu.core_type = #tpu.core_type<sc_vector_subcore>, window_params = [{transform_indices = #map}, {transform_indices = #map}, {transform_indices = #map1}, {transform_indices = #map1}, {transform_indices = #map}, {transform_indices = #map}]} {
    %mul3A = arith.constant 112 : i32
    %mul3A_0 = arith.muli %arg0, %mul3A : i32
    %eq3A = arith.constant 0 : i32
    %eq3A_1 = arith.cmpi eq, %arg0, %eq3A : i32
    %jit3A = arith.constant 112 : i32
    %jit3A_2 = arith.constant 48 : i32
    %select_n3A = arith.select %eq3A_1, %jit3A, %jit3A_2 : i32
    %jit3A_3 = arith.constant 8 : i32
    %div3A = arith.divsi %select_n3A, %jit3A_3 : i32
    %sign3A = arith.constant 0 : i32
    %sign3A_4 = arith.cmpi sgt, %select_n3A, %sign3A : i32
    %sign3A_5 = arith.extui %sign3A_4 : i1 to i32
    %sign3A_6 = arith.constant 0 : i32
    %sign3A_7 = arith.cmpi slt, %select_n3A, %sign3A_6 : i32
    %sign3A_8 = arith.extui %sign3A_7 : i1 to i32
    %sign3A_9 = arith.subi %sign3A_5, %sign3A_8 : i32
    %sign3A_10 = arith.constant 0 : i32
    %sign3A_11 = arith.cmpi sgt, %jit3A_3, %sign3A_10 : i32
    %sign3A_12 = arith.extui %sign3A_11 : i1 to i32
    %sign3A_13 = arith.constant 0 : i32
    %sign3A_14 = arith.cmpi slt, %jit3A_3, %sign3A_13 : i32
    %sign3A_15 = arith.extui %sign3A_14 : i1 to i32
    %sign3A_16 = arith.subi %sign3A_12, %sign3A_15 : i32
    %ne3A = arith.cmpi ne, %sign3A_9, %sign3A_16 : i32
    %rem3A = arith.remsi %select_n3A, %jit3A_3 : i32
    %ne3A_17 = arith.constant 0 : i32
    %ne3A_18 = arith.cmpi ne, %rem3A, %ne3A_17 : i32
    %and3A = arith.andi %ne3A, %ne3A_18 : i1
    %sub3A = arith.constant 1 : i32
    %sub3A_19 = arith.subi %div3A, %sub3A : i32
    %select_n3A_20 = arith.select %and3A, %sub3A_19, %div3A : i32
    %mul3A_21 = arith.constant 640 : i32
    %mul3A_22 = arith.muli %arg1, %mul3A_21 : i32
    %mul3A_23 = arith.constant 640 : i32
    %mul3A_24 = arith.muli %arg1, %mul3A_23 : i32
    "tpu.region"() ({
      %run_scoped3A = tpu.sem_alloc : memref<!tpu.dma_semaphore, #tpu.memory_space<semaphore_mem>>
      %dma_start3A = arith.constant 0 : i32
      %dma_start3A_197 = tpu.memref_slice %arg12[%mul3A_24, %dma_start3A] : memref<10240x128xf32, #tpu.memory_space<vmem_shared>> -> memref<640x128xf32, #tpu.memory_space<vmem_shared>>
      %dma_start3A_198 = arith.constant 0 : i32
      %dma_start3A_199 = tpu.memref_slice %arg5[%mul3A_22, %dma_start3A_198] : memref<10240x128xf32, #tpu.memory_space<hbm>> -> memref<640x128xf32, #tpu.memory_space<hbm>>
      tpu.enqueue_dma source(%dma_start3A_199 : memref<640x128xf32, #tpu.memory_space<hbm>>) target(%dma_start3A_197 : memref<640x128xf32, #tpu.memory_space<vmem_shared>>) target_semaphore(%run_scoped3A : memref<!tpu.dma_semaphore, #tpu.memory_space<semaphore_mem>>)
      %dma_wait3A = arith.constant 0 : i32
      %dma_wait3A_200 = tpu.memref_slice %arg12[%mul3A_24, %dma_wait3A] : memref<10240x128xf32, #tpu.memory_space<vmem_shared>> -> memref<640x128xf32, #tpu.memory_space<vmem_shared>>
      %dma_wait3A_201 = arith.constant 0 : i32
      %dma_wait3A_202 = tpu.memref_slice %arg5[%mul3A_22, %dma_wait3A_201] : memref<10240x128xf32, #tpu.memory_space<hbm>> -> memref<640x128xf32, #tpu.memory_space<hbm>>
      tpu.wait_dma2 semaphore(%run_scoped3A : memref<!tpu.dma_semaphore, #tpu.memory_space<semaphore_mem>>) src(%dma_wait3A_202 : memref<640x128xf32, #tpu.memory_space<hbm>>) dst(%dma_wait3A_200 : memref<640x128xf32, #tpu.memory_space<vmem_shared>>)
      tpu.yield
    }) : () -> ()
    %barrier3A = arith.constant 0 : index
    tpu.barrier barrier_id(%barrier3A)
    %gt3A = arith.constant 0 : i32
    %gt3A_25 = arith.cmpi sgt, %select_n3A_20, %gt3A : i32
    %convert_element_type3A = arith.extui %gt3A_25 : i1 to i32
    %cond3A = arith.constant 0 : i32
    %cond3A_26 = arith.cmpi ne, %convert_element_type3A, %cond3A : i32
    scf.if %cond3A_26 {
      %add3A_197 = arith.constant 0 : i32
      %add3A_198 = arith.addi %add3A_197, %mul3A_0 : i32
      %multiple_of3A = tpu.assume_multiple %add3A_198, 8 : i32
      %dma_start3A = arith.constant 0 : i32
      %dma_start3A_199 = arith.constant 0 : i32
      %dma_start3A_200 = arith.constant 0 : i32
      %dma_start3A_201 = tpu.memref_slice %arg8[%dma_start3A, %dma_start3A_199, %dma_start3A_200] : memref<2x8x128xi32, #tpu.memory_space<vmem>> -> memref<1x8x128xi32, #tpu.memory_space<vmem>>
      %dma_start3A_202 = tpu.memref_squeeze %dma_start3A_201 : memref<1x8x128xi32, #tpu.memory_space<vmem>> -> memref<8x128xi32, #tpu.memory_space<vmem>>
      %dma_start3A_203 = arith.constant 0 : i32
      %dma_start3A_204 = arith.constant 0 : i32
      %dma_start3A_205 = tpu.memref_slice %arg2[%arg1, %dma_start3A_203, %dma_start3A_204] : memref<16x160x128xi32, #tpu.memory_space<hbm>> -> memref<1x160x128xi32, #tpu.memory_space<hbm>>
      %dma_start3A_206 = tpu.memref_squeeze %dma_start3A_205 : memref<1x160x128xi32, #tpu.memory_space<hbm>> -> memref<160x128xi32, #tpu.memory_space<hbm>>
      %dma_start3A_207 = arith.constant 0 : i32
      %dma_start3A_208 = tpu.memref_slice %dma_start3A_206[%multiple_of3A, %dma_start3A_207] : memref<160x128xi32, #tpu.memory_space<hbm>> -> memref<8x128xi32, #tpu.memory_space<hbm>>
      %dma_start3A_209 = arith.constant 0 : i32
      %dma_start3A_210 = arith.constant 0 : i32
      %dma_start3A_211 = tpu.memref_slice %arg8[%dma_start3A, %dma_start3A_209, %dma_start3A_210] : memref<2x8x128xi32, #tpu.memory_space<vmem>> -> memref<1x8x128xi32, #tpu.memory_space<vmem>>
      %dma_start3A_212 = tpu.memref_squeeze %dma_start3A_211 : memref<1x8x128xi32, #tpu.memory_space<vmem>> -> memref<8x128xi32, #tpu.memory_space<vmem>>
      %dma_start3A_213 = arith.constant 0 : i32
      %dma_start3A_214 = arith.constant 0 : i32
      %dma_start3A_215 = tpu.memref_slice %arg2[%arg1, %dma_start3A_213, %dma_start3A_214] : memref<16x160x128xi32, #tpu.memory_space<hbm>> -> memref<1x160x128xi32, #tpu.memory_space<hbm>>
      %dma_start3A_216 = tpu.memref_squeeze %dma_start3A_215 : memref<1x160x128xi32, #tpu.memory_space<hbm>> -> memref<160x128xi32, #tpu.memory_space<hbm>>
      %dma_start3A_217 = arith.constant 0 : i32
      %dma_start3A_218 = tpu.memref_slice %dma_start3A_216[%multiple_of3A, %dma_start3A_217] : memref<160x128xi32, #tpu.memory_space<hbm>> -> memref<8x128xi32, #tpu.memory_space<hbm>>
      tpu.enqueue_dma source(%dma_start3A_218 : memref<8x128xi32, #tpu.memory_space<hbm>>) target(%dma_start3A_212 : memref<8x128xi32, #tpu.memory_space<vmem>>) target_semaphore(%arg17 : memref<!tpu.dma_semaphore, #tpu.memory_space<semaphore_mem>>)
      %dma_start3A_219 = arith.constant 0 : i32
      %dma_start3A_220 = arith.constant 0 : i32
      %dma_start3A_221 = arith.constant 0 : i32
      %dma_start3A_222 = tpu.memref_slice %arg9[%dma_start3A_219, %dma_start3A_220, %dma_start3A_221] : memref<2x8x128xi32, #tpu.memory_space<vmem>> -> memref<1x8x128xi32, #tpu.memory_space<vmem>>
      %dma_start3A_223 = tpu.memref_squeeze %dma_start3A_222 : memref<1x8x128xi32, #tpu.memory_space<vmem>> -> memref<8x128xi32, #tpu.memory_space<vmem>>
      %dma_start3A_224 = arith.constant 0 : i32
      %dma_start3A_225 = arith.constant 0 : i32
      %dma_start3A_226 = tpu.memref_slice %arg3[%arg1, %dma_start3A_224, %dma_start3A_225] : memref<16x160x128xi32, #tpu.memory_space<hbm>> -> memref<1x160x128xi32, #tpu.memory_space<hbm>>
      %dma_start3A_227 = tpu.memref_squeeze %dma_start3A_226 : memref<1x160x128xi32, #tpu.memory_space<hbm>> -> memref<160x128xi32, #tpu.memory_space<hbm>>
      %dma_start3A_228 = arith.constant 0 : i32
      %dma_start3A_229 = tpu.memref_slice %dma_start3A_227[%multiple_of3A, %dma_start3A_228] : memref<160x128xi32, #tpu.memory_space<hbm>> -> memref<8x128xi32, #tpu.memory_space<hbm>>
      %dma_start3A_230 = arith.constant 0 : i32
      %dma_start3A_231 = arith.constant 0 : i32
      %dma_start3A_232 = tpu.memref_slice %arg9[%dma_start3A_219, %dma_start3A_230, %dma_start3A_231] : memref<2x8x128xi32, #tpu.memory_space<vmem>> -> memref<1x8x128xi32, #tpu.memory_space<vmem>>
      %dma_start3A_233 = tpu.memref_squeeze %dma_start3A_232 : memref<1x8x128xi32, #tpu.memory_space<vmem>> -> memref<8x128xi32, #tpu.memory_space<vmem>>
      %dma_start3A_234 = arith.constant 0 : i32
      %dma_start3A_235 = arith.constant 0 : i32
      %dma_start3A_236 = tpu.memref_slice %arg3[%arg1, %dma_start3A_234, %dma_start3A_235] : memref<16x160x128xi32, #tpu.memory_space<hbm>> -> memref<1x160x128xi32, #tpu.memory_space<hbm>>
      %dma_start3A_237 = tpu.memref_squeeze %dma_start3A_236 : memref<1x160x128xi32, #tpu.memory_space<hbm>> -> memref<160x128xi32, #tpu.memory_space<hbm>>
      %dma_start3A_238 = arith.constant 0 : i32
      %dma_start3A_239 = tpu.memref_slice %dma_start3A_237[%multiple_of3A, %dma_start3A_238] : memref<160x128xi32, #tpu.memory_space<hbm>> -> memref<8x128xi32, #tpu.memory_space<hbm>>
      tpu.enqueue_dma source(%dma_start3A_239 : memref<8x128xi32, #tpu.memory_space<hbm>>) target(%dma_start3A_233 : memref<8x128xi32, #tpu.memory_space<vmem>>) target_semaphore(%arg17 : memref<!tpu.dma_semaphore, #tpu.memory_space<semaphore_mem>>)
    } else {
    }
    %gt3A_27 = arith.constant 1 : i32
    %gt3A_28 = arith.cmpi sgt, %select_n3A_20, %gt3A_27 : i32
    %convert_element_type3A_29 = arith.extui %gt3A_28 : i1 to i32
    %cond3A_30 = arith.constant 0 : i32
    %cond3A_31 = arith.cmpi ne, %convert_element_type3A_29, %cond3A_30 : i32
    scf.if %cond3A_31 {
      %add3A_197 = arith.constant 8 : i32
      %add3A_198 = arith.addi %add3A_197, %mul3A_0 : i32
      %multiple_of3A = tpu.assume_multiple %add3A_198, 8 : i32
      %dma_start3A = arith.constant 1 : i32
      %dma_start3A_199 = arith.constant 0 : i32
      %dma_start3A_200 = arith.constant 0 : i32
      %dma_start3A_201 = tpu.memref_slice %arg8[%dma_start3A, %dma_start3A_199, %dma_start3A_200] : memref<2x8x128xi32, #tpu.memory_space<vmem>> -> memref<1x8x128xi32, #tpu.memory_space<vmem>>
      %dma_start3A_202 = tpu.memref_squeeze %dma_start3A_201 : memref<1x8x128xi32, #tpu.memory_space<vmem>> -> memref<8x128xi32, #tpu.memory_space<vmem>>
      %dma_start3A_203 = arith.constant 0 : i32
      %dma_start3A_204 = arith.constant 0 : i32
      %dma_start3A_205 = tpu.memref_slice %arg2[%arg1, %dma_start3A_203, %dma_start3A_204] : memref<16x160x128xi32, #tpu.memory_space<hbm>> -> memref<1x160x128xi32, #tpu.memory_space<hbm>>
      %dma_start3A_206 = tpu.memref_squeeze %dma_start3A_205 : memref<1x160x128xi32, #tpu.memory_space<hbm>> -> memref<160x128xi32, #tpu.memory_space<hbm>>
      %dma_start3A_207 = arith.constant 0 : i32
      %dma_start3A_208 = tpu.memref_slice %dma_start3A_206[%multiple_of3A, %dma_start3A_207] : memref<160x128xi32, #tpu.memory_space<hbm>> -> memref<8x128xi32, #tpu.memory_space<hbm>>
      %dma_start3A_209 = arith.constant 0 : i32
      %dma_start3A_210 = arith.constant 0 : i32
      %dma_start3A_211 = tpu.memref_slice %arg8[%dma_start3A, %dma_start3A_209, %dma_start3A_210] : memref<2x8x128xi32, #tpu.memory_space<vmem>> -> memref<1x8x128xi32, #tpu.memory_space<vmem>>
      %dma_start3A_212 = tpu.memref_squeeze %dma_start3A_211 : memref<1x8x128xi32, #tpu.memory_space<vmem>> -> memref<8x128xi32, #tpu.memory_space<vmem>>
      %dma_start3A_213 = arith.constant 0 : i32
      %dma_start3A_214 = arith.constant 0 : i32
      %dma_start3A_215 = tpu.memref_slice %arg2[%arg1, %dma_start3A_213, %dma_start3A_214] : memref<16x160x128xi32, #tpu.memory_space<hbm>> -> memref<1x160x128xi32, #tpu.memory_space<hbm>>
      %dma_start3A_216 = tpu.memref_squeeze %dma_start3A_215 : memref<1x160x128xi32, #tpu.memory_space<hbm>> -> memref<160x128xi32, #tpu.memory_space<hbm>>
      %dma_start3A_217 = arith.constant 0 : i32
      %dma_start3A_218 = tpu.memref_slice %dma_start3A_216[%multiple_of3A, %dma_start3A_217] : memref<160x128xi32, #tpu.memory_space<hbm>> -> memref<8x128xi32, #tpu.memory_space<hbm>>
      tpu.enqueue_dma source(%dma_start3A_218 : memref<8x128xi32, #tpu.memory_space<hbm>>) target(%dma_start3A_212 : memref<8x128xi32, #tpu.memory_space<vmem>>) target_semaphore(%arg18 : memref<!tpu.dma_semaphore, #tpu.memory_space<semaphore_mem>>)
      %dma_start3A_219 = arith.constant 1 : i32
      %dma_start3A_220 = arith.constant 0 : i32
      %dma_start3A_221 = arith.constant 0 : i32
      %dma_start3A_222 = tpu.memref_slice %arg9[%dma_start3A_219, %dma_start3A_220, %dma_start3A_221] : memref<2x8x128xi32, #tpu.memory_space<vmem>> -> memref<1x8x128xi32, #tpu.memory_space<vmem>>
      %dma_start3A_223 = tpu.memref_squeeze %dma_start3A_222 : memref<1x8x128xi32, #tpu.memory_space<vmem>> -> memref<8x128xi32, #tpu.memory_space<vmem>>
      %dma_start3A_224 = arith.constant 0 : i32
      %dma_start3A_225 = arith.constant 0 : i32
      %dma_start3A_226 = tpu.memref_slice %arg3[%arg1, %dma_start3A_224, %dma_start3A_225] : memref<16x160x128xi32, #tpu.memory_space<hbm>> -> memref<1x160x128xi32, #tpu.memory_space<hbm>>
      %dma_start3A_227 = tpu.memref_squeeze %dma_start3A_226 : memref<1x160x128xi32, #tpu.memory_space<hbm>> -> memref<160x128xi32, #tpu.memory_space<hbm>>
      %dma_start3A_228 = arith.constant 0 : i32
      %dma_start3A_229 = tpu.memref_slice %dma_start3A_227[%multiple_of3A, %dma_start3A_228] : memref<160x128xi32, #tpu.memory_space<hbm>> -> memref<8x128xi32, #tpu.memory_space<hbm>>
      %dma_start3A_230 = arith.constant 0 : i32
      %dma_start3A_231 = arith.constant 0 : i32
      %dma_start3A_232 = tpu.memref_slice %arg9[%dma_start3A_219, %dma_start3A_230, %dma_start3A_231] : memref<2x8x128xi32, #tpu.memory_space<vmem>> -> memref<1x8x128xi32, #tpu.memory_space<vmem>>
      %dma_start3A_233 = tpu.memref_squeeze %dma_start3A_232 : memref<1x8x128xi32, #tpu.memory_space<vmem>> -> memref<8x128xi32, #tpu.memory_space<vmem>>
      %dma_start3A_234 = arith.constant 0 : i32
      %dma_start3A_235 = arith.constant 0 : i32
      %dma_start3A_236 = tpu.memref_slice %arg3[%arg1, %dma_start3A_234, %dma_start3A_235] : memref<16x160x128xi32, #tpu.memory_space<hbm>> -> memref<1x160x128xi32, #tpu.memory_space<hbm>>
      %dma_start3A_237 = tpu.memref_squeeze %dma_start3A_236 : memref<1x160x128xi32, #tpu.memory_space<hbm>> -> memref<160x128xi32, #tpu.memory_space<hbm>>
      %dma_start3A_238 = arith.constant 0 : i32
      %dma_start3A_239 = tpu.memref_slice %dma_start3A_237[%multiple_of3A, %dma_start3A_238] : memref<160x128xi32, #tpu.memory_space<hbm>> -> memref<8x128xi32, #tpu.memory_space<hbm>>
      tpu.enqueue_dma source(%dma_start3A_239 : memref<8x128xi32, #tpu.memory_space<hbm>>) target(%dma_start3A_233 : memref<8x128xi32, #tpu.memory_space<vmem>>) target_semaphore(%arg18 : memref<!tpu.dma_semaphore, #tpu.memory_space<semaphore_mem>>)
    } else {
    }
    %jit3A_32 = arith.constant 8 : i32
    %div3A_33 = arith.divsi %select_n3A, %jit3A_32 : i32
    %sign3A_34 = arith.constant 0 : i32
    %sign3A_35 = arith.cmpi sgt, %select_n3A, %sign3A_34 : i32
    %sign3A_36 = arith.extui %sign3A_35 : i1 to i32
    %sign3A_37 = arith.constant 0 : i32
    %sign3A_38 = arith.cmpi slt, %select_n3A, %sign3A_37 : i32
    %sign3A_39 = arith.extui %sign3A_38 : i1 to i32
    %sign3A_40 = arith.subi %sign3A_36, %sign3A_39 : i32
    %sign3A_41 = arith.constant 0 : i32
    %sign3A_42 = arith.cmpi sgt, %jit3A_32, %sign3A_41 : i32
    %sign3A_43 = arith.extui %sign3A_42 : i1 to i32
    %sign3A_44 = arith.constant 0 : i32
    %sign3A_45 = arith.cmpi slt, %jit3A_32, %sign3A_44 : i32
    %sign3A_46 = arith.extui %sign3A_45 : i1 to i32
    %sign3A_47 = arith.subi %sign3A_43, %sign3A_46 : i32
    %ne3A_48 = arith.cmpi ne, %sign3A_40, %sign3A_47 : i32
    %rem3A_49 = arith.remsi %select_n3A, %jit3A_32 : i32
    %ne3A_50 = arith.constant 0 : i32
    %ne3A_51 = arith.cmpi ne, %rem3A_49, %ne3A_50 : i32
    %and3A_52 = arith.andi %ne3A_48, %ne3A_51 : i1
    %sub3A_53 = arith.constant 1 : i32
    %sub3A_54 = arith.subi %div3A_33, %sub3A_53 : i32
    %select_n3A_55 = arith.select %and3A_52, %sub3A_54, %div3A_33 : i32
    %add3A = arith.constant 1 : i32
    %add3A_56 = arith.addi %select_n3A_55, %add3A : i32
    %jit3A_57 = arith.constant 2 : i32
    %div3A_58 = arith.divsi %add3A_56, %jit3A_57 : i32
    %sign3A_59 = arith.constant 0 : i32
    %sign3A_60 = arith.cmpi sgt, %add3A_56, %sign3A_59 : i32
    %sign3A_61 = arith.extui %sign3A_60 : i1 to i32
    %sign3A_62 = arith.constant 0 : i32
    %sign3A_63 = arith.cmpi slt, %add3A_56, %sign3A_62 : i32
    %sign3A_64 = arith.extui %sign3A_63 : i1 to i32
    %sign3A_65 = arith.subi %sign3A_61, %sign3A_64 : i32
    %sign3A_66 = arith.constant 0 : i32
    %sign3A_67 = arith.cmpi sgt, %jit3A_57, %sign3A_66 : i32
    %sign3A_68 = arith.extui %sign3A_67 : i1 to i32
    %sign3A_69 = arith.constant 0 : i32
    %sign3A_70 = arith.cmpi slt, %jit3A_57, %sign3A_69 : i32
    %sign3A_71 = arith.extui %sign3A_70 : i1 to i32
    %sign3A_72 = arith.subi %sign3A_68, %sign3A_71 : i32
    %ne3A_73 = arith.cmpi ne, %sign3A_65, %sign3A_72 : i32
    %rem3A_74 = arith.remsi %add3A_56, %jit3A_57 : i32
    %ne3A_75 = arith.constant 0 : i32
    %ne3A_76 = arith.cmpi ne, %rem3A_74, %ne3A_75 : i32
    %and3A_77 = arith.andi %ne3A_73, %ne3A_76 : i1
    %sub3A_78 = arith.constant 1 : i32
    %sub3A_79 = arith.subi %div3A_58, %sub3A_78 : i32
    %select_n3A_80 = arith.select %and3A_77, %sub3A_79, %div3A_58 : i32
    %sub3A_81 = arith.constant 0 : i32
    %sub3A_82 = arith.subi %select_n3A_80, %sub3A_81 : i32
    %sub3A_83 = arith.constant 1 : i32
    %sub3A_84 = arith.constant 1 : i32
    %sub3A_85 = arith.subi %sub3A_83, %sub3A_84 : i32
    %add3A_86 = arith.addi %sub3A_82, %sub3A_85 : i32
    %div3A_87 = arith.constant 1 : i32
    %div3A_88 = arith.divsi %add3A_86, %div3A_87 : i32
    %while3A = arith.constant 1 : i32
    %while3A_89 = arith.constant 0 : i32
    %while3A_90 = arith.constant 0 : i32
    %while3A_91 = arith.subi %div3A_88, %while3A_90 : i32
    %while3A_92 = arith.addi %while3A_90, %while3A_91 : i32
    %while3A_93 = arith.constant 1 : i32
    %while3A_94 = arith.divsi %while3A_91, %while3A_93 : i32
    %while3A_95 = arith.muli %while3A_94, %while3A_93 : i32
    %while3A_96 = arith.addi %while3A_90, %while3A_95 : i32
    %while3A_97 = arith.constant 1 : i32
    scf.for %while3A_197 = %while3A_90 to %while3A_96 step %while3A_97  : i32 {
      %mul3A_198 = arith.muli %while3A_197, %while3A : i32
      %add3A_199 = arith.addi %while3A_89, %mul3A_198 : i32
      %mul3A_200 = arith.constant 2 : i32
      %mul3A_201 = arith.muli %add3A_199, %mul3A_200 : i32
      %dma_wait3A = arith.constant 0 : i32
      %dma_wait3A_202 = arith.constant 0 : i32
      %dma_wait3A_203 = arith.constant 0 : i32
      %dma_wait3A_204 = tpu.memref_slice %arg9[%dma_wait3A, %dma_wait3A_202, %dma_wait3A_203] : memref<2x8x128xi32, #tpu.memory_space<vmem>> -> memref<1x8x128xi32, #tpu.memory_space<vmem>>
      %dma_wait3A_205 = tpu.memref_squeeze %dma_wait3A_204 : memref<1x8x128xi32, #tpu.memory_space<vmem>> -> memref<8x128xi32, #tpu.memory_space<vmem>>
      %dma_wait3A_206 = arith.constant 0 : i32
      %dma_wait3A_207 = arith.constant 0 : i32
      %dma_wait3A_208 = tpu.memref_slice %arg3[%arg1, %dma_wait3A_206, %dma_wait3A_207] : memref<16x160x128xi32, #tpu.memory_space<hbm>> -> memref<1x160x128xi32, #tpu.memory_space<hbm>>
      %dma_wait3A_209 = tpu.memref_squeeze %dma_wait3A_208 : memref<1x160x128xi32, #tpu.memory_space<hbm>> -> memref<160x128xi32, #tpu.memory_space<hbm>>
      %dma_wait3A_210 = arith.constant 0 : i32
      %dma_wait3A_211 = arith.constant 0 : i32
      %dma_wait3A_212 = tpu.memref_slice %dma_wait3A_209[%dma_wait3A_210, %dma_wait3A_211] : memref<160x128xi32, #tpu.memory_space<hbm>> -> memref<8x128xi32, #tpu.memory_space<hbm>>
      %dma_wait3A_213 = arith.constant 0 : i32
      %dma_wait3A_214 = arith.constant 0 : i32
      %dma_wait3A_215 = tpu.memref_slice %arg9[%dma_wait3A, %dma_wait3A_213, %dma_wait3A_214] : memref<2x8x128xi32, #tpu.memory_space<vmem>> -> memref<1x8x128xi32, #tpu.memory_space<vmem>>
      %dma_wait3A_216 = tpu.memref_squeeze %dma_wait3A_215 : memref<1x8x128xi32, #tpu.memory_space<vmem>> -> memref<8x128xi32, #tpu.memory_space<vmem>>
      %dma_wait3A_217 = arith.constant 0 : i32
      %dma_wait3A_218 = arith.constant 0 : i32
      %dma_wait3A_219 = tpu.memref_slice %arg3[%arg1, %dma_wait3A_217, %dma_wait3A_218] : memref<16x160x128xi32, #tpu.memory_space<hbm>> -> memref<1x160x128xi32, #tpu.memory_space<hbm>>
      %dma_wait3A_220 = tpu.memref_squeeze %dma_wait3A_219 : memref<1x160x128xi32, #tpu.memory_space<hbm>> -> memref<160x128xi32, #tpu.memory_space<hbm>>
      %dma_wait3A_221 = arith.constant 0 : i32
      %dma_wait3A_222 = arith.constant 0 : i32
      %dma_wait3A_223 = tpu.memref_slice %dma_wait3A_220[%dma_wait3A_221, %dma_wait3A_222] : memref<160x128xi32, #tpu.memory_space<hbm>> -> memref<8x128xi32, #tpu.memory_space<hbm>>
      tpu.wait_dma2 semaphore(%arg17 : memref<!tpu.dma_semaphore, #tpu.memory_space<semaphore_mem>>) src(%dma_wait3A_223 : memref<8x128xi32, #tpu.memory_space<hbm>>) dst(%dma_wait3A_216 : memref<8x128xi32, #tpu.memory_space<vmem>>)
      %dma_wait3A_224 = arith.constant 0 : i32
      %dma_wait3A_225 = arith.constant 0 : i32
      %dma_wait3A_226 = arith.constant 0 : i32
      %dma_wait3A_227 = tpu.memref_slice %arg9[%dma_wait3A_224, %dma_wait3A_225, %dma_wait3A_226] : memref<2x8x128xi32, #tpu.memory_space<vmem>> -> memref<1x8x128xi32, #tpu.memory_space<vmem>>
      %dma_wait3A_228 = tpu.memref_squeeze %dma_wait3A_227 : memref<1x8x128xi32, #tpu.memory_space<vmem>> -> memref<8x128xi32, #tpu.memory_space<vmem>>
      %dma_wait3A_229 = arith.constant 0 : i32
      %dma_wait3A_230 = arith.constant 0 : i32
      %dma_wait3A_231 = tpu.memref_slice %arg3[%arg1, %dma_wait3A_229, %dma_wait3A_230] : memref<16x160x128xi32, #tpu.memory_space<hbm>> -> memref<1x160x128xi32, #tpu.memory_space<hbm>>
      %dma_wait3A_232 = tpu.memref_squeeze %dma_wait3A_231 : memref<1x160x128xi32, #tpu.memory_space<hbm>> -> memref<160x128xi32, #tpu.memory_space<hbm>>
      %dma_wait3A_233 = arith.constant 0 : i32
      %dma_wait3A_234 = arith.constant 0 : i32
      %dma_wait3A_235 = tpu.memref_slice %dma_wait3A_232[%dma_wait3A_233, %dma_wait3A_234] : memref<160x128xi32, #tpu.memory_space<hbm>> -> memref<8x128xi32, #tpu.memory_space<hbm>>
      %dma_wait3A_236 = arith.constant 0 : i32
      %dma_wait3A_237 = arith.constant 0 : i32
      %dma_wait3A_238 = tpu.memref_slice %arg9[%dma_wait3A_224, %dma_wait3A_236, %dma_wait3A_237] : memref<2x8x128xi32, #tpu.memory_space<vmem>> -> memref<1x8x128xi32, #tpu.memory_space<vmem>>
      %dma_wait3A_239 = tpu.memref_squeeze %dma_wait3A_238 : memref<1x8x128xi32, #tpu.memory_space<vmem>> -> memref<8x128xi32, #tpu.memory_space<vmem>>
      %dma_wait3A_240 = arith.constant 0 : i32
      %dma_wait3A_241 = arith.constant 0 : i32
      %dma_wait3A_242 = tpu.memref_slice %arg3[%arg1, %dma_wait3A_240, %dma_wait3A_241] : memref<16x160x128xi32, #tpu.memory_space<hbm>> -> memref<1x160x128xi32, #tpu.memory_space<hbm>>
      %dma_wait3A_243 = tpu.memref_squeeze %dma_wait3A_242 : memref<1x160x128xi32, #tpu.memory_space<hbm>> -> memref<160x128xi32, #tpu.memory_space<hbm>>
      %dma_wait3A_244 = arith.constant 0 : i32
      %dma_wait3A_245 = arith.constant 0 : i32
      %dma_wait3A_246 = tpu.memref_slice %dma_wait3A_243[%dma_wait3A_244, %dma_wait3A_245] : memref<160x128xi32, #tpu.memory_space<hbm>> -> memref<8x128xi32, #tpu.memory_space<hbm>>
      tpu.wait_dma2 semaphore(%arg17 : memref<!tpu.dma_semaphore, #tpu.memory_space<semaphore_mem>>) src(%dma_wait3A_246 : memref<8x128xi32, #tpu.memory_space<hbm>>) dst(%dma_wait3A_239 : memref<8x128xi32, #tpu.memory_space<vmem>>)
      %dma_start3A = arith.constant 0 : i32
      %dma_start3A_247 = arith.constant 0 : i32
      %dma_start3A_248 = arith.constant 0 : i32
      %dma_start3A_249 = arith.constant 0 : i32
      %dma_start3A_250 = tpu.memref_slice %arg8[%dma_start3A, %dma_start3A_248, %dma_start3A_249] : memref<2x8x128xi32, #tpu.memory_space<vmem>> -> memref<1x8x128xi32, #tpu.memory_space<vmem>>
      %dma_start3A_251 = tpu.memref_squeeze %dma_start3A_250 : memref<1x8x128xi32, #tpu.memory_space<vmem>> -> memref<8x128xi32, #tpu.memory_space<vmem>>
      %dma_start3A_252 = arith.constant 0 : i32
      %dma_start3A_253 = tpu.memref_slice %dma_start3A_251[%dma_start3A_247, %dma_start3A_252] : memref<8x128xi32, #tpu.memory_space<vmem>> -> memref<1x128xi32, #tpu.memory_space<vmem>>
      %dma_start3A_254 = tpu.memref_squeeze %dma_start3A_253 : memref<1x128xi32, #tpu.memory_space<vmem>> -> memref<128xi32, #tpu.memory_space<vmem>>
      %dma_start3A_255 = arith.constant 0 : i32
      %dma_start3A_256 = arith.constant 0 : i32
      %dma_start3A_257 = tpu.memref_slice %arg4[%dma_start3A_255, %dma_start3A_256] : memref<10000x128xf32, #tpu.memory_space<hbm>> -> memref<10000x128xf32, #tpu.memory_space<hbm>>
      tpu.enqueue_indirect_dma source(%dma_start3A_257 : memref<10000x128xf32, #tpu.memory_space<hbm>>) target(%arg10 : memref<128x128xf32, #tpu.memory_space<vmem>>) offsets(%dma_start3A_254 : memref<128xi32, #tpu.memory_space<vmem>>) semaphore(%arg13 : memref<!tpu.dma_semaphore, #tpu.memory_space<semaphore_mem>>)
      %dma_start3A_258 = arith.constant 0 : i32
      %dma_start3A_259 = arith.constant 1 : i32
      %dma_start3A_260 = arith.constant 0 : i32
      %dma_start3A_261 = arith.constant 0 : i32
      %dma_start3A_262 = tpu.memref_slice %arg8[%dma_start3A_258, %dma_start3A_260, %dma_start3A_261] : memref<2x8x128xi32, #tpu.memory_space<vmem>> -> memref<1x8x128xi32, #tpu.memory_space<vmem>>
      %dma_start3A_263 = tpu.memref_squeeze %dma_start3A_262 : memref<1x8x128xi32, #tpu.memory_space<vmem>> -> memref<8x128xi32, #tpu.memory_space<vmem>>
      %dma_start3A_264 = arith.constant 0 : i32
      %dma_start3A_265 = tpu.memref_slice %dma_start3A_263[%dma_start3A_259, %dma_start3A_264] : memref<8x128xi32, #tpu.memory_space<vmem>> -> memref<1x128xi32, #tpu.memory_space<vmem>>
      %dma_start3A_266 = tpu.memref_squeeze %dma_start3A_265 : memref<1x128xi32, #tpu.memory_space<vmem>> -> memref<128xi32, #tpu.memory_space<vmem>>
      %dma_start3A_267 = arith.constant 0 : i32
      %dma_start3A_268 = arith.constant 0 : i32
      %dma_start3A_269 = tpu.memref_slice %arg4[%dma_start3A_267, %dma_start3A_268] : memref<10000x128xf32, #tpu.memory_space<hbm>> -> memref<10000x128xf32, #tpu.memory_space<hbm>>
      tpu.enqueue_indirect_dma source(%dma_start3A_269 : memref<10000x128xf32, #tpu.memory_space<hbm>>) target(%arg11 : memref<128x128xf32, #tpu.memory_space<vmem>>) offsets(%dma_start3A_266 : memref<128xi32, #tpu.memory_space<vmem>>) semaphore(%arg14 : memref<!tpu.dma_semaphore, #tpu.memory_space<semaphore_mem>>)
      %dma_wait3A_270 = arith.constant 0 : i32
      %dma_wait3A_271 = arith.constant 0 : i32
      %dma_wait3A_272 = arith.constant 0 : i32
      %dma_wait3A_273 = arith.constant 0 : i32
      %dma_wait3A_274 = tpu.memref_slice %arg8[%dma_wait3A_270, %dma_wait3A_272, %dma_wait3A_273] : memref<2x8x128xi32, #tpu.memory_space<vmem>> -> memref<1x8x128xi32, #tpu.memory_space<vmem>>
      %dma_wait3A_275 = tpu.memref_squeeze %dma_wait3A_274 : memref<1x8x128xi32, #tpu.memory_space<vmem>> -> memref<8x128xi32, #tpu.memory_space<vmem>>
      %dma_wait3A_276 = arith.constant 0 : i32
      %dma_wait3A_277 = tpu.memref_slice %dma_wait3A_275[%dma_wait3A_271, %dma_wait3A_276] : memref<8x128xi32, #tpu.memory_space<vmem>> -> memref<1x128xi32, #tpu.memory_space<vmem>>
      %dma_wait3A_278 = tpu.memref_squeeze %dma_wait3A_277 : memref<1x128xi32, #tpu.memory_space<vmem>> -> memref<128xi32, #tpu.memory_space<vmem>>
      %dma_wait3A_279 = arith.constant 0 : i32
      %dma_wait3A_280 = arith.constant 0 : i32
      %dma_wait3A_281 = tpu.memref_slice %arg4[%dma_wait3A_279, %dma_wait3A_280] : memref<10000x128xf32, #tpu.memory_space<hbm>> -> memref<10000x128xf32, #tpu.memory_space<hbm>>
      tpu.wait_indirect_dma semaphore(%arg13 : memref<!tpu.dma_semaphore, #tpu.memory_space<semaphore_mem>>) src(%dma_wait3A_281 : memref<10000x128xf32, #tpu.memory_space<hbm>>) dst(%arg10 : memref<128x128xf32, #tpu.memory_space<vmem>>)
      %dma_start3A_282 = arith.constant 0 : i32
      %dma_start3A_283 = arith.constant 0 : i32
      %dma_start3A_284 = arith.constant 0 : i32
      %dma_start3A_285 = arith.constant 0 : i32
      %dma_start3A_286 = tpu.memref_slice %arg9[%dma_start3A_282, %dma_start3A_284, %dma_start3A_285] : memref<2x8x128xi32, #tpu.memory_space<vmem>> -> memref<1x8x128xi32, #tpu.memory_space<vmem>>
      %dma_start3A_287 = tpu.memref_squeeze %dma_start3A_286 : memref<1x8x128xi32, #tpu.memory_space<vmem>> -> memref<8x128xi32, #tpu.memory_space<vmem>>
      %dma_start3A_288 = arith.constant 0 : i32
      %dma_start3A_289 = tpu.memref_slice %dma_start3A_287[%dma_start3A_283, %dma_start3A_288] : memref<8x128xi32, #tpu.memory_space<vmem>> -> memref<1x128xi32, #tpu.memory_space<vmem>>
      %dma_start3A_290 = tpu.memref_squeeze %dma_start3A_289 : memref<1x128xi32, #tpu.memory_space<vmem>> -> memref<128xi32, #tpu.memory_space<vmem>>
      %dma_start3A_291 = arith.constant 0 : i32
      %dma_start3A_292 = arith.constant 0 : i32
      %dma_start3A_293 = tpu.memref_slice %arg12[%dma_start3A_291, %dma_start3A_292] : memref<10240x128xf32, #tpu.memory_space<vmem_shared>> -> memref<10240x128xf32, #tpu.memory_space<vmem_shared>>
      tpu.enqueue_indirect_dma source(%arg10 : memref<128x128xf32, #tpu.memory_space<vmem>>) target(%dma_start3A_293 : memref<10240x128xf32, #tpu.memory_space<vmem_shared>>) offsets(%dma_start3A_290 : memref<128xi32, #tpu.memory_space<vmem>>) semaphore(%arg15 : memref<!tpu.dma_semaphore, #tpu.memory_space<semaphore_mem>>) {add = true}
      %dma_wait3A_294 = arith.constant 0 : i32
      %dma_wait3A_295 = arith.constant 0 : i32
      %dma_wait3A_296 = arith.constant 0 : i32
      %dma_wait3A_297 = arith.constant 0 : i32
      %dma_wait3A_298 = tpu.memref_slice %arg9[%dma_wait3A_294, %dma_wait3A_296, %dma_wait3A_297] : memref<2x8x128xi32, #tpu.memory_space<vmem>> -> memref<1x8x128xi32, #tpu.memory_space<vmem>>
      %dma_wait3A_299 = tpu.memref_squeeze %dma_wait3A_298 : memref<1x8x128xi32, #tpu.memory_space<vmem>> -> memref<8x128xi32, #tpu.memory_space<vmem>>
      %dma_wait3A_300 = arith.constant 0 : i32
      %dma_wait3A_301 = tpu.memref_slice %dma_wait3A_299[%dma_wait3A_295, %dma_wait3A_300] : memref<8x128xi32, #tpu.memory_space<vmem>> -> memref<1x128xi32, #tpu.memory_space<vmem>>
      %dma_wait3A_302 = tpu.memref_squeeze %dma_wait3A_301 : memref<1x128xi32, #tpu.memory_space<vmem>> -> memref<128xi32, #tpu.memory_space<vmem>>
      %dma_wait3A_303 = arith.constant 0 : i32
      %dma_wait3A_304 = arith.constant 0 : i32
      %dma_wait3A_305 = tpu.memref_slice %arg12[%dma_wait3A_303, %dma_wait3A_304] : memref<10240x128xf32, #tpu.memory_space<vmem_shared>> -> memref<10240x128xf32, #tpu.memory_space<vmem_shared>>
      tpu.wait_indirect_dma semaphore(%arg15 : memref<!tpu.dma_semaphore, #tpu.memory_space<semaphore_mem>>) src(%arg10 : memref<128x128xf32, #tpu.memory_space<vmem>>) dst(%dma_wait3A_305 : memref<10240x128xf32, #tpu.memory_space<vmem_shared>>)
      %dma_start3A_306 = arith.constant 0 : i32
      %dma_start3A_307 = arith.constant 2 : i32
      %dma_start3A_308 = arith.constant 0 : i32
      %dma_start3A_309 = arith.constant 0 : i32
      %dma_start3A_310 = tpu.memref_slice %arg8[%dma_start3A_306, %dma_start3A_308, %dma_start3A_309] : memref<2x8x128xi32, #tpu.memory_space<vmem>> -> memref<1x8x128xi32, #tpu.memory_space<vmem>>
      %dma_start3A_311 = tpu.memref_squeeze %dma_start3A_310 : memref<1x8x128xi32, #tpu.memory_space<vmem>> -> memref<8x128xi32, #tpu.memory_space<vmem>>
      %dma_start3A_312 = arith.constant 0 : i32
      %dma_start3A_313 = tpu.memref_slice %dma_start3A_311[%dma_start3A_307, %dma_start3A_312] : memref<8x128xi32, #tpu.memory_space<vmem>> -> memref<1x128xi32, #tpu.memory_space<vmem>>
      %dma_start3A_314 = tpu.memref_squeeze %dma_start3A_313 : memref<1x128xi32, #tpu.memory_space<vmem>> -> memref<128xi32, #tpu.memory_space<vmem>>
      %dma_start3A_315 = arith.constant 0 : i32
      %dma_start3A_316 = arith.constant 0 : i32
      %dma_start3A_317 = tpu.memref_slice %arg4[%dma_start3A_315, %dma_start3A_316] : memref<10000x128xf32, #tpu.memory_space<hbm>> -> memref<10000x128xf32, #tpu.memory_space<hbm>>
      tpu.enqueue_indirect_dma source(%dma_start3A_317 : memref<10000x128xf32, #tpu.memory_space<hbm>>) target(%arg10 : memref<128x128xf32, #tpu.memory_space<vmem>>) offsets(%dma_start3A_314 : memref<128xi32, #tpu.memory_space<vmem>>) semaphore(%arg13 : memref<!tpu.dma_semaphore, #tpu.memory_space<semaphore_mem>>)
      %dma_wait3A_318 = arith.constant 0 : i32
      %dma_wait3A_319 = arith.constant 1 : i32
      %dma_wait3A_320 = arith.constant 0 : i32
      %dma_wait3A_321 = arith.constant 0 : i32
      %dma_wait3A_322 = tpu.memref_slice %arg8[%dma_wait3A_318, %dma_wait3A_320, %dma_wait3A_321] : memref<2x8x128xi32, #tpu.memory_space<vmem>> -> memref<1x8x128xi32, #tpu.memory_space<vmem>>
      %dma_wait3A_323 = tpu.memref_squeeze %dma_wait3A_322 : memref<1x8x128xi32, #tpu.memory_space<vmem>> -> memref<8x128xi32, #tpu.memory_space<vmem>>
      %dma_wait3A_324 = arith.constant 0 : i32
      %dma_wait3A_325 = tpu.memref_slice %dma_wait3A_323[%dma_wait3A_319, %dma_wait3A_324] : memref<8x128xi32, #tpu.memory_space<vmem>> -> memref<1x128xi32, #tpu.memory_space<vmem>>
      %dma_wait3A_326 = tpu.memref_squeeze %dma_wait3A_325 : memref<1x128xi32, #tpu.memory_space<vmem>> -> memref<128xi32, #tpu.memory_space<vmem>>
      %dma_wait3A_327 = arith.constant 0 : i32
      %dma_wait3A_328 = arith.constant 0 : i32
      %dma_wait3A_329 = tpu.memref_slice %arg4[%dma_wait3A_327, %dma_wait3A_328] : memref<10000x128xf32, #tpu.memory_space<hbm>> -> memref<10000x128xf32, #tpu.memory_space<hbm>>
      tpu.wait_indirect_dma semaphore(%arg14 : memref<!tpu.dma_semaphore, #tpu.memory_space<semaphore_mem>>) src(%dma_wait3A_329 : memref<10000x128xf32, #tpu.memory_space<hbm>>) dst(%arg11 : memref<128x128xf32, #tpu.memory_space<vmem>>)
      %dma_start3A_330 = arith.constant 0 : i32
      %dma_start3A_331 = arith.constant 1 : i32
      %dma_start3A_332 = arith.constant 0 : i32
      %dma_start3A_333 = arith.constant 0 : i32
      %dma_start3A_334 = tpu.memref_slice %arg9[%dma_start3A_330, %dma_start3A_332, %dma_start3A_333] : memref<2x8x128xi32, #tpu.memory_space<vmem>> -> memref<1x8x128xi32, #tpu.memory_space<vmem>>
      %dma_start3A_335 = tpu.memref_squeeze %dma_start3A_334 : memref<1x8x128xi32, #tpu.memory_space<vmem>> -> memref<8x128xi32, #tpu.memory_space<vmem>>
      %dma_start3A_336 = arith.constant 0 : i32
      %dma_start3A_337 = tpu.memref_slice %dma_start3A_335[%dma_start3A_331, %dma_start3A_336] : memref<8x128xi32, #tpu.memory_space<vmem>> -> memref<1x128xi32, #tpu.memory_space<vmem>>
      %dma_start3A_338 = tpu.memref_squeeze %dma_start3A_337 : memref<1x128xi32, #tpu.memory_space<vmem>> -> memref<128xi32, #tpu.memory_space<vmem>>
      %dma_start3A_339 = arith.constant 0 : i32
      %dma_start3A_340 = arith.constant 0 : i32
      %dma_start3A_341 = tpu.memref_slice %arg12[%dma_start3A_339, %dma_start3A_340] : memref<10240x128xf32, #tpu.memory_space<vmem_shared>> -> memref<10240x128xf32, #tpu.memory_space<vmem_shared>>
      tpu.enqueue_indirect_dma source(%arg11 : memref<128x128xf32, #tpu.memory_space<vmem>>) target(%dma_start3A_341 : memref<10240x128xf32, #tpu.memory_space<vmem_shared>>) offsets(%dma_start3A_338 : memref<128xi32, #tpu.memory_space<vmem>>) semaphore(%arg16 : memref<!tpu.dma_semaphore, #tpu.memory_space<semaphore_mem>>) {add = true}
      %dma_wait3A_342 = arith.constant 0 : i32
      %dma_wait3A_343 = arith.constant 1 : i32
      %dma_wait3A_344 = arith.constant 0 : i32
      %dma_wait3A_345 = arith.constant 0 : i32
      %dma_wait3A_346 = tpu.memref_slice %arg9[%dma_wait3A_342, %dma_wait3A_344, %dma_wait3A_345] : memref<2x8x128xi32, #tpu.memory_space<vmem>> -> memref<1x8x128xi32, #tpu.memory_space<vmem>>
      %dma_wait3A_347 = tpu.memref_squeeze %dma_wait3A_346 : memref<1x8x128xi32, #tpu.memory_space<vmem>> -> memref<8x128xi32, #tpu.memory_space<vmem>>
      %dma_wait3A_348 = arith.constant 0 : i32
      %dma_wait3A_349 = tpu.memref_slice %dma_wait3A_347[%dma_wait3A_343, %dma_wait3A_348] : memref<8x128xi32, #tpu.memory_space<vmem>> -> memref<1x128xi32, #tpu.memory_space<vmem>>
      %dma_wait3A_350 = tpu.memref_squeeze %dma_wait3A_349 : memref<1x128xi32, #tpu.memory_space<vmem>> -> memref<128xi32, #tpu.memory_space<vmem>>
      %dma_wait3A_351 = arith.constant 0 : i32
      %dma_wait3A_352 = arith.constant 0 : i32
      %dma_wait3A_353 = tpu.memref_slice %arg12[%dma_wait3A_351, %dma_wait3A_352] : memref<10240x128xf32, #tpu.memory_space<vmem_shared>> -> memref<10240x128xf32, #tpu.memory_space<vmem_shared>>
      tpu.wait_indirect_dma semaphore(%arg16 : memref<!tpu.dma_semaphore, #tpu.memory_space<semaphore_mem>>) src(%arg11 : memref<128x128xf32, #tpu.memory_space<vmem>>) dst(%dma_wait3A_353 : memref<10240x128xf32, #tpu.memory_space<vmem_shared>>)
      %dma_start3A_354 = arith.constant 0 : i32
      %dma_start3A_355 = arith.constant 3 : i32
      %dma_start3A_356 = arith.constant 0 : i32
      %dma_start3A_357 = arith.constant 0 : i32
      %dma_start3A_358 = tpu.memref_slice %arg8[%dma_start3A_354, %dma_start3A_356, %dma_start3A_357] : memref<2x8x128xi32, #tpu.memory_space<vmem>> -> memref<1x8x128xi32, #tpu.memory_space<vmem>>
      %dma_start3A_359 = tpu.memref_squeeze %dma_start3A_358 : memref<1x8x128xi32, #tpu.memory_space<vmem>> -> memref<8x128xi32, #tpu.memory_space<vmem>>
      %dma_start3A_360 = arith.constant 0 : i32
      %dma_start3A_361 = tpu.memref_slice %dma_start3A_359[%dma_start3A_355, %dma_start3A_360] : memref<8x128xi32, #tpu.memory_space<vmem>> -> memref<1x128xi32, #tpu.memory_space<vmem>>
      %dma_start3A_362 = tpu.memref_squeeze %dma_start3A_361 : memref<1x128xi32, #tpu.memory_space<vmem>> -> memref<128xi32, #tpu.memory_space<vmem>>
      %dma_start3A_363 = arith.constant 0 : i32
      %dma_start3A_364 = arith.constant 0 : i32
      %dma_start3A_365 = tpu.memref_slice %arg4[%dma_start3A_363, %dma_start3A_364] : memref<10000x128xf32, #tpu.memory_space<hbm>> -> memref<10000x128xf32, #tpu.memory_space<hbm>>
      tpu.enqueue_indirect_dma source(%dma_start3A_365 : memref<10000x128xf32, #tpu.memory_space<hbm>>) target(%arg11 : memref<128x128xf32, #tpu.memory_space<vmem>>) offsets(%dma_start3A_362 : memref<128xi32, #tpu.memory_space<vmem>>) semaphore(%arg14 : memref<!tpu.dma_semaphore, #tpu.memory_space<semaphore_mem>>)
      %dma_wait3A_366 = arith.constant 0 : i32
      %dma_wait3A_367 = arith.constant 2 : i32
      %dma_wait3A_368 = arith.constant 0 : i32
      %dma_wait3A_369 = arith.constant 0 : i32
      %dma_wait3A_370 = tpu.memref_slice %arg8[%dma_wait3A_366, %dma_wait3A_368, %dma_wait3A_369] : memref<2x8x128xi32, #tpu.memory_space<vmem>> -> memref<1x8x128xi32, #tpu.memory_space<vmem>>
      %dma_wait3A_371 = tpu.memref_squeeze %dma_wait3A_370 : memref<1x8x128xi32, #tpu.memory_space<vmem>> -> memref<8x128xi32, #tpu.memory_space<vmem>>
      %dma_wait3A_372 = arith.constant 0 : i32
      %dma_wait3A_373 = tpu.memref_slice %dma_wait3A_371[%dma_wait3A_367, %dma_wait3A_372] : memref<8x128xi32, #tpu.memory_space<vmem>> -> memref<1x128xi32, #tpu.memory_space<vmem>>
      %dma_wait3A_374 = tpu.memref_squeeze %dma_wait3A_373 : memref<1x128xi32, #tpu.memory_space<vmem>> -> memref<128xi32, #tpu.memory_space<vmem>>
      %dma_wait3A_375 = arith.constant 0 : i32
      %dma_wait3A_376 = arith.constant 0 : i32
      %dma_wait3A_377 = tpu.memref_slice %arg4[%dma_wait3A_375, %dma_wait3A_376] : memref<10000x128xf32, #tpu.memory_space<hbm>> -> memref<10000x128xf32, #tpu.memory_space<hbm>>
      tpu.wait_indirect_dma semaphore(%arg13 : memref<!tpu.dma_semaphore, #tpu.memory_space<semaphore_mem>>) src(%dma_wait3A_377 : memref<10000x128xf32, #tpu.memory_space<hbm>>) dst(%arg10 : memref<128x128xf32, #tpu.memory_space<vmem>>)
      %dma_start3A_378 = arith.constant 0 : i32
      %dma_start3A_379 = arith.constant 2 : i32
      %dma_start3A_380 = arith.constant 0 : i32
      %dma_start3A_381 = arith.constant 0 : i32
      %dma_start3A_382 = tpu.memref_slice %arg9[%dma_start3A_378, %dma_start3A_380, %dma_start3A_381] : memref<2x8x128xi32, #tpu.memory_space<vmem>> -> memref<1x8x128xi32, #tpu.memory_space<vmem>>
      %dma_start3A_383 = tpu.memref_squeeze %dma_start3A_382 : memref<1x8x128xi32, #tpu.memory_space<vmem>> -> memref<8x128xi32, #tpu.memory_space<vmem>>
      %dma_start3A_384 = arith.constant 0 : i32
      %dma_start3A_385 = tpu.memref_slice %dma_start3A_383[%dma_start3A_379, %dma_start3A_384] : memref<8x128xi32, #tpu.memory_space<vmem>> -> memref<1x128xi32, #tpu.memory_space<vmem>>
      %dma_start3A_386 = tpu.memref_squeeze %dma_start3A_385 : memref<1x128xi32, #tpu.memory_space<vmem>> -> memref<128xi32, #tpu.memory_space<vmem>>
      %dma_start3A_387 = arith.constant 0 : i32
      %dma_start3A_388 = arith.constant 0 : i32
      %dma_start3A_389 = tpu.memref_slice %arg12[%dma_start3A_387, %dma_start3A_388] : memref<10240x128xf32, #tpu.memory_space<vmem_shared>> -> memref<10240x128xf32, #tpu.memory_space<vmem_shared>>
      tpu.enqueue_indirect_dma source(%arg10 : memref<128x128xf32, #tpu.memory_space<vmem>>) target(%dma_start3A_389 : memref<10240x128xf32, #tpu.memory_space<vmem_shared>>) offsets(%dma_start3A_386 : memref<128xi32, #tpu.memory_space<vmem>>) semaphore(%arg15 : memref<!tpu.dma_semaphore, #tpu.memory_space<semaphore_mem>>) {add = true}
      %dma_wait3A_390 = arith.constant 0 : i32
      %dma_wait3A_391 = arith.constant 2 : i32
      %dma_wait3A_392 = arith.constant 0 : i32
      %dma_wait3A_393 = arith.constant 0 : i32
      %dma_wait3A_394 = tpu.memref_slice %arg9[%dma_wait3A_390, %dma_wait3A_392, %dma_wait3A_393] : memref<2x8x128xi32, #tpu.memory_space<vmem>> -> memref<1x8x128xi32, #tpu.memory_space<vmem>>
      %dma_wait3A_395 = tpu.memref_squeeze %dma_wait3A_394 : memref<1x8x128xi32, #tpu.memory_space<vmem>> -> memref<8x128xi32, #tpu.memory_space<vmem>>
      %dma_wait3A_396 = arith.constant 0 : i32
      %dma_wait3A_397 = tpu.memref_slice %dma_wait3A_395[%dma_wait3A_391, %dma_wait3A_396] : memref<8x128xi32, #tpu.memory_space<vmem>> -> memref<1x128xi32, #tpu.memory_space<vmem>>
      %dma_wait3A_398 = tpu.memref_squeeze %dma_wait3A_397 : memref<1x128xi32, #tpu.memory_space<vmem>> -> memref<128xi32, #tpu.memory_space<vmem>>
      %dma_wait3A_399 = arith.constant 0 : i32
      %dma_wait3A_400 = arith.constant 0 : i32
      %dma_wait3A_401 = tpu.memref_slice %arg12[%dma_wait3A_399, %dma_wait3A_400] : memref<10240x128xf32, #tpu.memory_space<vmem_shared>> -> memref<10240x128xf32, #tpu.memory_space<vmem_shared>>
      tpu.wait_indirect_dma semaphore(%arg15 : memref<!tpu.dma_semaphore, #tpu.memory_space<semaphore_mem>>) src(%arg10 : memref<128x128xf32, #tpu.memory_space<vmem>>) dst(%dma_wait3A_401 : memref<10240x128xf32, #tpu.memory_space<vmem_shared>>)
      %dma_start3A_402 = arith.constant 0 : i32
      %dma_start3A_403 = arith.constant 4 : i32
      %dma_start3A_404 = arith.constant 0 : i32
      %dma_start3A_405 = arith.constant 0 : i32
      %dma_start3A_406 = tpu.memref_slice %arg8[%dma_start3A_402, %dma_start3A_404, %dma_start3A_405] : memref<2x8x128xi32, #tpu.memory_space<vmem>> -> memref<1x8x128xi32, #tpu.memory_space<vmem>>
      %dma_start3A_407 = tpu.memref_squeeze %dma_start3A_406 : memref<1x8x128xi32, #tpu.memory_space<vmem>> -> memref<8x128xi32, #tpu.memory_space<vmem>>
      %dma_start3A_408 = arith.constant 0 : i32
      %dma_start3A_409 = tpu.memref_slice %dma_start3A_407[%dma_start3A_403, %dma_start3A_408] : memref<8x128xi32, #tpu.memory_space<vmem>> -> memref<1x128xi32, #tpu.memory_space<vmem>>
      %dma_start3A_410 = tpu.memref_squeeze %dma_start3A_409 : memref<1x128xi32, #tpu.memory_space<vmem>> -> memref<128xi32, #tpu.memory_space<vmem>>
      %dma_start3A_411 = arith.constant 0 : i32
      %dma_start3A_412 = arith.constant 0 : i32
      %dma_start3A_413 = tpu.memref_slice %arg4[%dma_start3A_411, %dma_start3A_412] : memref<10000x128xf32, #tpu.memory_space<hbm>> -> memref<10000x128xf32, #tpu.memory_space<hbm>>
      tpu.enqueue_indirect_dma source(%dma_start3A_413 : memref<10000x128xf32, #tpu.memory_space<hbm>>) target(%arg10 : memref<128x128xf32, #tpu.memory_space<vmem>>) offsets(%dma_start3A_410 : memref<128xi32, #tpu.memory_space<vmem>>) semaphore(%arg13 : memref<!tpu.dma_semaphore, #tpu.memory_space<semaphore_mem>>)
      %dma_wait3A_414 = arith.constant 0 : i32
      %dma_wait3A_415 = arith.constant 3 : i32
      %dma_wait3A_416 = arith.constant 0 : i32
      %dma_wait3A_417 = arith.constant 0 : i32
      %dma_wait3A_418 = tpu.memref_slice %arg8[%dma_wait3A_414, %dma_wait3A_416, %dma_wait3A_417] : memref<2x8x128xi32, #tpu.memory_space<vmem>> -> memref<1x8x128xi32, #tpu.memory_space<vmem>>
      %dma_wait3A_419 = tpu.memref_squeeze %dma_wait3A_418 : memref<1x8x128xi32, #tpu.memory_space<vmem>> -> memref<8x128xi32, #tpu.memory_space<vmem>>
      %dma_wait3A_420 = arith.constant 0 : i32
      %dma_wait3A_421 = tpu.memref_slice %dma_wait3A_419[%dma_wait3A_415, %dma_wait3A_420] : memref<8x128xi32, #tpu.memory_space<vmem>> -> memref<1x128xi32, #tpu.memory_space<vmem>>
      %dma_wait3A_422 = tpu.memref_squeeze %dma_wait3A_421 : memref<1x128xi32, #tpu.memory_space<vmem>> -> memref<128xi32, #tpu.memory_space<vmem>>
      %dma_wait3A_423 = arith.constant 0 : i32
      %dma_wait3A_424 = arith.constant 0 : i32
      %dma_wait3A_425 = tpu.memref_slice %arg4[%dma_wait3A_423, %dma_wait3A_424] : memref<10000x128xf32, #tpu.memory_space<hbm>> -> memref<10000x128xf32, #tpu.memory_space<hbm>>
      tpu.wait_indirect_dma semaphore(%arg14 : memref<!tpu.dma_semaphore, #tpu.memory_space<semaphore_mem>>) src(%dma_wait3A_425 : memref<10000x128xf32, #tpu.memory_space<hbm>>) dst(%arg11 : memref<128x128xf32, #tpu.memory_space<vmem>>)
      %dma_start3A_426 = arith.constant 0 : i32
      %dma_start3A_427 = arith.constant 3 : i32
      %dma_start3A_428 = arith.constant 0 : i32
      %dma_start3A_429 = arith.constant 0 : i32
      %dma_start3A_430 = tpu.memref_slice %arg9[%dma_start3A_426, %dma_start3A_428, %dma_start3A_429] : memref<2x8x128xi32, #tpu.memory_space<vmem>> -> memref<1x8x128xi32, #tpu.memory_space<vmem>>
      %dma_start3A_431 = tpu.memref_squeeze %dma_start3A_430 : memref<1x8x128xi32, #tpu.memory_space<vmem>> -> memref<8x128xi32, #tpu.memory_space<vmem>>
      %dma_start3A_432 = arith.constant 0 : i32
      %dma_start3A_433 = tpu.memref_slice %dma_start3A_431[%dma_start3A_427, %dma_start3A_432] : memref<8x128xi32, #tpu.memory_space<vmem>> -> memref<1x128xi32, #tpu.memory_space<vmem>>
      %dma_start3A_434 = tpu.memref_squeeze %dma_start3A_433 : memref<1x128xi32, #tpu.memory_space<vmem>> -> memref<128xi32, #tpu.memory_space<vmem>>
      %dma_start3A_435 = arith.constant 0 : i32
      %dma_start3A_436 = arith.constant 0 : i32
      %dma_start3A_437 = tpu.memref_slice %arg12[%dma_start3A_435, %dma_start3A_436] : memref<10240x128xf32, #tpu.memory_space<vmem_shared>> -> memref<10240x128xf32, #tpu.memory_space<vmem_shared>>
      tpu.enqueue_indirect_dma source(%arg11 : memref<128x128xf32, #tpu.memory_space<vmem>>) target(%dma_start3A_437 : memref<10240x128xf32, #tpu.memory_space<vmem_shared>>) offsets(%dma_start3A_434 : memref<128xi32, #tpu.memory_space<vmem>>) semaphore(%arg16 : memref<!tpu.dma_semaphore, #tpu.memory_space<semaphore_mem>>) {add = true}
      %dma_wait3A_438 = arith.constant 0 : i32
      %dma_wait3A_439 = arith.constant 3 : i32
      %dma_wait3A_440 = arith.constant 0 : i32
      %dma_wait3A_441 = arith.constant 0 : i32
      %dma_wait3A_442 = tpu.memref_slice %arg9[%dma_wait3A_438, %dma_wait3A_440, %dma_wait3A_441] : memref<2x8x128xi32, #tpu.memory_space<vmem>> -> memref<1x8x128xi32, #tpu.memory_space<vmem>>
      %dma_wait3A_443 = tpu.memref_squeeze %dma_wait3A_442 : memref<1x8x128xi32, #tpu.memory_space<vmem>> -> memref<8x128xi32, #tpu.memory_space<vmem>>
      %dma_wait3A_444 = arith.constant 0 : i32
      %dma_wait3A_445 = tpu.memref_slice %dma_wait3A_443[%dma_wait3A_439, %dma_wait3A_444] : memref<8x128xi32, #tpu.memory_space<vmem>> -> memref<1x128xi32, #tpu.memory_space<vmem>>
      %dma_wait3A_446 = tpu.memref_squeeze %dma_wait3A_445 : memref<1x128xi32, #tpu.memory_space<vmem>> -> memref<128xi32, #tpu.memory_space<vmem>>
      %dma_wait3A_447 = arith.constant 0 : i32
      %dma_wait3A_448 = arith.constant 0 : i32
      %dma_wait3A_449 = tpu.memref_slice %arg12[%dma_wait3A_447, %dma_wait3A_448] : memref<10240x128xf32, #tpu.memory_space<vmem_shared>> -> memref<10240x128xf32, #tpu.memory_space<vmem_shared>>
      tpu.wait_indirect_dma semaphore(%arg16 : memref<!tpu.dma_semaphore, #tpu.memory_space<semaphore_mem>>) src(%arg11 : memref<128x128xf32, #tpu.memory_space<vmem>>) dst(%dma_wait3A_449 : memref<10240x128xf32, #tpu.memory_space<vmem_shared>>)
      %dma_start3A_450 = arith.constant 0 : i32
      %dma_start3A_451 = arith.constant 5 : i32
      %dma_start3A_452 = arith.constant 0 : i32
      %dma_start3A_453 = arith.constant 0 : i32
      %dma_start3A_454 = tpu.memref_slice %arg8[%dma_start3A_450, %dma_start3A_452, %dma_start3A_453] : memref<2x8x128xi32, #tpu.memory_space<vmem>> -> memref<1x8x128xi32, #tpu.memory_space<vmem>>
      %dma_start3A_455 = tpu.memref_squeeze %dma_start3A_454 : memref<1x8x128xi32, #tpu.memory_space<vmem>> -> memref<8x128xi32, #tpu.memory_space<vmem>>
      %dma_start3A_456 = arith.constant 0 : i32
      %dma_start3A_457 = tpu.memref_slice %dma_start3A_455[%dma_start3A_451, %dma_start3A_456] : memref<8x128xi32, #tpu.memory_space<vmem>> -> memref<1x128xi32, #tpu.memory_space<vmem>>
      %dma_start3A_458 = tpu.memref_squeeze %dma_start3A_457 : memref<1x128xi32, #tpu.memory_space<vmem>> -> memref<128xi32, #tpu.memory_space<vmem>>
      %dma_start3A_459 = arith.constant 0 : i32
      %dma_start3A_460 = arith.constant 0 : i32
      %dma_start3A_461 = tpu.memref_slice %arg4[%dma_start3A_459, %dma_start3A_460] : memref<10000x128xf32, #tpu.memory_space<hbm>> -> memref<10000x128xf32, #tpu.memory_space<hbm>>
      tpu.enqueue_indirect_dma source(%dma_start3A_461 : memref<10000x128xf32, #tpu.memory_space<hbm>>) target(%arg11 : memref<128x128xf32, #tpu.memory_space<vmem>>) offsets(%dma_start3A_458 : memref<128xi32, #tpu.memory_space<vmem>>) semaphore(%arg14 : memref<!tpu.dma_semaphore, #tpu.memory_space<semaphore_mem>>)
      %dma_wait3A_462 = arith.constant 0 : i32
      %dma_wait3A_463 = arith.constant 4 : i32
      %dma_wait3A_464 = arith.constant 0 : i32
      %dma_wait3A_465 = arith.constant 0 : i32
      %dma_wait3A_466 = tpu.memref_slice %arg8[%dma_wait3A_462, %dma_wait3A_464, %dma_wait3A_465] : memref<2x8x128xi32, #tpu.memory_space<vmem>> -> memref<1x8x128xi32, #tpu.memory_space<vmem>>
      %dma_wait3A_467 = tpu.memref_squeeze %dma_wait3A_466 : memref<1x8x128xi32, #tpu.memory_space<vmem>> -> memref<8x128xi32, #tpu.memory_space<vmem>>
      %dma_wait3A_468 = arith.constant 0 : i32
      %dma_wait3A_469 = tpu.memref_slice %dma_wait3A_467[%dma_wait3A_463, %dma_wait3A_468] : memref<8x128xi32, #tpu.memory_space<vmem>> -> memref<1x128xi32, #tpu.memory_space<vmem>>
      %dma_wait3A_470 = tpu.memref_squeeze %dma_wait3A_469 : memref<1x128xi32, #tpu.memory_space<vmem>> -> memref<128xi32, #tpu.memory_space<vmem>>
      %dma_wait3A_471 = arith.constant 0 : i32
      %dma_wait3A_472 = arith.constant 0 : i32
      %dma_wait3A_473 = tpu.memref_slice %arg4[%dma_wait3A_471, %dma_wait3A_472] : memref<10000x128xf32, #tpu.memory_space<hbm>> -> memref<10000x128xf32, #tpu.memory_space<hbm>>
      tpu.wait_indirect_dma semaphore(%arg13 : memref<!tpu.dma_semaphore, #tpu.memory_space<semaphore_mem>>) src(%dma_wait3A_473 : memref<10000x128xf32, #tpu.memory_space<hbm>>) dst(%arg10 : memref<128x128xf32, #tpu.memory_space<vmem>>)
      %dma_start3A_474 = arith.constant 0 : i32
      %dma_start3A_475 = arith.constant 4 : i32
      %dma_start3A_476 = arith.constant 0 : i32
      %dma_start3A_477 = arith.constant 0 : i32
      %dma_start3A_478 = tpu.memref_slice %arg9[%dma_start3A_474, %dma_start3A_476, %dma_start3A_477] : memref<2x8x128xi32, #tpu.memory_space<vmem>> -> memref<1x8x128xi32, #tpu.memory_space<vmem>>
      %dma_start3A_479 = tpu.memref_squeeze %dma_start3A_478 : memref<1x8x128xi32, #tpu.memory_space<vmem>> -> memref<8x128xi32, #tpu.memory_space<vmem>>
      %dma_start3A_480 = arith.constant 0 : i32
      %dma_start3A_481 = tpu.memref_slice %dma_start3A_479[%dma_start3A_475, %dma_start3A_480] : memref<8x128xi32, #tpu.memory_space<vmem>> -> memref<1x128xi32, #tpu.memory_space<vmem>>
      %dma_start3A_482 = tpu.memref_squeeze %dma_start3A_481 : memref<1x128xi32, #tpu.memory_space<vmem>> -> memref<128xi32, #tpu.memory_space<vmem>>
      %dma_start3A_483 = arith.constant 0 : i32
      %dma_start3A_484 = arith.constant 0 : i32
      %dma_start3A_485 = tpu.memref_slice %arg12[%dma_start3A_483, %dma_start3A_484] : memref<10240x128xf32, #tpu.memory_space<vmem_shared>> -> memref<10240x128xf32, #tpu.memory_space<vmem_shared>>
      tpu.enqueue_indirect_dma source(%arg10 : memref<128x128xf32, #tpu.memory_space<vmem>>) target(%dma_start3A_485 : memref<10240x128xf32, #tpu.memory_space<vmem_shared>>) offsets(%dma_start3A_482 : memref<128xi32, #tpu.memory_space<vmem>>) semaphore(%arg15 : memref<!tpu.dma_semaphore, #tpu.memory_space<semaphore_mem>>) {add = true}
      %dma_wait3A_486 = arith.constant 0 : i32
      %dma_wait3A_487 = arith.constant 4 : i32
      %dma_wait3A_488 = arith.constant 0 : i32
      %dma_wait3A_489 = arith.constant 0 : i32
      %dma_wait3A_490 = tpu.memref_slice %arg9[%dma_wait3A_486, %dma_wait3A_488, %dma_wait3A_489] : memref<2x8x128xi32, #tpu.memory_space<vmem>> -> memref<1x8x128xi32, #tpu.memory_space<vmem>>
      %dma_wait3A_491 = tpu.memref_squeeze %dma_wait3A_490 : memref<1x8x128xi32, #tpu.memory_space<vmem>> -> memref<8x128xi32, #tpu.memory_space<vmem>>
      %dma_wait3A_492 = arith.constant 0 : i32
      %dma_wait3A_493 = tpu.memref_slice %dma_wait3A_491[%dma_wait3A_487, %dma_wait3A_492] : memref<8x128xi32, #tpu.memory_space<vmem>> -> memref<1x128xi32, #tpu.memory_space<vmem>>
      %dma_wait3A_494 = tpu.memref_squeeze %dma_wait3A_493 : memref<1x128xi32, #tpu.memory_space<vmem>> -> memref<128xi32, #tpu.memory_space<vmem>>
      %dma_wait3A_495 = arith.constant 0 : i32
      %dma_wait3A_496 = arith.constant 0 : i32
      %dma_wait3A_497 = tpu.memref_slice %arg12[%dma_wait3A_495, %dma_wait3A_496] : memref<10240x128xf32, #tpu.memory_space<vmem_shared>> -> memref<10240x128xf32, #tpu.memory_space<vmem_shared>>
      tpu.wait_indirect_dma semaphore(%arg15 : memref<!tpu.dma_semaphore, #tpu.memory_space<semaphore_mem>>) src(%arg10 : memref<128x128xf32, #tpu.memory_space<vmem>>) dst(%dma_wait3A_497 : memref<10240x128xf32, #tpu.memory_space<vmem_shared>>)
      %dma_start3A_498 = arith.constant 0 : i32
      %dma_start3A_499 = arith.constant 6 : i32
      %dma_start3A_500 = arith.constant 0 : i32
      %dma_start3A_501 = arith.constant 0 : i32
      %dma_start3A_502 = tpu.memref_slice %arg8[%dma_start3A_498, %dma_start3A_500, %dma_start3A_501] : memref<2x8x128xi32, #tpu.memory_space<vmem>> -> memref<1x8x128xi32, #tpu.memory_space<vmem>>
      %dma_start3A_503 = tpu.memref_squeeze %dma_start3A_502 : memref<1x8x128xi32, #tpu.memory_space<vmem>> -> memref<8x128xi32, #tpu.memory_space<vmem>>
      %dma_start3A_504 = arith.constant 0 : i32
      %dma_start3A_505 = tpu.memref_slice %dma_start3A_503[%dma_start3A_499, %dma_start3A_504] : memref<8x128xi32, #tpu.memory_space<vmem>> -> memref<1x128xi32, #tpu.memory_space<vmem>>
      %dma_start3A_506 = tpu.memref_squeeze %dma_start3A_505 : memref<1x128xi32, #tpu.memory_space<vmem>> -> memref<128xi32, #tpu.memory_space<vmem>>
      %dma_start3A_507 = arith.constant 0 : i32
      %dma_start3A_508 = arith.constant 0 : i32
      %dma_start3A_509 = tpu.memref_slice %arg4[%dma_start3A_507, %dma_start3A_508] : memref<10000x128xf32, #tpu.memory_space<hbm>> -> memref<10000x128xf32, #tpu.memory_space<hbm>>
      tpu.enqueue_indirect_dma source(%dma_start3A_509 : memref<10000x128xf32, #tpu.memory_space<hbm>>) target(%arg10 : memref<128x128xf32, #tpu.memory_space<vmem>>) offsets(%dma_start3A_506 : memref<128xi32, #tpu.memory_space<vmem>>) semaphore(%arg13 : memref<!tpu.dma_semaphore, #tpu.memory_space<semaphore_mem>>)
      %dma_wait3A_510 = arith.constant 0 : i32
      %dma_wait3A_511 = arith.constant 5 : i32
      %dma_wait3A_512 = arith.constant 0 : i32
      %dma_wait3A_513 = arith.constant 0 : i32
      %dma_wait3A_514 = tpu.memref_slice %arg8[%dma_wait3A_510, %dma_wait3A_512, %dma_wait3A_513] : memref<2x8x128xi32, #tpu.memory_space<vmem>> -> memref<1x8x128xi32, #tpu.memory_space<vmem>>
      %dma_wait3A_515 = tpu.memref_squeeze %dma_wait3A_514 : memref<1x8x128xi32, #tpu.memory_space<vmem>> -> memref<8x128xi32, #tpu.memory_space<vmem>>
      %dma_wait3A_516 = arith.constant 0 : i32
      %dma_wait3A_517 = tpu.memref_slice %dma_wait3A_515[%dma_wait3A_511, %dma_wait3A_516] : memref<8x128xi32, #tpu.memory_space<vmem>> -> memref<1x128xi32, #tpu.memory_space<vmem>>
      %dma_wait3A_518 = tpu.memref_squeeze %dma_wait3A_517 : memref<1x128xi32, #tpu.memory_space<vmem>> -> memref<128xi32, #tpu.memory_space<vmem>>
      %dma_wait3A_519 = arith.constant 0 : i32
      %dma_wait3A_520 = arith.constant 0 : i32
      %dma_wait3A_521 = tpu.memref_slice %arg4[%dma_wait3A_519, %dma_wait3A_520] : memref<10000x128xf32, #tpu.memory_space<hbm>> -> memref<10000x128xf32, #tpu.memory_space<hbm>>
      tpu.wait_indirect_dma semaphore(%arg14 : memref<!tpu.dma_semaphore, #tpu.memory_space<semaphore_mem>>) src(%dma_wait3A_521 : memref<10000x128xf32, #tpu.memory_space<hbm>>) dst(%arg11 : memref<128x128xf32, #tpu.memory_space<vmem>>)
      %dma_start3A_522 = arith.constant 0 : i32
      %dma_start3A_523 = arith.constant 5 : i32
      %dma_start3A_524 = arith.constant 0 : i32
      %dma_start3A_525 = arith.constant 0 : i32
      %dma_start3A_526 = tpu.memref_slice %arg9[%dma_start3A_522, %dma_start3A_524, %dma_start3A_525] : memref<2x8x128xi32, #tpu.memory_space<vmem>> -> memref<1x8x128xi32, #tpu.memory_space<vmem>>
      %dma_start3A_527 = tpu.memref_squeeze %dma_start3A_526 : memref<1x8x128xi32, #tpu.memory_space<vmem>> -> memref<8x128xi32, #tpu.memory_space<vmem>>
      %dma_start3A_528 = arith.constant 0 : i32
      %dma_start3A_529 = tpu.memref_slice %dma_start3A_527[%dma_start3A_523, %dma_start3A_528] : memref<8x128xi32, #tpu.memory_space<vmem>> -> memref<1x128xi32, #tpu.memory_space<vmem>>
      %dma_start3A_530 = tpu.memref_squeeze %dma_start3A_529 : memref<1x128xi32, #tpu.memory_space<vmem>> -> memref<128xi32, #tpu.memory_space<vmem>>
      %dma_start3A_531 = arith.constant 0 : i32
      %dma_start3A_532 = arith.constant 0 : i32
      %dma_start3A_533 = tpu.memref_slice %arg12[%dma_start3A_531, %dma_start3A_532] : memref<10240x128xf32, #tpu.memory_space<vmem_shared>> -> memref<10240x128xf32, #tpu.memory_space<vmem_shared>>
      tpu.enqueue_indirect_dma source(%arg11 : memref<128x128xf32, #tpu.memory_space<vmem>>) target(%dma_start3A_533 : memref<10240x128xf32, #tpu.memory_space<vmem_shared>>) offsets(%dma_start3A_530 : memref<128xi32, #tpu.memory_space<vmem>>) semaphore(%arg16 : memref<!tpu.dma_semaphore, #tpu.memory_space<semaphore_mem>>) {add = true}
      %dma_wait3A_534 = arith.constant 0 : i32
      %dma_wait3A_535 = arith.constant 5 : i32
      %dma_wait3A_536 = arith.constant 0 : i32
      %dma_wait3A_537 = arith.constant 0 : i32
      %dma_wait3A_538 = tpu.memref_slice %arg9[%dma_wait3A_534, %dma_wait3A_536, %dma_wait3A_537] : memref<2x8x128xi32, #tpu.memory_space<vmem>> -> memref<1x8x128xi32, #tpu.memory_space<vmem>>
      %dma_wait3A_539 = tpu.memref_squeeze %dma_wait3A_538 : memref<1x8x128xi32, #tpu.memory_space<vmem>> -> memref<8x128xi32, #tpu.memory_space<vmem>>
      %dma_wait3A_540 = arith.constant 0 : i32
      %dma_wait3A_541 = tpu.memref_slice %dma_wait3A_539[%dma_wait3A_535, %dma_wait3A_540] : memref<8x128xi32, #tpu.memory_space<vmem>> -> memref<1x128xi32, #tpu.memory_space<vmem>>
      %dma_wait3A_542 = tpu.memref_squeeze %dma_wait3A_541 : memref<1x128xi32, #tpu.memory_space<vmem>> -> memref<128xi32, #tpu.memory_space<vmem>>
      %dma_wait3A_543 = arith.constant 0 : i32
      %dma_wait3A_544 = arith.constant 0 : i32
      %dma_wait3A_545 = tpu.memref_slice %arg12[%dma_wait3A_543, %dma_wait3A_544] : memref<10240x128xf32, #tpu.memory_space<vmem_shared>> -> memref<10240x128xf32, #tpu.memory_space<vmem_shared>>
      tpu.wait_indirect_dma semaphore(%arg16 : memref<!tpu.dma_semaphore, #tpu.memory_space<semaphore_mem>>) src(%arg11 : memref<128x128xf32, #tpu.memory_space<vmem>>) dst(%dma_wait3A_545 : memref<10240x128xf32, #tpu.memory_space<vmem_shared>>)
      %dma_start3A_546 = arith.constant 0 : i32
      %dma_start3A_547 = arith.constant 7 : i32
      %dma_start3A_548 = arith.constant 0 : i32
      %dma_start3A_549 = arith.constant 0 : i32
      %dma_start3A_550 = tpu.memref_slice %arg8[%dma_start3A_546, %dma_start3A_548, %dma_start3A_549] : memref<2x8x128xi32, #tpu.memory_space<vmem>> -> memref<1x8x128xi32, #tpu.memory_space<vmem>>
      %dma_start3A_551 = tpu.memref_squeeze %dma_start3A_550 : memref<1x8x128xi32, #tpu.memory_space<vmem>> -> memref<8x128xi32, #tpu.memory_space<vmem>>
      %dma_start3A_552 = arith.constant 0 : i32
      %dma_start3A_553 = tpu.memref_slice %dma_start3A_551[%dma_start3A_547, %dma_start3A_552] : memref<8x128xi32, #tpu.memory_space<vmem>> -> memref<1x128xi32, #tpu.memory_space<vmem>>
      %dma_start3A_554 = tpu.memref_squeeze %dma_start3A_553 : memref<1x128xi32, #tpu.memory_space<vmem>> -> memref<128xi32, #tpu.memory_space<vmem>>
      %dma_start3A_555 = arith.constant 0 : i32
      %dma_start3A_556 = arith.constant 0 : i32
      %dma_start3A_557 = tpu.memref_slice %arg4[%dma_start3A_555, %dma_start3A_556] : memref<10000x128xf32, #tpu.memory_space<hbm>> -> memref<10000x128xf32, #tpu.memory_space<hbm>>
      tpu.enqueue_indirect_dma source(%dma_start3A_557 : memref<10000x128xf32, #tpu.memory_space<hbm>>) target(%arg11 : memref<128x128xf32, #tpu.memory_space<vmem>>) offsets(%dma_start3A_554 : memref<128xi32, #tpu.memory_space<vmem>>) semaphore(%arg14 : memref<!tpu.dma_semaphore, #tpu.memory_space<semaphore_mem>>)
      %dma_wait3A_558 = arith.constant 0 : i32
      %dma_wait3A_559 = arith.constant 6 : i32
      %dma_wait3A_560 = arith.constant 0 : i32
      %dma_wait3A_561 = arith.constant 0 : i32
      %dma_wait3A_562 = tpu.memref_slice %arg8[%dma_wait3A_558, %dma_wait3A_560, %dma_wait3A_561] : memref<2x8x128xi32, #tpu.memory_space<vmem>> -> memref<1x8x128xi32, #tpu.memory_space<vmem>>
      %dma_wait3A_563 = tpu.memref_squeeze %dma_wait3A_562 : memref<1x8x128xi32, #tpu.memory_space<vmem>> -> memref<8x128xi32, #tpu.memory_space<vmem>>
      %dma_wait3A_564 = arith.constant 0 : i32
      %dma_wait3A_565 = tpu.memref_slice %dma_wait3A_563[%dma_wait3A_559, %dma_wait3A_564] : memref<8x128xi32, #tpu.memory_space<vmem>> -> memref<1x128xi32, #tpu.memory_space<vmem>>
      %dma_wait3A_566 = tpu.memref_squeeze %dma_wait3A_565 : memref<1x128xi32, #tpu.memory_space<vmem>> -> memref<128xi32, #tpu.memory_space<vmem>>
      %dma_wait3A_567 = arith.constant 0 : i32
      %dma_wait3A_568 = arith.constant 0 : i32
      %dma_wait3A_569 = tpu.memref_slice %arg4[%dma_wait3A_567, %dma_wait3A_568] : memref<10000x128xf32, #tpu.memory_space<hbm>> -> memref<10000x128xf32, #tpu.memory_space<hbm>>
      tpu.wait_indirect_dma semaphore(%arg13 : memref<!tpu.dma_semaphore, #tpu.memory_space<semaphore_mem>>) src(%dma_wait3A_569 : memref<10000x128xf32, #tpu.memory_space<hbm>>) dst(%arg10 : memref<128x128xf32, #tpu.memory_space<vmem>>)
      %dma_start3A_570 = arith.constant 0 : i32
      %dma_start3A_571 = arith.constant 6 : i32
      %dma_start3A_572 = arith.constant 0 : i32
      %dma_start3A_573 = arith.constant 0 : i32
      %dma_start3A_574 = tpu.memref_slice %arg9[%dma_start3A_570, %dma_start3A_572, %dma_start3A_573] : memref<2x8x128xi32, #tpu.memory_space<vmem>> -> memref<1x8x128xi32, #tpu.memory_space<vmem>>
      %dma_start3A_575 = tpu.memref_squeeze %dma_start3A_574 : memref<1x8x128xi32, #tpu.memory_space<vmem>> -> memref<8x128xi32, #tpu.memory_space<vmem>>
      %dma_start3A_576 = arith.constant 0 : i32
      %dma_start3A_577 = tpu.memref_slice %dma_start3A_575[%dma_start3A_571, %dma_start3A_576] : memref<8x128xi32, #tpu.memory_space<vmem>> -> memref<1x128xi32, #tpu.memory_space<vmem>>
      %dma_start3A_578 = tpu.memref_squeeze %dma_start3A_577 : memref<1x128xi32, #tpu.memory_space<vmem>> -> memref<128xi32, #tpu.memory_space<vmem>>
      %dma_start3A_579 = arith.constant 0 : i32
      %dma_start3A_580 = arith.constant 0 : i32
      %dma_start3A_581 = tpu.memref_slice %arg12[%dma_start3A_579, %dma_start3A_580] : memref<10240x128xf32, #tpu.memory_space<vmem_shared>> -> memref<10240x128xf32, #tpu.memory_space<vmem_shared>>
      tpu.enqueue_indirect_dma source(%arg10 : memref<128x128xf32, #tpu.memory_space<vmem>>) target(%dma_start3A_581 : memref<10240x128xf32, #tpu.memory_space<vmem_shared>>) offsets(%dma_start3A_578 : memref<128xi32, #tpu.memory_space<vmem>>) semaphore(%arg15 : memref<!tpu.dma_semaphore, #tpu.memory_space<semaphore_mem>>) {add = true}
      %dma_wait3A_582 = arith.constant 0 : i32
      %dma_wait3A_583 = arith.constant 7 : i32
      %dma_wait3A_584 = arith.constant 0 : i32
      %dma_wait3A_585 = arith.constant 0 : i32
      %dma_wait3A_586 = tpu.memref_slice %arg8[%dma_wait3A_582, %dma_wait3A_584, %dma_wait3A_585] : memref<2x8x128xi32, #tpu.memory_space<vmem>> -> memref<1x8x128xi32, #tpu.memory_space<vmem>>
      %dma_wait3A_587 = tpu.memref_squeeze %dma_wait3A_586 : memref<1x8x128xi32, #tpu.memory_space<vmem>> -> memref<8x128xi32, #tpu.memory_space<vmem>>
      %dma_wait3A_588 = arith.constant 0 : i32
      %dma_wait3A_589 = tpu.memref_slice %dma_wait3A_587[%dma_wait3A_583, %dma_wait3A_588] : memref<8x128xi32, #tpu.memory_space<vmem>> -> memref<1x128xi32, #tpu.memory_space<vmem>>
      %dma_wait3A_590 = tpu.memref_squeeze %dma_wait3A_589 : memref<1x128xi32, #tpu.memory_space<vmem>> -> memref<128xi32, #tpu.memory_space<vmem>>
      %dma_wait3A_591 = arith.constant 0 : i32
      %dma_wait3A_592 = arith.constant 0 : i32
      %dma_wait3A_593 = tpu.memref_slice %arg4[%dma_wait3A_591, %dma_wait3A_592] : memref<10000x128xf32, #tpu.memory_space<hbm>> -> memref<10000x128xf32, #tpu.memory_space<hbm>>
      tpu.wait_indirect_dma semaphore(%arg14 : memref<!tpu.dma_semaphore, #tpu.memory_space<semaphore_mem>>) src(%dma_wait3A_593 : memref<10000x128xf32, #tpu.memory_space<hbm>>) dst(%arg11 : memref<128x128xf32, #tpu.memory_space<vmem>>)
      %dma_start3A_594 = arith.constant 0 : i32
      %dma_start3A_595 = arith.constant 7 : i32
      %dma_start3A_596 = arith.constant 0 : i32
      %dma_start3A_597 = arith.constant 0 : i32
      %dma_start3A_598 = tpu.memref_slice %arg9[%dma_start3A_594, %dma_start3A_596, %dma_start3A_597] : memref<2x8x128xi32, #tpu.memory_space<vmem>> -> memref<1x8x128xi32, #tpu.memory_space<vmem>>
      %dma_start3A_599 = tpu.memref_squeeze %dma_start3A_598 : memref<1x8x128xi32, #tpu.memory_space<vmem>> -> memref<8x128xi32, #tpu.memory_space<vmem>>
      %dma_start3A_600 = arith.constant 0 : i32
      %dma_start3A_601 = tpu.memref_slice %dma_start3A_599[%dma_start3A_595, %dma_start3A_600] : memref<8x128xi32, #tpu.memory_space<vmem>> -> memref<1x128xi32, #tpu.memory_space<vmem>>
      %dma_start3A_602 = tpu.memref_squeeze %dma_start3A_601 : memref<1x128xi32, #tpu.memory_space<vmem>> -> memref<128xi32, #tpu.memory_space<vmem>>
      %dma_start3A_603 = arith.constant 0 : i32
      %dma_start3A_604 = arith.constant 0 : i32
      %dma_start3A_605 = tpu.memref_slice %arg12[%dma_start3A_603, %dma_start3A_604] : memref<10240x128xf32, #tpu.memory_space<vmem_shared>> -> memref<10240x128xf32, #tpu.memory_space<vmem_shared>>
      tpu.enqueue_indirect_dma source(%arg11 : memref<128x128xf32, #tpu.memory_space<vmem>>) target(%dma_start3A_605 : memref<10240x128xf32, #tpu.memory_space<vmem_shared>>) offsets(%dma_start3A_602 : memref<128xi32, #tpu.memory_space<vmem>>) semaphore(%arg16 : memref<!tpu.dma_semaphore, #tpu.memory_space<semaphore_mem>>) {add = true}
      %dma_wait3A_606 = arith.constant 0 : i32
      %dma_wait3A_607 = arith.constant 6 : i32
      %dma_wait3A_608 = arith.constant 0 : i32
      %dma_wait3A_609 = arith.constant 0 : i32
      %dma_wait3A_610 = tpu.memref_slice %arg9[%dma_wait3A_606, %dma_wait3A_608, %dma_wait3A_609] : memref<2x8x128xi32, #tpu.memory_space<vmem>> -> memref<1x8x128xi32, #tpu.memory_space<vmem>>
      %dma_wait3A_611 = tpu.memref_squeeze %dma_wait3A_610 : memref<1x8x128xi32, #tpu.memory_space<vmem>> -> memref<8x128xi32, #tpu.memory_space<vmem>>
      %dma_wait3A_612 = arith.constant 0 : i32
      %dma_wait3A_613 = tpu.memref_slice %dma_wait3A_611[%dma_wait3A_607, %dma_wait3A_612] : memref<8x128xi32, #tpu.memory_space<vmem>> -> memref<1x128xi32, #tpu.memory_space<vmem>>
      %dma_wait3A_614 = tpu.memref_squeeze %dma_wait3A_613 : memref<1x128xi32, #tpu.memory_space<vmem>> -> memref<128xi32, #tpu.memory_space<vmem>>
      %dma_wait3A_615 = arith.constant 0 : i32
      %dma_wait3A_616 = arith.constant 0 : i32
      %dma_wait3A_617 = tpu.memref_slice %arg12[%dma_wait3A_615, %dma_wait3A_616] : memref<10240x128xf32, #tpu.memory_space<vmem_shared>> -> memref<10240x128xf32, #tpu.memory_space<vmem_shared>>
      tpu.wait_indirect_dma semaphore(%arg15 : memref<!tpu.dma_semaphore, #tpu.memory_space<semaphore_mem>>) src(%arg10 : memref<128x128xf32, #tpu.memory_space<vmem>>) dst(%dma_wait3A_617 : memref<10240x128xf32, #tpu.memory_space<vmem_shared>>)
      %dma_wait3A_618 = arith.constant 0 : i32
      %dma_wait3A_619 = arith.constant 7 : i32
      %dma_wait3A_620 = arith.constant 0 : i32
      %dma_wait3A_621 = arith.constant 0 : i32
      %dma_wait3A_622 = tpu.memref_slice %arg9[%dma_wait3A_618, %dma_wait3A_620, %dma_wait3A_621] : memref<2x8x128xi32, #tpu.memory_space<vmem>> -> memref<1x8x128xi32, #tpu.memory_space<vmem>>
      %dma_wait3A_623 = tpu.memref_squeeze %dma_wait3A_622 : memref<1x8x128xi32, #tpu.memory_space<vmem>> -> memref<8x128xi32, #tpu.memory_space<vmem>>
      %dma_wait3A_624 = arith.constant 0 : i32
      %dma_wait3A_625 = tpu.memref_slice %dma_wait3A_623[%dma_wait3A_619, %dma_wait3A_624] : memref<8x128xi32, #tpu.memory_space<vmem>> -> memref<1x128xi32, #tpu.memory_space<vmem>>
      %dma_wait3A_626 = tpu.memref_squeeze %dma_wait3A_625 : memref<1x128xi32, #tpu.memory_space<vmem>> -> memref<128xi32, #tpu.memory_space<vmem>>
      %dma_wait3A_627 = arith.constant 0 : i32
      %dma_wait3A_628 = arith.constant 0 : i32
      %dma_wait3A_629 = tpu.memref_slice %arg12[%dma_wait3A_627, %dma_wait3A_628] : memref<10240x128xf32, #tpu.memory_space<vmem_shared>> -> memref<10240x128xf32, #tpu.memory_space<vmem_shared>>
      tpu.wait_indirect_dma semaphore(%arg16 : memref<!tpu.dma_semaphore, #tpu.memory_space<semaphore_mem>>) src(%arg11 : memref<128x128xf32, #tpu.memory_space<vmem>>) dst(%dma_wait3A_629 : memref<10240x128xf32, #tpu.memory_space<vmem_shared>>)
      %add3A_630 = arith.constant 2 : i32
      %add3A_631 = arith.addi %mul3A_201, %add3A_630 : i32
      %lt3A = arith.cmpi slt, %add3A_631, %select_n3A_20 : i32
      %convert_element_type3A_632 = arith.extui %lt3A : i1 to i32
      %cond3A_633 = arith.constant 0 : i32
      %cond3A_634 = arith.cmpi ne, %convert_element_type3A_632, %cond3A_633 : i32
      scf.if %cond3A_634 {
        %mul3A_641 = arith.constant 8 : i32
        %mul3A_642 = arith.muli %add3A_631, %mul3A_641 : i32
        %add3A_643 = arith.addi %mul3A_642, %mul3A_0 : i32
        %multiple_of3A = tpu.assume_multiple %add3A_643, 8 : i32
        %dma_start3A_644 = arith.constant 0 : i32
        %dma_start3A_645 = arith.constant 0 : i32
        %dma_start3A_646 = arith.constant 0 : i32
        %dma_start3A_647 = tpu.memref_slice %arg8[%dma_start3A_644, %dma_start3A_645, %dma_start3A_646] : memref<2x8x128xi32, #tpu.memory_space<vmem>> -> memref<1x8x128xi32, #tpu.memory_space<vmem>>
        %dma_start3A_648 = tpu.memref_squeeze %dma_start3A_647 : memref<1x8x128xi32, #tpu.memory_space<vmem>> -> memref<8x128xi32, #tpu.memory_space<vmem>>
        %dma_start3A_649 = arith.constant 0 : i32
        %dma_start3A_650 = arith.constant 0 : i32
        %dma_start3A_651 = tpu.memref_slice %arg2[%arg1, %dma_start3A_649, %dma_start3A_650] : memref<16x160x128xi32, #tpu.memory_space<hbm>> -> memref<1x160x128xi32, #tpu.memory_space<hbm>>
        %dma_start3A_652 = tpu.memref_squeeze %dma_start3A_651 : memref<1x160x128xi32, #tpu.memory_space<hbm>> -> memref<160x128xi32, #tpu.memory_space<hbm>>
        %dma_start3A_653 = arith.constant 0 : i32
        %dma_start3A_654 = tpu.memref_slice %dma_start3A_652[%multiple_of3A, %dma_start3A_653] : memref<160x128xi32, #tpu.memory_space<hbm>> -> memref<8x128xi32, #tpu.memory_space<hbm>>
        %dma_start3A_655 = arith.constant 0 : i32
        %dma_start3A_656 = arith.constant 0 : i32
        %dma_start3A_657 = tpu.memref_slice %arg8[%dma_start3A_644, %dma_start3A_655, %dma_start3A_656] : memref<2x8x128xi32, #tpu.memory_space<vmem>> -> memref<1x8x128xi32, #tpu.memory_space<vmem>>
        %dma_start3A_658 = tpu.memref_squeeze %dma_start3A_657 : memref<1x8x128xi32, #tpu.memory_space<vmem>> -> memref<8x128xi32, #tpu.memory_space<vmem>>
        %dma_start3A_659 = arith.constant 0 : i32
        %dma_start3A_660 = arith.constant 0 : i32
        %dma_start3A_661 = tpu.memref_slice %arg2[%arg1, %dma_start3A_659, %dma_start3A_660] : memref<16x160x128xi32, #tpu.memory_space<hbm>> -> memref<1x160x128xi32, #tpu.memory_space<hbm>>
        %dma_start3A_662 = tpu.memref_squeeze %dma_start3A_661 : memref<1x160x128xi32, #tpu.memory_space<hbm>> -> memref<160x128xi32, #tpu.memory_space<hbm>>
        %dma_start3A_663 = arith.constant 0 : i32
        %dma_start3A_664 = tpu.memref_slice %dma_start3A_662[%multiple_of3A, %dma_start3A_663] : memref<160x128xi32, #tpu.memory_space<hbm>> -> memref<8x128xi32, #tpu.memory_space<hbm>>
        tpu.enqueue_dma source(%dma_start3A_664 : memref<8x128xi32, #tpu.memory_space<hbm>>) target(%dma_start3A_658 : memref<8x128xi32, #tpu.memory_space<vmem>>) target_semaphore(%arg17 : memref<!tpu.dma_semaphore, #tpu.memory_space<semaphore_mem>>)
        %dma_start3A_665 = arith.constant 0 : i32
        %dma_start3A_666 = arith.constant 0 : i32
        %dma_start3A_667 = arith.constant 0 : i32
        %dma_start3A_668 = tpu.memref_slice %arg9[%dma_start3A_665, %dma_start3A_666, %dma_start3A_667] : memref<2x8x128xi32, #tpu.memory_space<vmem>> -> memref<1x8x128xi32, #tpu.memory_space<vmem>>
        %dma_start3A_669 = tpu.memref_squeeze %dma_start3A_668 : memref<1x8x128xi32, #tpu.memory_space<vmem>> -> memref<8x128xi32, #tpu.memory_space<vmem>>
        %dma_start3A_670 = arith.constant 0 : i32
        %dma_start3A_671 = arith.constant 0 : i32
        %dma_start3A_672 = tpu.memref_slice %arg3[%arg1, %dma_start3A_670, %dma_start3A_671] : memref<16x160x128xi32, #tpu.memory_space<hbm>> -> memref<1x160x128xi32, #tpu.memory_space<hbm>>
        %dma_start3A_673 = tpu.memref_squeeze %dma_start3A_672 : memref<1x160x128xi32, #tpu.memory_space<hbm>> -> memref<160x128xi32, #tpu.memory_space<hbm>>
        %dma_start3A_674 = arith.constant 0 : i32
        %dma_start3A_675 = tpu.memref_slice %dma_start3A_673[%multiple_of3A, %dma_start3A_674] : memref<160x128xi32, #tpu.memory_space<hbm>> -> memref<8x128xi32, #tpu.memory_space<hbm>>
        %dma_start3A_676 = arith.constant 0 : i32
        %dma_start3A_677 = arith.constant 0 : i32
        %dma_start3A_678 = tpu.memref_slice %arg9[%dma_start3A_665, %dma_start3A_676, %dma_start3A_677] : memref<2x8x128xi32, #tpu.memory_space<vmem>> -> memref<1x8x128xi32, #tpu.memory_space<vmem>>
        %dma_start3A_679 = tpu.memref_squeeze %dma_start3A_678 : memref<1x8x128xi32, #tpu.memory_space<vmem>> -> memref<8x128xi32, #tpu.memory_space<vmem>>
        %dma_start3A_680 = arith.constant 0 : i32
        %dma_start3A_681 = arith.constant 0 : i32
        %dma_start3A_682 = tpu.memref_slice %arg3[%arg1, %dma_start3A_680, %dma_start3A_681] : memref<16x160x128xi32, #tpu.memory_space<hbm>> -> memref<1x160x128xi32, #tpu.memory_space<hbm>>
        %dma_start3A_683 = tpu.memref_squeeze %dma_start3A_682 : memref<1x160x128xi32, #tpu.memory_space<hbm>> -> memref<160x128xi32, #tpu.memory_space<hbm>>
        %dma_start3A_684 = arith.constant 0 : i32
        %dma_start3A_685 = tpu.memref_slice %dma_start3A_683[%multiple_of3A, %dma_start3A_684] : memref<160x128xi32, #tpu.memory_space<hbm>> -> memref<8x128xi32, #tpu.memory_space<hbm>>
        tpu.enqueue_dma source(%dma_start3A_685 : memref<8x128xi32, #tpu.memory_space<hbm>>) target(%dma_start3A_679 : memref<8x128xi32, #tpu.memory_space<vmem>>) target_semaphore(%arg17 : memref<!tpu.dma_semaphore, #tpu.memory_space<semaphore_mem>>)
      } else {
      }
      %add3A_635 = arith.constant 1 : i32
      %add3A_636 = arith.addi %mul3A_201, %add3A_635 : i32
      %lt3A_637 = arith.cmpi slt, %add3A_636, %select_n3A_20 : i32
      %convert_element_type3A_638 = arith.extui %lt3A_637 : i1 to i32
      %cond3A_639 = arith.constant 0 : i32
      %cond3A_640 = arith.cmpi ne, %convert_element_type3A_638, %cond3A_639 : i32
      scf.if %cond3A_640 {
        %dma_wait3A_641 = arith.constant 1 : i32
        %dma_wait3A_642 = arith.constant 0 : i32
        %dma_wait3A_643 = arith.constant 0 : i32
        %dma_wait3A_644 = tpu.memref_slice %arg9[%dma_wait3A_641, %dma_wait3A_642, %dma_wait3A_643] : memref<2x8x128xi32, #tpu.memory_space<vmem>> -> memref<1x8x128xi32, #tpu.memory_space<vmem>>
        %dma_wait3A_645 = tpu.memref_squeeze %dma_wait3A_644 : memref<1x8x128xi32, #tpu.memory_space<vmem>> -> memref<8x128xi32, #tpu.memory_space<vmem>>
        %dma_wait3A_646 = arith.constant 0 : i32
        %dma_wait3A_647 = arith.constant 0 : i32
        %dma_wait3A_648 = tpu.memref_slice %arg3[%arg1, %dma_wait3A_646, %dma_wait3A_647] : memref<16x160x128xi32, #tpu.memory_space<hbm>> -> memref<1x160x128xi32, #tpu.memory_space<hbm>>
        %dma_wait3A_649 = tpu.memref_squeeze %dma_wait3A_648 : memref<1x160x128xi32, #tpu.memory_space<hbm>> -> memref<160x128xi32, #tpu.memory_space<hbm>>
        %dma_wait3A_650 = arith.constant 0 : i32
        %dma_wait3A_651 = arith.constant 0 : i32
        %dma_wait3A_652 = tpu.memref_slice %dma_wait3A_649[%dma_wait3A_650, %dma_wait3A_651] : memref<160x128xi32, #tpu.memory_space<hbm>> -> memref<8x128xi32, #tpu.memory_space<hbm>>
        %dma_wait3A_653 = arith.constant 0 : i32
        %dma_wait3A_654 = arith.constant 0 : i32
        %dma_wait3A_655 = tpu.memref_slice %arg9[%dma_wait3A_641, %dma_wait3A_653, %dma_wait3A_654] : memref<2x8x128xi32, #tpu.memory_space<vmem>> -> memref<1x8x128xi32, #tpu.memory_space<vmem>>
        %dma_wait3A_656 = tpu.memref_squeeze %dma_wait3A_655 : memref<1x8x128xi32, #tpu.memory_space<vmem>> -> memref<8x128xi32, #tpu.memory_space<vmem>>
        %dma_wait3A_657 = arith.constant 0 : i32
        %dma_wait3A_658 = arith.constant 0 : i32
        %dma_wait3A_659 = tpu.memref_slice %arg3[%arg1, %dma_wait3A_657, %dma_wait3A_658] : memref<16x160x128xi32, #tpu.memory_space<hbm>> -> memref<1x160x128xi32, #tpu.memory_space<hbm>>
        %dma_wait3A_660 = tpu.memref_squeeze %dma_wait3A_659 : memref<1x160x128xi32, #tpu.memory_space<hbm>> -> memref<160x128xi32, #tpu.memory_space<hbm>>
        %dma_wait3A_661 = arith.constant 0 : i32
        %dma_wait3A_662 = arith.constant 0 : i32
        %dma_wait3A_663 = tpu.memref_slice %dma_wait3A_660[%dma_wait3A_661, %dma_wait3A_662] : memref<160x128xi32, #tpu.memory_space<hbm>> -> memref<8x128xi32, #tpu.memory_space<hbm>>
        tpu.wait_dma2 semaphore(%arg18 : memref<!tpu.dma_semaphore, #tpu.memory_space<semaphore_mem>>) src(%dma_wait3A_663 : memref<8x128xi32, #tpu.memory_space<hbm>>) dst(%dma_wait3A_656 : memref<8x128xi32, #tpu.memory_space<vmem>>)
        %dma_wait3A_664 = arith.constant 1 : i32
        %dma_wait3A_665 = arith.constant 0 : i32
        %dma_wait3A_666 = arith.constant 0 : i32
        %dma_wait3A_667 = tpu.memref_slice %arg9[%dma_wait3A_664, %dma_wait3A_665, %dma_wait3A_666] : memref<2x8x128xi32, #tpu.memory_space<vmem>> -> memref<1x8x128xi32, #tpu.memory_space<vmem>>
        %dma_wait3A_668 = tpu.memref_squeeze %dma_wait3A_667 : memref<1x8x128xi32, #tpu.memory_space<vmem>> -> memref<8x128xi32, #tpu.memory_space<vmem>>
        %dma_wait3A_669 = arith.constant 0 : i32
        %dma_wait3A_670 = arith.constant 0 : i32
        %dma_wait3A_671 = tpu.memref_slice %arg3[%arg1, %dma_wait3A_669, %dma_wait3A_670] : memref<16x160x128xi32, #tpu.memory_space<hbm>> -> memref<1x160x128xi32, #tpu.memory_space<hbm>>
        %dma_wait3A_672 = tpu.memref_squeeze %dma_wait3A_671 : memref<1x160x128xi32, #tpu.memory_space<hbm>> -> memref<160x128xi32, #tpu.memory_space<hbm>>
        %dma_wait3A_673 = arith.constant 0 : i32
        %dma_wait3A_674 = arith.constant 0 : i32
        %dma_wait3A_675 = tpu.memref_slice %dma_wait3A_672[%dma_wait3A_673, %dma_wait3A_674] : memref<160x128xi32, #tpu.memory_space<hbm>> -> memref<8x128xi32, #tpu.memory_space<hbm>>
        %dma_wait3A_676 = arith.constant 0 : i32
        %dma_wait3A_677 = arith.constant 0 : i32
        %dma_wait3A_678 = tpu.memref_slice %arg9[%dma_wait3A_664, %dma_wait3A_676, %dma_wait3A_677] : memref<2x8x128xi32, #tpu.memory_space<vmem>> -> memref<1x8x128xi32, #tpu.memory_space<vmem>>
        %dma_wait3A_679 = tpu.memref_squeeze %dma_wait3A_678 : memref<1x8x128xi32, #tpu.memory_space<vmem>> -> memref<8x128xi32, #tpu.memory_space<vmem>>
        %dma_wait3A_680 = arith.constant 0 : i32
        %dma_wait3A_681 = arith.constant 0 : i32
        %dma_wait3A_682 = tpu.memref_slice %arg3[%arg1, %dma_wait3A_680, %dma_wait3A_681] : memref<16x160x128xi32, #tpu.memory_space<hbm>> -> memref<1x160x128xi32, #tpu.memory_space<hbm>>
        %dma_wait3A_683 = tpu.memref_squeeze %dma_wait3A_682 : memref<1x160x128xi32, #tpu.memory_space<hbm>> -> memref<160x128xi32, #tpu.memory_space<hbm>>
        %dma_wait3A_684 = arith.constant 0 : i32
        %dma_wait3A_685 = arith.constant 0 : i32
        %dma_wait3A_686 = tpu.memref_slice %dma_wait3A_683[%dma_wait3A_684, %dma_wait3A_685] : memref<160x128xi32, #tpu.memory_space<hbm>> -> memref<8x128xi32, #tpu.memory_space<hbm>>
        tpu.wait_dma2 semaphore(%arg18 : memref<!tpu.dma_semaphore, #tpu.memory_space<semaphore_mem>>) src(%dma_wait3A_686 : memref<8x128xi32, #tpu.memory_space<hbm>>) dst(%dma_wait3A_679 : memref<8x128xi32, #tpu.memory_space<vmem>>)
        %dma_start3A_687 = arith.constant 1 : i32
        %dma_start3A_688 = arith.constant 0 : i32
        %dma_start3A_689 = arith.constant 0 : i32
        %dma_start3A_690 = arith.constant 0 : i32
        %dma_start3A_691 = tpu.memref_slice %arg8[%dma_start3A_687, %dma_start3A_689, %dma_start3A_690] : memref<2x8x128xi32, #tpu.memory_space<vmem>> -> memref<1x8x128xi32, #tpu.memory_space<vmem>>
        %dma_start3A_692 = tpu.memref_squeeze %dma_start3A_691 : memref<1x8x128xi32, #tpu.memory_space<vmem>> -> memref<8x128xi32, #tpu.memory_space<vmem>>
        %dma_start3A_693 = arith.constant 0 : i32
        %dma_start3A_694 = tpu.memref_slice %dma_start3A_692[%dma_start3A_688, %dma_start3A_693] : memref<8x128xi32, #tpu.memory_space<vmem>> -> memref<1x128xi32, #tpu.memory_space<vmem>>
        %dma_start3A_695 = tpu.memref_squeeze %dma_start3A_694 : memref<1x128xi32, #tpu.memory_space<vmem>> -> memref<128xi32, #tpu.memory_space<vmem>>
        %dma_start3A_696 = arith.constant 0 : i32
        %dma_start3A_697 = arith.constant 0 : i32
        %dma_start3A_698 = tpu.memref_slice %arg4[%dma_start3A_696, %dma_start3A_697] : memref<10000x128xf32, #tpu.memory_space<hbm>> -> memref<10000x128xf32, #tpu.memory_space<hbm>>
        tpu.enqueue_indirect_dma source(%dma_start3A_698 : memref<10000x128xf32, #tpu.memory_space<hbm>>) target(%arg10 : memref<128x128xf32, #tpu.memory_space<vmem>>) offsets(%dma_start3A_695 : memref<128xi32, #tpu.memory_space<vmem>>) semaphore(%arg13 : memref<!tpu.dma_semaphore, #tpu.memory_space<semaphore_mem>>)
        %dma_start3A_699 = arith.constant 1 : i32
        %dma_start3A_700 = arith.constant 1 : i32
        %dma_start3A_701 = arith.constant 0 : i32
        %dma_start3A_702 = arith.constant 0 : i32
        %dma_start3A_703 = tpu.memref_slice %arg8[%dma_start3A_699, %dma_start3A_701, %dma_start3A_702] : memref<2x8x128xi32, #tpu.memory_space<vmem>> -> memref<1x8x128xi32, #tpu.memory_space<vmem>>
        %dma_start3A_704 = tpu.memref_squeeze %dma_start3A_703 : memref<1x8x128xi32, #tpu.memory_space<vmem>> -> memref<8x128xi32, #tpu.memory_space<vmem>>
        %dma_start3A_705 = arith.constant 0 : i32
        %dma_start3A_706 = tpu.memref_slice %dma_start3A_704[%dma_start3A_700, %dma_start3A_705] : memref<8x128xi32, #tpu.memory_space<vmem>> -> memref<1x128xi32, #tpu.memory_space<vmem>>
        %dma_start3A_707 = tpu.memref_squeeze %dma_start3A_706 : memref<1x128xi32, #tpu.memory_space<vmem>> -> memref<128xi32, #tpu.memory_space<vmem>>
        %dma_start3A_708 = arith.constant 0 : i32
        %dma_start3A_709 = arith.constant 0 : i32
        %dma_start3A_710 = tpu.memref_slice %arg4[%dma_start3A_708, %dma_start3A_709] : memref<10000x128xf32, #tpu.memory_space<hbm>> -> memref<10000x128xf32, #tpu.memory_space<hbm>>
        tpu.enqueue_indirect_dma source(%dma_start3A_710 : memref<10000x128xf32, #tpu.memory_space<hbm>>) target(%arg11 : memref<128x128xf32, #tpu.memory_space<vmem>>) offsets(%dma_start3A_707 : memref<128xi32, #tpu.memory_space<vmem>>) semaphore(%arg14 : memref<!tpu.dma_semaphore, #tpu.memory_space<semaphore_mem>>)
        %dma_wait3A_711 = arith.constant 1 : i32
        %dma_wait3A_712 = arith.constant 0 : i32
        %dma_wait3A_713 = arith.constant 0 : i32
        %dma_wait3A_714 = arith.constant 0 : i32
        %dma_wait3A_715 = tpu.memref_slice %arg8[%dma_wait3A_711, %dma_wait3A_713, %dma_wait3A_714] : memref<2x8x128xi32, #tpu.memory_space<vmem>> -> memref<1x8x128xi32, #tpu.memory_space<vmem>>
        %dma_wait3A_716 = tpu.memref_squeeze %dma_wait3A_715 : memref<1x8x128xi32, #tpu.memory_space<vmem>> -> memref<8x128xi32, #tpu.memory_space<vmem>>
        %dma_wait3A_717 = arith.constant 0 : i32
        %dma_wait3A_718 = tpu.memref_slice %dma_wait3A_716[%dma_wait3A_712, %dma_wait3A_717] : memref<8x128xi32, #tpu.memory_space<vmem>> -> memref<1x128xi32, #tpu.memory_space<vmem>>
        %dma_wait3A_719 = tpu.memref_squeeze %dma_wait3A_718 : memref<1x128xi32, #tpu.memory_space<vmem>> -> memref<128xi32, #tpu.memory_space<vmem>>
        %dma_wait3A_720 = arith.constant 0 : i32
        %dma_wait3A_721 = arith.constant 0 : i32
        %dma_wait3A_722 = tpu.memref_slice %arg4[%dma_wait3A_720, %dma_wait3A_721] : memref<10000x128xf32, #tpu.memory_space<hbm>> -> memref<10000x128xf32, #tpu.memory_space<hbm>>
        tpu.wait_indirect_dma semaphore(%arg13 : memref<!tpu.dma_semaphore, #tpu.memory_space<semaphore_mem>>) src(%dma_wait3A_722 : memref<10000x128xf32, #tpu.memory_space<hbm>>) dst(%arg10 : memref<128x128xf32, #tpu.memory_space<vmem>>)
        %dma_start3A_723 = arith.constant 1 : i32
        %dma_start3A_724 = arith.constant 0 : i32
        %dma_start3A_725 = arith.constant 0 : i32
        %dma_start3A_726 = arith.constant 0 : i32
        %dma_start3A_727 = tpu.memref_slice %arg9[%dma_start3A_723, %dma_start3A_725, %dma_start3A_726] : memref<2x8x128xi32, #tpu.memory_space<vmem>> -> memref<1x8x128xi32, #tpu.memory_space<vmem>>
        %dma_start3A_728 = tpu.memref_squeeze %dma_start3A_727 : memref<1x8x128xi32, #tpu.memory_space<vmem>> -> memref<8x128xi32, #tpu.memory_space<vmem>>
        %dma_start3A_729 = arith.constant 0 : i32
        %dma_start3A_730 = tpu.memref_slice %dma_start3A_728[%dma_start3A_724, %dma_start3A_729] : memref<8x128xi32, #tpu.memory_space<vmem>> -> memref<1x128xi32, #tpu.memory_space<vmem>>
        %dma_start3A_731 = tpu.memref_squeeze %dma_start3A_730 : memref<1x128xi32, #tpu.memory_space<vmem>> -> memref<128xi32, #tpu.memory_space<vmem>>
        %dma_start3A_732 = arith.constant 0 : i32
        %dma_start3A_733 = arith.constant 0 : i32
        %dma_start3A_734 = tpu.memref_slice %arg12[%dma_start3A_732, %dma_start3A_733] : memref<10240x128xf32, #tpu.memory_space<vmem_shared>> -> memref<10240x128xf32, #tpu.memory_space<vmem_shared>>
        tpu.enqueue_indirect_dma source(%arg10 : memref<128x128xf32, #tpu.memory_space<vmem>>) target(%dma_start3A_734 : memref<10240x128xf32, #tpu.memory_space<vmem_shared>>) offsets(%dma_start3A_731 : memref<128xi32, #tpu.memory_space<vmem>>) semaphore(%arg15 : memref<!tpu.dma_semaphore, #tpu.memory_space<semaphore_mem>>) {add = true}
        %dma_wait3A_735 = arith.constant 1 : i32
        %dma_wait3A_736 = arith.constant 0 : i32
        %dma_wait3A_737 = arith.constant 0 : i32
        %dma_wait3A_738 = arith.constant 0 : i32
        %dma_wait3A_739 = tpu.memref_slice %arg9[%dma_wait3A_735, %dma_wait3A_737, %dma_wait3A_738] : memref<2x8x128xi32, #tpu.memory_space<vmem>> -> memref<1x8x128xi32, #tpu.memory_space<vmem>>
        %dma_wait3A_740 = tpu.memref_squeeze %dma_wait3A_739 : memref<1x8x128xi32, #tpu.memory_space<vmem>> -> memref<8x128xi32, #tpu.memory_space<vmem>>
        %dma_wait3A_741 = arith.constant 0 : i32
        %dma_wait3A_742 = tpu.memref_slice %dma_wait3A_740[%dma_wait3A_736, %dma_wait3A_741] : memref<8x128xi32, #tpu.memory_space<vmem>> -> memref<1x128xi32, #tpu.memory_space<vmem>>
        %dma_wait3A_743 = tpu.memref_squeeze %dma_wait3A_742 : memref<1x128xi32, #tpu.memory_space<vmem>> -> memref<128xi32, #tpu.memory_space<vmem>>
        %dma_wait3A_744 = arith.constant 0 : i32
        %dma_wait3A_745 = arith.constant 0 : i32
        %dma_wait3A_746 = tpu.memref_slice %arg12[%dma_wait3A_744, %dma_wait3A_745] : memref<10240x128xf32, #tpu.memory_space<vmem_shared>> -> memref<10240x128xf32, #tpu.memory_space<vmem_shared>>
        tpu.wait_indirect_dma semaphore(%arg15 : memref<!tpu.dma_semaphore, #tpu.memory_space<semaphore_mem>>) src(%arg10 : memref<128x128xf32, #tpu.memory_space<vmem>>) dst(%dma_wait3A_746 : memref<10240x128xf32, #tpu.memory_space<vmem_shared>>)
        %dma_start3A_747 = arith.constant 1 : i32
        %dma_start3A_748 = arith.constant 2 : i32
        %dma_start3A_749 = arith.constant 0 : i32
        %dma_start3A_750 = arith.constant 0 : i32
        %dma_start3A_751 = tpu.memref_slice %arg8[%dma_start3A_747, %dma_start3A_749, %dma_start3A_750] : memref<2x8x128xi32, #tpu.memory_space<vmem>> -> memref<1x8x128xi32, #tpu.memory_space<vmem>>
        %dma_start3A_752 = tpu.memref_squeeze %dma_start3A_751 : memref<1x8x128xi32, #tpu.memory_space<vmem>> -> memref<8x128xi32, #tpu.memory_space<vmem>>
        %dma_start3A_753 = arith.constant 0 : i32
        %dma_start3A_754 = tpu.memref_slice %dma_start3A_752[%dma_start3A_748, %dma_start3A_753] : memref<8x128xi32, #tpu.memory_space<vmem>> -> memref<1x128xi32, #tpu.memory_space<vmem>>
        %dma_start3A_755 = tpu.memref_squeeze %dma_start3A_754 : memref<1x128xi32, #tpu.memory_space<vmem>> -> memref<128xi32, #tpu.memory_space<vmem>>
        %dma_start3A_756 = arith.constant 0 : i32
        %dma_start3A_757 = arith.constant 0 : i32
        %dma_start3A_758 = tpu.memref_slice %arg4[%dma_start3A_756, %dma_start3A_757] : memref<10000x128xf32, #tpu.memory_space<hbm>> -> memref<10000x128xf32, #tpu.memory_space<hbm>>
        tpu.enqueue_indirect_dma source(%dma_start3A_758 : memref<10000x128xf32, #tpu.memory_space<hbm>>) target(%arg10 : memref<128x128xf32, #tpu.memory_space<vmem>>) offsets(%dma_start3A_755 : memref<128xi32, #tpu.memory_space<vmem>>) semaphore(%arg13 : memref<!tpu.dma_semaphore, #tpu.memory_space<semaphore_mem>>)
        %dma_wait3A_759 = arith.constant 1 : i32
        %dma_wait3A_760 = arith.constant 1 : i32
        %dma_wait3A_761 = arith.constant 0 : i32
        %dma_wait3A_762 = arith.constant 0 : i32
        %dma_wait3A_763 = tpu.memref_slice %arg8[%dma_wait3A_759, %dma_wait3A_761, %dma_wait3A_762] : memref<2x8x128xi32, #tpu.memory_space<vmem>> -> memref<1x8x128xi32, #tpu.memory_space<vmem>>
        %dma_wait3A_764 = tpu.memref_squeeze %dma_wait3A_763 : memref<1x8x128xi32, #tpu.memory_space<vmem>> -> memref<8x128xi32, #tpu.memory_space<vmem>>
        %dma_wait3A_765 = arith.constant 0 : i32
        %dma_wait3A_766 = tpu.memref_slice %dma_wait3A_764[%dma_wait3A_760, %dma_wait3A_765] : memref<8x128xi32, #tpu.memory_space<vmem>> -> memref<1x128xi32, #tpu.memory_space<vmem>>
        %dma_wait3A_767 = tpu.memref_squeeze %dma_wait3A_766 : memref<1x128xi32, #tpu.memory_space<vmem>> -> memref<128xi32, #tpu.memory_space<vmem>>
        %dma_wait3A_768 = arith.constant 0 : i32
        %dma_wait3A_769 = arith.constant 0 : i32
        %dma_wait3A_770 = tpu.memref_slice %arg4[%dma_wait3A_768, %dma_wait3A_769] : memref<10000x128xf32, #tpu.memory_space<hbm>> -> memref<10000x128xf32, #tpu.memory_space<hbm>>
        tpu.wait_indirect_dma semaphore(%arg14 : memref<!tpu.dma_semaphore, #tpu.memory_space<semaphore_mem>>) src(%dma_wait3A_770 : memref<10000x128xf32, #tpu.memory_space<hbm>>) dst(%arg11 : memref<128x128xf32, #tpu.memory_space<vmem>>)
        %dma_start3A_771 = arith.constant 1 : i32
        %dma_start3A_772 = arith.constant 1 : i32
        %dma_start3A_773 = arith.constant 0 : i32
        %dma_start3A_774 = arith.constant 0 : i32
        %dma_start3A_775 = tpu.memref_slice %arg9[%dma_start3A_771, %dma_start3A_773, %dma_start3A_774] : memref<2x8x128xi32, #tpu.memory_space<vmem>> -> memref<1x8x128xi32, #tpu.memory_space<vmem>>
        %dma_start3A_776 = tpu.memref_squeeze %dma_start3A_775 : memref<1x8x128xi32, #tpu.memory_space<vmem>> -> memref<8x128xi32, #tpu.memory_space<vmem>>
        %dma_start3A_777 = arith.constant 0 : i32
        %dma_start3A_778 = tpu.memref_slice %dma_start3A_776[%dma_start3A_772, %dma_start3A_777] : memref<8x128xi32, #tpu.memory_space<vmem>> -> memref<1x128xi32, #tpu.memory_space<vmem>>
        %dma_start3A_779 = tpu.memref_squeeze %dma_start3A_778 : memref<1x128xi32, #tpu.memory_space<vmem>> -> memref<128xi32, #tpu.memory_space<vmem>>
        %dma_start3A_780 = arith.constant 0 : i32
        %dma_start3A_781 = arith.constant 0 : i32
        %dma_start3A_782 = tpu.memref_slice %arg12[%dma_start3A_780, %dma_start3A_781] : memref<10240x128xf32, #tpu.memory_space<vmem_shared>> -> memref<10240x128xf32, #tpu.memory_space<vmem_shared>>
        tpu.enqueue_indirect_dma source(%arg11 : memref<128x128xf32, #tpu.memory_space<vmem>>) target(%dma_start3A_782 : memref<10240x128xf32, #tpu.memory_space<vmem_shared>>) offsets(%dma_start3A_779 : memref<128xi32, #tpu.memory_space<vmem>>) semaphore(%arg16 : memref<!tpu.dma_semaphore, #tpu.memory_space<semaphore_mem>>) {add = true}
        %dma_wait3A_783 = arith.constant 1 : i32
        %dma_wait3A_784 = arith.constant 1 : i32
        %dma_wait3A_785 = arith.constant 0 : i32
        %dma_wait3A_786 = arith.constant 0 : i32
        %dma_wait3A_787 = tpu.memref_slice %arg9[%dma_wait3A_783, %dma_wait3A_785, %dma_wait3A_786] : memref<2x8x128xi32, #tpu.memory_space<vmem>> -> memref<1x8x128xi32, #tpu.memory_space<vmem>>
        %dma_wait3A_788 = tpu.memref_squeeze %dma_wait3A_787 : memref<1x8x128xi32, #tpu.memory_space<vmem>> -> memref<8x128xi32, #tpu.memory_space<vmem>>
        %dma_wait3A_789 = arith.constant 0 : i32
        %dma_wait3A_790 = tpu.memref_slice %dma_wait3A_788[%dma_wait3A_784, %dma_wait3A_789] : memref<8x128xi32, #tpu.memory_space<vmem>> -> memref<1x128xi32, #tpu.memory_space<vmem>>
        %dma_wait3A_791 = tpu.memref_squeeze %dma_wait3A_790 : memref<1x128xi32, #tpu.memory_space<vmem>> -> memref<128xi32, #tpu.memory_space<vmem>>
        %dma_wait3A_792 = arith.constant 0 : i32
        %dma_wait3A_793 = arith.constant 0 : i32
        %dma_wait3A_794 = tpu.memref_slice %arg12[%dma_wait3A_792, %dma_wait3A_793] : memref<10240x128xf32, #tpu.memory_space<vmem_shared>> -> memref<10240x128xf32, #tpu.memory_space<vmem_shared>>
        tpu.wait_indirect_dma semaphore(%arg16 : memref<!tpu.dma_semaphore, #tpu.memory_space<semaphore_mem>>) src(%arg11 : memref<128x128xf32, #tpu.memory_space<vmem>>) dst(%dma_wait3A_794 : memref<10240x128xf32, #tpu.memory_space<vmem_shared>>)
        %dma_start3A_795 = arith.constant 1 : i32
        %dma_start3A_796 = arith.constant 3 : i32
        %dma_start3A_797 = arith.constant 0 : i32
        %dma_start3A_798 = arith.constant 0 : i32
        %dma_start3A_799 = tpu.memref_slice %arg8[%dma_start3A_795, %dma_start3A_797, %dma_start3A_798] : memref<2x8x128xi32, #tpu.memory_space<vmem>> -> memref<1x8x128xi32, #tpu.memory_space<vmem>>
        %dma_start3A_800 = tpu.memref_squeeze %dma_start3A_799 : memref<1x8x128xi32, #tpu.memory_space<vmem>> -> memref<8x128xi32, #tpu.memory_space<vmem>>
        %dma_start3A_801 = arith.constant 0 : i32
        %dma_start3A_802 = tpu.memref_slice %dma_start3A_800[%dma_start3A_796, %dma_start3A_801] : memref<8x128xi32, #tpu.memory_space<vmem>> -> memref<1x128xi32, #tpu.memory_space<vmem>>
        %dma_start3A_803 = tpu.memref_squeeze %dma_start3A_802 : memref<1x128xi32, #tpu.memory_space<vmem>> -> memref<128xi32, #tpu.memory_space<vmem>>
        %dma_start3A_804 = arith.constant 0 : i32
        %dma_start3A_805 = arith.constant 0 : i32
        %dma_start3A_806 = tpu.memref_slice %arg4[%dma_start3A_804, %dma_start3A_805] : memref<10000x128xf32, #tpu.memory_space<hbm>> -> memref<10000x128xf32, #tpu.memory_space<hbm>>
        tpu.enqueue_indirect_dma source(%dma_start3A_806 : memref<10000x128xf32, #tpu.memory_space<hbm>>) target(%arg11 : memref<128x128xf32, #tpu.memory_space<vmem>>) offsets(%dma_start3A_803 : memref<128xi32, #tpu.memory_space<vmem>>) semaphore(%arg14 : memref<!tpu.dma_semaphore, #tpu.memory_space<semaphore_mem>>)
        %dma_wait3A_807 = arith.constant 1 : i32
        %dma_wait3A_808 = arith.constant 2 : i32
        %dma_wait3A_809 = arith.constant 0 : i32
        %dma_wait3A_810 = arith.constant 0 : i32
        %dma_wait3A_811 = tpu.memref_slice %arg8[%dma_wait3A_807, %dma_wait3A_809, %dma_wait3A_810] : memref<2x8x128xi32, #tpu.memory_space<vmem>> -> memref<1x8x128xi32, #tpu.memory_space<vmem>>
        %dma_wait3A_812 = tpu.memref_squeeze %dma_wait3A_811 : memref<1x8x128xi32, #tpu.memory_space<vmem>> -> memref<8x128xi32, #tpu.memory_space<vmem>>
        %dma_wait3A_813 = arith.constant 0 : i32
        %dma_wait3A_814 = tpu.memref_slice %dma_wait3A_812[%dma_wait3A_808, %dma_wait3A_813] : memref<8x128xi32, #tpu.memory_space<vmem>> -> memref<1x128xi32, #tpu.memory_space<vmem>>
        %dma_wait3A_815 = tpu.memref_squeeze %dma_wait3A_814 : memref<1x128xi32, #tpu.memory_space<vmem>> -> memref<128xi32, #tpu.memory_space<vmem>>
        %dma_wait3A_816 = arith.constant 0 : i32
        %dma_wait3A_817 = arith.constant 0 : i32
        %dma_wait3A_818 = tpu.memref_slice %arg4[%dma_wait3A_816, %dma_wait3A_817] : memref<10000x128xf32, #tpu.memory_space<hbm>> -> memref<10000x128xf32, #tpu.memory_space<hbm>>
        tpu.wait_indirect_dma semaphore(%arg13 : memref<!tpu.dma_semaphore, #tpu.memory_space<semaphore_mem>>) src(%dma_wait3A_818 : memref<10000x128xf32, #tpu.memory_space<hbm>>) dst(%arg10 : memref<128x128xf32, #tpu.memory_space<vmem>>)
        %dma_start3A_819 = arith.constant 1 : i32
        %dma_start3A_820 = arith.constant 2 : i32
        %dma_start3A_821 = arith.constant 0 : i32
        %dma_start3A_822 = arith.constant 0 : i32
        %dma_start3A_823 = tpu.memref_slice %arg9[%dma_start3A_819, %dma_start3A_821, %dma_start3A_822] : memref<2x8x128xi32, #tpu.memory_space<vmem>> -> memref<1x8x128xi32, #tpu.memory_space<vmem>>
        %dma_start3A_824 = tpu.memref_squeeze %dma_start3A_823 : memref<1x8x128xi32, #tpu.memory_space<vmem>> -> memref<8x128xi32, #tpu.memory_space<vmem>>
        %dma_start3A_825 = arith.constant 0 : i32
        %dma_start3A_826 = tpu.memref_slice %dma_start3A_824[%dma_start3A_820, %dma_start3A_825] : memref<8x128xi32, #tpu.memory_space<vmem>> -> memref<1x128xi32, #tpu.memory_space<vmem>>
        %dma_start3A_827 = tpu.memref_squeeze %dma_start3A_826 : memref<1x128xi32, #tpu.memory_space<vmem>> -> memref<128xi32, #tpu.memory_space<vmem>>
        %dma_start3A_828 = arith.constant 0 : i32
        %dma_start3A_829 = arith.constant 0 : i32
        %dma_start3A_830 = tpu.memref_slice %arg12[%dma_start3A_828, %dma_start3A_829] : memref<10240x128xf32, #tpu.memory_space<vmem_shared>> -> memref<10240x128xf32, #tpu.memory_space<vmem_shared>>
        tpu.enqueue_indirect_dma source(%arg10 : memref<128x128xf32, #tpu.memory_space<vmem>>) target(%dma_start3A_830 : memref<10240x128xf32, #tpu.memory_space<vmem_shared>>) offsets(%dma_start3A_827 : memref<128xi32, #tpu.memory_space<vmem>>) semaphore(%arg15 : memref<!tpu.dma_semaphore, #tpu.memory_space<semaphore_mem>>) {add = true}
        %dma_wait3A_831 = arith.constant 1 : i32
        %dma_wait3A_832 = arith.constant 2 : i32
        %dma_wait3A_833 = arith.constant 0 : i32
        %dma_wait3A_834 = arith.constant 0 : i32
        %dma_wait3A_835 = tpu.memref_slice %arg9[%dma_wait3A_831, %dma_wait3A_833, %dma_wait3A_834] : memref<2x8x128xi32, #tpu.memory_space<vmem>> -> memref<1x8x128xi32, #tpu.memory_space<vmem>>
        %dma_wait3A_836 = tpu.memref_squeeze %dma_wait3A_835 : memref<1x8x128xi32, #tpu.memory_space<vmem>> -> memref<8x128xi32, #tpu.memory_space<vmem>>
        %dma_wait3A_837 = arith.constant 0 : i32
        %dma_wait3A_838 = tpu.memref_slice %dma_wait3A_836[%dma_wait3A_832, %dma_wait3A_837] : memref<8x128xi32, #tpu.memory_space<vmem>> -> memref<1x128xi32, #tpu.memory_space<vmem>>
        %dma_wait3A_839 = tpu.memref_squeeze %dma_wait3A_838 : memref<1x128xi32, #tpu.memory_space<vmem>> -> memref<128xi32, #tpu.memory_space<vmem>>
        %dma_wait3A_840 = arith.constant 0 : i32
        %dma_wait3A_841 = arith.constant 0 : i32
        %dma_wait3A_842 = tpu.memref_slice %arg12[%dma_wait3A_840, %dma_wait3A_841] : memref<10240x128xf32, #tpu.memory_space<vmem_shared>> -> memref<10240x128xf32, #tpu.memory_space<vmem_shared>>
        tpu.wait_indirect_dma semaphore(%arg15 : memref<!tpu.dma_semaphore, #tpu.memory_space<semaphore_mem>>) src(%arg10 : memref<128x128xf32, #tpu.memory_space<vmem>>) dst(%dma_wait3A_842 : memref<10240x128xf32, #tpu.memory_space<vmem_shared>>)
        %dma_start3A_843 = arith.constant 1 : i32
        %dma_start3A_844 = arith.constant 4 : i32
        %dma_start3A_845 = arith.constant 0 : i32
        %dma_start3A_846 = arith.constant 0 : i32
        %dma_start3A_847 = tpu.memref_slice %arg8[%dma_start3A_843, %dma_start3A_845, %dma_start3A_846] : memref<2x8x128xi32, #tpu.memory_space<vmem>> -> memref<1x8x128xi32, #tpu.memory_space<vmem>>
        %dma_start3A_848 = tpu.memref_squeeze %dma_start3A_847 : memref<1x8x128xi32, #tpu.memory_space<vmem>> -> memref<8x128xi32, #tpu.memory_space<vmem>>
        %dma_start3A_849 = arith.constant 0 : i32
        %dma_start3A_850 = tpu.memref_slice %dma_start3A_848[%dma_start3A_844, %dma_start3A_849] : memref<8x128xi32, #tpu.memory_space<vmem>> -> memref<1x128xi32, #tpu.memory_space<vmem>>
        %dma_start3A_851 = tpu.memref_squeeze %dma_start3A_850 : memref<1x128xi32, #tpu.memory_space<vmem>> -> memref<128xi32, #tpu.memory_space<vmem>>
        %dma_start3A_852 = arith.constant 0 : i32
        %dma_start3A_853 = arith.constant 0 : i32
        %dma_start3A_854 = tpu.memref_slice %arg4[%dma_start3A_852, %dma_start3A_853] : memref<10000x128xf32, #tpu.memory_space<hbm>> -> memref<10000x128xf32, #tpu.memory_space<hbm>>
        tpu.enqueue_indirect_dma source(%dma_start3A_854 : memref<10000x128xf32, #tpu.memory_space<hbm>>) target(%arg10 : memref<128x128xf32, #tpu.memory_space<vmem>>) offsets(%dma_start3A_851 : memref<128xi32, #tpu.memory_space<vmem>>) semaphore(%arg13 : memref<!tpu.dma_semaphore, #tpu.memory_space<semaphore_mem>>)
        %dma_wait3A_855 = arith.constant 1 : i32
        %dma_wait3A_856 = arith.constant 3 : i32
        %dma_wait3A_857 = arith.constant 0 : i32
        %dma_wait3A_858 = arith.constant 0 : i32
        %dma_wait3A_859 = tpu.memref_slice %arg8[%dma_wait3A_855, %dma_wait3A_857, %dma_wait3A_858] : memref<2x8x128xi32, #tpu.memory_space<vmem>> -> memref<1x8x128xi32, #tpu.memory_space<vmem>>
        %dma_wait3A_860 = tpu.memref_squeeze %dma_wait3A_859 : memref<1x8x128xi32, #tpu.memory_space<vmem>> -> memref<8x128xi32, #tpu.memory_space<vmem>>
        %dma_wait3A_861 = arith.constant 0 : i32
        %dma_wait3A_862 = tpu.memref_slice %dma_wait3A_860[%dma_wait3A_856, %dma_wait3A_861] : memref<8x128xi32, #tpu.memory_space<vmem>> -> memref<1x128xi32, #tpu.memory_space<vmem>>
        %dma_wait3A_863 = tpu.memref_squeeze %dma_wait3A_862 : memref<1x128xi32, #tpu.memory_space<vmem>> -> memref<128xi32, #tpu.memory_space<vmem>>
        %dma_wait3A_864 = arith.constant 0 : i32
        %dma_wait3A_865 = arith.constant 0 : i32
        %dma_wait3A_866 = tpu.memref_slice %arg4[%dma_wait3A_864, %dma_wait3A_865] : memref<10000x128xf32, #tpu.memory_space<hbm>> -> memref<10000x128xf32, #tpu.memory_space<hbm>>
        tpu.wait_indirect_dma semaphore(%arg14 : memref<!tpu.dma_semaphore, #tpu.memory_space<semaphore_mem>>) src(%dma_wait3A_866 : memref<10000x128xf32, #tpu.memory_space<hbm>>) dst(%arg11 : memref<128x128xf32, #tpu.memory_space<vmem>>)
        %dma_start3A_867 = arith.constant 1 : i32
        %dma_start3A_868 = arith.constant 3 : i32
        %dma_start3A_869 = arith.constant 0 : i32
        %dma_start3A_870 = arith.constant 0 : i32
        %dma_start3A_871 = tpu.memref_slice %arg9[%dma_start3A_867, %dma_start3A_869, %dma_start3A_870] : memref<2x8x128xi32, #tpu.memory_space<vmem>> -> memref<1x8x128xi32, #tpu.memory_space<vmem>>
        %dma_start3A_872 = tpu.memref_squeeze %dma_start3A_871 : memref<1x8x128xi32, #tpu.memory_space<vmem>> -> memref<8x128xi32, #tpu.memory_space<vmem>>
        %dma_start3A_873 = arith.constant 0 : i32
        %dma_start3A_874 = tpu.memref_slice %dma_start3A_872[%dma_start3A_868, %dma_start3A_873] : memref<8x128xi32, #tpu.memory_space<vmem>> -> memref<1x128xi32, #tpu.memory_space<vmem>>
        %dma_start3A_875 = tpu.memref_squeeze %dma_start3A_874 : memref<1x128xi32, #tpu.memory_space<vmem>> -> memref<128xi32, #tpu.memory_space<vmem>>
        %dma_start3A_876 = arith.constant 0 : i32
        %dma_start3A_877 = arith.constant 0 : i32
        %dma_start3A_878 = tpu.memref_slice %arg12[%dma_start3A_876, %dma_start3A_877] : memref<10240x128xf32, #tpu.memory_space<vmem_shared>> -> memref<10240x128xf32, #tpu.memory_space<vmem_shared>>
        tpu.enqueue_indirect_dma source(%arg11 : memref<128x128xf32, #tpu.memory_space<vmem>>) target(%dma_start3A_878 : memref<10240x128xf32, #tpu.memory_space<vmem_shared>>) offsets(%dma_start3A_875 : memref<128xi32, #tpu.memory_space<vmem>>) semaphore(%arg16 : memref<!tpu.dma_semaphore, #tpu.memory_space<semaphore_mem>>) {add = true}
        %dma_wait3A_879 = arith.constant 1 : i32
        %dma_wait3A_880 = arith.constant 3 : i32
        %dma_wait3A_881 = arith.constant 0 : i32
        %dma_wait3A_882 = arith.constant 0 : i32
        %dma_wait3A_883 = tpu.memref_slice %arg9[%dma_wait3A_879, %dma_wait3A_881, %dma_wait3A_882] : memref<2x8x128xi32, #tpu.memory_space<vmem>> -> memref<1x8x128xi32, #tpu.memory_space<vmem>>
        %dma_wait3A_884 = tpu.memref_squeeze %dma_wait3A_883 : memref<1x8x128xi32, #tpu.memory_space<vmem>> -> memref<8x128xi32, #tpu.memory_space<vmem>>
        %dma_wait3A_885 = arith.constant 0 : i32
        %dma_wait3A_886 = tpu.memref_slice %dma_wait3A_884[%dma_wait3A_880, %dma_wait3A_885] : memref<8x128xi32, #tpu.memory_space<vmem>> -> memref<1x128xi32, #tpu.memory_space<vmem>>
        %dma_wait3A_887 = tpu.memref_squeeze %dma_wait3A_886 : memref<1x128xi32, #tpu.memory_space<vmem>> -> memref<128xi32, #tpu.memory_space<vmem>>
        %dma_wait3A_888 = arith.constant 0 : i32
        %dma_wait3A_889 = arith.constant 0 : i32
        %dma_wait3A_890 = tpu.memref_slice %arg12[%dma_wait3A_888, %dma_wait3A_889] : memref<10240x128xf32, #tpu.memory_space<vmem_shared>> -> memref<10240x128xf32, #tpu.memory_space<vmem_shared>>
        tpu.wait_indirect_dma semaphore(%arg16 : memref<!tpu.dma_semaphore, #tpu.memory_space<semaphore_mem>>) src(%arg11 : memref<128x128xf32, #tpu.memory_space<vmem>>) dst(%dma_wait3A_890 : memref<10240x128xf32, #tpu.memory_space<vmem_shared>>)
        %dma_start3A_891 = arith.constant 1 : i32
        %dma_start3A_892 = arith.constant 5 : i32
        %dma_start3A_893 = arith.constant 0 : i32
        %dma_start3A_894 = arith.constant 0 : i32
        %dma_start3A_895 = tpu.memref_slice %arg8[%dma_start3A_891, %dma_start3A_893, %dma_start3A_894] : memref<2x8x128xi32, #tpu.memory_space<vmem>> -> memref<1x8x128xi32, #tpu.memory_space<vmem>>
        %dma_start3A_896 = tpu.memref_squeeze %dma_start3A_895 : memref<1x8x128xi32, #tpu.memory_space<vmem>> -> memref<8x128xi32, #tpu.memory_space<vmem>>
        %dma_start3A_897 = arith.constant 0 : i32
        %dma_start3A_898 = tpu.memref_slice %dma_start3A_896[%dma_start3A_892, %dma_start3A_897] : memref<8x128xi32, #tpu.memory_space<vmem>> -> memref<1x128xi32, #tpu.memory_space<vmem>>
        %dma_start3A_899 = tpu.memref_squeeze %dma_start3A_898 : memref<1x128xi32, #tpu.memory_space<vmem>> -> memref<128xi32, #tpu.memory_space<vmem>>
        %dma_start3A_900 = arith.constant 0 : i32
        %dma_start3A_901 = arith.constant 0 : i32
        %dma_start3A_902 = tpu.memref_slice %arg4[%dma_start3A_900, %dma_start3A_901] : memref<10000x128xf32, #tpu.memory_space<hbm>> -> memref<10000x128xf32, #tpu.memory_space<hbm>>
        tpu.enqueue_indirect_dma source(%dma_start3A_902 : memref<10000x128xf32, #tpu.memory_space<hbm>>) target(%arg11 : memref<128x128xf32, #tpu.memory_space<vmem>>) offsets(%dma_start3A_899 : memref<128xi32, #tpu.memory_space<vmem>>) semaphore(%arg14 : memref<!tpu.dma_semaphore, #tpu.memory_space<semaphore_mem>>)
        %dma_wait3A_903 = arith.constant 1 : i32
        %dma_wait3A_904 = arith.constant 4 : i32
        %dma_wait3A_905 = arith.constant 0 : i32
        %dma_wait3A_906 = arith.constant 0 : i32
        %dma_wait3A_907 = tpu.memref_slice %arg8[%dma_wait3A_903, %dma_wait3A_905, %dma_wait3A_906] : memref<2x8x128xi32, #tpu.memory_space<vmem>> -> memref<1x8x128xi32, #tpu.memory_space<vmem>>
        %dma_wait3A_908 = tpu.memref_squeeze %dma_wait3A_907 : memref<1x8x128xi32, #tpu.memory_space<vmem>> -> memref<8x128xi32, #tpu.memory_space<vmem>>
        %dma_wait3A_909 = arith.constant 0 : i32
        %dma_wait3A_910 = tpu.memref_slice %dma_wait3A_908[%dma_wait3A_904, %dma_wait3A_909] : memref<8x128xi32, #tpu.memory_space<vmem>> -> memref<1x128xi32, #tpu.memory_space<vmem>>
        %dma_wait3A_911 = tpu.memref_squeeze %dma_wait3A_910 : memref<1x128xi32, #tpu.memory_space<vmem>> -> memref<128xi32, #tpu.memory_space<vmem>>
        %dma_wait3A_912 = arith.constant 0 : i32
        %dma_wait3A_913 = arith.constant 0 : i32
        %dma_wait3A_914 = tpu.memref_slice %arg4[%dma_wait3A_912, %dma_wait3A_913] : memref<10000x128xf32, #tpu.memory_space<hbm>> -> memref<10000x128xf32, #tpu.memory_space<hbm>>
        tpu.wait_indirect_dma semaphore(%arg13 : memref<!tpu.dma_semaphore, #tpu.memory_space<semaphore_mem>>) src(%dma_wait3A_914 : memref<10000x128xf32, #tpu.memory_space<hbm>>) dst(%arg10 : memref<128x128xf32, #tpu.memory_space<vmem>>)
        %dma_start3A_915 = arith.constant 1 : i32
        %dma_start3A_916 = arith.constant 4 : i32
        %dma_start3A_917 = arith.constant 0 : i32
        %dma_start3A_918 = arith.constant 0 : i32
        %dma_start3A_919 = tpu.memref_slice %arg9[%dma_start3A_915, %dma_start3A_917, %dma_start3A_918] : memref<2x8x128xi32, #tpu.memory_space<vmem>> -> memref<1x8x128xi32, #tpu.memory_space<vmem>>
        %dma_start3A_920 = tpu.memref_squeeze %dma_start3A_919 : memref<1x8x128xi32, #tpu.memory_space<vmem>> -> memref<8x128xi32, #tpu.memory_space<vmem>>
        %dma_start3A_921 = arith.constant 0 : i32
        %dma_start3A_922 = tpu.memref_slice %dma_start3A_920[%dma_start3A_916, %dma_start3A_921] : memref<8x128xi32, #tpu.memory_space<vmem>> -> memref<1x128xi32, #tpu.memory_space<vmem>>
        %dma_start3A_923 = tpu.memref_squeeze %dma_start3A_922 : memref<1x128xi32, #tpu.memory_space<vmem>> -> memref<128xi32, #tpu.memory_space<vmem>>
        %dma_start3A_924 = arith.constant 0 : i32
        %dma_start3A_925 = arith.constant 0 : i32
        %dma_start3A_926 = tpu.memref_slice %arg12[%dma_start3A_924, %dma_start3A_925] : memref<10240x128xf32, #tpu.memory_space<vmem_shared>> -> memref<10240x128xf32, #tpu.memory_space<vmem_shared>>
        tpu.enqueue_indirect_dma source(%arg10 : memref<128x128xf32, #tpu.memory_space<vmem>>) target(%dma_start3A_926 : memref<10240x128xf32, #tpu.memory_space<vmem_shared>>) offsets(%dma_start3A_923 : memref<128xi32, #tpu.memory_space<vmem>>) semaphore(%arg15 : memref<!tpu.dma_semaphore, #tpu.memory_space<semaphore_mem>>) {add = true}
        %dma_wait3A_927 = arith.constant 1 : i32
        %dma_wait3A_928 = arith.constant 4 : i32
        %dma_wait3A_929 = arith.constant 0 : i32
        %dma_wait3A_930 = arith.constant 0 : i32
        %dma_wait3A_931 = tpu.memref_slice %arg9[%dma_wait3A_927, %dma_wait3A_929, %dma_wait3A_930] : memref<2x8x128xi32, #tpu.memory_space<vmem>> -> memref<1x8x128xi32, #tpu.memory_space<vmem>>
        %dma_wait3A_932 = tpu.memref_squeeze %dma_wait3A_931 : memref<1x8x128xi32, #tpu.memory_space<vmem>> -> memref<8x128xi32, #tpu.memory_space<vmem>>
        %dma_wait3A_933 = arith.constant 0 : i32
        %dma_wait3A_934 = tpu.memref_slice %dma_wait3A_932[%dma_wait3A_928, %dma_wait3A_933] : memref<8x128xi32, #tpu.memory_space<vmem>> -> memref<1x128xi32, #tpu.memory_space<vmem>>
        %dma_wait3A_935 = tpu.memref_squeeze %dma_wait3A_934 : memref<1x128xi32, #tpu.memory_space<vmem>> -> memref<128xi32, #tpu.memory_space<vmem>>
        %dma_wait3A_936 = arith.constant 0 : i32
        %dma_wait3A_937 = arith.constant 0 : i32
        %dma_wait3A_938 = tpu.memref_slice %arg12[%dma_wait3A_936, %dma_wait3A_937] : memref<10240x128xf32, #tpu.memory_space<vmem_shared>> -> memref<10240x128xf32, #tpu.memory_space<vmem_shared>>
        tpu.wait_indirect_dma semaphore(%arg15 : memref<!tpu.dma_semaphore, #tpu.memory_space<semaphore_mem>>) src(%arg10 : memref<128x128xf32, #tpu.memory_space<vmem>>) dst(%dma_wait3A_938 : memref<10240x128xf32, #tpu.memory_space<vmem_shared>>)
        %dma_start3A_939 = arith.constant 1 : i32
        %dma_start3A_940 = arith.constant 6 : i32
        %dma_start3A_941 = arith.constant 0 : i32
        %dma_start3A_942 = arith.constant 0 : i32
        %dma_start3A_943 = tpu.memref_slice %arg8[%dma_start3A_939, %dma_start3A_941, %dma_start3A_942] : memref<2x8x128xi32, #tpu.memory_space<vmem>> -> memref<1x8x128xi32, #tpu.memory_space<vmem>>
        %dma_start3A_944 = tpu.memref_squeeze %dma_start3A_943 : memref<1x8x128xi32, #tpu.memory_space<vmem>> -> memref<8x128xi32, #tpu.memory_space<vmem>>
        %dma_start3A_945 = arith.constant 0 : i32
        %dma_start3A_946 = tpu.memref_slice %dma_start3A_944[%dma_start3A_940, %dma_start3A_945] : memref<8x128xi32, #tpu.memory_space<vmem>> -> memref<1x128xi32, #tpu.memory_space<vmem>>
        %dma_start3A_947 = tpu.memref_squeeze %dma_start3A_946 : memref<1x128xi32, #tpu.memory_space<vmem>> -> memref<128xi32, #tpu.memory_space<vmem>>
        %dma_start3A_948 = arith.constant 0 : i32
        %dma_start3A_949 = arith.constant 0 : i32
        %dma_start3A_950 = tpu.memref_slice %arg4[%dma_start3A_948, %dma_start3A_949] : memref<10000x128xf32, #tpu.memory_space<hbm>> -> memref<10000x128xf32, #tpu.memory_space<hbm>>
        tpu.enqueue_indirect_dma source(%dma_start3A_950 : memref<10000x128xf32, #tpu.memory_space<hbm>>) target(%arg10 : memref<128x128xf32, #tpu.memory_space<vmem>>) offsets(%dma_start3A_947 : memref<128xi32, #tpu.memory_space<vmem>>) semaphore(%arg13 : memref<!tpu.dma_semaphore, #tpu.memory_space<semaphore_mem>>)
        %dma_wait3A_951 = arith.constant 1 : i32
        %dma_wait3A_952 = arith.constant 5 : i32
        %dma_wait3A_953 = arith.constant 0 : i32
        %dma_wait3A_954 = arith.constant 0 : i32
        %dma_wait3A_955 = tpu.memref_slice %arg8[%dma_wait3A_951, %dma_wait3A_953, %dma_wait3A_954] : memref<2x8x128xi32, #tpu.memory_space<vmem>> -> memref<1x8x128xi32, #tpu.memory_space<vmem>>
        %dma_wait3A_956 = tpu.memref_squeeze %dma_wait3A_955 : memref<1x8x128xi32, #tpu.memory_space<vmem>> -> memref<8x128xi32, #tpu.memory_space<vmem>>
        %dma_wait3A_957 = arith.constant 0 : i32
        %dma_wait3A_958 = tpu.memref_slice %dma_wait3A_956[%dma_wait3A_952, %dma_wait3A_957] : memref<8x128xi32, #tpu.memory_space<vmem>> -> memref<1x128xi32, #tpu.memory_space<vmem>>
        %dma_wait3A_959 = tpu.memref_squeeze %dma_wait3A_958 : memref<1x128xi32, #tpu.memory_space<vmem>> -> memref<128xi32, #tpu.memory_space<vmem>>
        %dma_wait3A_960 = arith.constant 0 : i32
        %dma_wait3A_961 = arith.constant 0 : i32
        %dma_wait3A_962 = tpu.memref_slice %arg4[%dma_wait3A_960, %dma_wait3A_961] : memref<10000x128xf32, #tpu.memory_space<hbm>> -> memref<10000x128xf32, #tpu.memory_space<hbm>>
        tpu.wait_indirect_dma semaphore(%arg14 : memref<!tpu.dma_semaphore, #tpu.memory_space<semaphore_mem>>) src(%dma_wait3A_962 : memref<10000x128xf32, #tpu.memory_space<hbm>>) dst(%arg11 : memref<128x128xf32, #tpu.memory_space<vmem>>)
        %dma_start3A_963 = arith.constant 1 : i32
        %dma_start3A_964 = arith.constant 5 : i32
        %dma_start3A_965 = arith.constant 0 : i32
        %dma_start3A_966 = arith.constant 0 : i32
        %dma_start3A_967 = tpu.memref_slice %arg9[%dma_start3A_963, %dma_start3A_965, %dma_start3A_966] : memref<2x8x128xi32, #tpu.memory_space<vmem>> -> memref<1x8x128xi32, #tpu.memory_space<vmem>>
        %dma_start3A_968 = tpu.memref_squeeze %dma_start3A_967 : memref<1x8x128xi32, #tpu.memory_space<vmem>> -> memref<8x128xi32, #tpu.memory_space<vmem>>
        %dma_start3A_969 = arith.constant 0 : i32
        %dma_start3A_970 = tpu.memref_slice %dma_start3A_968[%dma_start3A_964, %dma_start3A_969] : memref<8x128xi32, #tpu.memory_space<vmem>> -> memref<1x128xi32, #tpu.memory_space<vmem>>
        %dma_start3A_971 = tpu.memref_squeeze %dma_start3A_970 : memref<1x128xi32, #tpu.memory_space<vmem>> -> memref<128xi32, #tpu.memory_space<vmem>>
        %dma_start3A_972 = arith.constant 0 : i32
        %dma_start3A_973 = arith.constant 0 : i32
        %dma_start3A_974 = tpu.memref_slice %arg12[%dma_start3A_972, %dma_start3A_973] : memref<10240x128xf32, #tpu.memory_space<vmem_shared>> -> memref<10240x128xf32, #tpu.memory_space<vmem_shared>>
        tpu.enqueue_indirect_dma source(%arg11 : memref<128x128xf32, #tpu.memory_space<vmem>>) target(%dma_start3A_974 : memref<10240x128xf32, #tpu.memory_space<vmem_shared>>) offsets(%dma_start3A_971 : memref<128xi32, #tpu.memory_space<vmem>>) semaphore(%arg16 : memref<!tpu.dma_semaphore, #tpu.memory_space<semaphore_mem>>) {add = true}
        %dma_wait3A_975 = arith.constant 1 : i32
        %dma_wait3A_976 = arith.constant 5 : i32
        %dma_wait3A_977 = arith.constant 0 : i32
        %dma_wait3A_978 = arith.constant 0 : i32
        %dma_wait3A_979 = tpu.memref_slice %arg9[%dma_wait3A_975, %dma_wait3A_977, %dma_wait3A_978] : memref<2x8x128xi32, #tpu.memory_space<vmem>> -> memref<1x8x128xi32, #tpu.memory_space<vmem>>
        %dma_wait3A_980 = tpu.memref_squeeze %dma_wait3A_979 : memref<1x8x128xi32, #tpu.memory_space<vmem>> -> memref<8x128xi32, #tpu.memory_space<vmem>>
        %dma_wait3A_981 = arith.constant 0 : i32
        %dma_wait3A_982 = tpu.memref_slice %dma_wait3A_980[%dma_wait3A_976, %dma_wait3A_981] : memref<8x128xi32, #tpu.memory_space<vmem>> -> memref<1x128xi32, #tpu.memory_space<vmem>>
        %dma_wait3A_983 = tpu.memref_squeeze %dma_wait3A_982 : memref<1x128xi32, #tpu.memory_space<vmem>> -> memref<128xi32, #tpu.memory_space<vmem>>
        %dma_wait3A_984 = arith.constant 0 : i32
        %dma_wait3A_985 = arith.constant 0 : i32
        %dma_wait3A_986 = tpu.memref_slice %arg12[%dma_wait3A_984, %dma_wait3A_985] : memref<10240x128xf32, #tpu.memory_space<vmem_shared>> -> memref<10240x128xf32, #tpu.memory_space<vmem_shared>>
        tpu.wait_indirect_dma semaphore(%arg16 : memref<!tpu.dma_semaphore, #tpu.memory_space<semaphore_mem>>) src(%arg11 : memref<128x128xf32, #tpu.memory_space<vmem>>) dst(%dma_wait3A_986 : memref<10240x128xf32, #tpu.memory_space<vmem_shared>>)
        %dma_start3A_987 = arith.constant 1 : i32
        %dma_start3A_988 = arith.constant 7 : i32
        %dma_start3A_989 = arith.constant 0 : i32
        %dma_start3A_990 = arith.constant 0 : i32
        %dma_start3A_991 = tpu.memref_slice %arg8[%dma_start3A_987, %dma_start3A_989, %dma_start3A_990] : memref<2x8x128xi32, #tpu.memory_space<vmem>> -> memref<1x8x128xi32, #tpu.memory_space<vmem>>
        %dma_start3A_992 = tpu.memref_squeeze %dma_start3A_991 : memref<1x8x128xi32, #tpu.memory_space<vmem>> -> memref<8x128xi32, #tpu.memory_space<vmem>>
        %dma_start3A_993 = arith.constant 0 : i32
        %dma_start3A_994 = tpu.memref_slice %dma_start3A_992[%dma_start3A_988, %dma_start3A_993] : memref<8x128xi32, #tpu.memory_space<vmem>> -> memref<1x128xi32, #tpu.memory_space<vmem>>
        %dma_start3A_995 = tpu.memref_squeeze %dma_start3A_994 : memref<1x128xi32, #tpu.memory_space<vmem>> -> memref<128xi32, #tpu.memory_space<vmem>>
        %dma_start3A_996 = arith.constant 0 : i32
        %dma_start3A_997 = arith.constant 0 : i32
        %dma_start3A_998 = tpu.memref_slice %arg4[%dma_start3A_996, %dma_start3A_997] : memref<10000x128xf32, #tpu.memory_space<hbm>> -> memref<10000x128xf32, #tpu.memory_space<hbm>>
        tpu.enqueue_indirect_dma source(%dma_start3A_998 : memref<10000x128xf32, #tpu.memory_space<hbm>>) target(%arg11 : memref<128x128xf32, #tpu.memory_space<vmem>>) offsets(%dma_start3A_995 : memref<128xi32, #tpu.memory_space<vmem>>) semaphore(%arg14 : memref<!tpu.dma_semaphore, #tpu.memory_space<semaphore_mem>>)
        %dma_wait3A_999 = arith.constant 1 : i32
        %dma_wait3A_1000 = arith.constant 6 : i32
        %dma_wait3A_1001 = arith.constant 0 : i32
        %dma_wait3A_1002 = arith.constant 0 : i32
        %dma_wait3A_1003 = tpu.memref_slice %arg8[%dma_wait3A_999, %dma_wait3A_1001, %dma_wait3A_1002] : memref<2x8x128xi32, #tpu.memory_space<vmem>> -> memref<1x8x128xi32, #tpu.memory_space<vmem>>
        %dma_wait3A_1004 = tpu.memref_squeeze %dma_wait3A_1003 : memref<1x8x128xi32, #tpu.memory_space<vmem>> -> memref<8x128xi32, #tpu.memory_space<vmem>>
        %dma_wait3A_1005 = arith.constant 0 : i32
        %dma_wait3A_1006 = tpu.memref_slice %dma_wait3A_1004[%dma_wait3A_1000, %dma_wait3A_1005] : memref<8x128xi32, #tpu.memory_space<vmem>> -> memref<1x128xi32, #tpu.memory_space<vmem>>
        %dma_wait3A_1007 = tpu.memref_squeeze %dma_wait3A_1006 : memref<1x128xi32, #tpu.memory_space<vmem>> -> memref<128xi32, #tpu.memory_space<vmem>>
        %dma_wait3A_1008 = arith.constant 0 : i32
        %dma_wait3A_1009 = arith.constant 0 : i32
        %dma_wait3A_1010 = tpu.memref_slice %arg4[%dma_wait3A_1008, %dma_wait3A_1009] : memref<10000x128xf32, #tpu.memory_space<hbm>> -> memref<10000x128xf32, #tpu.memory_space<hbm>>
        tpu.wait_indirect_dma semaphore(%arg13 : memref<!tpu.dma_semaphore, #tpu.memory_space<semaphore_mem>>) src(%dma_wait3A_1010 : memref<10000x128xf32, #tpu.memory_space<hbm>>) dst(%arg10 : memref<128x128xf32, #tpu.memory_space<vmem>>)
        %dma_start3A_1011 = arith.constant 1 : i32
        %dma_start3A_1012 = arith.constant 6 : i32
        %dma_start3A_1013 = arith.constant 0 : i32
        %dma_start3A_1014 = arith.constant 0 : i32
        %dma_start3A_1015 = tpu.memref_slice %arg9[%dma_start3A_1011, %dma_start3A_1013, %dma_start3A_1014] : memref<2x8x128xi32, #tpu.memory_space<vmem>> -> memref<1x8x128xi32, #tpu.memory_space<vmem>>
        %dma_start3A_1016 = tpu.memref_squeeze %dma_start3A_1015 : memref<1x8x128xi32, #tpu.memory_space<vmem>> -> memref<8x128xi32, #tpu.memory_space<vmem>>
        %dma_start3A_1017 = arith.constant 0 : i32
        %dma_start3A_1018 = tpu.memref_slice %dma_start3A_1016[%dma_start3A_1012, %dma_start3A_1017] : memref<8x128xi32, #tpu.memory_space<vmem>> -> memref<1x128xi32, #tpu.memory_space<vmem>>
        %dma_start3A_1019 = tpu.memref_squeeze %dma_start3A_1018 : memref<1x128xi32, #tpu.memory_space<vmem>> -> memref<128xi32, #tpu.memory_space<vmem>>
        %dma_start3A_1020 = arith.constant 0 : i32
        %dma_start3A_1021 = arith.constant 0 : i32
        %dma_start3A_1022 = tpu.memref_slice %arg12[%dma_start3A_1020, %dma_start3A_1021] : memref<10240x128xf32, #tpu.memory_space<vmem_shared>> -> memref<10240x128xf32, #tpu.memory_space<vmem_shared>>
        tpu.enqueue_indirect_dma source(%arg10 : memref<128x128xf32, #tpu.memory_space<vmem>>) target(%dma_start3A_1022 : memref<10240x128xf32, #tpu.memory_space<vmem_shared>>) offsets(%dma_start3A_1019 : memref<128xi32, #tpu.memory_space<vmem>>) semaphore(%arg15 : memref<!tpu.dma_semaphore, #tpu.memory_space<semaphore_mem>>) {add = true}
        %dma_wait3A_1023 = arith.constant 1 : i32
        %dma_wait3A_1024 = arith.constant 7 : i32
        %dma_wait3A_1025 = arith.constant 0 : i32
        %dma_wait3A_1026 = arith.constant 0 : i32
        %dma_wait3A_1027 = tpu.memref_slice %arg8[%dma_wait3A_1023, %dma_wait3A_1025, %dma_wait3A_1026] : memref<2x8x128xi32, #tpu.memory_space<vmem>> -> memref<1x8x128xi32, #tpu.memory_space<vmem>>
        %dma_wait3A_1028 = tpu.memref_squeeze %dma_wait3A_1027 : memref<1x8x128xi32, #tpu.memory_space<vmem>> -> memref<8x128xi32, #tpu.memory_space<vmem>>
        %dma_wait3A_1029 = arith.constant 0 : i32
        %dma_wait3A_1030 = tpu.memref_slice %dma_wait3A_1028[%dma_wait3A_1024, %dma_wait3A_1029] : memref<8x128xi32, #tpu.memory_space<vmem>> -> memref<1x128xi32, #tpu.memory_space<vmem>>
        %dma_wait3A_1031 = tpu.memref_squeeze %dma_wait3A_1030 : memref<1x128xi32, #tpu.memory_space<vmem>> -> memref<128xi32, #tpu.memory_space<vmem>>
        %dma_wait3A_1032 = arith.constant 0 : i32
        %dma_wait3A_1033 = arith.constant 0 : i32
        %dma_wait3A_1034 = tpu.memref_slice %arg4[%dma_wait3A_1032, %dma_wait3A_1033] : memref<10000x128xf32, #tpu.memory_space<hbm>> -> memref<10000x128xf32, #tpu.memory_space<hbm>>
        tpu.wait_indirect_dma semaphore(%arg14 : memref<!tpu.dma_semaphore, #tpu.memory_space<semaphore_mem>>) src(%dma_wait3A_1034 : memref<10000x128xf32, #tpu.memory_space<hbm>>) dst(%arg11 : memref<128x128xf32, #tpu.memory_space<vmem>>)
        %dma_start3A_1035 = arith.constant 1 : i32
        %dma_start3A_1036 = arith.constant 7 : i32
        %dma_start3A_1037 = arith.constant 0 : i32
        %dma_start3A_1038 = arith.constant 0 : i32
        %dma_start3A_1039 = tpu.memref_slice %arg9[%dma_start3A_1035, %dma_start3A_1037, %dma_start3A_1038] : memref<2x8x128xi32, #tpu.memory_space<vmem>> -> memref<1x8x128xi32, #tpu.memory_space<vmem>>
        %dma_start3A_1040 = tpu.memref_squeeze %dma_start3A_1039 : memref<1x8x128xi32, #tpu.memory_space<vmem>> -> memref<8x128xi32, #tpu.memory_space<vmem>>
        %dma_start3A_1041 = arith.constant 0 : i32
        %dma_start3A_1042 = tpu.memref_slice %dma_start3A_1040[%dma_start3A_1036, %dma_start3A_1041] : memref<8x128xi32, #tpu.memory_space<vmem>> -> memref<1x128xi32, #tpu.memory_space<vmem>>
        %dma_start3A_1043 = tpu.memref_squeeze %dma_start3A_1042 : memref<1x128xi32, #tpu.memory_space<vmem>> -> memref<128xi32, #tpu.memory_space<vmem>>
        %dma_start3A_1044 = arith.constant 0 : i32
        %dma_start3A_1045 = arith.constant 0 : i32
        %dma_start3A_1046 = tpu.memref_slice %arg12[%dma_start3A_1044, %dma_start3A_1045] : memref<10240x128xf32, #tpu.memory_space<vmem_shared>> -> memref<10240x128xf32, #tpu.memory_space<vmem_shared>>
        tpu.enqueue_indirect_dma source(%arg11 : memref<128x128xf32, #tpu.memory_space<vmem>>) target(%dma_start3A_1046 : memref<10240x128xf32, #tpu.memory_space<vmem_shared>>) offsets(%dma_start3A_1043 : memref<128xi32, #tpu.memory_space<vmem>>) semaphore(%arg16 : memref<!tpu.dma_semaphore, #tpu.memory_space<semaphore_mem>>) {add = true}
        %dma_wait3A_1047 = arith.constant 1 : i32
        %dma_wait3A_1048 = arith.constant 6 : i32
        %dma_wait3A_1049 = arith.constant 0 : i32
        %dma_wait3A_1050 = arith.constant 0 : i32
        %dma_wait3A_1051 = tpu.memref_slice %arg9[%dma_wait3A_1047, %dma_wait3A_1049, %dma_wait3A_1050] : memref<2x8x128xi32, #tpu.memory_space<vmem>> -> memref<1x8x128xi32, #tpu.memory_space<vmem>>
        %dma_wait3A_1052 = tpu.memref_squeeze %dma_wait3A_1051 : memref<1x8x128xi32, #tpu.memory_space<vmem>> -> memref<8x128xi32, #tpu.memory_space<vmem>>
        %dma_wait3A_1053 = arith.constant 0 : i32
        %dma_wait3A_1054 = tpu.memref_slice %dma_wait3A_1052[%dma_wait3A_1048, %dma_wait3A_1053] : memref<8x128xi32, #tpu.memory_space<vmem>> -> memref<1x128xi32, #tpu.memory_space<vmem>>
        %dma_wait3A_1055 = tpu.memref_squeeze %dma_wait3A_1054 : memref<1x128xi32, #tpu.memory_space<vmem>> -> memref<128xi32, #tpu.memory_space<vmem>>
        %dma_wait3A_1056 = arith.constant 0 : i32
        %dma_wait3A_1057 = arith.constant 0 : i32
        %dma_wait3A_1058 = tpu.memref_slice %arg12[%dma_wait3A_1056, %dma_wait3A_1057] : memref<10240x128xf32, #tpu.memory_space<vmem_shared>> -> memref<10240x128xf32, #tpu.memory_space<vmem_shared>>
        tpu.wait_indirect_dma semaphore(%arg15 : memref<!tpu.dma_semaphore, #tpu.memory_space<semaphore_mem>>) src(%arg10 : memref<128x128xf32, #tpu.memory_space<vmem>>) dst(%dma_wait3A_1058 : memref<10240x128xf32, #tpu.memory_space<vmem_shared>>)
        %dma_wait3A_1059 = arith.constant 1 : i32
        %dma_wait3A_1060 = arith.constant 7 : i32
        %dma_wait3A_1061 = arith.constant 0 : i32
        %dma_wait3A_1062 = arith.constant 0 : i32
        %dma_wait3A_1063 = tpu.memref_slice %arg9[%dma_wait3A_1059, %dma_wait3A_1061, %dma_wait3A_1062] : memref<2x8x128xi32, #tpu.memory_space<vmem>> -> memref<1x8x128xi32, #tpu.memory_space<vmem>>
        %dma_wait3A_1064 = tpu.memref_squeeze %dma_wait3A_1063 : memref<1x8x128xi32, #tpu.memory_space<vmem>> -> memref<8x128xi32, #tpu.memory_space<vmem>>
        %dma_wait3A_1065 = arith.constant 0 : i32
        %dma_wait3A_1066 = tpu.memref_slice %dma_wait3A_1064[%dma_wait3A_1060, %dma_wait3A_1065] : memref<8x128xi32, #tpu.memory_space<vmem>> -> memref<1x128xi32, #tpu.memory_space<vmem>>
        %dma_wait3A_1067 = tpu.memref_squeeze %dma_wait3A_1066 : memref<1x128xi32, #tpu.memory_space<vmem>> -> memref<128xi32, #tpu.memory_space<vmem>>
        %dma_wait3A_1068 = arith.constant 0 : i32
        %dma_wait3A_1069 = arith.constant 0 : i32
        %dma_wait3A_1070 = tpu.memref_slice %arg12[%dma_wait3A_1068, %dma_wait3A_1069] : memref<10240x128xf32, #tpu.memory_space<vmem_shared>> -> memref<10240x128xf32, #tpu.memory_space<vmem_shared>>
        tpu.wait_indirect_dma semaphore(%arg16 : memref<!tpu.dma_semaphore, #tpu.memory_space<semaphore_mem>>) src(%arg11 : memref<128x128xf32, #tpu.memory_space<vmem>>) dst(%dma_wait3A_1070 : memref<10240x128xf32, #tpu.memory_space<vmem_shared>>)
        %add3A_1071 = arith.constant 3 : i32
        %add3A_1072 = arith.addi %mul3A_201, %add3A_1071 : i32
        %lt3A_1073 = arith.cmpi slt, %add3A_1072, %select_n3A_20 : i32
        %convert_element_type3A_1074 = arith.extui %lt3A_1073 : i1 to i32
        %cond3A_1075 = arith.constant 0 : i32
        %cond3A_1076 = arith.cmpi ne, %convert_element_type3A_1074, %cond3A_1075 : i32
        scf.if %cond3A_1076 {
          %mul3A_1077 = arith.constant 8 : i32
          %mul3A_1078 = arith.muli %add3A_1072, %mul3A_1077 : i32
          %add3A_1079 = arith.addi %mul3A_1078, %mul3A_0 : i32
          %multiple_of3A = tpu.assume_multiple %add3A_1079, 8 : i32
          %dma_start3A_1080 = arith.constant 1 : i32
          %dma_start3A_1081 = arith.constant 0 : i32
          %dma_start3A_1082 = arith.constant 0 : i32
          %dma_start3A_1083 = tpu.memref_slice %arg8[%dma_start3A_1080, %dma_start3A_1081, %dma_start3A_1082] : memref<2x8x128xi32, #tpu.memory_space<vmem>> -> memref<1x8x128xi32, #tpu.memory_space<vmem>>
          %dma_start3A_1084 = tpu.memref_squeeze %dma_start3A_1083 : memref<1x8x128xi32, #tpu.memory_space<vmem>> -> memref<8x128xi32, #tpu.memory_space<vmem>>
          %dma_start3A_1085 = arith.constant 0 : i32
          %dma_start3A_1086 = arith.constant 0 : i32
          %dma_start3A_1087 = tpu.memref_slice %arg2[%arg1, %dma_start3A_1085, %dma_start3A_1086] : memref<16x160x128xi32, #tpu.memory_space<hbm>> -> memref<1x160x128xi32, #tpu.memory_space<hbm>>
          %dma_start3A_1088 = tpu.memref_squeeze %dma_start3A_1087 : memref<1x160x128xi32, #tpu.memory_space<hbm>> -> memref<160x128xi32, #tpu.memory_space<hbm>>
          %dma_start3A_1089 = arith.constant 0 : i32
          %dma_start3A_1090 = tpu.memref_slice %dma_start3A_1088[%multiple_of3A, %dma_start3A_1089] : memref<160x128xi32, #tpu.memory_space<hbm>> -> memref<8x128xi32, #tpu.memory_space<hbm>>
          %dma_start3A_1091 = arith.constant 0 : i32
          %dma_start3A_1092 = arith.constant 0 : i32
          %dma_start3A_1093 = tpu.memref_slice %arg8[%dma_start3A_1080, %dma_start3A_1091, %dma_start3A_1092] : memref<2x8x128xi32, #tpu.memory_space<vmem>> -> memref<1x8x128xi32, #tpu.memory_space<vmem>>
          %dma_start3A_1094 = tpu.memref_squeeze %dma_start3A_1093 : memref<1x8x128xi32, #tpu.memory_space<vmem>> -> memref<8x128xi32, #tpu.memory_space<vmem>>
          %dma_start3A_1095 = arith.constant 0 : i32
          %dma_start3A_1096 = arith.constant 0 : i32
          %dma_start3A_1097 = tpu.memref_slice %arg2[%arg1, %dma_start3A_1095, %dma_start3A_1096] : memref<16x160x128xi32, #tpu.memory_space<hbm>> -> memref<1x160x128xi32, #tpu.memory_space<hbm>>
          %dma_start3A_1098 = tpu.memref_squeeze %dma_start3A_1097 : memref<1x160x128xi32, #tpu.memory_space<hbm>> -> memref<160x128xi32, #tpu.memory_space<hbm>>
          %dma_start3A_1099 = arith.constant 0 : i32
          %dma_start3A_1100 = tpu.memref_slice %dma_start3A_1098[%multiple_of3A, %dma_start3A_1099] : memref<160x128xi32, #tpu.memory_space<hbm>> -> memref<8x128xi32, #tpu.memory_space<hbm>>
          tpu.enqueue_dma source(%dma_start3A_1100 : memref<8x128xi32, #tpu.memory_space<hbm>>) target(%dma_start3A_1094 : memref<8x128xi32, #tpu.memory_space<vmem>>) target_semaphore(%arg18 : memref<!tpu.dma_semaphore, #tpu.memory_space<semaphore_mem>>)
          %dma_start3A_1101 = arith.constant 1 : i32
          %dma_start3A_1102 = arith.constant 0 : i32
          %dma_start3A_1103 = arith.constant 0 : i32
          %dma_start3A_1104 = tpu.memref_slice %arg9[%dma_start3A_1101, %dma_start3A_1102, %dma_start3A_1103] : memref<2x8x128xi32, #tpu.memory_space<vmem>> -> memref<1x8x128xi32, #tpu.memory_space<vmem>>
          %dma_start3A_1105 = tpu.memref_squeeze %dma_start3A_1104 : memref<1x8x128xi32, #tpu.memory_space<vmem>> -> memref<8x128xi32, #tpu.memory_space<vmem>>
          %dma_start3A_1106 = arith.constant 0 : i32
          %dma_start3A_1107 = arith.constant 0 : i32
          %dma_start3A_1108 = tpu.memref_slice %arg3[%arg1, %dma_start3A_1106, %dma_start3A_1107] : memref<16x160x128xi32, #tpu.memory_space<hbm>> -> memref<1x160x128xi32, #tpu.memory_space<hbm>>
          %dma_start3A_1109 = tpu.memref_squeeze %dma_start3A_1108 : memref<1x160x128xi32, #tpu.memory_space<hbm>> -> memref<160x128xi32, #tpu.memory_space<hbm>>
          %dma_start3A_1110 = arith.constant 0 : i32
          %dma_start3A_1111 = tpu.memref_slice %dma_start3A_1109[%multiple_of3A, %dma_start3A_1110] : memref<160x128xi32, #tpu.memory_space<hbm>> -> memref<8x128xi32, #tpu.memory_space<hbm>>
          %dma_start3A_1112 = arith.constant 0 : i32
          %dma_start3A_1113 = arith.constant 0 : i32
          %dma_start3A_1114 = tpu.memref_slice %arg9[%dma_start3A_1101, %dma_start3A_1112, %dma_start3A_1113] : memref<2x8x128xi32, #tpu.memory_space<vmem>> -> memref<1x8x128xi32, #tpu.memory_space<vmem>>
          %dma_start3A_1115 = tpu.memref_squeeze %dma_start3A_1114 : memref<1x8x128xi32, #tpu.memory_space<vmem>> -> memref<8x128xi32, #tpu.memory_space<vmem>>
          %dma_start3A_1116 = arith.constant 0 : i32
          %dma_start3A_1117 = arith.constant 0 : i32
          %dma_start3A_1118 = tpu.memref_slice %arg3[%arg1, %dma_start3A_1116, %dma_start3A_1117] : memref<16x160x128xi32, #tpu.memory_space<hbm>> -> memref<1x160x128xi32, #tpu.memory_space<hbm>>
          %dma_start3A_1119 = tpu.memref_squeeze %dma_start3A_1118 : memref<1x160x128xi32, #tpu.memory_space<hbm>> -> memref<160x128xi32, #tpu.memory_space<hbm>>
          %dma_start3A_1120 = arith.constant 0 : i32
          %dma_start3A_1121 = tpu.memref_slice %dma_start3A_1119[%multiple_of3A, %dma_start3A_1120] : memref<160x128xi32, #tpu.memory_space<hbm>> -> memref<8x128xi32, #tpu.memory_space<hbm>>
          tpu.enqueue_dma source(%dma_start3A_1121 : memref<8x128xi32, #tpu.memory_space<hbm>>) target(%dma_start3A_1115 : memref<8x128xi32, #tpu.memory_space<vmem>>) target_semaphore(%arg18 : memref<!tpu.dma_semaphore, #tpu.memory_space<semaphore_mem>>)
        } else {
        }
      } else {
      }
    }
    %while3A_98 = arith.constant 1 : i32
    scf.for %while3A_197 = %while3A_96 to %while3A_92 step %while3A_98  : i32 {
      %mul3A_198 = arith.muli %while3A_197, %while3A : i32
      %add3A_199 = arith.addi %while3A_89, %mul3A_198 : i32
      %mul3A_200 = arith.constant 2 : i32
      %mul3A_201 = arith.muli %add3A_199, %mul3A_200 : i32
      %dma_wait3A = arith.constant 0 : i32
      %dma_wait3A_202 = arith.constant 0 : i32
      %dma_wait3A_203 = arith.constant 0 : i32
      %dma_wait3A_204 = tpu.memref_slice %arg9[%dma_wait3A, %dma_wait3A_202, %dma_wait3A_203] : memref<2x8x128xi32, #tpu.memory_space<vmem>> -> memref<1x8x128xi32, #tpu.memory_space<vmem>>
      %dma_wait3A_205 = tpu.memref_squeeze %dma_wait3A_204 : memref<1x8x128xi32, #tpu.memory_space<vmem>> -> memref<8x128xi32, #tpu.memory_space<vmem>>
      %dma_wait3A_206 = arith.constant 0 : i32
      %dma_wait3A_207 = arith.constant 0 : i32
      %dma_wait3A_208 = tpu.memref_slice %arg3[%arg1, %dma_wait3A_206, %dma_wait3A_207] : memref<16x160x128xi32, #tpu.memory_space<hbm>> -> memref<1x160x128xi32, #tpu.memory_space<hbm>>
      %dma_wait3A_209 = tpu.memref_squeeze %dma_wait3A_208 : memref<1x160x128xi32, #tpu.memory_space<hbm>> -> memref<160x128xi32, #tpu.memory_space<hbm>>
      %dma_wait3A_210 = arith.constant 0 : i32
      %dma_wait3A_211 = arith.constant 0 : i32
      %dma_wait3A_212 = tpu.memref_slice %dma_wait3A_209[%dma_wait3A_210, %dma_wait3A_211] : memref<160x128xi32, #tpu.memory_space<hbm>> -> memref<8x128xi32, #tpu.memory_space<hbm>>
      %dma_wait3A_213 = arith.constant 0 : i32
      %dma_wait3A_214 = arith.constant 0 : i32
      %dma_wait3A_215 = tpu.memref_slice %arg9[%dma_wait3A, %dma_wait3A_213, %dma_wait3A_214] : memref<2x8x128xi32, #tpu.memory_space<vmem>> -> memref<1x8x128xi32, #tpu.memory_space<vmem>>
      %dma_wait3A_216 = tpu.memref_squeeze %dma_wait3A_215 : memref<1x8x128xi32, #tpu.memory_space<vmem>> -> memref<8x128xi32, #tpu.memory_space<vmem>>
      %dma_wait3A_217 = arith.constant 0 : i32
      %dma_wait3A_218 = arith.constant 0 : i32
      %dma_wait3A_219 = tpu.memref_slice %arg3[%arg1, %dma_wait3A_217, %dma_wait3A_218] : memref<16x160x128xi32, #tpu.memory_space<hbm>> -> memref<1x160x128xi32, #tpu.memory_space<hbm>>
      %dma_wait3A_220 = tpu.memref_squeeze %dma_wait3A_219 : memref<1x160x128xi32, #tpu.memory_space<hbm>> -> memref<160x128xi32, #tpu.memory_space<hbm>>
      %dma_wait3A_221 = arith.constant 0 : i32
      %dma_wait3A_222 = arith.constant 0 : i32
      %dma_wait3A_223 = tpu.memref_slice %dma_wait3A_220[%dma_wait3A_221, %dma_wait3A_222] : memref<160x128xi32, #tpu.memory_space<hbm>> -> memref<8x128xi32, #tpu.memory_space<hbm>>
      tpu.wait_dma2 semaphore(%arg17 : memref<!tpu.dma_semaphore, #tpu.memory_space<semaphore_mem>>) src(%dma_wait3A_223 : memref<8x128xi32, #tpu.memory_space<hbm>>) dst(%dma_wait3A_216 : memref<8x128xi32, #tpu.memory_space<vmem>>)
      %dma_wait3A_224 = arith.constant 0 : i32
      %dma_wait3A_225 = arith.constant 0 : i32
      %dma_wait3A_226 = arith.constant 0 : i32
      %dma_wait3A_227 = tpu.memref_slice %arg9[%dma_wait3A_224, %dma_wait3A_225, %dma_wait3A_226] : memref<2x8x128xi32, #tpu.memory_space<vmem>> -> memref<1x8x128xi32, #tpu.memory_space<vmem>>
      %dma_wait3A_228 = tpu.memref_squeeze %dma_wait3A_227 : memref<1x8x128xi32, #tpu.memory_space<vmem>> -> memref<8x128xi32, #tpu.memory_space<vmem>>
      %dma_wait3A_229 = arith.constant 0 : i32
      %dma_wait3A_230 = arith.constant 0 : i32
      %dma_wait3A_231 = tpu.memref_slice %arg3[%arg1, %dma_wait3A_229, %dma_wait3A_230] : memref<16x160x128xi32, #tpu.memory_space<hbm>> -> memref<1x160x128xi32, #tpu.memory_space<hbm>>
      %dma_wait3A_232 = tpu.memref_squeeze %dma_wait3A_231 : memref<1x160x128xi32, #tpu.memory_space<hbm>> -> memref<160x128xi32, #tpu.memory_space<hbm>>
      %dma_wait3A_233 = arith.constant 0 : i32
      %dma_wait3A_234 = arith.constant 0 : i32
      %dma_wait3A_235 = tpu.memref_slice %dma_wait3A_232[%dma_wait3A_233, %dma_wait3A_234] : memref<160x128xi32, #tpu.memory_space<hbm>> -> memref<8x128xi32, #tpu.memory_space<hbm>>
      %dma_wait3A_236 = arith.constant 0 : i32
      %dma_wait3A_237 = arith.constant 0 : i32
      %dma_wait3A_238 = tpu.memref_slice %arg9[%dma_wait3A_224, %dma_wait3A_236, %dma_wait3A_237] : memref<2x8x128xi32, #tpu.memory_space<vmem>> -> memref<1x8x128xi32, #tpu.memory_space<vmem>>
      %dma_wait3A_239 = tpu.memref_squeeze %dma_wait3A_238 : memref<1x8x128xi32, #tpu.memory_space<vmem>> -> memref<8x128xi32, #tpu.memory_space<vmem>>
      %dma_wait3A_240 = arith.constant 0 : i32
      %dma_wait3A_241 = arith.constant 0 : i32
      %dma_wait3A_242 = tpu.memref_slice %arg3[%arg1, %dma_wait3A_240, %dma_wait3A_241] : memref<16x160x128xi32, #tpu.memory_space<hbm>> -> memref<1x160x128xi32, #tpu.memory_space<hbm>>
      %dma_wait3A_243 = tpu.memref_squeeze %dma_wait3A_242 : memref<1x160x128xi32, #tpu.memory_space<hbm>> -> memref<160x128xi32, #tpu.memory_space<hbm>>
      %dma_wait3A_244 = arith.constant 0 : i32
      %dma_wait3A_245 = arith.constant 0 : i32
      %dma_wait3A_246 = tpu.memref_slice %dma_wait3A_243[%dma_wait3A_244, %dma_wait3A_245] : memref<160x128xi32, #tpu.memory_space<hbm>> -> memref<8x128xi32, #tpu.memory_space<hbm>>
      tpu.wait_dma2 semaphore(%arg17 : memref<!tpu.dma_semaphore, #tpu.memory_space<semaphore_mem>>) src(%dma_wait3A_246 : memref<8x128xi32, #tpu.memory_space<hbm>>) dst(%dma_wait3A_239 : memref<8x128xi32, #tpu.memory_space<vmem>>)
      %dma_start3A = arith.constant 0 : i32
      %dma_start3A_247 = arith.constant 0 : i32
      %dma_start3A_248 = arith.constant 0 : i32
      %dma_start3A_249 = arith.constant 0 : i32
      %dma_start3A_250 = tpu.memref_slice %arg8[%dma_start3A, %dma_start3A_248, %dma_start3A_249] : memref<2x8x128xi32, #tpu.memory_space<vmem>> -> memref<1x8x128xi32, #tpu.memory_space<vmem>>
      %dma_start3A_251 = tpu.memref_squeeze %dma_start3A_250 : memref<1x8x128xi32, #tpu.memory_space<vmem>> -> memref<8x128xi32, #tpu.memory_space<vmem>>
      %dma_start3A_252 = arith.constant 0 : i32
      %dma_start3A_253 = tpu.memref_slice %dma_start3A_251[%dma_start3A_247, %dma_start3A_252] : memref<8x128xi32, #tpu.memory_space<vmem>> -> memref<1x128xi32, #tpu.memory_space<vmem>>
      %dma_start3A_254 = tpu.memref_squeeze %dma_start3A_253 : memref<1x128xi32, #tpu.memory_space<vmem>> -> memref<128xi32, #tpu.memory_space<vmem>>
      %dma_start3A_255 = arith.constant 0 : i32
      %dma_start3A_256 = arith.constant 0 : i32
      %dma_start3A_257 = tpu.memref_slice %arg4[%dma_start3A_255, %dma_start3A_256] : memref<10000x128xf32, #tpu.memory_space<hbm>> -> memref<10000x128xf32, #tpu.memory_space<hbm>>
      tpu.enqueue_indirect_dma source(%dma_start3A_257 : memref<10000x128xf32, #tpu.memory_space<hbm>>) target(%arg10 : memref<128x128xf32, #tpu.memory_space<vmem>>) offsets(%dma_start3A_254 : memref<128xi32, #tpu.memory_space<vmem>>) semaphore(%arg13 : memref<!tpu.dma_semaphore, #tpu.memory_space<semaphore_mem>>)
      %dma_start3A_258 = arith.constant 0 : i32
      %dma_start3A_259 = arith.constant 1 : i32
      %dma_start3A_260 = arith.constant 0 : i32
      %dma_start3A_261 = arith.constant 0 : i32
      %dma_start3A_262 = tpu.memref_slice %arg8[%dma_start3A_258, %dma_start3A_260, %dma_start3A_261] : memref<2x8x128xi32, #tpu.memory_space<vmem>> -> memref<1x8x128xi32, #tpu.memory_space<vmem>>
      %dma_start3A_263 = tpu.memref_squeeze %dma_start3A_262 : memref<1x8x128xi32, #tpu.memory_space<vmem>> -> memref<8x128xi32, #tpu.memory_space<vmem>>
      %dma_start3A_264 = arith.constant 0 : i32
      %dma_start3A_265 = tpu.memref_slice %dma_start3A_263[%dma_start3A_259, %dma_start3A_264] : memref<8x128xi32, #tpu.memory_space<vmem>> -> memref<1x128xi32, #tpu.memory_space<vmem>>
      %dma_start3A_266 = tpu.memref_squeeze %dma_start3A_265 : memref<1x128xi32, #tpu.memory_space<vmem>> -> memref<128xi32, #tpu.memory_space<vmem>>
      %dma_start3A_267 = arith.constant 0 : i32
      %dma_start3A_268 = arith.constant 0 : i32
      %dma_start3A_269 = tpu.memref_slice %arg4[%dma_start3A_267, %dma_start3A_268] : memref<10000x128xf32, #tpu.memory_space<hbm>> -> memref<10000x128xf32, #tpu.memory_space<hbm>>
      tpu.enqueue_indirect_dma source(%dma_start3A_269 : memref<10000x128xf32, #tpu.memory_space<hbm>>) target(%arg11 : memref<128x128xf32, #tpu.memory_space<vmem>>) offsets(%dma_start3A_266 : memref<128xi32, #tpu.memory_space<vmem>>) semaphore(%arg14 : memref<!tpu.dma_semaphore, #tpu.memory_space<semaphore_mem>>)
      %dma_wait3A_270 = arith.constant 0 : i32
      %dma_wait3A_271 = arith.constant 0 : i32
      %dma_wait3A_272 = arith.constant 0 : i32
      %dma_wait3A_273 = arith.constant 0 : i32
      %dma_wait3A_274 = tpu.memref_slice %arg8[%dma_wait3A_270, %dma_wait3A_272, %dma_wait3A_273] : memref<2x8x128xi32, #tpu.memory_space<vmem>> -> memref<1x8x128xi32, #tpu.memory_space<vmem>>
      %dma_wait3A_275 = tpu.memref_squeeze %dma_wait3A_274 : memref<1x8x128xi32, #tpu.memory_space<vmem>> -> memref<8x128xi32, #tpu.memory_space<vmem>>
      %dma_wait3A_276 = arith.constant 0 : i32
      %dma_wait3A_277 = tpu.memref_slice %dma_wait3A_275[%dma_wait3A_271, %dma_wait3A_276] : memref<8x128xi32, #tpu.memory_space<vmem>> -> memref<1x128xi32, #tpu.memory_space<vmem>>
      %dma_wait3A_278 = tpu.memref_squeeze %dma_wait3A_277 : memref<1x128xi32, #tpu.memory_space<vmem>> -> memref<128xi32, #tpu.memory_space<vmem>>
      %dma_wait3A_279 = arith.constant 0 : i32
      %dma_wait3A_280 = arith.constant 0 : i32
      %dma_wait3A_281 = tpu.memref_slice %arg4[%dma_wait3A_279, %dma_wait3A_280] : memref<10000x128xf32, #tpu.memory_space<hbm>> -> memref<10000x128xf32, #tpu.memory_space<hbm>>
      tpu.wait_indirect_dma semaphore(%arg13 : memref<!tpu.dma_semaphore, #tpu.memory_space<semaphore_mem>>) src(%dma_wait3A_281 : memref<10000x128xf32, #tpu.memory_space<hbm>>) dst(%arg10 : memref<128x128xf32, #tpu.memory_space<vmem>>)
      %dma_start3A_282 = arith.constant 0 : i32
      %dma_start3A_283 = arith.constant 0 : i32
      %dma_start3A_284 = arith.constant 0 : i32
      %dma_start3A_285 = arith.constant 0 : i32
      %dma_start3A_286 = tpu.memref_slice %arg9[%dma_start3A_282, %dma_start3A_284, %dma_start3A_285] : memref<2x8x128xi32, #tpu.memory_space<vmem>> -> memref<1x8x128xi32, #tpu.memory_space<vmem>>
      %dma_start3A_287 = tpu.memref_squeeze %dma_start3A_286 : memref<1x8x128xi32, #tpu.memory_space<vmem>> -> memref<8x128xi32, #tpu.memory_space<vmem>>
      %dma_start3A_288 = arith.constant 0 : i32
      %dma_start3A_289 = tpu.memref_slice %dma_start3A_287[%dma_start3A_283, %dma_start3A_288] : memref<8x128xi32, #tpu.memory_space<vmem>> -> memref<1x128xi32, #tpu.memory_space<vmem>>
      %dma_start3A_290 = tpu.memref_squeeze %dma_start3A_289 : memref<1x128xi32, #tpu.memory_space<vmem>> -> memref<128xi32, #tpu.memory_space<vmem>>
      %dma_start3A_291 = arith.constant 0 : i32
      %dma_start3A_292 = arith.constant 0 : i32
      %dma_start3A_293 = tpu.memref_slice %arg12[%dma_start3A_291, %dma_start3A_292] : memref<10240x128xf32, #tpu.memory_space<vmem_shared>> -> memref<10240x128xf32, #tpu.memory_space<vmem_shared>>
      tpu.enqueue_indirect_dma source(%arg10 : memref<128x128xf32, #tpu.memory_space<vmem>>) target(%dma_start3A_293 : memref<10240x128xf32, #tpu.memory_space<vmem_shared>>) offsets(%dma_start3A_290 : memref<128xi32, #tpu.memory_space<vmem>>) semaphore(%arg15 : memref<!tpu.dma_semaphore, #tpu.memory_space<semaphore_mem>>) {add = true}
      %dma_wait3A_294 = arith.constant 0 : i32
      %dma_wait3A_295 = arith.constant 0 : i32
      %dma_wait3A_296 = arith.constant 0 : i32
      %dma_wait3A_297 = arith.constant 0 : i32
      %dma_wait3A_298 = tpu.memref_slice %arg9[%dma_wait3A_294, %dma_wait3A_296, %dma_wait3A_297] : memref<2x8x128xi32, #tpu.memory_space<vmem>> -> memref<1x8x128xi32, #tpu.memory_space<vmem>>
      %dma_wait3A_299 = tpu.memref_squeeze %dma_wait3A_298 : memref<1x8x128xi32, #tpu.memory_space<vmem>> -> memref<8x128xi32, #tpu.memory_space<vmem>>
      %dma_wait3A_300 = arith.constant 0 : i32
      %dma_wait3A_301 = tpu.memref_slice %dma_wait3A_299[%dma_wait3A_295, %dma_wait3A_300] : memref<8x128xi32, #tpu.memory_space<vmem>> -> memref<1x128xi32, #tpu.memory_space<vmem>>
      %dma_wait3A_302 = tpu.memref_squeeze %dma_wait3A_301 : memref<1x128xi32, #tpu.memory_space<vmem>> -> memref<128xi32, #tpu.memory_space<vmem>>
      %dma_wait3A_303 = arith.constant 0 : i32
      %dma_wait3A_304 = arith.constant 0 : i32
      %dma_wait3A_305 = tpu.memref_slice %arg12[%dma_wait3A_303, %dma_wait3A_304] : memref<10240x128xf32, #tpu.memory_space<vmem_shared>> -> memref<10240x128xf32, #tpu.memory_space<vmem_shared>>
      tpu.wait_indirect_dma semaphore(%arg15 : memref<!tpu.dma_semaphore, #tpu.memory_space<semaphore_mem>>) src(%arg10 : memref<128x128xf32, #tpu.memory_space<vmem>>) dst(%dma_wait3A_305 : memref<10240x128xf32, #tpu.memory_space<vmem_shared>>)
      %dma_start3A_306 = arith.constant 0 : i32
      %dma_start3A_307 = arith.constant 2 : i32
      %dma_start3A_308 = arith.constant 0 : i32
      %dma_start3A_309 = arith.constant 0 : i32
      %dma_start3A_310 = tpu.memref_slice %arg8[%dma_start3A_306, %dma_start3A_308, %dma_start3A_309] : memref<2x8x128xi32, #tpu.memory_space<vmem>> -> memref<1x8x128xi32, #tpu.memory_space<vmem>>
      %dma_start3A_311 = tpu.memref_squeeze %dma_start3A_310 : memref<1x8x128xi32, #tpu.memory_space<vmem>> -> memref<8x128xi32, #tpu.memory_space<vmem>>
      %dma_start3A_312 = arith.constant 0 : i32
      %dma_start3A_313 = tpu.memref_slice %dma_start3A_311[%dma_start3A_307, %dma_start3A_312] : memref<8x128xi32, #tpu.memory_space<vmem>> -> memref<1x128xi32, #tpu.memory_space<vmem>>
      %dma_start3A_314 = tpu.memref_squeeze %dma_start3A_313 : memref<1x128xi32, #tpu.memory_space<vmem>> -> memref<128xi32, #tpu.memory_space<vmem>>
      %dma_start3A_315 = arith.constant 0 : i32
      %dma_start3A_316 = arith.constant 0 : i32
      %dma_start3A_317 = tpu.memref_slice %arg4[%dma_start3A_315, %dma_start3A_316] : memref<10000x128xf32, #tpu.memory_space<hbm>> -> memref<10000x128xf32, #tpu.memory_space<hbm>>
      tpu.enqueue_indirect_dma source(%dma_start3A_317 : memref<10000x128xf32, #tpu.memory_space<hbm>>) target(%arg10 : memref<128x128xf32, #tpu.memory_space<vmem>>) offsets(%dma_start3A_314 : memref<128xi32, #tpu.memory_space<vmem>>) semaphore(%arg13 : memref<!tpu.dma_semaphore, #tpu.memory_space<semaphore_mem>>)
      %dma_wait3A_318 = arith.constant 0 : i32
      %dma_wait3A_319 = arith.constant 1 : i32
      %dma_wait3A_320 = arith.constant 0 : i32
      %dma_wait3A_321 = arith.constant 0 : i32
      %dma_wait3A_322 = tpu.memref_slice %arg8[%dma_wait3A_318, %dma_wait3A_320, %dma_wait3A_321] : memref<2x8x128xi32, #tpu.memory_space<vmem>> -> memref<1x8x128xi32, #tpu.memory_space<vmem>>
      %dma_wait3A_323 = tpu.memref_squeeze %dma_wait3A_322 : memref<1x8x128xi32, #tpu.memory_space<vmem>> -> memref<8x128xi32, #tpu.memory_space<vmem>>
      %dma_wait3A_324 = arith.constant 0 : i32
      %dma_wait3A_325 = tpu.memref_slice %dma_wait3A_323[%dma_wait3A_319, %dma_wait3A_324] : memref<8x128xi32, #tpu.memory_space<vmem>> -> memref<1x128xi32, #tpu.memory_space<vmem>>
      %dma_wait3A_326 = tpu.memref_squeeze %dma_wait3A_325 : memref<1x128xi32, #tpu.memory_space<vmem>> -> memref<128xi32, #tpu.memory_space<vmem>>
      %dma_wait3A_327 = arith.constant 0 : i32
      %dma_wait3A_328 = arith.constant 0 : i32
      %dma_wait3A_329 = tpu.memref_slice %arg4[%dma_wait3A_327, %dma_wait3A_328] : memref<10000x128xf32, #tpu.memory_space<hbm>> -> memref<10000x128xf32, #tpu.memory_space<hbm>>
      tpu.wait_indirect_dma semaphore(%arg14 : memref<!tpu.dma_semaphore, #tpu.memory_space<semaphore_mem>>) src(%dma_wait3A_329 : memref<10000x128xf32, #tpu.memory_space<hbm>>) dst(%arg11 : memref<128x128xf32, #tpu.memory_space<vmem>>)
      %dma_start3A_330 = arith.constant 0 : i32
      %dma_start3A_331 = arith.constant 1 : i32
      %dma_start3A_332 = arith.constant 0 : i32
      %dma_start3A_333 = arith.constant 0 : i32
      %dma_start3A_334 = tpu.memref_slice %arg9[%dma_start3A_330, %dma_start3A_332, %dma_start3A_333] : memref<2x8x128xi32, #tpu.memory_space<vmem>> -> memref<1x8x128xi32, #tpu.memory_space<vmem>>
      %dma_start3A_335 = tpu.memref_squeeze %dma_start3A_334 : memref<1x8x128xi32, #tpu.memory_space<vmem>> -> memref<8x128xi32, #tpu.memory_space<vmem>>
      %dma_start3A_336 = arith.constant 0 : i32
      %dma_start3A_337 = tpu.memref_slice %dma_start3A_335[%dma_start3A_331, %dma_start3A_336] : memref<8x128xi32, #tpu.memory_space<vmem>> -> memref<1x128xi32, #tpu.memory_space<vmem>>
      %dma_start3A_338 = tpu.memref_squeeze %dma_start3A_337 : memref<1x128xi32, #tpu.memory_space<vmem>> -> memref<128xi32, #tpu.memory_space<vmem>>
      %dma_start3A_339 = arith.constant 0 : i32
      %dma_start3A_340 = arith.constant 0 : i32
      %dma_start3A_341 = tpu.memref_slice %arg12[%dma_start3A_339, %dma_start3A_340] : memref<10240x128xf32, #tpu.memory_space<vmem_shared>> -> memref<10240x128xf32, #tpu.memory_space<vmem_shared>>
      tpu.enqueue_indirect_dma source(%arg11 : memref<128x128xf32, #tpu.memory_space<vmem>>) target(%dma_start3A_341 : memref<10240x128xf32, #tpu.memory_space<vmem_shared>>) offsets(%dma_start3A_338 : memref<128xi32, #tpu.memory_space<vmem>>) semaphore(%arg16 : memref<!tpu.dma_semaphore, #tpu.memory_space<semaphore_mem>>) {add = true}
      %dma_wait3A_342 = arith.constant 0 : i32
      %dma_wait3A_343 = arith.constant 1 : i32
      %dma_wait3A_344 = arith.constant 0 : i32
      %dma_wait3A_345 = arith.constant 0 : i32
      %dma_wait3A_346 = tpu.memref_slice %arg9[%dma_wait3A_342, %dma_wait3A_344, %dma_wait3A_345] : memref<2x8x128xi32, #tpu.memory_space<vmem>> -> memref<1x8x128xi32, #tpu.memory_space<vmem>>
      %dma_wait3A_347 = tpu.memref_squeeze %dma_wait3A_346 : memref<1x8x128xi32, #tpu.memory_space<vmem>> -> memref<8x128xi32, #tpu.memory_space<vmem>>
      %dma_wait3A_348 = arith.constant 0 : i32
      %dma_wait3A_349 = tpu.memref_slice %dma_wait3A_347[%dma_wait3A_343, %dma_wait3A_348] : memref<8x128xi32, #tpu.memory_space<vmem>> -> memref<1x128xi32, #tpu.memory_space<vmem>>
      %dma_wait3A_350 = tpu.memref_squeeze %dma_wait3A_349 : memref<1x128xi32, #tpu.memory_space<vmem>> -> memref<128xi32, #tpu.memory_space<vmem>>
      %dma_wait3A_351 = arith.constant 0 : i32
      %dma_wait3A_352 = arith.constant 0 : i32
      %dma_wait3A_353 = tpu.memref_slice %arg12[%dma_wait3A_351, %dma_wait3A_352] : memref<10240x128xf32, #tpu.memory_space<vmem_shared>> -> memref<10240x128xf32, #tpu.memory_space<vmem_shared>>
      tpu.wait_indirect_dma semaphore(%arg16 : memref<!tpu.dma_semaphore, #tpu.memory_space<semaphore_mem>>) src(%arg11 : memref<128x128xf32, #tpu.memory_space<vmem>>) dst(%dma_wait3A_353 : memref<10240x128xf32, #tpu.memory_space<vmem_shared>>)
      %dma_start3A_354 = arith.constant 0 : i32
      %dma_start3A_355 = arith.constant 3 : i32
      %dma_start3A_356 = arith.constant 0 : i32
      %dma_start3A_357 = arith.constant 0 : i32
      %dma_start3A_358 = tpu.memref_slice %arg8[%dma_start3A_354, %dma_start3A_356, %dma_start3A_357] : memref<2x8x128xi32, #tpu.memory_space<vmem>> -> memref<1x8x128xi32, #tpu.memory_space<vmem>>
      %dma_start3A_359 = tpu.memref_squeeze %dma_start3A_358 : memref<1x8x128xi32, #tpu.memory_space<vmem>> -> memref<8x128xi32, #tpu.memory_space<vmem>>
      %dma_start3A_360 = arith.constant 0 : i32
      %dma_start3A_361 = tpu.memref_slice %dma_start3A_359[%dma_start3A_355, %dma_start3A_360] : memref<8x128xi32, #tpu.memory_space<vmem>> -> memref<1x128xi32, #tpu.memory_space<vmem>>
      %dma_start3A_362 = tpu.memref_squeeze %dma_start3A_361 : memref<1x128xi32, #tpu.memory_space<vmem>> -> memref<128xi32, #tpu.memory_space<vmem>>
      %dma_start3A_363 = arith.constant 0 : i32
      %dma_start3A_364 = arith.constant 0 : i32
      %dma_start3A_365 = tpu.memref_slice %arg4[%dma_start3A_363, %dma_start3A_364] : memref<10000x128xf32, #tpu.memory_space<hbm>> -> memref<10000x128xf32, #tpu.memory_space<hbm>>
      tpu.enqueue_indirect_dma source(%dma_start3A_365 : memref<10000x128xf32, #tpu.memory_space<hbm>>) target(%arg11 : memref<128x128xf32, #tpu.memory_space<vmem>>) offsets(%dma_start3A_362 : memref<128xi32, #tpu.memory_space<vmem>>) semaphore(%arg14 : memref<!tpu.dma_semaphore, #tpu.memory_space<semaphore_mem>>)
      %dma_wait3A_366 = arith.constant 0 : i32
      %dma_wait3A_367 = arith.constant 2 : i32
      %dma_wait3A_368 = arith.constant 0 : i32
      %dma_wait3A_369 = arith.constant 0 : i32
      %dma_wait3A_370 = tpu.memref_slice %arg8[%dma_wait3A_366, %dma_wait3A_368, %dma_wait3A_369] : memref<2x8x128xi32, #tpu.memory_space<vmem>> -> memref<1x8x128xi32, #tpu.memory_space<vmem>>
      %dma_wait3A_371 = tpu.memref_squeeze %dma_wait3A_370 : memref<1x8x128xi32, #tpu.memory_space<vmem>> -> memref<8x128xi32, #tpu.memory_space<vmem>>
      %dma_wait3A_372 = arith.constant 0 : i32
      %dma_wait3A_373 = tpu.memref_slice %dma_wait3A_371[%dma_wait3A_367, %dma_wait3A_372] : memref<8x128xi32, #tpu.memory_space<vmem>> -> memref<1x128xi32, #tpu.memory_space<vmem>>
      %dma_wait3A_374 = tpu.memref_squeeze %dma_wait3A_373 : memref<1x128xi32, #tpu.memory_space<vmem>> -> memref<128xi32, #tpu.memory_space<vmem>>
      %dma_wait3A_375 = arith.constant 0 : i32
      %dma_wait3A_376 = arith.constant 0 : i32
      %dma_wait3A_377 = tpu.memref_slice %arg4[%dma_wait3A_375, %dma_wait3A_376] : memref<10000x128xf32, #tpu.memory_space<hbm>> -> memref<10000x128xf32, #tpu.memory_space<hbm>>
      tpu.wait_indirect_dma semaphore(%arg13 : memref<!tpu.dma_semaphore, #tpu.memory_space<semaphore_mem>>) src(%dma_wait3A_377 : memref<10000x128xf32, #tpu.memory_space<hbm>>) dst(%arg10 : memref<128x128xf32, #tpu.memory_space<vmem>>)
      %dma_start3A_378 = arith.constant 0 : i32
      %dma_start3A_379 = arith.constant 2 : i32
      %dma_start3A_380 = arith.constant 0 : i32
      %dma_start3A_381 = arith.constant 0 : i32
      %dma_start3A_382 = tpu.memref_slice %arg9[%dma_start3A_378, %dma_start3A_380, %dma_start3A_381] : memref<2x8x128xi32, #tpu.memory_space<vmem>> -> memref<1x8x128xi32, #tpu.memory_space<vmem>>
      %dma_start3A_383 = tpu.memref_squeeze %dma_start3A_382 : memref<1x8x128xi32, #tpu.memory_space<vmem>> -> memref<8x128xi32, #tpu.memory_space<vmem>>
      %dma_start3A_384 = arith.constant 0 : i32
      %dma_start3A_385 = tpu.memref_slice %dma_start3A_383[%dma_start3A_379, %dma_start3A_384] : memref<8x128xi32, #tpu.memory_space<vmem>> -> memref<1x128xi32, #tpu.memory_space<vmem>>
      %dma_start3A_386 = tpu.memref_squeeze %dma_start3A_385 : memref<1x128xi32, #tpu.memory_space<vmem>> -> memref<128xi32, #tpu.memory_space<vmem>>
      %dma_start3A_387 = arith.constant 0 : i32
      %dma_start3A_388 = arith.constant 0 : i32
      %dma_start3A_389 = tpu.memref_slice %arg12[%dma_start3A_387, %dma_start3A_388] : memref<10240x128xf32, #tpu.memory_space<vmem_shared>> -> memref<10240x128xf32, #tpu.memory_space<vmem_shared>>
      tpu.enqueue_indirect_dma source(%arg10 : memref<128x128xf32, #tpu.memory_space<vmem>>) target(%dma_start3A_389 : memref<10240x128xf32, #tpu.memory_space<vmem_shared>>) offsets(%dma_start3A_386 : memref<128xi32, #tpu.memory_space<vmem>>) semaphore(%arg15 : memref<!tpu.dma_semaphore, #tpu.memory_space<semaphore_mem>>) {add = true}
      %dma_wait3A_390 = arith.constant 0 : i32
      %dma_wait3A_391 = arith.constant 2 : i32
      %dma_wait3A_392 = arith.constant 0 : i32
      %dma_wait3A_393 = arith.constant 0 : i32
      %dma_wait3A_394 = tpu.memref_slice %arg9[%dma_wait3A_390, %dma_wait3A_392, %dma_wait3A_393] : memref<2x8x128xi32, #tpu.memory_space<vmem>> -> memref<1x8x128xi32, #tpu.memory_space<vmem>>
      %dma_wait3A_395 = tpu.memref_squeeze %dma_wait3A_394 : memref<1x8x128xi32, #tpu.memory_space<vmem>> -> memref<8x128xi32, #tpu.memory_space<vmem>>
      %dma_wait3A_396 = arith.constant 0 : i32
      %dma_wait3A_397 = tpu.memref_slice %dma_wait3A_395[%dma_wait3A_391, %dma_wait3A_396] : memref<8x128xi32, #tpu.memory_space<vmem>> -> memref<1x128xi32, #tpu.memory_space<vmem>>
      %dma_wait3A_398 = tpu.memref_squeeze %dma_wait3A_397 : memref<1x128xi32, #tpu.memory_space<vmem>> -> memref<128xi32, #tpu.memory_space<vmem>>
      %dma_wait3A_399 = arith.constant 0 : i32
      %dma_wait3A_400 = arith.constant 0 : i32
      %dma_wait3A_401 = tpu.memref_slice %arg12[%dma_wait3A_399, %dma_wait3A_400] : memref<10240x128xf32, #tpu.memory_space<vmem_shared>> -> memref<10240x128xf32, #tpu.memory_space<vmem_shared>>
      tpu.wait_indirect_dma semaphore(%arg15 : memref<!tpu.dma_semaphore, #tpu.memory_space<semaphore_mem>>) src(%arg10 : memref<128x128xf32, #tpu.memory_space<vmem>>) dst(%dma_wait3A_401 : memref<10240x128xf32, #tpu.memory_space<vmem_shared>>)
      %dma_start3A_402 = arith.constant 0 : i32
      %dma_start3A_403 = arith.constant 4 : i32
      %dma_start3A_404 = arith.constant 0 : i32
      %dma_start3A_405 = arith.constant 0 : i32
      %dma_start3A_406 = tpu.memref_slice %arg8[%dma_start3A_402, %dma_start3A_404, %dma_start3A_405] : memref<2x8x128xi32, #tpu.memory_space<vmem>> -> memref<1x8x128xi32, #tpu.memory_space<vmem>>
      %dma_start3A_407 = tpu.memref_squeeze %dma_start3A_406 : memref<1x8x128xi32, #tpu.memory_space<vmem>> -> memref<8x128xi32, #tpu.memory_space<vmem>>
      %dma_start3A_408 = arith.constant 0 : i32
      %dma_start3A_409 = tpu.memref_slice %dma_start3A_407[%dma_start3A_403, %dma_start3A_408] : memref<8x128xi32, #tpu.memory_space<vmem>> -> memref<1x128xi32, #tpu.memory_space<vmem>>
      %dma_start3A_410 = tpu.memref_squeeze %dma_start3A_409 : memref<1x128xi32, #tpu.memory_space<vmem>> -> memref<128xi32, #tpu.memory_space<vmem>>
      %dma_start3A_411 = arith.constant 0 : i32
      %dma_start3A_412 = arith.constant 0 : i32
      %dma_start3A_413 = tpu.memref_slice %arg4[%dma_start3A_411, %dma_start3A_412] : memref<10000x128xf32, #tpu.memory_space<hbm>> -> memref<10000x128xf32, #tpu.memory_space<hbm>>
      tpu.enqueue_indirect_dma source(%dma_start3A_413 : memref<10000x128xf32, #tpu.memory_space<hbm>>) target(%arg10 : memref<128x128xf32, #tpu.memory_space<vmem>>) offsets(%dma_start3A_410 : memref<128xi32, #tpu.memory_space<vmem>>) semaphore(%arg13 : memref<!tpu.dma_semaphore, #tpu.memory_space<semaphore_mem>>)
      %dma_wait3A_414 = arith.constant 0 : i32
      %dma_wait3A_415 = arith.constant 3 : i32
      %dma_wait3A_416 = arith.constant 0 : i32
      %dma_wait3A_417 = arith.constant 0 : i32
      %dma_wait3A_418 = tpu.memref_slice %arg8[%dma_wait3A_414, %dma_wait3A_416, %dma_wait3A_417] : memref<2x8x128xi32, #tpu.memory_space<vmem>> -> memref<1x8x128xi32, #tpu.memory_space<vmem>>
      %dma_wait3A_419 = tpu.memref_squeeze %dma_wait3A_418 : memref<1x8x128xi32, #tpu.memory_space<vmem>> -> memref<8x128xi32, #tpu.memory_space<vmem>>
      %dma_wait3A_420 = arith.constant 0 : i32
      %dma_wait3A_421 = tpu.memref_slice %dma_wait3A_419[%dma_wait3A_415, %dma_wait3A_420] : memref<8x128xi32, #tpu.memory_space<vmem>> -> memref<1x128xi32, #tpu.memory_space<vmem>>
      %dma_wait3A_422 = tpu.memref_squeeze %dma_wait3A_421 : memref<1x128xi32, #tpu.memory_space<vmem>> -> memref<128xi32, #tpu.memory_space<vmem>>
      %dma_wait3A_423 = arith.constant 0 : i32
      %dma_wait3A_424 = arith.constant 0 : i32
      %dma_wait3A_425 = tpu.memref_slice %arg4[%dma_wait3A_423, %dma_wait3A_424] : memref<10000x128xf32, #tpu.memory_space<hbm>> -> memref<10000x128xf32, #tpu.memory_space<hbm>>
      tpu.wait_indirect_dma semaphore(%arg14 : memref<!tpu.dma_semaphore, #tpu.memory_space<semaphore_mem>>) src(%dma_wait3A_425 : memref<10000x128xf32, #tpu.memory_space<hbm>>) dst(%arg11 : memref<128x128xf32, #tpu.memory_space<vmem>>)
      %dma_start3A_426 = arith.constant 0 : i32
      %dma_start3A_427 = arith.constant 3 : i32
      %dma_start3A_428 = arith.constant 0 : i32
      %dma_start3A_429 = arith.constant 0 : i32
      %dma_start3A_430 = tpu.memref_slice %arg9[%dma_start3A_426, %dma_start3A_428, %dma_start3A_429] : memref<2x8x128xi32, #tpu.memory_space<vmem>> -> memref<1x8x128xi32, #tpu.memory_space<vmem>>
      %dma_start3A_431 = tpu.memref_squeeze %dma_start3A_430 : memref<1x8x128xi32, #tpu.memory_space<vmem>> -> memref<8x128xi32, #tpu.memory_space<vmem>>
      %dma_start3A_432 = arith.constant 0 : i32
      %dma_start3A_433 = tpu.memref_slice %dma_start3A_431[%dma_start3A_427, %dma_start3A_432] : memref<8x128xi32, #tpu.memory_space<vmem>> -> memref<1x128xi32, #tpu.memory_space<vmem>>
      %dma_start3A_434 = tpu.memref_squeeze %dma_start3A_433 : memref<1x128xi32, #tpu.memory_space<vmem>> -> memref<128xi32, #tpu.memory_space<vmem>>
      %dma_start3A_435 = arith.constant 0 : i32
      %dma_start3A_436 = arith.constant 0 : i32
      %dma_start3A_437 = tpu.memref_slice %arg12[%dma_start3A_435, %dma_start3A_436] : memref<10240x128xf32, #tpu.memory_space<vmem_shared>> -> memref<10240x128xf32, #tpu.memory_space<vmem_shared>>
      tpu.enqueue_indirect_dma source(%arg11 : memref<128x128xf32, #tpu.memory_space<vmem>>) target(%dma_start3A_437 : memref<10240x128xf32, #tpu.memory_space<vmem_shared>>) offsets(%dma_start3A_434 : memref<128xi32, #tpu.memory_space<vmem>>) semaphore(%arg16 : memref<!tpu.dma_semaphore, #tpu.memory_space<semaphore_mem>>) {add = true}
      %dma_wait3A_438 = arith.constant 0 : i32
      %dma_wait3A_439 = arith.constant 3 : i32
      %dma_wait3A_440 = arith.constant 0 : i32
      %dma_wait3A_441 = arith.constant 0 : i32
      %dma_wait3A_442 = tpu.memref_slice %arg9[%dma_wait3A_438, %dma_wait3A_440, %dma_wait3A_441] : memref<2x8x128xi32, #tpu.memory_space<vmem>> -> memref<1x8x128xi32, #tpu.memory_space<vmem>>
      %dma_wait3A_443 = tpu.memref_squeeze %dma_wait3A_442 : memref<1x8x128xi32, #tpu.memory_space<vmem>> -> memref<8x128xi32, #tpu.memory_space<vmem>>
      %dma_wait3A_444 = arith.constant 0 : i32
      %dma_wait3A_445 = tpu.memref_slice %dma_wait3A_443[%dma_wait3A_439, %dma_wait3A_444] : memref<8x128xi32, #tpu.memory_space<vmem>> -> memref<1x128xi32, #tpu.memory_space<vmem>>
      %dma_wait3A_446 = tpu.memref_squeeze %dma_wait3A_445 : memref<1x128xi32, #tpu.memory_space<vmem>> -> memref<128xi32, #tpu.memory_space<vmem>>
      %dma_wait3A_447 = arith.constant 0 : i32
      %dma_wait3A_448 = arith.constant 0 : i32
      %dma_wait3A_449 = tpu.memref_slice %arg12[%dma_wait3A_447, %dma_wait3A_448] : memref<10240x128xf32, #tpu.memory_space<vmem_shared>> -> memref<10240x128xf32, #tpu.memory_space<vmem_shared>>
      tpu.wait_indirect_dma semaphore(%arg16 : memref<!tpu.dma_semaphore, #tpu.memory_space<semaphore_mem>>) src(%arg11 : memref<128x128xf32, #tpu.memory_space<vmem>>) dst(%dma_wait3A_449 : memref<10240x128xf32, #tpu.memory_space<vmem_shared>>)
      %dma_start3A_450 = arith.constant 0 : i32
      %dma_start3A_451 = arith.constant 5 : i32
      %dma_start3A_452 = arith.constant 0 : i32
      %dma_start3A_453 = arith.constant 0 : i32
      %dma_start3A_454 = tpu.memref_slice %arg8[%dma_start3A_450, %dma_start3A_452, %dma_start3A_453] : memref<2x8x128xi32, #tpu.memory_space<vmem>> -> memref<1x8x128xi32, #tpu.memory_space<vmem>>
      %dma_start3A_455 = tpu.memref_squeeze %dma_start3A_454 : memref<1x8x128xi32, #tpu.memory_space<vmem>> -> memref<8x128xi32, #tpu.memory_space<vmem>>
      %dma_start3A_456 = arith.constant 0 : i32
      %dma_start3A_457 = tpu.memref_slice %dma_start3A_455[%dma_start3A_451, %dma_start3A_456] : memref<8x128xi32, #tpu.memory_space<vmem>> -> memref<1x128xi32, #tpu.memory_space<vmem>>
      %dma_start3A_458 = tpu.memref_squeeze %dma_start3A_457 : memref<1x128xi32, #tpu.memory_space<vmem>> -> memref<128xi32, #tpu.memory_space<vmem>>
      %dma_start3A_459 = arith.constant 0 : i32
      %dma_start3A_460 = arith.constant 0 : i32
      %dma_start3A_461 = tpu.memref_slice %arg4[%dma_start3A_459, %dma_start3A_460] : memref<10000x128xf32, #tpu.memory_space<hbm>> -> memref<10000x128xf32, #tpu.memory_space<hbm>>
      tpu.enqueue_indirect_dma source(%dma_start3A_461 : memref<10000x128xf32, #tpu.memory_space<hbm>>) target(%arg11 : memref<128x128xf32, #tpu.memory_space<vmem>>) offsets(%dma_start3A_458 : memref<128xi32, #tpu.memory_space<vmem>>) semaphore(%arg14 : memref<!tpu.dma_semaphore, #tpu.memory_space<semaphore_mem>>)
      %dma_wait3A_462 = arith.constant 0 : i32
      %dma_wait3A_463 = arith.constant 4 : i32
      %dma_wait3A_464 = arith.constant 0 : i32
      %dma_wait3A_465 = arith.constant 0 : i32
      %dma_wait3A_466 = tpu.memref_slice %arg8[%dma_wait3A_462, %dma_wait3A_464, %dma_wait3A_465] : memref<2x8x128xi32, #tpu.memory_space<vmem>> -> memref<1x8x128xi32, #tpu.memory_space<vmem>>
      %dma_wait3A_467 = tpu.memref_squeeze %dma_wait3A_466 : memref<1x8x128xi32, #tpu.memory_space<vmem>> -> memref<8x128xi32, #tpu.memory_space<vmem>>
      %dma_wait3A_468 = arith.constant 0 : i32
      %dma_wait3A_469 = tpu.memref_slice %dma_wait3A_467[%dma_wait3A_463, %dma_wait3A_468] : memref<8x128xi32, #tpu.memory_space<vmem>> -> memref<1x128xi32, #tpu.memory_space<vmem>>
      %dma_wait3A_470 = tpu.memref_squeeze %dma_wait3A_469 : memref<1x128xi32, #tpu.memory_space<vmem>> -> memref<128xi32, #tpu.memory_space<vmem>>
      %dma_wait3A_471 = arith.constant 0 : i32
      %dma_wait3A_472 = arith.constant 0 : i32
      %dma_wait3A_473 = tpu.memref_slice %arg4[%dma_wait3A_471, %dma_wait3A_472] : memref<10000x128xf32, #tpu.memory_space<hbm>> -> memref<10000x128xf32, #tpu.memory_space<hbm>>
      tpu.wait_indirect_dma semaphore(%arg13 : memref<!tpu.dma_semaphore, #tpu.memory_space<semaphore_mem>>) src(%dma_wait3A_473 : memref<10000x128xf32, #tpu.memory_space<hbm>>) dst(%arg10 : memref<128x128xf32, #tpu.memory_space<vmem>>)
      %dma_start3A_474 = arith.constant 0 : i32
      %dma_start3A_475 = arith.constant 4 : i32
      %dma_start3A_476 = arith.constant 0 : i32
      %dma_start3A_477 = arith.constant 0 : i32
      %dma_start3A_478 = tpu.memref_slice %arg9[%dma_start3A_474, %dma_start3A_476, %dma_start3A_477] : memref<2x8x128xi32, #tpu.memory_space<vmem>> -> memref<1x8x128xi32, #tpu.memory_space<vmem>>
      %dma_start3A_479 = tpu.memref_squeeze %dma_start3A_478 : memref<1x8x128xi32, #tpu.memory_space<vmem>> -> memref<8x128xi32, #tpu.memory_space<vmem>>
      %dma_start3A_480 = arith.constant 0 : i32
      %dma_start3A_481 = tpu.memref_slice %dma_start3A_479[%dma_start3A_475, %dma_start3A_480] : memref<8x128xi32, #tpu.memory_space<vmem>> -> memref<1x128xi32, #tpu.memory_space<vmem>>
      %dma_start3A_482 = tpu.memref_squeeze %dma_start3A_481 : memref<1x128xi32, #tpu.memory_space<vmem>> -> memref<128xi32, #tpu.memory_space<vmem>>
      %dma_start3A_483 = arith.constant 0 : i32
      %dma_start3A_484 = arith.constant 0 : i32
      %dma_start3A_485 = tpu.memref_slice %arg12[%dma_start3A_483, %dma_start3A_484] : memref<10240x128xf32, #tpu.memory_space<vmem_shared>> -> memref<10240x128xf32, #tpu.memory_space<vmem_shared>>
      tpu.enqueue_indirect_dma source(%arg10 : memref<128x128xf32, #tpu.memory_space<vmem>>) target(%dma_start3A_485 : memref<10240x128xf32, #tpu.memory_space<vmem_shared>>) offsets(%dma_start3A_482 : memref<128xi32, #tpu.memory_space<vmem>>) semaphore(%arg15 : memref<!tpu.dma_semaphore, #tpu.memory_space<semaphore_mem>>) {add = true}
      %dma_wait3A_486 = arith.constant 0 : i32
      %dma_wait3A_487 = arith.constant 4 : i32
      %dma_wait3A_488 = arith.constant 0 : i32
      %dma_wait3A_489 = arith.constant 0 : i32
      %dma_wait3A_490 = tpu.memref_slice %arg9[%dma_wait3A_486, %dma_wait3A_488, %dma_wait3A_489] : memref<2x8x128xi32, #tpu.memory_space<vmem>> -> memref<1x8x128xi32, #tpu.memory_space<vmem>>
      %dma_wait3A_491 = tpu.memref_squeeze %dma_wait3A_490 : memref<1x8x128xi32, #tpu.memory_space<vmem>> -> memref<8x128xi32, #tpu.memory_space<vmem>>
      %dma_wait3A_492 = arith.constant 0 : i32
      %dma_wait3A_493 = tpu.memref_slice %dma_wait3A_491[%dma_wait3A_487, %dma_wait3A_492] : memref<8x128xi32, #tpu.memory_space<vmem>> -> memref<1x128xi32, #tpu.memory_space<vmem>>
      %dma_wait3A_494 = tpu.memref_squeeze %dma_wait3A_493 : memref<1x128xi32, #tpu.memory_space<vmem>> -> memref<128xi32, #tpu.memory_space<vmem>>
      %dma_wait3A_495 = arith.constant 0 : i32
      %dma_wait3A_496 = arith.constant 0 : i32
      %dma_wait3A_497 = tpu.memref_slice %arg12[%dma_wait3A_495, %dma_wait3A_496] : memref<10240x128xf32, #tpu.memory_space<vmem_shared>> -> memref<10240x128xf32, #tpu.memory_space<vmem_shared>>
      tpu.wait_indirect_dma semaphore(%arg15 : memref<!tpu.dma_semaphore, #tpu.memory_space<semaphore_mem>>) src(%arg10 : memref<128x128xf32, #tpu.memory_space<vmem>>) dst(%dma_wait3A_497 : memref<10240x128xf32, #tpu.memory_space<vmem_shared>>)
      %dma_start3A_498 = arith.constant 0 : i32
      %dma_start3A_499 = arith.constant 6 : i32
      %dma_start3A_500 = arith.constant 0 : i32
      %dma_start3A_501 = arith.constant 0 : i32
      %dma_start3A_502 = tpu.memref_slice %arg8[%dma_start3A_498, %dma_start3A_500, %dma_start3A_501] : memref<2x8x128xi32, #tpu.memory_space<vmem>> -> memref<1x8x128xi32, #tpu.memory_space<vmem>>
      %dma_start3A_503 = tpu.memref_squeeze %dma_start3A_502 : memref<1x8x128xi32, #tpu.memory_space<vmem>> -> memref<8x128xi32, #tpu.memory_space<vmem>>
      %dma_start3A_504 = arith.constant 0 : i32
      %dma_start3A_505 = tpu.memref_slice %dma_start3A_503[%dma_start3A_499, %dma_start3A_504] : memref<8x128xi32, #tpu.memory_space<vmem>> -> memref<1x128xi32, #tpu.memory_space<vmem>>
      %dma_start3A_506 = tpu.memref_squeeze %dma_start3A_505 : memref<1x128xi32, #tpu.memory_space<vmem>> -> memref<128xi32, #tpu.memory_space<vmem>>
      %dma_start3A_507 = arith.constant 0 : i32
      %dma_start3A_508 = arith.constant 0 : i32
      %dma_start3A_509 = tpu.memref_slice %arg4[%dma_start3A_507, %dma_start3A_508] : memref<10000x128xf32, #tpu.memory_space<hbm>> -> memref<10000x128xf32, #tpu.memory_space<hbm>>
      tpu.enqueue_indirect_dma source(%dma_start3A_509 : memref<10000x128xf32, #tpu.memory_space<hbm>>) target(%arg10 : memref<128x128xf32, #tpu.memory_space<vmem>>) offsets(%dma_start3A_506 : memref<128xi32, #tpu.memory_space<vmem>>) semaphore(%arg13 : memref<!tpu.dma_semaphore, #tpu.memory_space<semaphore_mem>>)
      %dma_wait3A_510 = arith.constant 0 : i32
      %dma_wait3A_511 = arith.constant 5 : i32
      %dma_wait3A_512 = arith.constant 0 : i32
      %dma_wait3A_513 = arith.constant 0 : i32
      %dma_wait3A_514 = tpu.memref_slice %arg8[%dma_wait3A_510, %dma_wait3A_512, %dma_wait3A_513] : memref<2x8x128xi32, #tpu.memory_space<vmem>> -> memref<1x8x128xi32, #tpu.memory_space<vmem>>
      %dma_wait3A_515 = tpu.memref_squeeze %dma_wait3A_514 : memref<1x8x128xi32, #tpu.memory_space<vmem>> -> memref<8x128xi32, #tpu.memory_space<vmem>>
      %dma_wait3A_516 = arith.constant 0 : i32
      %dma_wait3A_517 = tpu.memref_slice %dma_wait3A_515[%dma_wait3A_511, %dma_wait3A_516] : memref<8x128xi32, #tpu.memory_space<vmem>> -> memref<1x128xi32, #tpu.memory_space<vmem>>
      %dma_wait3A_518 = tpu.memref_squeeze %dma_wait3A_517 : memref<1x128xi32, #tpu.memory_space<vmem>> -> memref<128xi32, #tpu.memory_space<vmem>>
      %dma_wait3A_519 = arith.constant 0 : i32
      %dma_wait3A_520 = arith.constant 0 : i32
      %dma_wait3A_521 = tpu.memref_slice %arg4[%dma_wait3A_519, %dma_wait3A_520] : memref<10000x128xf32, #tpu.memory_space<hbm>> -> memref<10000x128xf32, #tpu.memory_space<hbm>>
      tpu.wait_indirect_dma semaphore(%arg14 : memref<!tpu.dma_semaphore, #tpu.memory_space<semaphore_mem>>) src(%dma_wait3A_521 : memref<10000x128xf32, #tpu.memory_space<hbm>>) dst(%arg11 : memref<128x128xf32, #tpu.memory_space<vmem>>)
      %dma_start3A_522 = arith.constant 0 : i32
      %dma_start3A_523 = arith.constant 5 : i32
      %dma_start3A_524 = arith.constant 0 : i32
      %dma_start3A_525 = arith.constant 0 : i32
      %dma_start3A_526 = tpu.memref_slice %arg9[%dma_start3A_522, %dma_start3A_524, %dma_start3A_525] : memref<2x8x128xi32, #tpu.memory_space<vmem>> -> memref<1x8x128xi32, #tpu.memory_space<vmem>>
      %dma_start3A_527 = tpu.memref_squeeze %dma_start3A_526 : memref<1x8x128xi32, #tpu.memory_space<vmem>> -> memref<8x128xi32, #tpu.memory_space<vmem>>
      %dma_start3A_528 = arith.constant 0 : i32
      %dma_start3A_529 = tpu.memref_slice %dma_start3A_527[%dma_start3A_523, %dma_start3A_528] : memref<8x128xi32, #tpu.memory_space<vmem>> -> memref<1x128xi32, #tpu.memory_space<vmem>>
      %dma_start3A_530 = tpu.memref_squeeze %dma_start3A_529 : memref<1x128xi32, #tpu.memory_space<vmem>> -> memref<128xi32, #tpu.memory_space<vmem>>
      %dma_start3A_531 = arith.constant 0 : i32
      %dma_start3A_532 = arith.constant 0 : i32
      %dma_start3A_533 = tpu.memref_slice %arg12[%dma_start3A_531, %dma_start3A_532] : memref<10240x128xf32, #tpu.memory_space<vmem_shared>> -> memref<10240x128xf32, #tpu.memory_space<vmem_shared>>
      tpu.enqueue_indirect_dma source(%arg11 : memref<128x128xf32, #tpu.memory_space<vmem>>) target(%dma_start3A_533 : memref<10240x128xf32, #tpu.memory_space<vmem_shared>>) offsets(%dma_start3A_530 : memref<128xi32, #tpu.memory_space<vmem>>) semaphore(%arg16 : memref<!tpu.dma_semaphore, #tpu.memory_space<semaphore_mem>>) {add = true}
      %dma_wait3A_534 = arith.constant 0 : i32
      %dma_wait3A_535 = arith.constant 5 : i32
      %dma_wait3A_536 = arith.constant 0 : i32
      %dma_wait3A_537 = arith.constant 0 : i32
      %dma_wait3A_538 = tpu.memref_slice %arg9[%dma_wait3A_534, %dma_wait3A_536, %dma_wait3A_537] : memref<2x8x128xi32, #tpu.memory_space<vmem>> -> memref<1x8x128xi32, #tpu.memory_space<vmem>>
      %dma_wait3A_539 = tpu.memref_squeeze %dma_wait3A_538 : memref<1x8x128xi32, #tpu.memory_space<vmem>> -> memref<8x128xi32, #tpu.memory_space<vmem>>
      %dma_wait3A_540 = arith.constant 0 : i32
      %dma_wait3A_541 = tpu.memref_slice %dma_wait3A_539[%dma_wait3A_535, %dma_wait3A_540] : memref<8x128xi32, #tpu.memory_space<vmem>> -> memref<1x128xi32, #tpu.memory_space<vmem>>
      %dma_wait3A_542 = tpu.memref_squeeze %dma_wait3A_541 : memref<1x128xi32, #tpu.memory_space<vmem>> -> memref<128xi32, #tpu.memory_space<vmem>>
      %dma_wait3A_543 = arith.constant 0 : i32
      %dma_wait3A_544 = arith.constant 0 : i32
      %dma_wait3A_545 = tpu.memref_slice %arg12[%dma_wait3A_543, %dma_wait3A_544] : memref<10240x128xf32, #tpu.memory_space<vmem_shared>> -> memref<10240x128xf32, #tpu.memory_space<vmem_shared>>
      tpu.wait_indirect_dma semaphore(%arg16 : memref<!tpu.dma_semaphore, #tpu.memory_space<semaphore_mem>>) src(%arg11 : memref<128x128xf32, #tpu.memory_space<vmem>>) dst(%dma_wait3A_545 : memref<10240x128xf32, #tpu.memory_space<vmem_shared>>)
      %dma_start3A_546 = arith.constant 0 : i32
      %dma_start3A_547 = arith.constant 7 : i32
      %dma_start3A_548 = arith.constant 0 : i32
      %dma_start3A_549 = arith.constant 0 : i32
      %dma_start3A_550 = tpu.memref_slice %arg8[%dma_start3A_546, %dma_start3A_548, %dma_start3A_549] : memref<2x8x128xi32, #tpu.memory_space<vmem>> -> memref<1x8x128xi32, #tpu.memory_space<vmem>>
      %dma_start3A_551 = tpu.memref_squeeze %dma_start3A_550 : memref<1x8x128xi32, #tpu.memory_space<vmem>> -> memref<8x128xi32, #tpu.memory_space<vmem>>
      %dma_start3A_552 = arith.constant 0 : i32
      %dma_start3A_553 = tpu.memref_slice %dma_start3A_551[%dma_start3A_547, %dma_start3A_552] : memref<8x128xi32, #tpu.memory_space<vmem>> -> memref<1x128xi32, #tpu.memory_space<vmem>>
      %dma_start3A_554 = tpu.memref_squeeze %dma_start3A_553 : memref<1x128xi32, #tpu.memory_space<vmem>> -> memref<128xi32, #tpu.memory_space<vmem>>
      %dma_start3A_555 = arith.constant 0 : i32
      %dma_start3A_556 = arith.constant 0 : i32
      %dma_start3A_557 = tpu.memref_slice %arg4[%dma_start3A_555, %dma_start3A_556] : memref<10000x128xf32, #tpu.memory_space<hbm>> -> memref<10000x128xf32, #tpu.memory_space<hbm>>
      tpu.enqueue_indirect_dma source(%dma_start3A_557 : memref<10000x128xf32, #tpu.memory_space<hbm>>) target(%arg11 : memref<128x128xf32, #tpu.memory_space<vmem>>) offsets(%dma_start3A_554 : memref<128xi32, #tpu.memory_space<vmem>>) semaphore(%arg14 : memref<!tpu.dma_semaphore, #tpu.memory_space<semaphore_mem>>)
      %dma_wait3A_558 = arith.constant 0 : i32
      %dma_wait3A_559 = arith.constant 6 : i32
      %dma_wait3A_560 = arith.constant 0 : i32
      %dma_wait3A_561 = arith.constant 0 : i32
      %dma_wait3A_562 = tpu.memref_slice %arg8[%dma_wait3A_558, %dma_wait3A_560, %dma_wait3A_561] : memref<2x8x128xi32, #tpu.memory_space<vmem>> -> memref<1x8x128xi32, #tpu.memory_space<vmem>>
      %dma_wait3A_563 = tpu.memref_squeeze %dma_wait3A_562 : memref<1x8x128xi32, #tpu.memory_space<vmem>> -> memref<8x128xi32, #tpu.memory_space<vmem>>
      %dma_wait3A_564 = arith.constant 0 : i32
      %dma_wait3A_565 = tpu.memref_slice %dma_wait3A_563[%dma_wait3A_559, %dma_wait3A_564] : memref<8x128xi32, #tpu.memory_space<vmem>> -> memref<1x128xi32, #tpu.memory_space<vmem>>
      %dma_wait3A_566 = tpu.memref_squeeze %dma_wait3A_565 : memref<1x128xi32, #tpu.memory_space<vmem>> -> memref<128xi32, #tpu.memory_space<vmem>>
      %dma_wait3A_567 = arith.constant 0 : i32
      %dma_wait3A_568 = arith.constant 0 : i32
      %dma_wait3A_569 = tpu.memref_slice %arg4[%dma_wait3A_567, %dma_wait3A_568] : memref<10000x128xf32, #tpu.memory_space<hbm>> -> memref<10000x128xf32, #tpu.memory_space<hbm>>
      tpu.wait_indirect_dma semaphore(%arg13 : memref<!tpu.dma_semaphore, #tpu.memory_space<semaphore_mem>>) src(%dma_wait3A_569 : memref<10000x128xf32, #tpu.memory_space<hbm>>) dst(%arg10 : memref<128x128xf32, #tpu.memory_space<vmem>>)
      %dma_start3A_570 = arith.constant 0 : i32
      %dma_start3A_571 = arith.constant 6 : i32
      %dma_start3A_572 = arith.constant 0 : i32
      %dma_start3A_573 = arith.constant 0 : i32
      %dma_start3A_574 = tpu.memref_slice %arg9[%dma_start3A_570, %dma_start3A_572, %dma_start3A_573] : memref<2x8x128xi32, #tpu.memory_space<vmem>> -> memref<1x8x128xi32, #tpu.memory_space<vmem>>
      %dma_start3A_575 = tpu.memref_squeeze %dma_start3A_574 : memref<1x8x128xi32, #tpu.memory_space<vmem>> -> memref<8x128xi32, #tpu.memory_space<vmem>>
      %dma_start3A_576 = arith.constant 0 : i32
      %dma_start3A_577 = tpu.memref_slice %dma_start3A_575[%dma_start3A_571, %dma_start3A_576] : memref<8x128xi32, #tpu.memory_space<vmem>> -> memref<1x128xi32, #tpu.memory_space<vmem>>
      %dma_start3A_578 = tpu.memref_squeeze %dma_start3A_577 : memref<1x128xi32, #tpu.memory_space<vmem>> -> memref<128xi32, #tpu.memory_space<vmem>>
      %dma_start3A_579 = arith.constant 0 : i32
      %dma_start3A_580 = arith.constant 0 : i32
      %dma_start3A_581 = tpu.memref_slice %arg12[%dma_start3A_579, %dma_start3A_580] : memref<10240x128xf32, #tpu.memory_space<vmem_shared>> -> memref<10240x128xf32, #tpu.memory_space<vmem_shared>>
      tpu.enqueue_indirect_dma source(%arg10 : memref<128x128xf32, #tpu.memory_space<vmem>>) target(%dma_start3A_581 : memref<10240x128xf32, #tpu.memory_space<vmem_shared>>) offsets(%dma_start3A_578 : memref<128xi32, #tpu.memory_space<vmem>>) semaphore(%arg15 : memref<!tpu.dma_semaphore, #tpu.memory_space<semaphore_mem>>) {add = true}
      %dma_wait3A_582 = arith.constant 0 : i32
      %dma_wait3A_583 = arith.constant 7 : i32
      %dma_wait3A_584 = arith.constant 0 : i32
      %dma_wait3A_585 = arith.constant 0 : i32
      %dma_wait3A_586 = tpu.memref_slice %arg8[%dma_wait3A_582, %dma_wait3A_584, %dma_wait3A_585] : memref<2x8x128xi32, #tpu.memory_space<vmem>> -> memref<1x8x128xi32, #tpu.memory_space<vmem>>
      %dma_wait3A_587 = tpu.memref_squeeze %dma_wait3A_586 : memref<1x8x128xi32, #tpu.memory_space<vmem>> -> memref<8x128xi32, #tpu.memory_space<vmem>>
      %dma_wait3A_588 = arith.constant 0 : i32
      %dma_wait3A_589 = tpu.memref_slice %dma_wait3A_587[%dma_wait3A_583, %dma_wait3A_588] : memref<8x128xi32, #tpu.memory_space<vmem>> -> memref<1x128xi32, #tpu.memory_space<vmem>>
      %dma_wait3A_590 = tpu.memref_squeeze %dma_wait3A_589 : memref<1x128xi32, #tpu.memory_space<vmem>> -> memref<128xi32, #tpu.memory_space<vmem>>
      %dma_wait3A_591 = arith.constant 0 : i32
      %dma_wait3A_592 = arith.constant 0 : i32
      %dma_wait3A_593 = tpu.memref_slice %arg4[%dma_wait3A_591, %dma_wait3A_592] : memref<10000x128xf32, #tpu.memory_space<hbm>> -> memref<10000x128xf32, #tpu.memory_space<hbm>>
      tpu.wait_indirect_dma semaphore(%arg14 : memref<!tpu.dma_semaphore, #tpu.memory_space<semaphore_mem>>) src(%dma_wait3A_593 : memref<10000x128xf32, #tpu.memory_space<hbm>>) dst(%arg11 : memref<128x128xf32, #tpu.memory_space<vmem>>)
      %dma_start3A_594 = arith.constant 0 : i32
      %dma_start3A_595 = arith.constant 7 : i32
      %dma_start3A_596 = arith.constant 0 : i32
      %dma_start3A_597 = arith.constant 0 : i32
      %dma_start3A_598 = tpu.memref_slice %arg9[%dma_start3A_594, %dma_start3A_596, %dma_start3A_597] : memref<2x8x128xi32, #tpu.memory_space<vmem>> -> memref<1x8x128xi32, #tpu.memory_space<vmem>>
      %dma_start3A_599 = tpu.memref_squeeze %dma_start3A_598 : memref<1x8x128xi32, #tpu.memory_space<vmem>> -> memref<8x128xi32, #tpu.memory_space<vmem>>
      %dma_start3A_600 = arith.constant 0 : i32
      %dma_start3A_601 = tpu.memref_slice %dma_start3A_599[%dma_start3A_595, %dma_start3A_600] : memref<8x128xi32, #tpu.memory_space<vmem>> -> memref<1x128xi32, #tpu.memory_space<vmem>>
      %dma_start3A_602 = tpu.memref_squeeze %dma_start3A_601 : memref<1x128xi32, #tpu.memory_space<vmem>> -> memref<128xi32, #tpu.memory_space<vmem>>
      %dma_start3A_603 = arith.constant 0 : i32
      %dma_start3A_604 = arith.constant 0 : i32
      %dma_start3A_605 = tpu.memref_slice %arg12[%dma_start3A_603, %dma_start3A_604] : memref<10240x128xf32, #tpu.memory_space<vmem_shared>> -> memref<10240x128xf32, #tpu.memory_space<vmem_shared>>
      tpu.enqueue_indirect_dma source(%arg11 : memref<128x128xf32, #tpu.memory_space<vmem>>) target(%dma_start3A_605 : memref<10240x128xf32, #tpu.memory_space<vmem_shared>>) offsets(%dma_start3A_602 : memref<128xi32, #tpu.memory_space<vmem>>) semaphore(%arg16 : memref<!tpu.dma_semaphore, #tpu.memory_space<semaphore_mem>>) {add = true}
      %dma_wait3A_606 = arith.constant 0 : i32
      %dma_wait3A_607 = arith.constant 6 : i32
      %dma_wait3A_608 = arith.constant 0 : i32
      %dma_wait3A_609 = arith.constant 0 : i32
      %dma_wait3A_610 = tpu.memref_slice %arg9[%dma_wait3A_606, %dma_wait3A_608, %dma_wait3A_609] : memref<2x8x128xi32, #tpu.memory_space<vmem>> -> memref<1x8x128xi32, #tpu.memory_space<vmem>>
      %dma_wait3A_611 = tpu.memref_squeeze %dma_wait3A_610 : memref<1x8x128xi32, #tpu.memory_space<vmem>> -> memref<8x128xi32, #tpu.memory_space<vmem>>
      %dma_wait3A_612 = arith.constant 0 : i32
      %dma_wait3A_613 = tpu.memref_slice %dma_wait3A_611[%dma_wait3A_607, %dma_wait3A_612] : memref<8x128xi32, #tpu.memory_space<vmem>> -> memref<1x128xi32, #tpu.memory_space<vmem>>
      %dma_wait3A_614 = tpu.memref_squeeze %dma_wait3A_613 : memref<1x128xi32, #tpu.memory_space<vmem>> -> memref<128xi32, #tpu.memory_space<vmem>>
      %dma_wait3A_615 = arith.constant 0 : i32
      %dma_wait3A_616 = arith.constant 0 : i32
      %dma_wait3A_617 = tpu.memref_slice %arg12[%dma_wait3A_615, %dma_wait3A_616] : memref<10240x128xf32, #tpu.memory_space<vmem_shared>> -> memref<10240x128xf32, #tpu.memory_space<vmem_shared>>
      tpu.wait_indirect_dma semaphore(%arg15 : memref<!tpu.dma_semaphore, #tpu.memory_space<semaphore_mem>>) src(%arg10 : memref<128x128xf32, #tpu.memory_space<vmem>>) dst(%dma_wait3A_617 : memref<10240x128xf32, #tpu.memory_space<vmem_shared>>)
      %dma_wait3A_618 = arith.constant 0 : i32
      %dma_wait3A_619 = arith.constant 7 : i32
      %dma_wait3A_620 = arith.constant 0 : i32
      %dma_wait3A_621 = arith.constant 0 : i32
      %dma_wait3A_622 = tpu.memref_slice %arg9[%dma_wait3A_618, %dma_wait3A_620, %dma_wait3A_621] : memref<2x8x128xi32, #tpu.memory_space<vmem>> -> memref<1x8x128xi32, #tpu.memory_space<vmem>>
      %dma_wait3A_623 = tpu.memref_squeeze %dma_wait3A_622 : memref<1x8x128xi32, #tpu.memory_space<vmem>> -> memref<8x128xi32, #tpu.memory_space<vmem>>
      %dma_wait3A_624 = arith.constant 0 : i32
      %dma_wait3A_625 = tpu.memref_slice %dma_wait3A_623[%dma_wait3A_619, %dma_wait3A_624] : memref<8x128xi32, #tpu.memory_space<vmem>> -> memref<1x128xi32, #tpu.memory_space<vmem>>
      %dma_wait3A_626 = tpu.memref_squeeze %dma_wait3A_625 : memref<1x128xi32, #tpu.memory_space<vmem>> -> memref<128xi32, #tpu.memory_space<vmem>>
      %dma_wait3A_627 = arith.constant 0 : i32
      %dma_wait3A_628 = arith.constant 0 : i32
      %dma_wait3A_629 = tpu.memref_slice %arg12[%dma_wait3A_627, %dma_wait3A_628] : memref<10240x128xf32, #tpu.memory_space<vmem_shared>> -> memref<10240x128xf32, #tpu.memory_space<vmem_shared>>
      tpu.wait_indirect_dma semaphore(%arg16 : memref<!tpu.dma_semaphore, #tpu.memory_space<semaphore_mem>>) src(%arg11 : memref<128x128xf32, #tpu.memory_space<vmem>>) dst(%dma_wait3A_629 : memref<10240x128xf32, #tpu.memory_space<vmem_shared>>)
      %add3A_630 = arith.constant 2 : i32
      %add3A_631 = arith.addi %mul3A_201, %add3A_630 : i32
      %lt3A = arith.cmpi slt, %add3A_631, %select_n3A_20 : i32
      %convert_element_type3A_632 = arith.extui %lt3A : i1 to i32
      %cond3A_633 = arith.constant 0 : i32
      %cond3A_634 = arith.cmpi ne, %convert_element_type3A_632, %cond3A_633 : i32
      scf.if %cond3A_634 {
        %mul3A_641 = arith.constant 8 : i32
        %mul3A_642 = arith.muli %add3A_631, %mul3A_641 : i32
        %add3A_643 = arith.addi %mul3A_642, %mul3A_0 : i32
        %multiple_of3A = tpu.assume_multiple %add3A_643, 8 : i32
        %dma_start3A_644 = arith.constant 0 : i32
        %dma_start3A_645 = arith.constant 0 : i32
        %dma_start3A_646 = arith.constant 0 : i32
        %dma_start3A_647 = tpu.memref_slice %arg8[%dma_start3A_644, %dma_start3A_645, %dma_start3A_646] : memref<2x8x128xi32, #tpu.memory_space<vmem>> -> memref<1x8x128xi32, #tpu.memory_space<vmem>>
        %dma_start3A_648 = tpu.memref_squeeze %dma_start3A_647 : memref<1x8x128xi32, #tpu.memory_space<vmem>> -> memref<8x128xi32, #tpu.memory_space<vmem>>
        %dma_start3A_649 = arith.constant 0 : i32
        %dma_start3A_650 = arith.constant 0 : i32
        %dma_start3A_651 = tpu.memref_slice %arg2[%arg1, %dma_start3A_649, %dma_start3A_650] : memref<16x160x128xi32, #tpu.memory_space<hbm>> -> memref<1x160x128xi32, #tpu.memory_space<hbm>>
        %dma_start3A_652 = tpu.memref_squeeze %dma_start3A_651 : memref<1x160x128xi32, #tpu.memory_space<hbm>> -> memref<160x128xi32, #tpu.memory_space<hbm>>
        %dma_start3A_653 = arith.constant 0 : i32
        %dma_start3A_654 = tpu.memref_slice %dma_start3A_652[%multiple_of3A, %dma_start3A_653] : memref<160x128xi32, #tpu.memory_space<hbm>> -> memref<8x128xi32, #tpu.memory_space<hbm>>
        %dma_start3A_655 = arith.constant 0 : i32
        %dma_start3A_656 = arith.constant 0 : i32
        %dma_start3A_657 = tpu.memref_slice %arg8[%dma_start3A_644, %dma_start3A_655, %dma_start3A_656] : memref<2x8x128xi32, #tpu.memory_space<vmem>> -> memref<1x8x128xi32, #tpu.memory_space<vmem>>
        %dma_start3A_658 = tpu.memref_squeeze %dma_start3A_657 : memref<1x8x128xi32, #tpu.memory_space<vmem>> -> memref<8x128xi32, #tpu.memory_space<vmem>>
        %dma_start3A_659 = arith.constant 0 : i32
        %dma_start3A_660 = arith.constant 0 : i32
        %dma_start3A_661 = tpu.memref_slice %arg2[%arg1, %dma_start3A_659, %dma_start3A_660] : memref<16x160x128xi32, #tpu.memory_space<hbm>> -> memref<1x160x128xi32, #tpu.memory_space<hbm>>
        %dma_start3A_662 = tpu.memref_squeeze %dma_start3A_661 : memref<1x160x128xi32, #tpu.memory_space<hbm>> -> memref<160x128xi32, #tpu.memory_space<hbm>>
        %dma_start3A_663 = arith.constant 0 : i32
        %dma_start3A_664 = tpu.memref_slice %dma_start3A_662[%multiple_of3A, %dma_start3A_663] : memref<160x128xi32, #tpu.memory_space<hbm>> -> memref<8x128xi32, #tpu.memory_space<hbm>>
        tpu.enqueue_dma source(%dma_start3A_664 : memref<8x128xi32, #tpu.memory_space<hbm>>) target(%dma_start3A_658 : memref<8x128xi32, #tpu.memory_space<vmem>>) target_semaphore(%arg17 : memref<!tpu.dma_semaphore, #tpu.memory_space<semaphore_mem>>)
        %dma_start3A_665 = arith.constant 0 : i32
        %dma_start3A_666 = arith.constant 0 : i32
        %dma_start3A_667 = arith.constant 0 : i32
        %dma_start3A_668 = tpu.memref_slice %arg9[%dma_start3A_665, %dma_start3A_666, %dma_start3A_667] : memref<2x8x128xi32, #tpu.memory_space<vmem>> -> memref<1x8x128xi32, #tpu.memory_space<vmem>>
        %dma_start3A_669 = tpu.memref_squeeze %dma_start3A_668 : memref<1x8x128xi32, #tpu.memory_space<vmem>> -> memref<8x128xi32, #tpu.memory_space<vmem>>
        %dma_start3A_670 = arith.constant 0 : i32
        %dma_start3A_671 = arith.constant 0 : i32
        %dma_start3A_672 = tpu.memref_slice %arg3[%arg1, %dma_start3A_670, %dma_start3A_671] : memref<16x160x128xi32, #tpu.memory_space<hbm>> -> memref<1x160x128xi32, #tpu.memory_space<hbm>>
        %dma_start3A_673 = tpu.memref_squeeze %dma_start3A_672 : memref<1x160x128xi32, #tpu.memory_space<hbm>> -> memref<160x128xi32, #tpu.memory_space<hbm>>
        %dma_start3A_674 = arith.constant 0 : i32
        %dma_start3A_675 = tpu.memref_slice %dma_start3A_673[%multiple_of3A, %dma_start3A_674] : memref<160x128xi32, #tpu.memory_space<hbm>> -> memref<8x128xi32, #tpu.memory_space<hbm>>
        %dma_start3A_676 = arith.constant 0 : i32
        %dma_start3A_677 = arith.constant 0 : i32
        %dma_start3A_678 = tpu.memref_slice %arg9[%dma_start3A_665, %dma_start3A_676, %dma_start3A_677] : memref<2x8x128xi32, #tpu.memory_space<vmem>> -> memref<1x8x128xi32, #tpu.memory_space<vmem>>
        %dma_start3A_679 = tpu.memref_squeeze %dma_start3A_678 : memref<1x8x128xi32, #tpu.memory_space<vmem>> -> memref<8x128xi32, #tpu.memory_space<vmem>>
        %dma_start3A_680 = arith.constant 0 : i32
        %dma_start3A_681 = arith.constant 0 : i32
        %dma_start3A_682 = tpu.memref_slice %arg3[%arg1, %dma_start3A_680, %dma_start3A_681] : memref<16x160x128xi32, #tpu.memory_space<hbm>> -> memref<1x160x128xi32, #tpu.memory_space<hbm>>
        %dma_start3A_683 = tpu.memref_squeeze %dma_start3A_682 : memref<1x160x128xi32, #tpu.memory_space<hbm>> -> memref<160x128xi32, #tpu.memory_space<hbm>>
        %dma_start3A_684 = arith.constant 0 : i32
        %dma_start3A_685 = tpu.memref_slice %dma_start3A_683[%multiple_of3A, %dma_start3A_684] : memref<160x128xi32, #tpu.memory_space<hbm>> -> memref<8x128xi32, #tpu.memory_space<hbm>>
        tpu.enqueue_dma source(%dma_start3A_685 : memref<8x128xi32, #tpu.memory_space<hbm>>) target(%dma_start3A_679 : memref<8x128xi32, #tpu.memory_space<vmem>>) target_semaphore(%arg17 : memref<!tpu.dma_semaphore, #tpu.memory_space<semaphore_mem>>)
      } else {
      }
      %add3A_635 = arith.constant 1 : i32
      %add3A_636 = arith.addi %mul3A_201, %add3A_635 : i32
      %lt3A_637 = arith.cmpi slt, %add3A_636, %select_n3A_20 : i32
      %convert_element_type3A_638 = arith.extui %lt3A_637 : i1 to i32
      %cond3A_639 = arith.constant 0 : i32
      %cond3A_640 = arith.cmpi ne, %convert_element_type3A_638, %cond3A_639 : i32
      scf.if %cond3A_640 {
        %dma_wait3A_641 = arith.constant 1 : i32
        %dma_wait3A_642 = arith.constant 0 : i32
        %dma_wait3A_643 = arith.constant 0 : i32
        %dma_wait3A_644 = tpu.memref_slice %arg9[%dma_wait3A_641, %dma_wait3A_642, %dma_wait3A_643] : memref<2x8x128xi32, #tpu.memory_space<vmem>> -> memref<1x8x128xi32, #tpu.memory_space<vmem>>
        %dma_wait3A_645 = tpu.memref_squeeze %dma_wait3A_644 : memref<1x8x128xi32, #tpu.memory_space<vmem>> -> memref<8x128xi32, #tpu.memory_space<vmem>>
        %dma_wait3A_646 = arith.constant 0 : i32
        %dma_wait3A_647 = arith.constant 0 : i32
        %dma_wait3A_648 = tpu.memref_slice %arg3[%arg1, %dma_wait3A_646, %dma_wait3A_647] : memref<16x160x128xi32, #tpu.memory_space<hbm>> -> memref<1x160x128xi32, #tpu.memory_space<hbm>>
        %dma_wait3A_649 = tpu.memref_squeeze %dma_wait3A_648 : memref<1x160x128xi32, #tpu.memory_space<hbm>> -> memref<160x128xi32, #tpu.memory_space<hbm>>
        %dma_wait3A_650 = arith.constant 0 : i32
        %dma_wait3A_651 = arith.constant 0 : i32
        %dma_wait3A_652 = tpu.memref_slice %dma_wait3A_649[%dma_wait3A_650, %dma_wait3A_651] : memref<160x128xi32, #tpu.memory_space<hbm>> -> memref<8x128xi32, #tpu.memory_space<hbm>>
        %dma_wait3A_653 = arith.constant 0 : i32
        %dma_wait3A_654 = arith.constant 0 : i32
        %dma_wait3A_655 = tpu.memref_slice %arg9[%dma_wait3A_641, %dma_wait3A_653, %dma_wait3A_654] : memref<2x8x128xi32, #tpu.memory_space<vmem>> -> memref<1x8x128xi32, #tpu.memory_space<vmem>>
        %dma_wait3A_656 = tpu.memref_squeeze %dma_wait3A_655 : memref<1x8x128xi32, #tpu.memory_space<vmem>> -> memref<8x128xi32, #tpu.memory_space<vmem>>
        %dma_wait3A_657 = arith.constant 0 : i32
        %dma_wait3A_658 = arith.constant 0 : i32
        %dma_wait3A_659 = tpu.memref_slice %arg3[%arg1, %dma_wait3A_657, %dma_wait3A_658] : memref<16x160x128xi32, #tpu.memory_space<hbm>> -> memref<1x160x128xi32, #tpu.memory_space<hbm>>
        %dma_wait3A_660 = tpu.memref_squeeze %dma_wait3A_659 : memref<1x160x128xi32, #tpu.memory_space<hbm>> -> memref<160x128xi32, #tpu.memory_space<hbm>>
        %dma_wait3A_661 = arith.constant 0 : i32
        %dma_wait3A_662 = arith.constant 0 : i32
        %dma_wait3A_663 = tpu.memref_slice %dma_wait3A_660[%dma_wait3A_661, %dma_wait3A_662] : memref<160x128xi32, #tpu.memory_space<hbm>> -> memref<8x128xi32, #tpu.memory_space<hbm>>
        tpu.wait_dma2 semaphore(%arg18 : memref<!tpu.dma_semaphore, #tpu.memory_space<semaphore_mem>>) src(%dma_wait3A_663 : memref<8x128xi32, #tpu.memory_space<hbm>>) dst(%dma_wait3A_656 : memref<8x128xi32, #tpu.memory_space<vmem>>)
        %dma_wait3A_664 = arith.constant 1 : i32
        %dma_wait3A_665 = arith.constant 0 : i32
        %dma_wait3A_666 = arith.constant 0 : i32
        %dma_wait3A_667 = tpu.memref_slice %arg9[%dma_wait3A_664, %dma_wait3A_665, %dma_wait3A_666] : memref<2x8x128xi32, #tpu.memory_space<vmem>> -> memref<1x8x128xi32, #tpu.memory_space<vmem>>
        %dma_wait3A_668 = tpu.memref_squeeze %dma_wait3A_667 : memref<1x8x128xi32, #tpu.memory_space<vmem>> -> memref<8x128xi32, #tpu.memory_space<vmem>>
        %dma_wait3A_669 = arith.constant 0 : i32
        %dma_wait3A_670 = arith.constant 0 : i32
        %dma_wait3A_671 = tpu.memref_slice %arg3[%arg1, %dma_wait3A_669, %dma_wait3A_670] : memref<16x160x128xi32, #tpu.memory_space<hbm>> -> memref<1x160x128xi32, #tpu.memory_space<hbm>>
        %dma_wait3A_672 = tpu.memref_squeeze %dma_wait3A_671 : memref<1x160x128xi32, #tpu.memory_space<hbm>> -> memref<160x128xi32, #tpu.memory_space<hbm>>
        %dma_wait3A_673 = arith.constant 0 : i32
        %dma_wait3A_674 = arith.constant 0 : i32
        %dma_wait3A_675 = tpu.memref_slice %dma_wait3A_672[%dma_wait3A_673, %dma_wait3A_674] : memref<160x128xi32, #tpu.memory_space<hbm>> -> memref<8x128xi32, #tpu.memory_space<hbm>>
        %dma_wait3A_676 = arith.constant 0 : i32
        %dma_wait3A_677 = arith.constant 0 : i32
        %dma_wait3A_678 = tpu.memref_slice %arg9[%dma_wait3A_664, %dma_wait3A_676, %dma_wait3A_677] : memref<2x8x128xi32, #tpu.memory_space<vmem>> -> memref<1x8x128xi32, #tpu.memory_space<vmem>>
        %dma_wait3A_679 = tpu.memref_squeeze %dma_wait3A_678 : memref<1x8x128xi32, #tpu.memory_space<vmem>> -> memref<8x128xi32, #tpu.memory_space<vmem>>
        %dma_wait3A_680 = arith.constant 0 : i32
        %dma_wait3A_681 = arith.constant 0 : i32
        %dma_wait3A_682 = tpu.memref_slice %arg3[%arg1, %dma_wait3A_680, %dma_wait3A_681] : memref<16x160x128xi32, #tpu.memory_space<hbm>> -> memref<1x160x128xi32, #tpu.memory_space<hbm>>
        %dma_wait3A_683 = tpu.memref_squeeze %dma_wait3A_682 : memref<1x160x128xi32, #tpu.memory_space<hbm>> -> memref<160x128xi32, #tpu.memory_space<hbm>>
        %dma_wait3A_684 = arith.constant 0 : i32
        %dma_wait3A_685 = arith.constant 0 : i32
        %dma_wait3A_686 = tpu.memref_slice %dma_wait3A_683[%dma_wait3A_684, %dma_wait3A_685] : memref<160x128xi32, #tpu.memory_space<hbm>> -> memref<8x128xi32, #tpu.memory_space<hbm>>
        tpu.wait_dma2 semaphore(%arg18 : memref<!tpu.dma_semaphore, #tpu.memory_space<semaphore_mem>>) src(%dma_wait3A_686 : memref<8x128xi32, #tpu.memory_space<hbm>>) dst(%dma_wait3A_679 : memref<8x128xi32, #tpu.memory_space<vmem>>)
        %dma_start3A_687 = arith.constant 1 : i32
        %dma_start3A_688 = arith.constant 0 : i32
        %dma_start3A_689 = arith.constant 0 : i32
        %dma_start3A_690 = arith.constant 0 : i32
        %dma_start3A_691 = tpu.memref_slice %arg8[%dma_start3A_687, %dma_start3A_689, %dma_start3A_690] : memref<2x8x128xi32, #tpu.memory_space<vmem>> -> memref<1x8x128xi32, #tpu.memory_space<vmem>>
        %dma_start3A_692 = tpu.memref_squeeze %dma_start3A_691 : memref<1x8x128xi32, #tpu.memory_space<vmem>> -> memref<8x128xi32, #tpu.memory_space<vmem>>
        %dma_start3A_693 = arith.constant 0 : i32
        %dma_start3A_694 = tpu.memref_slice %dma_start3A_692[%dma_start3A_688, %dma_start3A_693] : memref<8x128xi32, #tpu.memory_space<vmem>> -> memref<1x128xi32, #tpu.memory_space<vmem>>
        %dma_start3A_695 = tpu.memref_squeeze %dma_start3A_694 : memref<1x128xi32, #tpu.memory_space<vmem>> -> memref<128xi32, #tpu.memory_space<vmem>>
        %dma_start3A_696 = arith.constant 0 : i32
        %dma_start3A_697 = arith.constant 0 : i32
        %dma_start3A_698 = tpu.memref_slice %arg4[%dma_start3A_696, %dma_start3A_697] : memref<10000x128xf32, #tpu.memory_space<hbm>> -> memref<10000x128xf32, #tpu.memory_space<hbm>>
        tpu.enqueue_indirect_dma source(%dma_start3A_698 : memref<10000x128xf32, #tpu.memory_space<hbm>>) target(%arg10 : memref<128x128xf32, #tpu.memory_space<vmem>>) offsets(%dma_start3A_695 : memref<128xi32, #tpu.memory_space<vmem>>) semaphore(%arg13 : memref<!tpu.dma_semaphore, #tpu.memory_space<semaphore_mem>>)
        %dma_start3A_699 = arith.constant 1 : i32
        %dma_start3A_700 = arith.constant 1 : i32
        %dma_start3A_701 = arith.constant 0 : i32
        %dma_start3A_702 = arith.constant 0 : i32
        %dma_start3A_703 = tpu.memref_slice %arg8[%dma_start3A_699, %dma_start3A_701, %dma_start3A_702] : memref<2x8x128xi32, #tpu.memory_space<vmem>> -> memref<1x8x128xi32, #tpu.memory_space<vmem>>
        %dma_start3A_704 = tpu.memref_squeeze %dma_start3A_703 : memref<1x8x128xi32, #tpu.memory_space<vmem>> -> memref<8x128xi32, #tpu.memory_space<vmem>>
        %dma_start3A_705 = arith.constant 0 : i32
        %dma_start3A_706 = tpu.memref_slice %dma_start3A_704[%dma_start3A_700, %dma_start3A_705] : memref<8x128xi32, #tpu.memory_space<vmem>> -> memref<1x128xi32, #tpu.memory_space<vmem>>
        %dma_start3A_707 = tpu.memref_squeeze %dma_start3A_706 : memref<1x128xi32, #tpu.memory_space<vmem>> -> memref<128xi32, #tpu.memory_space<vmem>>
        %dma_start3A_708 = arith.constant 0 : i32
        %dma_start3A_709 = arith.constant 0 : i32
        %dma_start3A_710 = tpu.memref_slice %arg4[%dma_start3A_708, %dma_start3A_709] : memref<10000x128xf32, #tpu.memory_space<hbm>> -> memref<10000x128xf32, #tpu.memory_space<hbm>>
        tpu.enqueue_indirect_dma source(%dma_start3A_710 : memref<10000x128xf32, #tpu.memory_space<hbm>>) target(%arg11 : memref<128x128xf32, #tpu.memory_space<vmem>>) offsets(%dma_start3A_707 : memref<128xi32, #tpu.memory_space<vmem>>) semaphore(%arg14 : memref<!tpu.dma_semaphore, #tpu.memory_space<semaphore_mem>>)
        %dma_wait3A_711 = arith.constant 1 : i32
        %dma_wait3A_712 = arith.constant 0 : i32
        %dma_wait3A_713 = arith.constant 0 : i32
        %dma_wait3A_714 = arith.constant 0 : i32
        %dma_wait3A_715 = tpu.memref_slice %arg8[%dma_wait3A_711, %dma_wait3A_713, %dma_wait3A_714] : memref<2x8x128xi32, #tpu.memory_space<vmem>> -> memref<1x8x128xi32, #tpu.memory_space<vmem>>
        %dma_wait3A_716 = tpu.memref_squeeze %dma_wait3A_715 : memref<1x8x128xi32, #tpu.memory_space<vmem>> -> memref<8x128xi32, #tpu.memory_space<vmem>>
        %dma_wait3A_717 = arith.constant 0 : i32
        %dma_wait3A_718 = tpu.memref_slice %dma_wait3A_716[%dma_wait3A_712, %dma_wait3A_717] : memref<8x128xi32, #tpu.memory_space<vmem>> -> memref<1x128xi32, #tpu.memory_space<vmem>>
        %dma_wait3A_719 = tpu.memref_squeeze %dma_wait3A_718 : memref<1x128xi32, #tpu.memory_space<vmem>> -> memref<128xi32, #tpu.memory_space<vmem>>
        %dma_wait3A_720 = arith.constant 0 : i32
        %dma_wait3A_721 = arith.constant 0 : i32
        %dma_wait3A_722 = tpu.memref_slice %arg4[%dma_wait3A_720, %dma_wait3A_721] : memref<10000x128xf32, #tpu.memory_space<hbm>> -> memref<10000x128xf32, #tpu.memory_space<hbm>>
        tpu.wait_indirect_dma semaphore(%arg13 : memref<!tpu.dma_semaphore, #tpu.memory_space<semaphore_mem>>) src(%dma_wait3A_722 : memref<10000x128xf32, #tpu.memory_space<hbm>>) dst(%arg10 : memref<128x128xf32, #tpu.memory_space<vmem>>)
        %dma_start3A_723 = arith.constant 1 : i32
        %dma_start3A_724 = arith.constant 0 : i32
        %dma_start3A_725 = arith.constant 0 : i32
        %dma_start3A_726 = arith.constant 0 : i32
        %dma_start3A_727 = tpu.memref_slice %arg9[%dma_start3A_723, %dma_start3A_725, %dma_start3A_726] : memref<2x8x128xi32, #tpu.memory_space<vmem>> -> memref<1x8x128xi32, #tpu.memory_space<vmem>>
        %dma_start3A_728 = tpu.memref_squeeze %dma_start3A_727 : memref<1x8x128xi32, #tpu.memory_space<vmem>> -> memref<8x128xi32, #tpu.memory_space<vmem>>
        %dma_start3A_729 = arith.constant 0 : i32
        %dma_start3A_730 = tpu.memref_slice %dma_start3A_728[%dma_start3A_724, %dma_start3A_729] : memref<8x128xi32, #tpu.memory_space<vmem>> -> memref<1x128xi32, #tpu.memory_space<vmem>>
        %dma_start3A_731 = tpu.memref_squeeze %dma_start3A_730 : memref<1x128xi32, #tpu.memory_space<vmem>> -> memref<128xi32, #tpu.memory_space<vmem>>
        %dma_start3A_732 = arith.constant 0 : i32
        %dma_start3A_733 = arith.constant 0 : i32
        %dma_start3A_734 = tpu.memref_slice %arg12[%dma_start3A_732, %dma_start3A_733] : memref<10240x128xf32, #tpu.memory_space<vmem_shared>> -> memref<10240x128xf32, #tpu.memory_space<vmem_shared>>
        tpu.enqueue_indirect_dma source(%arg10 : memref<128x128xf32, #tpu.memory_space<vmem>>) target(%dma_start3A_734 : memref<10240x128xf32, #tpu.memory_space<vmem_shared>>) offsets(%dma_start3A_731 : memref<128xi32, #tpu.memory_space<vmem>>) semaphore(%arg15 : memref<!tpu.dma_semaphore, #tpu.memory_space<semaphore_mem>>) {add = true}
        %dma_wait3A_735 = arith.constant 1 : i32
        %dma_wait3A_736 = arith.constant 0 : i32
        %dma_wait3A_737 = arith.constant 0 : i32
        %dma_wait3A_738 = arith.constant 0 : i32
        %dma_wait3A_739 = tpu.memref_slice %arg9[%dma_wait3A_735, %dma_wait3A_737, %dma_wait3A_738] : memref<2x8x128xi32, #tpu.memory_space<vmem>> -> memref<1x8x128xi32, #tpu.memory_space<vmem>>
        %dma_wait3A_740 = tpu.memref_squeeze %dma_wait3A_739 : memref<1x8x128xi32, #tpu.memory_space<vmem>> -> memref<8x128xi32, #tpu.memory_space<vmem>>
        %dma_wait3A_741 = arith.constant 0 : i32
        %dma_wait3A_742 = tpu.memref_slice %dma_wait3A_740[%dma_wait3A_736, %dma_wait3A_741] : memref<8x128xi32, #tpu.memory_space<vmem>> -> memref<1x128xi32, #tpu.memory_space<vmem>>
        %dma_wait3A_743 = tpu.memref_squeeze %dma_wait3A_742 : memref<1x128xi32, #tpu.memory_space<vmem>> -> memref<128xi32, #tpu.memory_space<vmem>>
        %dma_wait3A_744 = arith.constant 0 : i32
        %dma_wait3A_745 = arith.constant 0 : i32
        %dma_wait3A_746 = tpu.memref_slice %arg12[%dma_wait3A_744, %dma_wait3A_745] : memref<10240x128xf32, #tpu.memory_space<vmem_shared>> -> memref<10240x128xf32, #tpu.memory_space<vmem_shared>>
        tpu.wait_indirect_dma semaphore(%arg15 : memref<!tpu.dma_semaphore, #tpu.memory_space<semaphore_mem>>) src(%arg10 : memref<128x128xf32, #tpu.memory_space<vmem>>) dst(%dma_wait3A_746 : memref<10240x128xf32, #tpu.memory_space<vmem_shared>>)
        %dma_start3A_747 = arith.constant 1 : i32
        %dma_start3A_748 = arith.constant 2 : i32
        %dma_start3A_749 = arith.constant 0 : i32
        %dma_start3A_750 = arith.constant 0 : i32
        %dma_start3A_751 = tpu.memref_slice %arg8[%dma_start3A_747, %dma_start3A_749, %dma_start3A_750] : memref<2x8x128xi32, #tpu.memory_space<vmem>> -> memref<1x8x128xi32, #tpu.memory_space<vmem>>
        %dma_start3A_752 = tpu.memref_squeeze %dma_start3A_751 : memref<1x8x128xi32, #tpu.memory_space<vmem>> -> memref<8x128xi32, #tpu.memory_space<vmem>>
        %dma_start3A_753 = arith.constant 0 : i32
        %dma_start3A_754 = tpu.memref_slice %dma_start3A_752[%dma_start3A_748, %dma_start3A_753] : memref<8x128xi32, #tpu.memory_space<vmem>> -> memref<1x128xi32, #tpu.memory_space<vmem>>
        %dma_start3A_755 = tpu.memref_squeeze %dma_start3A_754 : memref<1x128xi32, #tpu.memory_space<vmem>> -> memref<128xi32, #tpu.memory_space<vmem>>
        %dma_start3A_756 = arith.constant 0 : i32
        %dma_start3A_757 = arith.constant 0 : i32
        %dma_start3A_758 = tpu.memref_slice %arg4[%dma_start3A_756, %dma_start3A_757] : memref<10000x128xf32, #tpu.memory_space<hbm>> -> memref<10000x128xf32, #tpu.memory_space<hbm>>
        tpu.enqueue_indirect_dma source(%dma_start3A_758 : memref<10000x128xf32, #tpu.memory_space<hbm>>) target(%arg10 : memref<128x128xf32, #tpu.memory_space<vmem>>) offsets(%dma_start3A_755 : memref<128xi32, #tpu.memory_space<vmem>>) semaphore(%arg13 : memref<!tpu.dma_semaphore, #tpu.memory_space<semaphore_mem>>)
        %dma_wait3A_759 = arith.constant 1 : i32
        %dma_wait3A_760 = arith.constant 1 : i32
        %dma_wait3A_761 = arith.constant 0 : i32
        %dma_wait3A_762 = arith.constant 0 : i32
        %dma_wait3A_763 = tpu.memref_slice %arg8[%dma_wait3A_759, %dma_wait3A_761, %dma_wait3A_762] : memref<2x8x128xi32, #tpu.memory_space<vmem>> -> memref<1x8x128xi32, #tpu.memory_space<vmem>>
        %dma_wait3A_764 = tpu.memref_squeeze %dma_wait3A_763 : memref<1x8x128xi32, #tpu.memory_space<vmem>> -> memref<8x128xi32, #tpu.memory_space<vmem>>
        %dma_wait3A_765 = arith.constant 0 : i32
        %dma_wait3A_766 = tpu.memref_slice %dma_wait3A_764[%dma_wait3A_760, %dma_wait3A_765] : memref<8x128xi32, #tpu.memory_space<vmem>> -> memref<1x128xi32, #tpu.memory_space<vmem>>
        %dma_wait3A_767 = tpu.memref_squeeze %dma_wait3A_766 : memref<1x128xi32, #tpu.memory_space<vmem>> -> memref<128xi32, #tpu.memory_space<vmem>>
        %dma_wait3A_768 = arith.constant 0 : i32
        %dma_wait3A_769 = arith.constant 0 : i32
        %dma_wait3A_770 = tpu.memref_slice %arg4[%dma_wait3A_768, %dma_wait3A_769] : memref<10000x128xf32, #tpu.memory_space<hbm>> -> memref<10000x128xf32, #tpu.memory_space<hbm>>
        tpu.wait_indirect_dma semaphore(%arg14 : memref<!tpu.dma_semaphore, #tpu.memory_space<semaphore_mem>>) src(%dma_wait3A_770 : memref<10000x128xf32, #tpu.memory_space<hbm>>) dst(%arg11 : memref<128x128xf32, #tpu.memory_space<vmem>>)
        %dma_start3A_771 = arith.constant 1 : i32
        %dma_start3A_772 = arith.constant 1 : i32
        %dma_start3A_773 = arith.constant 0 : i32
        %dma_start3A_774 = arith.constant 0 : i32
        %dma_start3A_775 = tpu.memref_slice %arg9[%dma_start3A_771, %dma_start3A_773, %dma_start3A_774] : memref<2x8x128xi32, #tpu.memory_space<vmem>> -> memref<1x8x128xi32, #tpu.memory_space<vmem>>
        %dma_start3A_776 = tpu.memref_squeeze %dma_start3A_775 : memref<1x8x128xi32, #tpu.memory_space<vmem>> -> memref<8x128xi32, #tpu.memory_space<vmem>>
        %dma_start3A_777 = arith.constant 0 : i32
        %dma_start3A_778 = tpu.memref_slice %dma_start3A_776[%dma_start3A_772, %dma_start3A_777] : memref<8x128xi32, #tpu.memory_space<vmem>> -> memref<1x128xi32, #tpu.memory_space<vmem>>
        %dma_start3A_779 = tpu.memref_squeeze %dma_start3A_778 : memref<1x128xi32, #tpu.memory_space<vmem>> -> memref<128xi32, #tpu.memory_space<vmem>>
        %dma_start3A_780 = arith.constant 0 : i32
        %dma_start3A_781 = arith.constant 0 : i32
        %dma_start3A_782 = tpu.memref_slice %arg12[%dma_start3A_780, %dma_start3A_781] : memref<10240x128xf32, #tpu.memory_space<vmem_shared>> -> memref<10240x128xf32, #tpu.memory_space<vmem_shared>>
        tpu.enqueue_indirect_dma source(%arg11 : memref<128x128xf32, #tpu.memory_space<vmem>>) target(%dma_start3A_782 : memref<10240x128xf32, #tpu.memory_space<vmem_shared>>) offsets(%dma_start3A_779 : memref<128xi32, #tpu.memory_space<vmem>>) semaphore(%arg16 : memref<!tpu.dma_semaphore, #tpu.memory_space<semaphore_mem>>) {add = true}
        %dma_wait3A_783 = arith.constant 1 : i32
        %dma_wait3A_784 = arith.constant 1 : i32
        %dma_wait3A_785 = arith.constant 0 : i32
        %dma_wait3A_786 = arith.constant 0 : i32
        %dma_wait3A_787 = tpu.memref_slice %arg9[%dma_wait3A_783, %dma_wait3A_785, %dma_wait3A_786] : memref<2x8x128xi32, #tpu.memory_space<vmem>> -> memref<1x8x128xi32, #tpu.memory_space<vmem>>
        %dma_wait3A_788 = tpu.memref_squeeze %dma_wait3A_787 : memref<1x8x128xi32, #tpu.memory_space<vmem>> -> memref<8x128xi32, #tpu.memory_space<vmem>>
        %dma_wait3A_789 = arith.constant 0 : i32
        %dma_wait3A_790 = tpu.memref_slice %dma_wait3A_788[%dma_wait3A_784, %dma_wait3A_789] : memref<8x128xi32, #tpu.memory_space<vmem>> -> memref<1x128xi32, #tpu.memory_space<vmem>>
        %dma_wait3A_791 = tpu.memref_squeeze %dma_wait3A_790 : memref<1x128xi32, #tpu.memory_space<vmem>> -> memref<128xi32, #tpu.memory_space<vmem>>
        %dma_wait3A_792 = arith.constant 0 : i32
        %dma_wait3A_793 = arith.constant 0 : i32
        %dma_wait3A_794 = tpu.memref_slice %arg12[%dma_wait3A_792, %dma_wait3A_793] : memref<10240x128xf32, #tpu.memory_space<vmem_shared>> -> memref<10240x128xf32, #tpu.memory_space<vmem_shared>>
        tpu.wait_indirect_dma semaphore(%arg16 : memref<!tpu.dma_semaphore, #tpu.memory_space<semaphore_mem>>) src(%arg11 : memref<128x128xf32, #tpu.memory_space<vmem>>) dst(%dma_wait3A_794 : memref<10240x128xf32, #tpu.memory_space<vmem_shared>>)
        %dma_start3A_795 = arith.constant 1 : i32
        %dma_start3A_796 = arith.constant 3 : i32
        %dma_start3A_797 = arith.constant 0 : i32
        %dma_start3A_798 = arith.constant 0 : i32
        %dma_start3A_799 = tpu.memref_slice %arg8[%dma_start3A_795, %dma_start3A_797, %dma_start3A_798] : memref<2x8x128xi32, #tpu.memory_space<vmem>> -> memref<1x8x128xi32, #tpu.memory_space<vmem>>
        %dma_start3A_800 = tpu.memref_squeeze %dma_start3A_799 : memref<1x8x128xi32, #tpu.memory_space<vmem>> -> memref<8x128xi32, #tpu.memory_space<vmem>>
        %dma_start3A_801 = arith.constant 0 : i32
        %dma_start3A_802 = tpu.memref_slice %dma_start3A_800[%dma_start3A_796, %dma_start3A_801] : memref<8x128xi32, #tpu.memory_space<vmem>> -> memref<1x128xi32, #tpu.memory_space<vmem>>
        %dma_start3A_803 = tpu.memref_squeeze %dma_start3A_802 : memref<1x128xi32, #tpu.memory_space<vmem>> -> memref<128xi32, #tpu.memory_space<vmem>>
        %dma_start3A_804 = arith.constant 0 : i32
        %dma_start3A_805 = arith.constant 0 : i32
        %dma_start3A_806 = tpu.memref_slice %arg4[%dma_start3A_804, %dma_start3A_805] : memref<10000x128xf32, #tpu.memory_space<hbm>> -> memref<10000x128xf32, #tpu.memory_space<hbm>>
        tpu.enqueue_indirect_dma source(%dma_start3A_806 : memref<10000x128xf32, #tpu.memory_space<hbm>>) target(%arg11 : memref<128x128xf32, #tpu.memory_space<vmem>>) offsets(%dma_start3A_803 : memref<128xi32, #tpu.memory_space<vmem>>) semaphore(%arg14 : memref<!tpu.dma_semaphore, #tpu.memory_space<semaphore_mem>>)
        %dma_wait3A_807 = arith.constant 1 : i32
        %dma_wait3A_808 = arith.constant 2 : i32
        %dma_wait3A_809 = arith.constant 0 : i32
        %dma_wait3A_810 = arith.constant 0 : i32
        %dma_wait3A_811 = tpu.memref_slice %arg8[%dma_wait3A_807, %dma_wait3A_809, %dma_wait3A_810] : memref<2x8x128xi32, #tpu.memory_space<vmem>> -> memref<1x8x128xi32, #tpu.memory_space<vmem>>
        %dma_wait3A_812 = tpu.memref_squeeze %dma_wait3A_811 : memref<1x8x128xi32, #tpu.memory_space<vmem>> -> memref<8x128xi32, #tpu.memory_space<vmem>>
        %dma_wait3A_813 = arith.constant 0 : i32
        %dma_wait3A_814 = tpu.memref_slice %dma_wait3A_812[%dma_wait3A_808, %dma_wait3A_813] : memref<8x128xi32, #tpu.memory_space<vmem>> -> memref<1x128xi32, #tpu.memory_space<vmem>>
        %dma_wait3A_815 = tpu.memref_squeeze %dma_wait3A_814 : memref<1x128xi32, #tpu.memory_space<vmem>> -> memref<128xi32, #tpu.memory_space<vmem>>
        %dma_wait3A_816 = arith.constant 0 : i32
        %dma_wait3A_817 = arith.constant 0 : i32
        %dma_wait3A_818 = tpu.memref_slice %arg4[%dma_wait3A_816, %dma_wait3A_817] : memref<10000x128xf32, #tpu.memory_space<hbm>> -> memref<10000x128xf32, #tpu.memory_space<hbm>>
        tpu.wait_indirect_dma semaphore(%arg13 : memref<!tpu.dma_semaphore, #tpu.memory_space<semaphore_mem>>) src(%dma_wait3A_818 : memref<10000x128xf32, #tpu.memory_space<hbm>>) dst(%arg10 : memref<128x128xf32, #tpu.memory_space<vmem>>)
        %dma_start3A_819 = arith.constant 1 : i32
        %dma_start3A_820 = arith.constant 2 : i32
        %dma_start3A_821 = arith.constant 0 : i32
        %dma_start3A_822 = arith.constant 0 : i32
        %dma_start3A_823 = tpu.memref_slice %arg9[%dma_start3A_819, %dma_start3A_821, %dma_start3A_822] : memref<2x8x128xi32, #tpu.memory_space<vmem>> -> memref<1x8x128xi32, #tpu.memory_space<vmem>>
        %dma_start3A_824 = tpu.memref_squeeze %dma_start3A_823 : memref<1x8x128xi32, #tpu.memory_space<vmem>> -> memref<8x128xi32, #tpu.memory_space<vmem>>
        %dma_start3A_825 = arith.constant 0 : i32
        %dma_start3A_826 = tpu.memref_slice %dma_start3A_824[%dma_start3A_820, %dma_start3A_825] : memref<8x128xi32, #tpu.memory_space<vmem>> -> memref<1x128xi32, #tpu.memory_space<vmem>>
        %dma_start3A_827 = tpu.memref_squeeze %dma_start3A_826 : memref<1x128xi32, #tpu.memory_space<vmem>> -> memref<128xi32, #tpu.memory_space<vmem>>
        %dma_start3A_828 = arith.constant 0 : i32
        %dma_start3A_829 = arith.constant 0 : i32
        %dma_start3A_830 = tpu.memref_slice %arg12[%dma_start3A_828, %dma_start3A_829] : memref<10240x128xf32, #tpu.memory_space<vmem_shared>> -> memref<10240x128xf32, #tpu.memory_space<vmem_shared>>
        tpu.enqueue_indirect_dma source(%arg10 : memref<128x128xf32, #tpu.memory_space<vmem>>) target(%dma_start3A_830 : memref<10240x128xf32, #tpu.memory_space<vmem_shared>>) offsets(%dma_start3A_827 : memref<128xi32, #tpu.memory_space<vmem>>) semaphore(%arg15 : memref<!tpu.dma_semaphore, #tpu.memory_space<semaphore_mem>>) {add = true}
        %dma_wait3A_831 = arith.constant 1 : i32
        %dma_wait3A_832 = arith.constant 2 : i32
        %dma_wait3A_833 = arith.constant 0 : i32
        %dma_wait3A_834 = arith.constant 0 : i32
        %dma_wait3A_835 = tpu.memref_slice %arg9[%dma_wait3A_831, %dma_wait3A_833, %dma_wait3A_834] : memref<2x8x128xi32, #tpu.memory_space<vmem>> -> memref<1x8x128xi32, #tpu.memory_space<vmem>>
        %dma_wait3A_836 = tpu.memref_squeeze %dma_wait3A_835 : memref<1x8x128xi32, #tpu.memory_space<vmem>> -> memref<8x128xi32, #tpu.memory_space<vmem>>
        %dma_wait3A_837 = arith.constant 0 : i32
        %dma_wait3A_838 = tpu.memref_slice %dma_wait3A_836[%dma_wait3A_832, %dma_wait3A_837] : memref<8x128xi32, #tpu.memory_space<vmem>> -> memref<1x128xi32, #tpu.memory_space<vmem>>
        %dma_wait3A_839 = tpu.memref_squeeze %dma_wait3A_838 : memref<1x128xi32, #tpu.memory_space<vmem>> -> memref<128xi32, #tpu.memory_space<vmem>>
        %dma_wait3A_840 = arith.constant 0 : i32
        %dma_wait3A_841 = arith.constant 0 : i32
        %dma_wait3A_842 = tpu.memref_slice %arg12[%dma_wait3A_840, %dma_wait3A_841] : memref<10240x128xf32, #tpu.memory_space<vmem_shared>> -> memref<10240x128xf32, #tpu.memory_space<vmem_shared>>
        tpu.wait_indirect_dma semaphore(%arg15 : memref<!tpu.dma_semaphore, #tpu.memory_space<semaphore_mem>>) src(%arg10 : memref<128x128xf32, #tpu.memory_space<vmem>>) dst(%dma_wait3A_842 : memref<10240x128xf32, #tpu.memory_space<vmem_shared>>)
        %dma_start3A_843 = arith.constant 1 : i32
        %dma_start3A_844 = arith.constant 4 : i32
        %dma_start3A_845 = arith.constant 0 : i32
        %dma_start3A_846 = arith.constant 0 : i32
        %dma_start3A_847 = tpu.memref_slice %arg8[%dma_start3A_843, %dma_start3A_845, %dma_start3A_846] : memref<2x8x128xi32, #tpu.memory_space<vmem>> -> memref<1x8x128xi32, #tpu.memory_space<vmem>>
        %dma_start3A_848 = tpu.memref_squeeze %dma_start3A_847 : memref<1x8x128xi32, #tpu.memory_space<vmem>> -> memref<8x128xi32, #tpu.memory_space<vmem>>
        %dma_start3A_849 = arith.constant 0 : i32
        %dma_start3A_850 = tpu.memref_slice %dma_start3A_848[%dma_start3A_844, %dma_start3A_849] : memref<8x128xi32, #tpu.memory_space<vmem>> -> memref<1x128xi32, #tpu.memory_space<vmem>>
        %dma_start3A_851 = tpu.memref_squeeze %dma_start3A_850 : memref<1x128xi32, #tpu.memory_space<vmem>> -> memref<128xi32, #tpu.memory_space<vmem>>
        %dma_start3A_852 = arith.constant 0 : i32
        %dma_start3A_853 = arith.constant 0 : i32
        %dma_start3A_854 = tpu.memref_slice %arg4[%dma_start3A_852, %dma_start3A_853] : memref<10000x128xf32, #tpu.memory_space<hbm>> -> memref<10000x128xf32, #tpu.memory_space<hbm>>
        tpu.enqueue_indirect_dma source(%dma_start3A_854 : memref<10000x128xf32, #tpu.memory_space<hbm>>) target(%arg10 : memref<128x128xf32, #tpu.memory_space<vmem>>) offsets(%dma_start3A_851 : memref<128xi32, #tpu.memory_space<vmem>>) semaphore(%arg13 : memref<!tpu.dma_semaphore, #tpu.memory_space<semaphore_mem>>)
        %dma_wait3A_855 = arith.constant 1 : i32
        %dma_wait3A_856 = arith.constant 3 : i32
        %dma_wait3A_857 = arith.constant 0 : i32
        %dma_wait3A_858 = arith.constant 0 : i32
        %dma_wait3A_859 = tpu.memref_slice %arg8[%dma_wait3A_855, %dma_wait3A_857, %dma_wait3A_858] : memref<2x8x128xi32, #tpu.memory_space<vmem>> -> memref<1x8x128xi32, #tpu.memory_space<vmem>>
        %dma_wait3A_860 = tpu.memref_squeeze %dma_wait3A_859 : memref<1x8x128xi32, #tpu.memory_space<vmem>> -> memref<8x128xi32, #tpu.memory_space<vmem>>
        %dma_wait3A_861 = arith.constant 0 : i32
        %dma_wait3A_862 = tpu.memref_slice %dma_wait3A_860[%dma_wait3A_856, %dma_wait3A_861] : memref<8x128xi32, #tpu.memory_space<vmem>> -> memref<1x128xi32, #tpu.memory_space<vmem>>
        %dma_wait3A_863 = tpu.memref_squeeze %dma_wait3A_862 : memref<1x128xi32, #tpu.memory_space<vmem>> -> memref<128xi32, #tpu.memory_space<vmem>>
        %dma_wait3A_864 = arith.constant 0 : i32
        %dma_wait3A_865 = arith.constant 0 : i32
        %dma_wait3A_866 = tpu.memref_slice %arg4[%dma_wait3A_864, %dma_wait3A_865] : memref<10000x128xf32, #tpu.memory_space<hbm>> -> memref<10000x128xf32, #tpu.memory_space<hbm>>
        tpu.wait_indirect_dma semaphore(%arg14 : memref<!tpu.dma_semaphore, #tpu.memory_space<semaphore_mem>>) src(%dma_wait3A_866 : memref<10000x128xf32, #tpu.memory_space<hbm>>) dst(%arg11 : memref<128x128xf32, #tpu.memory_space<vmem>>)
        %dma_start3A_867 = arith.constant 1 : i32
        %dma_start3A_868 = arith.constant 3 : i32
        %dma_start3A_869 = arith.constant 0 : i32
        %dma_start3A_870 = arith.constant 0 : i32
        %dma_start3A_871 = tpu.memref_slice %arg9[%dma_start3A_867, %dma_start3A_869, %dma_start3A_870] : memref<2x8x128xi32, #tpu.memory_space<vmem>> -> memref<1x8x128xi32, #tpu.memory_space<vmem>>
        %dma_start3A_872 = tpu.memref_squeeze %dma_start3A_871 : memref<1x8x128xi32, #tpu.memory_space<vmem>> -> memref<8x128xi32, #tpu.memory_space<vmem>>
        %dma_start3A_873 = arith.constant 0 : i32
        %dma_start3A_874 = tpu.memref_slice %dma_start3A_872[%dma_start3A_868, %dma_start3A_873] : memref<8x128xi32, #tpu.memory_space<vmem>> -> memref<1x128xi32, #tpu.memory_space<vmem>>
        %dma_start3A_875 = tpu.memref_squeeze %dma_start3A_874 : memref<1x128xi32, #tpu.memory_space<vmem>> -> memref<128xi32, #tpu.memory_space<vmem>>
        %dma_start3A_876 = arith.constant 0 : i32
        %dma_start3A_877 = arith.constant 0 : i32
        %dma_start3A_878 = tpu.memref_slice %arg12[%dma_start3A_876, %dma_start3A_877] : memref<10240x128xf32, #tpu.memory_space<vmem_shared>> -> memref<10240x128xf32, #tpu.memory_space<vmem_shared>>
        tpu.enqueue_indirect_dma source(%arg11 : memref<128x128xf32, #tpu.memory_space<vmem>>) target(%dma_start3A_878 : memref<10240x128xf32, #tpu.memory_space<vmem_shared>>) offsets(%dma_start3A_875 : memref<128xi32, #tpu.memory_space<vmem>>) semaphore(%arg16 : memref<!tpu.dma_semaphore, #tpu.memory_space<semaphore_mem>>) {add = true}
        %dma_wait3A_879 = arith.constant 1 : i32
        %dma_wait3A_880 = arith.constant 3 : i32
        %dma_wait3A_881 = arith.constant 0 : i32
        %dma_wait3A_882 = arith.constant 0 : i32
        %dma_wait3A_883 = tpu.memref_slice %arg9[%dma_wait3A_879, %dma_wait3A_881, %dma_wait3A_882] : memref<2x8x128xi32, #tpu.memory_space<vmem>> -> memref<1x8x128xi32, #tpu.memory_space<vmem>>
        %dma_wait3A_884 = tpu.memref_squeeze %dma_wait3A_883 : memref<1x8x128xi32, #tpu.memory_space<vmem>> -> memref<8x128xi32, #tpu.memory_space<vmem>>
        %dma_wait3A_885 = arith.constant 0 : i32
        %dma_wait3A_886 = tpu.memref_slice %dma_wait3A_884[%dma_wait3A_880, %dma_wait3A_885] : memref<8x128xi32, #tpu.memory_space<vmem>> -> memref<1x128xi32, #tpu.memory_space<vmem>>
        %dma_wait3A_887 = tpu.memref_squeeze %dma_wait3A_886 : memref<1x128xi32, #tpu.memory_space<vmem>> -> memref<128xi32, #tpu.memory_space<vmem>>
        %dma_wait3A_888 = arith.constant 0 : i32
        %dma_wait3A_889 = arith.constant 0 : i32
        %dma_wait3A_890 = tpu.memref_slice %arg12[%dma_wait3A_888, %dma_wait3A_889] : memref<10240x128xf32, #tpu.memory_space<vmem_shared>> -> memref<10240x128xf32, #tpu.memory_space<vmem_shared>>
        tpu.wait_indirect_dma semaphore(%arg16 : memref<!tpu.dma_semaphore, #tpu.memory_space<semaphore_mem>>) src(%arg11 : memref<128x128xf32, #tpu.memory_space<vmem>>) dst(%dma_wait3A_890 : memref<10240x128xf32, #tpu.memory_space<vmem_shared>>)
        %dma_start3A_891 = arith.constant 1 : i32
        %dma_start3A_892 = arith.constant 5 : i32
        %dma_start3A_893 = arith.constant 0 : i32
        %dma_start3A_894 = arith.constant 0 : i32
        %dma_start3A_895 = tpu.memref_slice %arg8[%dma_start3A_891, %dma_start3A_893, %dma_start3A_894] : memref<2x8x128xi32, #tpu.memory_space<vmem>> -> memref<1x8x128xi32, #tpu.memory_space<vmem>>
        %dma_start3A_896 = tpu.memref_squeeze %dma_start3A_895 : memref<1x8x128xi32, #tpu.memory_space<vmem>> -> memref<8x128xi32, #tpu.memory_space<vmem>>
        %dma_start3A_897 = arith.constant 0 : i32
        %dma_start3A_898 = tpu.memref_slice %dma_start3A_896[%dma_start3A_892, %dma_start3A_897] : memref<8x128xi32, #tpu.memory_space<vmem>> -> memref<1x128xi32, #tpu.memory_space<vmem>>
        %dma_start3A_899 = tpu.memref_squeeze %dma_start3A_898 : memref<1x128xi32, #tpu.memory_space<vmem>> -> memref<128xi32, #tpu.memory_space<vmem>>
        %dma_start3A_900 = arith.constant 0 : i32
        %dma_start3A_901 = arith.constant 0 : i32
        %dma_start3A_902 = tpu.memref_slice %arg4[%dma_start3A_900, %dma_start3A_901] : memref<10000x128xf32, #tpu.memory_space<hbm>> -> memref<10000x128xf32, #tpu.memory_space<hbm>>
        tpu.enqueue_indirect_dma source(%dma_start3A_902 : memref<10000x128xf32, #tpu.memory_space<hbm>>) target(%arg11 : memref<128x128xf32, #tpu.memory_space<vmem>>) offsets(%dma_start3A_899 : memref<128xi32, #tpu.memory_space<vmem>>) semaphore(%arg14 : memref<!tpu.dma_semaphore, #tpu.memory_space<semaphore_mem>>)
        %dma_wait3A_903 = arith.constant 1 : i32
        %dma_wait3A_904 = arith.constant 4 : i32
        %dma_wait3A_905 = arith.constant 0 : i32
        %dma_wait3A_906 = arith.constant 0 : i32
        %dma_wait3A_907 = tpu.memref_slice %arg8[%dma_wait3A_903, %dma_wait3A_905, %dma_wait3A_906] : memref<2x8x128xi32, #tpu.memory_space<vmem>> -> memref<1x8x128xi32, #tpu.memory_space<vmem>>
        %dma_wait3A_908 = tpu.memref_squeeze %dma_wait3A_907 : memref<1x8x128xi32, #tpu.memory_space<vmem>> -> memref<8x128xi32, #tpu.memory_space<vmem>>
        %dma_wait3A_909 = arith.constant 0 : i32
        %dma_wait3A_910 = tpu.memref_slice %dma_wait3A_908[%dma_wait3A_904, %dma_wait3A_909] : memref<8x128xi32, #tpu.memory_space<vmem>> -> memref<1x128xi32, #tpu.memory_space<vmem>>
        %dma_wait3A_911 = tpu.memref_squeeze %dma_wait3A_910 : memref<1x128xi32, #tpu.memory_space<vmem>> -> memref<128xi32, #tpu.memory_space<vmem>>
        %dma_wait3A_912 = arith.constant 0 : i32
        %dma_wait3A_913 = arith.constant 0 : i32
        %dma_wait3A_914 = tpu.memref_slice %arg4[%dma_wait3A_912, %dma_wait3A_913] : memref<10000x128xf32, #tpu.memory_space<hbm>> -> memref<10000x128xf32, #tpu.memory_space<hbm>>
        tpu.wait_indirect_dma semaphore(%arg13 : memref<!tpu.dma_semaphore, #tpu.memory_space<semaphore_mem>>) src(%dma_wait3A_914 : memref<10000x128xf32, #tpu.memory_space<hbm>>) dst(%arg10 : memref<128x128xf32, #tpu.memory_space<vmem>>)
        %dma_start3A_915 = arith.constant 1 : i32
        %dma_start3A_916 = arith.constant 4 : i32
        %dma_start3A_917 = arith.constant 0 : i32
        %dma_start3A_918 = arith.constant 0 : i32
        %dma_start3A_919 = tpu.memref_slice %arg9[%dma_start3A_915, %dma_start3A_917, %dma_start3A_918] : memref<2x8x128xi32, #tpu.memory_space<vmem>> -> memref<1x8x128xi32, #tpu.memory_space<vmem>>
        %dma_start3A_920 = tpu.memref_squeeze %dma_start3A_919 : memref<1x8x128xi32, #tpu.memory_space<vmem>> -> memref<8x128xi32, #tpu.memory_space<vmem>>
        %dma_start3A_921 = arith.constant 0 : i32
        %dma_start3A_922 = tpu.memref_slice %dma_start3A_920[%dma_start3A_916, %dma_start3A_921] : memref<8x128xi32, #tpu.memory_space<vmem>> -> memref<1x128xi32, #tpu.memory_space<vmem>>
        %dma_start3A_923 = tpu.memref_squeeze %dma_start3A_922 : memref<1x128xi32, #tpu.memory_space<vmem>> -> memref<128xi32, #tpu.memory_space<vmem>>
        %dma_start3A_924 = arith.constant 0 : i32
        %dma_start3A_925 = arith.constant 0 : i32
        %dma_start3A_926 = tpu.memref_slice %arg12[%dma_start3A_924, %dma_start3A_925] : memref<10240x128xf32, #tpu.memory_space<vmem_shared>> -> memref<10240x128xf32, #tpu.memory_space<vmem_shared>>
        tpu.enqueue_indirect_dma source(%arg10 : memref<128x128xf32, #tpu.memory_space<vmem>>) target(%dma_start3A_926 : memref<10240x128xf32, #tpu.memory_space<vmem_shared>>) offsets(%dma_start3A_923 : memref<128xi32, #tpu.memory_space<vmem>>) semaphore(%arg15 : memref<!tpu.dma_semaphore, #tpu.memory_space<semaphore_mem>>) {add = true}
        %dma_wait3A_927 = arith.constant 1 : i32
        %dma_wait3A_928 = arith.constant 4 : i32
        %dma_wait3A_929 = arith.constant 0 : i32
        %dma_wait3A_930 = arith.constant 0 : i32
        %dma_wait3A_931 = tpu.memref_slice %arg9[%dma_wait3A_927, %dma_wait3A_929, %dma_wait3A_930] : memref<2x8x128xi32, #tpu.memory_space<vmem>> -> memref<1x8x128xi32, #tpu.memory_space<vmem>>
        %dma_wait3A_932 = tpu.memref_squeeze %dma_wait3A_931 : memref<1x8x128xi32, #tpu.memory_space<vmem>> -> memref<8x128xi32, #tpu.memory_space<vmem>>
        %dma_wait3A_933 = arith.constant 0 : i32
        %dma_wait3A_934 = tpu.memref_slice %dma_wait3A_932[%dma_wait3A_928, %dma_wait3A_933] : memref<8x128xi32, #tpu.memory_space<vmem>> -> memref<1x128xi32, #tpu.memory_space<vmem>>
        %dma_wait3A_935 = tpu.memref_squeeze %dma_wait3A_934 : memref<1x128xi32, #tpu.memory_space<vmem>> -> memref<128xi32, #tpu.memory_space<vmem>>
        %dma_wait3A_936 = arith.constant 0 : i32
        %dma_wait3A_937 = arith.constant 0 : i32
        %dma_wait3A_938 = tpu.memref_slice %arg12[%dma_wait3A_936, %dma_wait3A_937] : memref<10240x128xf32, #tpu.memory_space<vmem_shared>> -> memref<10240x128xf32, #tpu.memory_space<vmem_shared>>
        tpu.wait_indirect_dma semaphore(%arg15 : memref<!tpu.dma_semaphore, #tpu.memory_space<semaphore_mem>>) src(%arg10 : memref<128x128xf32, #tpu.memory_space<vmem>>) dst(%dma_wait3A_938 : memref<10240x128xf32, #tpu.memory_space<vmem_shared>>)
        %dma_start3A_939 = arith.constant 1 : i32
        %dma_start3A_940 = arith.constant 6 : i32
        %dma_start3A_941 = arith.constant 0 : i32
        %dma_start3A_942 = arith.constant 0 : i32
        %dma_start3A_943 = tpu.memref_slice %arg8[%dma_start3A_939, %dma_start3A_941, %dma_start3A_942] : memref<2x8x128xi32, #tpu.memory_space<vmem>> -> memref<1x8x128xi32, #tpu.memory_space<vmem>>
        %dma_start3A_944 = tpu.memref_squeeze %dma_start3A_943 : memref<1x8x128xi32, #tpu.memory_space<vmem>> -> memref<8x128xi32, #tpu.memory_space<vmem>>
        %dma_start3A_945 = arith.constant 0 : i32
        %dma_start3A_946 = tpu.memref_slice %dma_start3A_944[%dma_start3A_940, %dma_start3A_945] : memref<8x128xi32, #tpu.memory_space<vmem>> -> memref<1x128xi32, #tpu.memory_space<vmem>>
        %dma_start3A_947 = tpu.memref_squeeze %dma_start3A_946 : memref<1x128xi32, #tpu.memory_space<vmem>> -> memref<128xi32, #tpu.memory_space<vmem>>
        %dma_start3A_948 = arith.constant 0 : i32
        %dma_start3A_949 = arith.constant 0 : i32
        %dma_start3A_950 = tpu.memref_slice %arg4[%dma_start3A_948, %dma_start3A_949] : memref<10000x128xf32, #tpu.memory_space<hbm>> -> memref<10000x128xf32, #tpu.memory_space<hbm>>
        tpu.enqueue_indirect_dma source(%dma_start3A_950 : memref<10000x128xf32, #tpu.memory_space<hbm>>) target(%arg10 : memref<128x128xf32, #tpu.memory_space<vmem>>) offsets(%dma_start3A_947 : memref<128xi32, #tpu.memory_space<vmem>>) semaphore(%arg13 : memref<!tpu.dma_semaphore, #tpu.memory_space<semaphore_mem>>)
        %dma_wait3A_951 = arith.constant 1 : i32
        %dma_wait3A_952 = arith.constant 5 : i32
        %dma_wait3A_953 = arith.constant 0 : i32
        %dma_wait3A_954 = arith.constant 0 : i32
        %dma_wait3A_955 = tpu.memref_slice %arg8[%dma_wait3A_951, %dma_wait3A_953, %dma_wait3A_954] : memref<2x8x128xi32, #tpu.memory_space<vmem>> -> memref<1x8x128xi32, #tpu.memory_space<vmem>>
        %dma_wait3A_956 = tpu.memref_squeeze %dma_wait3A_955 : memref<1x8x128xi32, #tpu.memory_space<vmem>> -> memref<8x128xi32, #tpu.memory_space<vmem>>
        %dma_wait3A_957 = arith.constant 0 : i32
        %dma_wait3A_958 = tpu.memref_slice %dma_wait3A_956[%dma_wait3A_952, %dma_wait3A_957] : memref<8x128xi32, #tpu.memory_space<vmem>> -> memref<1x128xi32, #tpu.memory_space<vmem>>
        %dma_wait3A_959 = tpu.memref_squeeze %dma_wait3A_958 : memref<1x128xi32, #tpu.memory_space<vmem>> -> memref<128xi32, #tpu.memory_space<vmem>>
        %dma_wait3A_960 = arith.constant 0 : i32
        %dma_wait3A_961 = arith.constant 0 : i32
        %dma_wait3A_962 = tpu.memref_slice %arg4[%dma_wait3A_960, %dma_wait3A_961] : memref<10000x128xf32, #tpu.memory_space<hbm>> -> memref<10000x128xf32, #tpu.memory_space<hbm>>
        tpu.wait_indirect_dma semaphore(%arg14 : memref<!tpu.dma_semaphore, #tpu.memory_space<semaphore_mem>>) src(%dma_wait3A_962 : memref<10000x128xf32, #tpu.memory_space<hbm>>) dst(%arg11 : memref<128x128xf32, #tpu.memory_space<vmem>>)
        %dma_start3A_963 = arith.constant 1 : i32
        %dma_start3A_964 = arith.constant 5 : i32
        %dma_start3A_965 = arith.constant 0 : i32
        %dma_start3A_966 = arith.constant 0 : i32
        %dma_start3A_967 = tpu.memref_slice %arg9[%dma_start3A_963, %dma_start3A_965, %dma_start3A_966] : memref<2x8x128xi32, #tpu.memory_space<vmem>> -> memref<1x8x128xi32, #tpu.memory_space<vmem>>
        %dma_start3A_968 = tpu.memref_squeeze %dma_start3A_967 : memref<1x8x128xi32, #tpu.memory_space<vmem>> -> memref<8x128xi32, #tpu.memory_space<vmem>>
        %dma_start3A_969 = arith.constant 0 : i32
        %dma_start3A_970 = tpu.memref_slice %dma_start3A_968[%dma_start3A_964, %dma_start3A_969] : memref<8x128xi32, #tpu.memory_space<vmem>> -> memref<1x128xi32, #tpu.memory_space<vmem>>
        %dma_start3A_971 = tpu.memref_squeeze %dma_start3A_970 : memref<1x128xi32, #tpu.memory_space<vmem>> -> memref<128xi32, #tpu.memory_space<vmem>>
        %dma_start3A_972 = arith.constant 0 : i32
        %dma_start3A_973 = arith.constant 0 : i32
        %dma_start3A_974 = tpu.memref_slice %arg12[%dma_start3A_972, %dma_start3A_973] : memref<10240x128xf32, #tpu.memory_space<vmem_shared>> -> memref<10240x128xf32, #tpu.memory_space<vmem_shared>>
        tpu.enqueue_indirect_dma source(%arg11 : memref<128x128xf32, #tpu.memory_space<vmem>>) target(%dma_start3A_974 : memref<10240x128xf32, #tpu.memory_space<vmem_shared>>) offsets(%dma_start3A_971 : memref<128xi32, #tpu.memory_space<vmem>>) semaphore(%arg16 : memref<!tpu.dma_semaphore, #tpu.memory_space<semaphore_mem>>) {add = true}
        %dma_wait3A_975 = arith.constant 1 : i32
        %dma_wait3A_976 = arith.constant 5 : i32
        %dma_wait3A_977 = arith.constant 0 : i32
        %dma_wait3A_978 = arith.constant 0 : i32
        %dma_wait3A_979 = tpu.memref_slice %arg9[%dma_wait3A_975, %dma_wait3A_977, %dma_wait3A_978] : memref<2x8x128xi32, #tpu.memory_space<vmem>> -> memref<1x8x128xi32, #tpu.memory_space<vmem>>
        %dma_wait3A_980 = tpu.memref_squeeze %dma_wait3A_979 : memref<1x8x128xi32, #tpu.memory_space<vmem>> -> memref<8x128xi32, #tpu.memory_space<vmem>>
        %dma_wait3A_981 = arith.constant 0 : i32
        %dma_wait3A_982 = tpu.memref_slice %dma_wait3A_980[%dma_wait3A_976, %dma_wait3A_981] : memref<8x128xi32, #tpu.memory_space<vmem>> -> memref<1x128xi32, #tpu.memory_space<vmem>>
        %dma_wait3A_983 = tpu.memref_squeeze %dma_wait3A_982 : memref<1x128xi32, #tpu.memory_space<vmem>> -> memref<128xi32, #tpu.memory_space<vmem>>
        %dma_wait3A_984 = arith.constant 0 : i32
        %dma_wait3A_985 = arith.constant 0 : i32
        %dma_wait3A_986 = tpu.memref_slice %arg12[%dma_wait3A_984, %dma_wait3A_985] : memref<10240x128xf32, #tpu.memory_space<vmem_shared>> -> memref<10240x128xf32, #tpu.memory_space<vmem_shared>>
        tpu.wait_indirect_dma semaphore(%arg16 : memref<!tpu.dma_semaphore, #tpu.memory_space<semaphore_mem>>) src(%arg11 : memref<128x128xf32, #tpu.memory_space<vmem>>) dst(%dma_wait3A_986 : memref<10240x128xf32, #tpu.memory_space<vmem_shared>>)
        %dma_start3A_987 = arith.constant 1 : i32
        %dma_start3A_988 = arith.constant 7 : i32
        %dma_start3A_989 = arith.constant 0 : i32
        %dma_start3A_990 = arith.constant 0 : i32
        %dma_start3A_991 = tpu.memref_slice %arg8[%dma_start3A_987, %dma_start3A_989, %dma_start3A_990] : memref<2x8x128xi32, #tpu.memory_space<vmem>> -> memref<1x8x128xi32, #tpu.memory_space<vmem>>
        %dma_start3A_992 = tpu.memref_squeeze %dma_start3A_991 : memref<1x8x128xi32, #tpu.memory_space<vmem>> -> memref<8x128xi32, #tpu.memory_space<vmem>>
        %dma_start3A_993 = arith.constant 0 : i32
        %dma_start3A_994 = tpu.memref_slice %dma_start3A_992[%dma_start3A_988, %dma_start3A_993] : memref<8x128xi32, #tpu.memory_space<vmem>> -> memref<1x128xi32, #tpu.memory_space<vmem>>
        %dma_start3A_995 = tpu.memref_squeeze %dma_start3A_994 : memref<1x128xi32, #tpu.memory_space<vmem>> -> memref<128xi32, #tpu.memory_space<vmem>>
        %dma_start3A_996 = arith.constant 0 : i32
        %dma_start3A_997 = arith.constant 0 : i32
        %dma_start3A_998 = tpu.memref_slice %arg4[%dma_start3A_996, %dma_start3A_997] : memref<10000x128xf32, #tpu.memory_space<hbm>> -> memref<10000x128xf32, #tpu.memory_space<hbm>>
        tpu.enqueue_indirect_dma source(%dma_start3A_998 : memref<10000x128xf32, #tpu.memory_space<hbm>>) target(%arg11 : memref<128x128xf32, #tpu.memory_space<vmem>>) offsets(%dma_start3A_995 : memref<128xi32, #tpu.memory_space<vmem>>) semaphore(%arg14 : memref<!tpu.dma_semaphore, #tpu.memory_space<semaphore_mem>>)
        %dma_wait3A_999 = arith.constant 1 : i32
        %dma_wait3A_1000 = arith.constant 6 : i32
        %dma_wait3A_1001 = arith.constant 0 : i32
        %dma_wait3A_1002 = arith.constant 0 : i32
        %dma_wait3A_1003 = tpu.memref_slice %arg8[%dma_wait3A_999, %dma_wait3A_1001, %dma_wait3A_1002] : memref<2x8x128xi32, #tpu.memory_space<vmem>> -> memref<1x8x128xi32, #tpu.memory_space<vmem>>
        %dma_wait3A_1004 = tpu.memref_squeeze %dma_wait3A_1003 : memref<1x8x128xi32, #tpu.memory_space<vmem>> -> memref<8x128xi32, #tpu.memory_space<vmem>>
        %dma_wait3A_1005 = arith.constant 0 : i32
        %dma_wait3A_1006 = tpu.memref_slice %dma_wait3A_1004[%dma_wait3A_1000, %dma_wait3A_1005] : memref<8x128xi32, #tpu.memory_space<vmem>> -> memref<1x128xi32, #tpu.memory_space<vmem>>
        %dma_wait3A_1007 = tpu.memref_squeeze %dma_wait3A_1006 : memref<1x128xi32, #tpu.memory_space<vmem>> -> memref<128xi32, #tpu.memory_space<vmem>>
        %dma_wait3A_1008 = arith.constant 0 : i32
        %dma_wait3A_1009 = arith.constant 0 : i32
        %dma_wait3A_1010 = tpu.memref_slice %arg4[%dma_wait3A_1008, %dma_wait3A_1009] : memref<10000x128xf32, #tpu.memory_space<hbm>> -> memref<10000x128xf32, #tpu.memory_space<hbm>>
        tpu.wait_indirect_dma semaphore(%arg13 : memref<!tpu.dma_semaphore, #tpu.memory_space<semaphore_mem>>) src(%dma_wait3A_1010 : memref<10000x128xf32, #tpu.memory_space<hbm>>) dst(%arg10 : memref<128x128xf32, #tpu.memory_space<vmem>>)
        %dma_start3A_1011 = arith.constant 1 : i32
        %dma_start3A_1012 = arith.constant 6 : i32
        %dma_start3A_1013 = arith.constant 0 : i32
        %dma_start3A_1014 = arith.constant 0 : i32
        %dma_start3A_1015 = tpu.memref_slice %arg9[%dma_start3A_1011, %dma_start3A_1013, %dma_start3A_1014] : memref<2x8x128xi32, #tpu.memory_space<vmem>> -> memref<1x8x128xi32, #tpu.memory_space<vmem>>
        %dma_start3A_1016 = tpu.memref_squeeze %dma_start3A_1015 : memref<1x8x128xi32, #tpu.memory_space<vmem>> -> memref<8x128xi32, #tpu.memory_space<vmem>>
        %dma_start3A_1017 = arith.constant 0 : i32
        %dma_start3A_1018 = tpu.memref_slice %dma_start3A_1016[%dma_start3A_1012, %dma_start3A_1017] : memref<8x128xi32, #tpu.memory_space<vmem>> -> memref<1x128xi32, #tpu.memory_space<vmem>>
        %dma_start3A_1019 = tpu.memref_squeeze %dma_start3A_1018 : memref<1x128xi32, #tpu.memory_space<vmem>> -> memref<128xi32, #tpu.memory_space<vmem>>
        %dma_start3A_1020 = arith.constant 0 : i32
        %dma_start3A_1021 = arith.constant 0 : i32
        %dma_start3A_1022 = tpu.memref_slice %arg12[%dma_start3A_1020, %dma_start3A_1021] : memref<10240x128xf32, #tpu.memory_space<vmem_shared>> -> memref<10240x128xf32, #tpu.memory_space<vmem_shared>>
        tpu.enqueue_indirect_dma source(%arg10 : memref<128x128xf32, #tpu.memory_space<vmem>>) target(%dma_start3A_1022 : memref<10240x128xf32, #tpu.memory_space<vmem_shared>>) offsets(%dma_start3A_1019 : memref<128xi32, #tpu.memory_space<vmem>>) semaphore(%arg15 : memref<!tpu.dma_semaphore, #tpu.memory_space<semaphore_mem>>) {add = true}
        %dma_wait3A_1023 = arith.constant 1 : i32
        %dma_wait3A_1024 = arith.constant 7 : i32
        %dma_wait3A_1025 = arith.constant 0 : i32
        %dma_wait3A_1026 = arith.constant 0 : i32
        %dma_wait3A_1027 = tpu.memref_slice %arg8[%dma_wait3A_1023, %dma_wait3A_1025, %dma_wait3A_1026] : memref<2x8x128xi32, #tpu.memory_space<vmem>> -> memref<1x8x128xi32, #tpu.memory_space<vmem>>
        %dma_wait3A_1028 = tpu.memref_squeeze %dma_wait3A_1027 : memref<1x8x128xi32, #tpu.memory_space<vmem>> -> memref<8x128xi32, #tpu.memory_space<vmem>>
        %dma_wait3A_1029 = arith.constant 0 : i32
        %dma_wait3A_1030 = tpu.memref_slice %dma_wait3A_1028[%dma_wait3A_1024, %dma_wait3A_1029] : memref<8x128xi32, #tpu.memory_space<vmem>> -> memref<1x128xi32, #tpu.memory_space<vmem>>
        %dma_wait3A_1031 = tpu.memref_squeeze %dma_wait3A_1030 : memref<1x128xi32, #tpu.memory_space<vmem>> -> memref<128xi32, #tpu.memory_space<vmem>>
        %dma_wait3A_1032 = arith.constant 0 : i32
        %dma_wait3A_1033 = arith.constant 0 : i32
        %dma_wait3A_1034 = tpu.memref_slice %arg4[%dma_wait3A_1032, %dma_wait3A_1033] : memref<10000x128xf32, #tpu.memory_space<hbm>> -> memref<10000x128xf32, #tpu.memory_space<hbm>>
        tpu.wait_indirect_dma semaphore(%arg14 : memref<!tpu.dma_semaphore, #tpu.memory_space<semaphore_mem>>) src(%dma_wait3A_1034 : memref<10000x128xf32, #tpu.memory_space<hbm>>) dst(%arg11 : memref<128x128xf32, #tpu.memory_space<vmem>>)
        %dma_start3A_1035 = arith.constant 1 : i32
        %dma_start3A_1036 = arith.constant 7 : i32
        %dma_start3A_1037 = arith.constant 0 : i32
        %dma_start3A_1038 = arith.constant 0 : i32
        %dma_start3A_1039 = tpu.memref_slice %arg9[%dma_start3A_1035, %dma_start3A_1037, %dma_start3A_1038] : memref<2x8x128xi32, #tpu.memory_space<vmem>> -> memref<1x8x128xi32, #tpu.memory_space<vmem>>
        %dma_start3A_1040 = tpu.memref_squeeze %dma_start3A_1039 : memref<1x8x128xi32, #tpu.memory_space<vmem>> -> memref<8x128xi32, #tpu.memory_space<vmem>>
        %dma_start3A_1041 = arith.constant 0 : i32
        %dma_start3A_1042 = tpu.memref_slice %dma_start3A_1040[%dma_start3A_1036, %dma_start3A_1041] : memref<8x128xi32, #tpu.memory_space<vmem>> -> memref<1x128xi32, #tpu.memory_space<vmem>>
        %dma_start3A_1043 = tpu.memref_squeeze %dma_start3A_1042 : memref<1x128xi32, #tpu.memory_space<vmem>> -> memref<128xi32, #tpu.memory_space<vmem>>
        %dma_start3A_1044 = arith.constant 0 : i32
        %dma_start3A_1045 = arith.constant 0 : i32
        %dma_start3A_1046 = tpu.memref_slice %arg12[%dma_start3A_1044, %dma_start3A_1045] : memref<10240x128xf32, #tpu.memory_space<vmem_shared>> -> memref<10240x128xf32, #tpu.memory_space<vmem_shared>>
        tpu.enqueue_indirect_dma source(%arg11 : memref<128x128xf32, #tpu.memory_space<vmem>>) target(%dma_start3A_1046 : memref<10240x128xf32, #tpu.memory_space<vmem_shared>>) offsets(%dma_start3A_1043 : memref<128xi32, #tpu.memory_space<vmem>>) semaphore(%arg16 : memref<!tpu.dma_semaphore, #tpu.memory_space<semaphore_mem>>) {add = true}
        %dma_wait3A_1047 = arith.constant 1 : i32
        %dma_wait3A_1048 = arith.constant 6 : i32
        %dma_wait3A_1049 = arith.constant 0 : i32
        %dma_wait3A_1050 = arith.constant 0 : i32
        %dma_wait3A_1051 = tpu.memref_slice %arg9[%dma_wait3A_1047, %dma_wait3A_1049, %dma_wait3A_1050] : memref<2x8x128xi32, #tpu.memory_space<vmem>> -> memref<1x8x128xi32, #tpu.memory_space<vmem>>
        %dma_wait3A_1052 = tpu.memref_squeeze %dma_wait3A_1051 : memref<1x8x128xi32, #tpu.memory_space<vmem>> -> memref<8x128xi32, #tpu.memory_space<vmem>>
        %dma_wait3A_1053 = arith.constant 0 : i32
        %dma_wait3A_1054 = tpu.memref_slice %dma_wait3A_1052[%dma_wait3A_1048, %dma_wait3A_1053] : memref<8x128xi32, #tpu.memory_space<vmem>> -> memref<1x128xi32, #tpu.memory_space<vmem>>
        %dma_wait3A_1055 = tpu.memref_squeeze %dma_wait3A_1054 : memref<1x128xi32, #tpu.memory_space<vmem>> -> memref<128xi32, #tpu.memory_space<vmem>>
        %dma_wait3A_1056 = arith.constant 0 : i32
        %dma_wait3A_1057 = arith.constant 0 : i32
        %dma_wait3A_1058 = tpu.memref_slice %arg12[%dma_wait3A_1056, %dma_wait3A_1057] : memref<10240x128xf32, #tpu.memory_space<vmem_shared>> -> memref<10240x128xf32, #tpu.memory_space<vmem_shared>>
        tpu.wait_indirect_dma semaphore(%arg15 : memref<!tpu.dma_semaphore, #tpu.memory_space<semaphore_mem>>) src(%arg10 : memref<128x128xf32, #tpu.memory_space<vmem>>) dst(%dma_wait3A_1058 : memref<10240x128xf32, #tpu.memory_space<vmem_shared>>)
        %dma_wait3A_1059 = arith.constant 1 : i32
        %dma_wait3A_1060 = arith.constant 7 : i32
        %dma_wait3A_1061 = arith.constant 0 : i32
        %dma_wait3A_1062 = arith.constant 0 : i32
        %dma_wait3A_1063 = tpu.memref_slice %arg9[%dma_wait3A_1059, %dma_wait3A_1061, %dma_wait3A_1062] : memref<2x8x128xi32, #tpu.memory_space<vmem>> -> memref<1x8x128xi32, #tpu.memory_space<vmem>>
        %dma_wait3A_1064 = tpu.memref_squeeze %dma_wait3A_1063 : memref<1x8x128xi32, #tpu.memory_space<vmem>> -> memref<8x128xi32, #tpu.memory_space<vmem>>
        %dma_wait3A_1065 = arith.constant 0 : i32
        %dma_wait3A_1066 = tpu.memref_slice %dma_wait3A_1064[%dma_wait3A_1060, %dma_wait3A_1065] : memref<8x128xi32, #tpu.memory_space<vmem>> -> memref<1x128xi32, #tpu.memory_space<vmem>>
        %dma_wait3A_1067 = tpu.memref_squeeze %dma_wait3A_1066 : memref<1x128xi32, #tpu.memory_space<vmem>> -> memref<128xi32, #tpu.memory_space<vmem>>
        %dma_wait3A_1068 = arith.constant 0 : i32
        %dma_wait3A_1069 = arith.constant 0 : i32
        %dma_wait3A_1070 = tpu.memref_slice %arg12[%dma_wait3A_1068, %dma_wait3A_1069] : memref<10240x128xf32, #tpu.memory_space<vmem_shared>> -> memref<10240x128xf32, #tpu.memory_space<vmem_shared>>
        tpu.wait_indirect_dma semaphore(%arg16 : memref<!tpu.dma_semaphore, #tpu.memory_space<semaphore_mem>>) src(%arg11 : memref<128x128xf32, #tpu.memory_space<vmem>>) dst(%dma_wait3A_1070 : memref<10240x128xf32, #tpu.memory_space<vmem_shared>>)
        %add3A_1071 = arith.constant 3 : i32
        %add3A_1072 = arith.addi %mul3A_201, %add3A_1071 : i32
        %lt3A_1073 = arith.cmpi slt, %add3A_1072, %select_n3A_20 : i32
        %convert_element_type3A_1074 = arith.extui %lt3A_1073 : i1 to i32
        %cond3A_1075 = arith.constant 0 : i32
        %cond3A_1076 = arith.cmpi ne, %convert_element_type3A_1074, %cond3A_1075 : i32
        scf.if %cond3A_1076 {
          %mul3A_1077 = arith.constant 8 : i32
          %mul3A_1078 = arith.muli %add3A_1072, %mul3A_1077 : i32
          %add3A_1079 = arith.addi %mul3A_1078, %mul3A_0 : i32
          %multiple_of3A = tpu.assume_multiple %add3A_1079, 8 : i32
          %dma_start3A_1080 = arith.constant 1 : i32
          %dma_start3A_1081 = arith.constant 0 : i32
          %dma_start3A_1082 = arith.constant 0 : i32
          %dma_start3A_1083 = tpu.memref_slice %arg8[%dma_start3A_1080, %dma_start3A_1081, %dma_start3A_1082] : memref<2x8x128xi32, #tpu.memory_space<vmem>> -> memref<1x8x128xi32, #tpu.memory_space<vmem>>
          %dma_start3A_1084 = tpu.memref_squeeze %dma_start3A_1083 : memref<1x8x128xi32, #tpu.memory_space<vmem>> -> memref<8x128xi32, #tpu.memory_space<vmem>>
          %dma_start3A_1085 = arith.constant 0 : i32
          %dma_start3A_1086 = arith.constant 0 : i32
          %dma_start3A_1087 = tpu.memref_slice %arg2[%arg1, %dma_start3A_1085, %dma_start3A_1086] : memref<16x160x128xi32, #tpu.memory_space<hbm>> -> memref<1x160x128xi32, #tpu.memory_space<hbm>>
          %dma_start3A_1088 = tpu.memref_squeeze %dma_start3A_1087 : memref<1x160x128xi32, #tpu.memory_space<hbm>> -> memref<160x128xi32, #tpu.memory_space<hbm>>
          %dma_start3A_1089 = arith.constant 0 : i32
          %dma_start3A_1090 = tpu.memref_slice %dma_start3A_1088[%multiple_of3A, %dma_start3A_1089] : memref<160x128xi32, #tpu.memory_space<hbm>> -> memref<8x128xi32, #tpu.memory_space<hbm>>
          %dma_start3A_1091 = arith.constant 0 : i32
          %dma_start3A_1092 = arith.constant 0 : i32
          %dma_start3A_1093 = tpu.memref_slice %arg8[%dma_start3A_1080, %dma_start3A_1091, %dma_start3A_1092] : memref<2x8x128xi32, #tpu.memory_space<vmem>> -> memref<1x8x128xi32, #tpu.memory_space<vmem>>
          %dma_start3A_1094 = tpu.memref_squeeze %dma_start3A_1093 : memref<1x8x128xi32, #tpu.memory_space<vmem>> -> memref<8x128xi32, #tpu.memory_space<vmem>>
          %dma_start3A_1095 = arith.constant 0 : i32
          %dma_start3A_1096 = arith.constant 0 : i32
          %dma_start3A_1097 = tpu.memref_slice %arg2[%arg1, %dma_start3A_1095, %dma_start3A_1096] : memref<16x160x128xi32, #tpu.memory_space<hbm>> -> memref<1x160x128xi32, #tpu.memory_space<hbm>>
          %dma_start3A_1098 = tpu.memref_squeeze %dma_start3A_1097 : memref<1x160x128xi32, #tpu.memory_space<hbm>> -> memref<160x128xi32, #tpu.memory_space<hbm>>
          %dma_start3A_1099 = arith.constant 0 : i32
          %dma_start3A_1100 = tpu.memref_slice %dma_start3A_1098[%multiple_of3A, %dma_start3A_1099] : memref<160x128xi32, #tpu.memory_space<hbm>> -> memref<8x128xi32, #tpu.memory_space<hbm>>
          tpu.enqueue_dma source(%dma_start3A_1100 : memref<8x128xi32, #tpu.memory_space<hbm>>) target(%dma_start3A_1094 : memref<8x128xi32, #tpu.memory_space<vmem>>) target_semaphore(%arg18 : memref<!tpu.dma_semaphore, #tpu.memory_space<semaphore_mem>>)
          %dma_start3A_1101 = arith.constant 1 : i32
          %dma_start3A_1102 = arith.constant 0 : i32
          %dma_start3A_1103 = arith.constant 0 : i32
          %dma_start3A_1104 = tpu.memref_slice %arg9[%dma_start3A_1101, %dma_start3A_1102, %dma_start3A_1103] : memref<2x8x128xi32, #tpu.memory_space<vmem>> -> memref<1x8x128xi32, #tpu.memory_space<vmem>>
          %dma_start3A_1105 = tpu.memref_squeeze %dma_start3A_1104 : memref<1x8x128xi32, #tpu.memory_space<vmem>> -> memref<8x128xi32, #tpu.memory_space<vmem>>
          %dma_start3A_1106 = arith.constant 0 : i32
          %dma_start3A_1107 = arith.constant 0 : i32
          %dma_start3A_1108 = tpu.memref_slice %arg3[%arg1, %dma_start3A_1106, %dma_start3A_1107] : memref<16x160x128xi32, #tpu.memory_space<hbm>> -> memref<1x160x128xi32, #tpu.memory_space<hbm>>
          %dma_start3A_1109 = tpu.memref_squeeze %dma_start3A_1108 : memref<1x160x128xi32, #tpu.memory_space<hbm>> -> memref<160x128xi32, #tpu.memory_space<hbm>>
          %dma_start3A_1110 = arith.constant 0 : i32
          %dma_start3A_1111 = tpu.memref_slice %dma_start3A_1109[%multiple_of3A, %dma_start3A_1110] : memref<160x128xi32, #tpu.memory_space<hbm>> -> memref<8x128xi32, #tpu.memory_space<hbm>>
          %dma_start3A_1112 = arith.constant 0 : i32
          %dma_start3A_1113 = arith.constant 0 : i32
          %dma_start3A_1114 = tpu.memref_slice %arg9[%dma_start3A_1101, %dma_start3A_1112, %dma_start3A_1113] : memref<2x8x128xi32, #tpu.memory_space<vmem>> -> memref<1x8x128xi32, #tpu.memory_space<vmem>>
          %dma_start3A_1115 = tpu.memref_squeeze %dma_start3A_1114 : memref<1x8x128xi32, #tpu.memory_space<vmem>> -> memref<8x128xi32, #tpu.memory_space<vmem>>
          %dma_start3A_1116 = arith.constant 0 : i32
          %dma_start3A_1117 = arith.constant 0 : i32
          %dma_start3A_1118 = tpu.memref_slice %arg3[%arg1, %dma_start3A_1116, %dma_start3A_1117] : memref<16x160x128xi32, #tpu.memory_space<hbm>> -> memref<1x160x128xi32, #tpu.memory_space<hbm>>
          %dma_start3A_1119 = tpu.memref_squeeze %dma_start3A_1118 : memref<1x160x128xi32, #tpu.memory_space<hbm>> -> memref<160x128xi32, #tpu.memory_space<hbm>>
          %dma_start3A_1120 = arith.constant 0 : i32
          %dma_start3A_1121 = tpu.memref_slice %dma_start3A_1119[%multiple_of3A, %dma_start3A_1120] : memref<160x128xi32, #tpu.memory_space<hbm>> -> memref<8x128xi32, #tpu.memory_space<hbm>>
          tpu.enqueue_dma source(%dma_start3A_1121 : memref<8x128xi32, #tpu.memory_space<hbm>>) target(%dma_start3A_1115 : memref<8x128xi32, #tpu.memory_space<vmem>>) target_semaphore(%arg18 : memref<!tpu.dma_semaphore, #tpu.memory_space<semaphore_mem>>)
        } else {
        }
      } else {
      }
    }
    %barrier3A_99 = arith.constant 0 : index
    tpu.barrier barrier_id(%barrier3A_99)
    %mul3A_100 = arith.constant 640 : i32
    %mul3A_101 = arith.muli %arg1, %mul3A_100 : i32
    %mul3A_102 = arith.constant 640 : i32
    %mul3A_103 = arith.muli %arg1, %mul3A_102 : i32
    "tpu.region"() ({
      %run_scoped3A = tpu.sem_alloc : memref<!tpu.dma_semaphore, #tpu.memory_space<semaphore_mem>>
      %dma_start3A = arith.constant 0 : i32
      %dma_start3A_197 = arith.constant 0 : i32
      %dma_start3A_198 = tpu.memref_slice %arg6[%arg0, %dma_start3A, %dma_start3A_197] : memref<2x10240x128xf32, #tpu.memory_space<hbm>> -> memref<1x10240x128xf32, #tpu.memory_space<hbm>>
      %dma_start3A_199 = tpu.memref_squeeze %dma_start3A_198 : memref<1x10240x128xf32, #tpu.memory_space<hbm>> -> memref<10240x128xf32, #tpu.memory_space<hbm>>
      %dma_start3A_200 = arith.constant 0 : i32
      %dma_start3A_201 = tpu.memref_slice %dma_start3A_199[%mul3A_103, %dma_start3A_200] : memref<10240x128xf32, #tpu.memory_space<hbm>> -> memref<640x128xf32, #tpu.memory_space<hbm>>
      %dma_start3A_202 = arith.constant 0 : i32
      %dma_start3A_203 = tpu.memref_slice %arg12[%mul3A_101, %dma_start3A_202] : memref<10240x128xf32, #tpu.memory_space<vmem_shared>> -> memref<640x128xf32, #tpu.memory_space<vmem_shared>>
      tpu.enqueue_dma source(%dma_start3A_203 : memref<640x128xf32, #tpu.memory_space<vmem_shared>>) target(%dma_start3A_201 : memref<640x128xf32, #tpu.memory_space<hbm>>) target_semaphore(%run_scoped3A : memref<!tpu.dma_semaphore, #tpu.memory_space<semaphore_mem>>)
      %dma_wait3A = arith.constant 0 : i32
      %dma_wait3A_204 = arith.constant 0 : i32
      %dma_wait3A_205 = tpu.memref_slice %arg6[%arg0, %dma_wait3A, %dma_wait3A_204] : memref<2x10240x128xf32, #tpu.memory_space<hbm>> -> memref<1x10240x128xf32, #tpu.memory_space<hbm>>
      %dma_wait3A_206 = tpu.memref_squeeze %dma_wait3A_205 : memref<1x10240x128xf32, #tpu.memory_space<hbm>> -> memref<10240x128xf32, #tpu.memory_space<hbm>>
      %dma_wait3A_207 = arith.constant 0 : i32
      %dma_wait3A_208 = tpu.memref_slice %dma_wait3A_206[%mul3A_103, %dma_wait3A_207] : memref<10240x128xf32, #tpu.memory_space<hbm>> -> memref<640x128xf32, #tpu.memory_space<hbm>>
      %dma_wait3A_209 = arith.constant 0 : i32
      %dma_wait3A_210 = tpu.memref_slice %arg12[%mul3A_101, %dma_wait3A_209] : memref<10240x128xf32, #tpu.memory_space<vmem_shared>> -> memref<640x128xf32, #tpu.memory_space<vmem_shared>>
      tpu.wait_dma2 semaphore(%run_scoped3A : memref<!tpu.dma_semaphore, #tpu.memory_space<semaphore_mem>>) src(%dma_wait3A_210 : memref<640x128xf32, #tpu.memory_space<vmem_shared>>) dst(%dma_wait3A_208 : memref<640x128xf32, #tpu.memory_space<hbm>>)
      tpu.yield
    }) : () -> ()
    %mul3A_104 = arith.constant 640 : i32
    %mul3A_105 = arith.muli %arg1, %mul3A_104 : i32
    %mul3A_106 = arith.constant 640 : i32
    %mul3A_107 = arith.muli %arg1, %mul3A_106 : i32
    "tpu.region"() ({
      %run_scoped3A = tpu.sem_alloc : memref<!tpu.dma_semaphore, #tpu.memory_space<semaphore_mem>>
      %dma_start3A = arith.constant 0 : i32
      %dma_start3A_197 = tpu.memref_slice %arg12[%mul3A_107, %dma_start3A] : memref<10240x128xf32, #tpu.memory_space<vmem_shared>> -> memref<640x128xf32, #tpu.memory_space<vmem_shared>>
      %dma_start3A_198 = arith.constant 0 : i32
      %dma_start3A_199 = tpu.memref_slice %arg5[%mul3A_105, %dma_start3A_198] : memref<10240x128xf32, #tpu.memory_space<hbm>> -> memref<640x128xf32, #tpu.memory_space<hbm>>
      tpu.enqueue_dma source(%dma_start3A_199 : memref<640x128xf32, #tpu.memory_space<hbm>>) target(%dma_start3A_197 : memref<640x128xf32, #tpu.memory_space<vmem_shared>>) target_semaphore(%run_scoped3A : memref<!tpu.dma_semaphore, #tpu.memory_space<semaphore_mem>>)
      %dma_wait3A = arith.constant 0 : i32
      %dma_wait3A_200 = tpu.memref_slice %arg12[%mul3A_107, %dma_wait3A] : memref<10240x128xf32, #tpu.memory_space<vmem_shared>> -> memref<640x128xf32, #tpu.memory_space<vmem_shared>>
      %dma_wait3A_201 = arith.constant 0 : i32
      %dma_wait3A_202 = tpu.memref_slice %arg5[%mul3A_105, %dma_wait3A_201] : memref<10240x128xf32, #tpu.memory_space<hbm>> -> memref<640x128xf32, #tpu.memory_space<hbm>>
      tpu.wait_dma2 semaphore(%run_scoped3A : memref<!tpu.dma_semaphore, #tpu.memory_space<semaphore_mem>>) src(%dma_wait3A_202 : memref<640x128xf32, #tpu.memory_space<hbm>>) dst(%dma_wait3A_200 : memref<640x128xf32, #tpu.memory_space<vmem_shared>>)
      tpu.yield
    }) : () -> ()
    %scan3A = arith.constant 0 : i32
    %scan3A_108 = arith.constant 128 : i32
    %scan3A_109 = arith.addi %scan3A, %scan3A_108 : i32
    %scan3A_110 = arith.constant 1 : i32
    scf.for %scan3A_197 = %scan3A to %scan3A_109 step %scan3A_110  : i32 {
      %mul3A_198 = arith.constant 1 : i32
      %mul3A_199 = arith.muli %scan3A_197, %mul3A_198 : i32
      %add3A_200 = arith.constant 0 : i32
      %add3A_201 = arith.addi %add3A_200, %mul3A_199 : i32
      %broadcast_in_dim3A = arith.constant 1.000000e+00 : f32
      %broadcast_in_dim3A_202 = vector.broadcast %broadcast_in_dim3A : f32 to vector<16xf32>
      %swap3A = arith.index_cast %add3A_201 : i32 to index
      %swap3A_203 = arith.constant 0 : index
      %swap3A_204 = tpu.vector_load %arg10[%swap3A, %swap3A_203] {strides = array<i32>} : memref<128x128xf32, #tpu.memory_space<vmem>>, vector<1x16xf32>,
      %swap3A_205 = vector.shape_cast %swap3A_204 : vector<1x16xf32> to vector<16xf32>
      %swap3A_206 = vector.shape_cast %broadcast_in_dim3A_202 : vector<16xf32> to vector<1x16xf32>
      tpu.vector_store %arg10[%swap3A, %swap3A_203], %swap3A_206 {strides = array<i32>} : memref<128x128xf32, #tpu.memory_space<vmem>>, vector<1x16xf32>,
      %broadcast_in_dim3A_207 = arith.constant 1.000000e+00 : f32
      %broadcast_in_dim3A_208 = vector.broadcast %broadcast_in_dim3A_207 : f32 to vector<16xf32>
      %swap3A_209 = arith.index_cast %add3A_201 : i32 to index
      %swap3A_210 = arith.constant 16 : index
      %swap3A_211 = tpu.vector_load %arg10[%swap3A_209, %swap3A_210] {strides = array<i32>} : memref<128x128xf32, #tpu.memory_space<vmem>>, vector<1x16xf32>,
      %swap3A_212 = vector.shape_cast %swap3A_211 : vector<1x16xf32> to vector<16xf32>
      %swap3A_213 = vector.shape_cast %broadcast_in_dim3A_208 : vector<16xf32> to vector<1x16xf32>
      tpu.vector_store %arg10[%swap3A_209, %swap3A_210], %swap3A_213 {strides = array<i32>} : memref<128x128xf32, #tpu.memory_space<vmem>>, vector<1x16xf32>,
      %broadcast_in_dim3A_214 = arith.constant 1.000000e+00 : f32
      %broadcast_in_dim3A_215 = vector.broadcast %broadcast_in_dim3A_214 : f32 to vector<16xf32>
      %swap3A_216 = arith.index_cast %add3A_201 : i32 to index
      %swap3A_217 = arith.constant 32 : index
      %swap3A_218 = tpu.vector_load %arg10[%swap3A_216, %swap3A_217] {strides = array<i32>} : memref<128x128xf32, #tpu.memory_space<vmem>>, vector<1x16xf32>,
      %swap3A_219 = vector.shape_cast %swap3A_218 : vector<1x16xf32> to vector<16xf32>
      %swap3A_220 = vector.shape_cast %broadcast_in_dim3A_215 : vector<16xf32> to vector<1x16xf32>
      tpu.vector_store %arg10[%swap3A_216, %swap3A_217], %swap3A_220 {strides = array<i32>} : memref<128x128xf32, #tpu.memory_space<vmem>>, vector<1x16xf32>,
      %broadcast_in_dim3A_221 = arith.constant 1.000000e+00 : f32
      %broadcast_in_dim3A_222 = vector.broadcast %broadcast_in_dim3A_221 : f32 to vector<16xf32>
      %swap3A_223 = arith.index_cast %add3A_201 : i32 to index
      %swap3A_224 = arith.constant 48 : index
      %swap3A_225 = tpu.vector_load %arg10[%swap3A_223, %swap3A_224] {strides = array<i32>} : memref<128x128xf32, #tpu.memory_space<vmem>>, vector<1x16xf32>,
      %swap3A_226 = vector.shape_cast %swap3A_225 : vector<1x16xf32> to vector<16xf32>
      %swap3A_227 = vector.shape_cast %broadcast_in_dim3A_222 : vector<16xf32> to vector<1x16xf32>
      tpu.vector_store %arg10[%swap3A_223, %swap3A_224], %swap3A_227 {strides = array<i32>} : memref<128x128xf32, #tpu.memory_space<vmem>>, vector<1x16xf32>,
      %broadcast_in_dim3A_228 = arith.constant 1.000000e+00 : f32
      %broadcast_in_dim3A_229 = vector.broadcast %broadcast_in_dim3A_228 : f32 to vector<16xf32>
      %swap3A_230 = arith.index_cast %add3A_201 : i32 to index
      %swap3A_231 = arith.constant 64 : index
      %swap3A_232 = tpu.vector_load %arg10[%swap3A_230, %swap3A_231] {strides = array<i32>} : memref<128x128xf32, #tpu.memory_space<vmem>>, vector<1x16xf32>,
      %swap3A_233 = vector.shape_cast %swap3A_232 : vector<1x16xf32> to vector<16xf32>
      %swap3A_234 = vector.shape_cast %broadcast_in_dim3A_229 : vector<16xf32> to vector<1x16xf32>
      tpu.vector_store %arg10[%swap3A_230, %swap3A_231], %swap3A_234 {strides = array<i32>} : memref<128x128xf32, #tpu.memory_space<vmem>>, vector<1x16xf32>,
      %broadcast_in_dim3A_235 = arith.constant 1.000000e+00 : f32
      %broadcast_in_dim3A_236 = vector.broadcast %broadcast_in_dim3A_235 : f32 to vector<16xf32>
      %swap3A_237 = arith.index_cast %add3A_201 : i32 to index
      %swap3A_238 = arith.constant 80 : index
      %swap3A_239 = tpu.vector_load %arg10[%swap3A_237, %swap3A_238] {strides = array<i32>} : memref<128x128xf32, #tpu.memory_space<vmem>>, vector<1x16xf32>,
      %swap3A_240 = vector.shape_cast %swap3A_239 : vector<1x16xf32> to vector<16xf32>
      %swap3A_241 = vector.shape_cast %broadcast_in_dim3A_236 : vector<16xf32> to vector<1x16xf32>
      tpu.vector_store %arg10[%swap3A_237, %swap3A_238], %swap3A_241 {strides = array<i32>} : memref<128x128xf32, #tpu.memory_space<vmem>>, vector<1x16xf32>,
      %broadcast_in_dim3A_242 = arith.constant 1.000000e+00 : f32
      %broadcast_in_dim3A_243 = vector.broadcast %broadcast_in_dim3A_242 : f32 to vector<16xf32>
      %swap3A_244 = arith.index_cast %add3A_201 : i32 to index
      %swap3A_245 = arith.constant 96 : index
      %swap3A_246 = tpu.vector_load %arg10[%swap3A_244, %swap3A_245] {strides = array<i32>} : memref<128x128xf32, #tpu.memory_space<vmem>>, vector<1x16xf32>,
      %swap3A_247 = vector.shape_cast %swap3A_246 : vector<1x16xf32> to vector<16xf32>
      %swap3A_248 = vector.shape_cast %broadcast_in_dim3A_243 : vector<16xf32> to vector<1x16xf32>
      tpu.vector_store %arg10[%swap3A_244, %swap3A_245], %swap3A_248 {strides = array<i32>} : memref<128x128xf32, #tpu.memory_space<vmem>>, vector<1x16xf32>,
      %broadcast_in_dim3A_249 = arith.constant 1.000000e+00 : f32
      %broadcast_in_dim3A_250 = vector.broadcast %broadcast_in_dim3A_249 : f32 to vector<16xf32>
      %swap3A_251 = arith.index_cast %add3A_201 : i32 to index
      %swap3A_252 = arith.constant 112 : index
      %swap3A_253 = tpu.vector_load %arg10[%swap3A_251, %swap3A_252] {strides = array<i32>} : memref<128x128xf32, #tpu.memory_space<vmem>>, vector<1x16xf32>,
      %swap3A_254 = vector.shape_cast %swap3A_253 : vector<1x16xf32> to vector<16xf32>
      %swap3A_255 = vector.shape_cast %broadcast_in_dim3A_250 : vector<16xf32> to vector<1x16xf32>
      tpu.vector_store %arg10[%swap3A_251, %swap3A_252], %swap3A_255 {strides = array<i32>} : memref<128x128xf32, #tpu.memory_space<vmem>>, vector<1x16xf32>,
    }
    %scan3A_111 = arith.constant 128 : i32
    %barrier3A_112 = arith.constant 0 : index
    tpu.barrier barrier_id(%barrier3A_112)
    %gt3A_113 = arith.constant 0 : i32
    %gt3A_114 = arith.cmpi sgt, %select_n3A_20, %gt3A_113 : i32
    %convert_element_type3A_115 = arith.extui %gt3A_114 : i1 to i32
    %cond3A_116 = arith.constant 0 : i32
    %cond3A_117 = arith.cmpi ne, %convert_element_type3A_115, %cond3A_116 : i32
    scf.if %cond3A_117 {
      %add3A_197 = arith.constant 0 : i32
      %add3A_198 = arith.addi %add3A_197, %mul3A_0 : i32
      %multiple_of3A = tpu.assume_multiple %add3A_198, 8 : i32
      %dma_start3A = arith.constant 0 : i32
      %dma_start3A_199 = arith.constant 0 : i32
      %dma_start3A_200 = arith.constant 0 : i32
      %dma_start3A_201 = tpu.memref_slice %arg9[%dma_start3A, %dma_start3A_199, %dma_start3A_200] : memref<2x8x128xi32, #tpu.memory_space<vmem>> -> memref<1x8x128xi32, #tpu.memory_space<vmem>>
      %dma_start3A_202 = tpu.memref_squeeze %dma_start3A_201 : memref<1x8x128xi32, #tpu.memory_space<vmem>> -> memref<8x128xi32, #tpu.memory_space<vmem>>
      %dma_start3A_203 = arith.constant 0 : i32
      %dma_start3A_204 = arith.constant 0 : i32
      %dma_start3A_205 = tpu.memref_slice %arg3[%arg1, %dma_start3A_203, %dma_start3A_204] : memref<16x160x128xi32, #tpu.memory_space<hbm>> -> memref<1x160x128xi32, #tpu.memory_space<hbm>>
      %dma_start3A_206 = tpu.memref_squeeze %dma_start3A_205 : memref<1x160x128xi32, #tpu.memory_space<hbm>> -> memref<160x128xi32, #tpu.memory_space<hbm>>
      %dma_start3A_207 = arith.constant 0 : i32
      %dma_start3A_208 = tpu.memref_slice %dma_start3A_206[%multiple_of3A, %dma_start3A_207] : memref<160x128xi32, #tpu.memory_space<hbm>> -> memref<8x128xi32, #tpu.memory_space<hbm>>
      %dma_start3A_209 = arith.constant 0 : i32
      %dma_start3A_210 = arith.constant 0 : i32
      %dma_start3A_211 = tpu.memref_slice %arg9[%dma_start3A, %dma_start3A_209, %dma_start3A_210] : memref<2x8x128xi32, #tpu.memory_space<vmem>> -> memref<1x8x128xi32, #tpu.memory_space<vmem>>
      %dma_start3A_212 = tpu.memref_squeeze %dma_start3A_211 : memref<1x8x128xi32, #tpu.memory_space<vmem>> -> memref<8x128xi32, #tpu.memory_space<vmem>>
      %dma_start3A_213 = arith.constant 0 : i32
      %dma_start3A_214 = arith.constant 0 : i32
      %dma_start3A_215 = tpu.memref_slice %arg3[%arg1, %dma_start3A_213, %dma_start3A_214] : memref<16x160x128xi32, #tpu.memory_space<hbm>> -> memref<1x160x128xi32, #tpu.memory_space<hbm>>
      %dma_start3A_216 = tpu.memref_squeeze %dma_start3A_215 : memref<1x160x128xi32, #tpu.memory_space<hbm>> -> memref<160x128xi32, #tpu.memory_space<hbm>>
      %dma_start3A_217 = arith.constant 0 : i32
      %dma_start3A_218 = tpu.memref_slice %dma_start3A_216[%multiple_of3A, %dma_start3A_217] : memref<160x128xi32, #tpu.memory_space<hbm>> -> memref<8x128xi32, #tpu.memory_space<hbm>>
      tpu.enqueue_dma source(%dma_start3A_218 : memref<8x128xi32, #tpu.memory_space<hbm>>) target(%dma_start3A_212 : memref<8x128xi32, #tpu.memory_space<vmem>>) target_semaphore(%arg17 : memref<!tpu.dma_semaphore, #tpu.memory_space<semaphore_mem>>)
    } else {
    }
    %gt3A_118 = arith.constant 1 : i32
    %gt3A_119 = arith.cmpi sgt, %select_n3A_20, %gt3A_118 : i32
    %convert_element_type3A_120 = arith.extui %gt3A_119 : i1 to i32
    %cond3A_121 = arith.constant 0 : i32
    %cond3A_122 = arith.cmpi ne, %convert_element_type3A_120, %cond3A_121 : i32
    scf.if %cond3A_122 {
      %add3A_197 = arith.constant 8 : i32
      %add3A_198 = arith.addi %add3A_197, %mul3A_0 : i32
      %multiple_of3A = tpu.assume_multiple %add3A_198, 8 : i32
      %dma_start3A = arith.constant 1 : i32
      %dma_start3A_199 = arith.constant 0 : i32
      %dma_start3A_200 = arith.constant 0 : i32
      %dma_start3A_201 = tpu.memref_slice %arg9[%dma_start3A, %dma_start3A_199, %dma_start3A_200] : memref<2x8x128xi32, #tpu.memory_space<vmem>> -> memref<1x8x128xi32, #tpu.memory_space<vmem>>
      %dma_start3A_202 = tpu.memref_squeeze %dma_start3A_201 : memref<1x8x128xi32, #tpu.memory_space<vmem>> -> memref<8x128xi32, #tpu.memory_space<vmem>>
      %dma_start3A_203 = arith.constant 0 : i32
      %dma_start3A_204 = arith.constant 0 : i32
      %dma_start3A_205 = tpu.memref_slice %arg3[%arg1, %dma_start3A_203, %dma_start3A_204] : memref<16x160x128xi32, #tpu.memory_space<hbm>> -> memref<1x160x128xi32, #tpu.memory_space<hbm>>
      %dma_start3A_206 = tpu.memref_squeeze %dma_start3A_205 : memref<1x160x128xi32, #tpu.memory_space<hbm>> -> memref<160x128xi32, #tpu.memory_space<hbm>>
      %dma_start3A_207 = arith.constant 0 : i32
      %dma_start3A_208 = tpu.memref_slice %dma_start3A_206[%multiple_of3A, %dma_start3A_207] : memref<160x128xi32, #tpu.memory_space<hbm>> -> memref<8x128xi32, #tpu.memory_space<hbm>>
      %dma_start3A_209 = arith.constant 0 : i32
      %dma_start3A_210 = arith.constant 0 : i32
      %dma_start3A_211 = tpu.memref_slice %arg9[%dma_start3A, %dma_start3A_209, %dma_start3A_210] : memref<2x8x128xi32, #tpu.memory_space<vmem>> -> memref<1x8x128xi32, #tpu.memory_space<vmem>>
      %dma_start3A_212 = tpu.memref_squeeze %dma_start3A_211 : memref<1x8x128xi32, #tpu.memory_space<vmem>> -> memref<8x128xi32, #tpu.memory_space<vmem>>
      %dma_start3A_213 = arith.constant 0 : i32
      %dma_start3A_214 = arith.constant 0 : i32
      %dma_start3A_215 = tpu.memref_slice %arg3[%arg1, %dma_start3A_213, %dma_start3A_214] : memref<16x160x128xi32, #tpu.memory_space<hbm>> -> memref<1x160x128xi32, #tpu.memory_space<hbm>>
      %dma_start3A_216 = tpu.memref_squeeze %dma_start3A_215 : memref<1x160x128xi32, #tpu.memory_space<hbm>> -> memref<160x128xi32, #tpu.memory_space<hbm>>
      %dma_start3A_217 = arith.constant 0 : i32
      %dma_start3A_218 = tpu.memref_slice %dma_start3A_216[%multiple_of3A, %dma_start3A_217] : memref<160x128xi32, #tpu.memory_space<hbm>> -> memref<8x128xi32, #tpu.memory_space<hbm>>
      tpu.enqueue_dma source(%dma_start3A_218 : memref<8x128xi32, #tpu.memory_space<hbm>>) target(%dma_start3A_212 : memref<8x128xi32, #tpu.memory_space<vmem>>) target_semaphore(%arg18 : memref<!tpu.dma_semaphore, #tpu.memory_space<semaphore_mem>>)
    } else {
    }
    %jit3A_123 = arith.constant 8 : i32
    %div3A_124 = arith.divsi %select_n3A, %jit3A_123 : i32
    %sign3A_125 = arith.constant 0 : i32
    %sign3A_126 = arith.cmpi sgt, %select_n3A, %sign3A_125 : i32
    %sign3A_127 = arith.extui %sign3A_126 : i1 to i32
    %sign3A_128 = arith.constant 0 : i32
    %sign3A_129 = arith.cmpi slt, %select_n3A, %sign3A_128 : i32
    %sign3A_130 = arith.extui %sign3A_129 : i1 to i32
    %sign3A_131 = arith.subi %sign3A_127, %sign3A_130 : i32
    %sign3A_132 = arith.constant 0 : i32
    %sign3A_133 = arith.cmpi sgt, %jit3A_123, %sign3A_132 : i32
    %sign3A_134 = arith.extui %sign3A_133 : i1 to i32
    %sign3A_135 = arith.constant 0 : i32
    %sign3A_136 = arith.cmpi slt, %jit3A_123, %sign3A_135 : i32
    %sign3A_137 = arith.extui %sign3A_136 : i1 to i32
    %sign3A_138 = arith.subi %sign3A_134, %sign3A_137 : i32
    %ne3A_139 = arith.cmpi ne, %sign3A_131, %sign3A_138 : i32
    %rem3A_140 = arith.remsi %select_n3A, %jit3A_123 : i32
    %ne3A_141 = arith.constant 0 : i32
    %ne3A_142 = arith.cmpi ne, %rem3A_140, %ne3A_141 : i32
    %and3A_143 = arith.andi %ne3A_139, %ne3A_142 : i1
    %sub3A_144 = arith.constant 1 : i32
    %sub3A_145 = arith.subi %div3A_124, %sub3A_144 : i32
    %select_n3A_146 = arith.select %and3A_143, %sub3A_145, %div3A_124 : i32
    %add3A_147 = arith.constant 1 : i32
    %add3A_148 = arith.addi %select_n3A_146, %add3A_147 : i32
    %jit3A_149 = arith.constant 2 : i32
    %div3A_150 = arith.divsi %add3A_148, %jit3A_149 : i32
    %sign3A_151 = arith.constant 0 : i32
    %sign3A_152 = arith.cmpi sgt, %add3A_148, %sign3A_151 : i32
    %sign3A_153 = arith.extui %sign3A_152 : i1 to i32
    %sign3A_154 = arith.constant 0 : i32
    %sign3A_155 = arith.cmpi slt, %add3A_148, %sign3A_154 : i32
    %sign3A_156 = arith.extui %sign3A_155 : i1 to i32
    %sign3A_157 = arith.subi %sign3A_153, %sign3A_156 : i32
    %sign3A_158 = arith.constant 0 : i32
    %sign3A_159 = arith.cmpi sgt, %jit3A_149, %sign3A_158 : i32
    %sign3A_160 = arith.extui %sign3A_159 : i1 to i32
    %sign3A_161 = arith.constant 0 : i32
    %sign3A_162 = arith.cmpi slt, %jit3A_149, %sign3A_161 : i32
    %sign3A_163 = arith.extui %sign3A_162 : i1 to i32
    %sign3A_164 = arith.subi %sign3A_160, %sign3A_163 : i32
    %ne3A_165 = arith.cmpi ne, %sign3A_157, %sign3A_164 : i32
    %rem3A_166 = arith.remsi %add3A_148, %jit3A_149 : i32
    %ne3A_167 = arith.constant 0 : i32
    %ne3A_168 = arith.cmpi ne, %rem3A_166, %ne3A_167 : i32
    %and3A_169 = arith.andi %ne3A_165, %ne3A_168 : i1
    %sub3A_170 = arith.constant 1 : i32
    %sub3A_171 = arith.subi %div3A_150, %sub3A_170 : i32
    %select_n3A_172 = arith.select %and3A_169, %sub3A_171, %div3A_150 : i32
    %sub3A_173 = arith.constant 0 : i32
    %sub3A_174 = arith.subi %select_n3A_172, %sub3A_173 : i32
    %sub3A_175 = arith.constant 1 : i32
    %sub3A_176 = arith.constant 1 : i32
    %sub3A_177 = arith.subi %sub3A_175, %sub3A_176 : i32
    %add3A_178 = arith.addi %sub3A_174, %sub3A_177 : i32
    %div3A_179 = arith.constant 1 : i32
    %div3A_180 = arith.divsi %add3A_178, %div3A_179 : i32
    %while3A_181 = arith.constant 1 : i32
    %while3A_182 = arith.constant 0 : i32
    %while3A_183 = arith.constant 0 : i32
    %while3A_184 = arith.subi %div3A_180, %while3A_183 : i32
    %while3A_185 = arith.addi %while3A_183, %while3A_184 : i32
    %while3A_186 = arith.constant 1 : i32
    %while3A_187 = arith.divsi %while3A_184, %while3A_186 : i32
    %while3A_188 = arith.muli %while3A_187, %while3A_186 : i32
    %while3A_189 = arith.addi %while3A_183, %while3A_188 : i32
    %while3A_190 = arith.constant 1 : i32
    scf.for %while3A_197 = %while3A_183 to %while3A_189 step %while3A_190  : i32 {
      %mul3A_198 = arith.muli %while3A_197, %while3A_181 : i32
      %add3A_199 = arith.addi %while3A_182, %mul3A_198 : i32
      %mul3A_200 = arith.constant 2 : i32
      %mul3A_201 = arith.muli %add3A_199, %mul3A_200 : i32
      %dma_wait3A = arith.constant 0 : i32
      %dma_wait3A_202 = arith.constant 0 : i32
      %dma_wait3A_203 = arith.constant 0 : i32
      %dma_wait3A_204 = tpu.memref_slice %arg9[%dma_wait3A, %dma_wait3A_202, %dma_wait3A_203] : memref<2x8x128xi32, #tpu.memory_space<vmem>> -> memref<1x8x128xi32, #tpu.memory_space<vmem>>
      %dma_wait3A_205 = tpu.memref_squeeze %dma_wait3A_204 : memref<1x8x128xi32, #tpu.memory_space<vmem>> -> memref<8x128xi32, #tpu.memory_space<vmem>>
      %dma_wait3A_206 = arith.constant 0 : i32
      %dma_wait3A_207 = arith.constant 0 : i32
      %dma_wait3A_208 = tpu.memref_slice %arg3[%arg1, %dma_wait3A_206, %dma_wait3A_207] : memref<16x160x128xi32, #tpu.memory_space<hbm>> -> memref<1x160x128xi32, #tpu.memory_space<hbm>>
      %dma_wait3A_209 = tpu.memref_squeeze %dma_wait3A_208 : memref<1x160x128xi32, #tpu.memory_space<hbm>> -> memref<160x128xi32, #tpu.memory_space<hbm>>
      %dma_wait3A_210 = arith.constant 0 : i32
      %dma_wait3A_211 = arith.constant 0 : i32
      %dma_wait3A_212 = tpu.memref_slice %dma_wait3A_209[%dma_wait3A_210, %dma_wait3A_211] : memref<160x128xi32, #tpu.memory_space<hbm>> -> memref<8x128xi32, #tpu.memory_space<hbm>>
      %dma_wait3A_213 = arith.constant 0 : i32
      %dma_wait3A_214 = arith.constant 0 : i32
      %dma_wait3A_215 = tpu.memref_slice %arg9[%dma_wait3A, %dma_wait3A_213, %dma_wait3A_214] : memref<2x8x128xi32, #tpu.memory_space<vmem>> -> memref<1x8x128xi32, #tpu.memory_space<vmem>>
      %dma_wait3A_216 = tpu.memref_squeeze %dma_wait3A_215 : memref<1x8x128xi32, #tpu.memory_space<vmem>> -> memref<8x128xi32, #tpu.memory_space<vmem>>
      %dma_wait3A_217 = arith.constant 0 : i32
      %dma_wait3A_218 = arith.constant 0 : i32
      %dma_wait3A_219 = tpu.memref_slice %arg3[%arg1, %dma_wait3A_217, %dma_wait3A_218] : memref<16x160x128xi32, #tpu.memory_space<hbm>> -> memref<1x160x128xi32, #tpu.memory_space<hbm>>
      %dma_wait3A_220 = tpu.memref_squeeze %dma_wait3A_219 : memref<1x160x128xi32, #tpu.memory_space<hbm>> -> memref<160x128xi32, #tpu.memory_space<hbm>>
      %dma_wait3A_221 = arith.constant 0 : i32
      %dma_wait3A_222 = arith.constant 0 : i32
      %dma_wait3A_223 = tpu.memref_slice %dma_wait3A_220[%dma_wait3A_221, %dma_wait3A_222] : memref<160x128xi32, #tpu.memory_space<hbm>> -> memref<8x128xi32, #tpu.memory_space<hbm>>
      tpu.wait_dma2 semaphore(%arg17 : memref<!tpu.dma_semaphore, #tpu.memory_space<semaphore_mem>>) src(%dma_wait3A_223 : memref<8x128xi32, #tpu.memory_space<hbm>>) dst(%dma_wait3A_216 : memref<8x128xi32, #tpu.memory_space<vmem>>)
      %dma_start3A = arith.constant 0 : i32
      %dma_start3A_224 = arith.constant 0 : i32
      %dma_start3A_225 = arith.constant 0 : i32
      %dma_start3A_226 = arith.constant 0 : i32
      %dma_start3A_227 = tpu.memref_slice %arg9[%dma_start3A, %dma_start3A_225, %dma_start3A_226] : memref<2x8x128xi32, #tpu.memory_space<vmem>> -> memref<1x8x128xi32, #tpu.memory_space<vmem>>
      %dma_start3A_228 = tpu.memref_squeeze %dma_start3A_227 : memref<1x8x128xi32, #tpu.memory_space<vmem>> -> memref<8x128xi32, #tpu.memory_space<vmem>>
      %dma_start3A_229 = arith.constant 0 : i32
      %dma_start3A_230 = tpu.memref_slice %dma_start3A_228[%dma_start3A_224, %dma_start3A_229] : memref<8x128xi32, #tpu.memory_space<vmem>> -> memref<1x128xi32, #tpu.memory_space<vmem>>
      %dma_start3A_231 = tpu.memref_squeeze %dma_start3A_230 : memref<1x128xi32, #tpu.memory_space<vmem>> -> memref<128xi32, #tpu.memory_space<vmem>>
      %dma_start3A_232 = arith.constant 0 : i32
      %dma_start3A_233 = arith.constant 0 : i32
      %dma_start3A_234 = tpu.memref_slice %arg12[%dma_start3A_232, %dma_start3A_233] : memref<10240x128xf32, #tpu.memory_space<vmem_shared>> -> memref<10240x128xf32, #tpu.memory_space<vmem_shared>>
      tpu.enqueue_indirect_dma source(%arg10 : memref<128x128xf32, #tpu.memory_space<vmem>>) target(%dma_start3A_234 : memref<10240x128xf32, #tpu.memory_space<vmem_shared>>) offsets(%dma_start3A_231 : memref<128xi32, #tpu.memory_space<vmem>>) semaphore(%arg15 : memref<!tpu.dma_semaphore, #tpu.memory_space<semaphore_mem>>) {add = true}
      %dma_start3A_235 = arith.constant 0 : i32
      %dma_start3A_236 = arith.constant 1 : i32
      %dma_start3A_237 = arith.constant 0 : i32
      %dma_start3A_238 = arith.constant 0 : i32
      %dma_start3A_239 = tpu.memref_slice %arg9[%dma_start3A_235, %dma_start3A_237, %dma_start3A_238] : memref<2x8x128xi32, #tpu.memory_space<vmem>> -> memref<1x8x128xi32, #tpu.memory_space<vmem>>
      %dma_start3A_240 = tpu.memref_squeeze %dma_start3A_239 : memref<1x8x128xi32, #tpu.memory_space<vmem>> -> memref<8x128xi32, #tpu.memory_space<vmem>>
      %dma_start3A_241 = arith.constant 0 : i32
      %dma_start3A_242 = tpu.memref_slice %dma_start3A_240[%dma_start3A_236, %dma_start3A_241] : memref<8x128xi32, #tpu.memory_space<vmem>> -> memref<1x128xi32, #tpu.memory_space<vmem>>
      %dma_start3A_243 = tpu.memref_squeeze %dma_start3A_242 : memref<1x128xi32, #tpu.memory_space<vmem>> -> memref<128xi32, #tpu.memory_space<vmem>>
      %dma_start3A_244 = arith.constant 0 : i32
      %dma_start3A_245 = arith.constant 0 : i32
      %dma_start3A_246 = tpu.memref_slice %arg12[%dma_start3A_244, %dma_start3A_245] : memref<10240x128xf32, #tpu.memory_space<vmem_shared>> -> memref<10240x128xf32, #tpu.memory_space<vmem_shared>>
      tpu.enqueue_indirect_dma source(%arg10 : memref<128x128xf32, #tpu.memory_space<vmem>>) target(%dma_start3A_246 : memref<10240x128xf32, #tpu.memory_space<vmem_shared>>) offsets(%dma_start3A_243 : memref<128xi32, #tpu.memory_space<vmem>>) semaphore(%arg15 : memref<!tpu.dma_semaphore, #tpu.memory_space<semaphore_mem>>) {add = true}
      %dma_start3A_247 = arith.constant 0 : i32
      %dma_start3A_248 = arith.constant 2 : i32
      %dma_start3A_249 = arith.constant 0 : i32
      %dma_start3A_250 = arith.constant 0 : i32
      %dma_start3A_251 = tpu.memref_slice %arg9[%dma_start3A_247, %dma_start3A_249, %dma_start3A_250] : memref<2x8x128xi32, #tpu.memory_space<vmem>> -> memref<1x8x128xi32, #tpu.memory_space<vmem>>
      %dma_start3A_252 = tpu.memref_squeeze %dma_start3A_251 : memref<1x8x128xi32, #tpu.memory_space<vmem>> -> memref<8x128xi32, #tpu.memory_space<vmem>>
      %dma_start3A_253 = arith.constant 0 : i32
      %dma_start3A_254 = tpu.memref_slice %dma_start3A_252[%dma_start3A_248, %dma_start3A_253] : memref<8x128xi32, #tpu.memory_space<vmem>> -> memref<1x128xi32, #tpu.memory_space<vmem>>
      %dma_start3A_255 = tpu.memref_squeeze %dma_start3A_254 : memref<1x128xi32, #tpu.memory_space<vmem>> -> memref<128xi32, #tpu.memory_space<vmem>>
      %dma_start3A_256 = arith.constant 0 : i32
      %dma_start3A_257 = arith.constant 0 : i32
      %dma_start3A_258 = tpu.memref_slice %arg12[%dma_start3A_256, %dma_start3A_257] : memref<10240x128xf32, #tpu.memory_space<vmem_shared>> -> memref<10240x128xf32, #tpu.memory_space<vmem_shared>>
      tpu.enqueue_indirect_dma source(%arg10 : memref<128x128xf32, #tpu.memory_space<vmem>>) target(%dma_start3A_258 : memref<10240x128xf32, #tpu.memory_space<vmem_shared>>) offsets(%dma_start3A_255 : memref<128xi32, #tpu.memory_space<vmem>>) semaphore(%arg15 : memref<!tpu.dma_semaphore, #tpu.memory_space<semaphore_mem>>) {add = true}
      %dma_start3A_259 = arith.constant 0 : i32
      %dma_start3A_260 = arith.constant 3 : i32
      %dma_start3A_261 = arith.constant 0 : i32
      %dma_start3A_262 = arith.constant 0 : i32
      %dma_start3A_263 = tpu.memref_slice %arg9[%dma_start3A_259, %dma_start3A_261, %dma_start3A_262] : memref<2x8x128xi32, #tpu.memory_space<vmem>> -> memref<1x8x128xi32, #tpu.memory_space<vmem>>
      %dma_start3A_264 = tpu.memref_squeeze %dma_start3A_263 : memref<1x8x128xi32, #tpu.memory_space<vmem>> -> memref<8x128xi32, #tpu.memory_space<vmem>>
      %dma_start3A_265 = arith.constant 0 : i32
      %dma_start3A_266 = tpu.memref_slice %dma_start3A_264[%dma_start3A_260, %dma_start3A_265] : memref<8x128xi32, #tpu.memory_space<vmem>> -> memref<1x128xi32, #tpu.memory_space<vmem>>
      %dma_start3A_267 = tpu.memref_squeeze %dma_start3A_266 : memref<1x128xi32, #tpu.memory_space<vmem>> -> memref<128xi32, #tpu.memory_space<vmem>>
      %dma_start3A_268 = arith.constant 0 : i32
      %dma_start3A_269 = arith.constant 0 : i32
      %dma_start3A_270 = tpu.memref_slice %arg12[%dma_start3A_268, %dma_start3A_269] : memref<10240x128xf32, #tpu.memory_space<vmem_shared>> -> memref<10240x128xf32, #tpu.memory_space<vmem_shared>>
      tpu.enqueue_indirect_dma source(%arg10 : memref<128x128xf32, #tpu.memory_space<vmem>>) target(%dma_start3A_270 : memref<10240x128xf32, #tpu.memory_space<vmem_shared>>) offsets(%dma_start3A_267 : memref<128xi32, #tpu.memory_space<vmem>>) semaphore(%arg15 : memref<!tpu.dma_semaphore, #tpu.memory_space<semaphore_mem>>) {add = true}
      %dma_start3A_271 = arith.constant 0 : i32
      %dma_start3A_272 = arith.constant 4 : i32
      %dma_start3A_273 = arith.constant 0 : i32
      %dma_start3A_274 = arith.constant 0 : i32
      %dma_start3A_275 = tpu.memref_slice %arg9[%dma_start3A_271, %dma_start3A_273, %dma_start3A_274] : memref<2x8x128xi32, #tpu.memory_space<vmem>> -> memref<1x8x128xi32, #tpu.memory_space<vmem>>
      %dma_start3A_276 = tpu.memref_squeeze %dma_start3A_275 : memref<1x8x128xi32, #tpu.memory_space<vmem>> -> memref<8x128xi32, #tpu.memory_space<vmem>>
      %dma_start3A_277 = arith.constant 0 : i32
      %dma_start3A_278 = tpu.memref_slice %dma_start3A_276[%dma_start3A_272, %dma_start3A_277] : memref<8x128xi32, #tpu.memory_space<vmem>> -> memref<1x128xi32, #tpu.memory_space<vmem>>
      %dma_start3A_279 = tpu.memref_squeeze %dma_start3A_278 : memref<1x128xi32, #tpu.memory_space<vmem>> -> memref<128xi32, #tpu.memory_space<vmem>>
      %dma_start3A_280 = arith.constant 0 : i32
      %dma_start3A_281 = arith.constant 0 : i32
      %dma_start3A_282 = tpu.memref_slice %arg12[%dma_start3A_280, %dma_start3A_281] : memref<10240x128xf32, #tpu.memory_space<vmem_shared>> -> memref<10240x128xf32, #tpu.memory_space<vmem_shared>>
      tpu.enqueue_indirect_dma source(%arg10 : memref<128x128xf32, #tpu.memory_space<vmem>>) target(%dma_start3A_282 : memref<10240x128xf32, #tpu.memory_space<vmem_shared>>) offsets(%dma_start3A_279 : memref<128xi32, #tpu.memory_space<vmem>>) semaphore(%arg15 : memref<!tpu.dma_semaphore, #tpu.memory_space<semaphore_mem>>) {add = true}
      %dma_start3A_283 = arith.constant 0 : i32
      %dma_start3A_284 = arith.constant 5 : i32
      %dma_start3A_285 = arith.constant 0 : i32
      %dma_start3A_286 = arith.constant 0 : i32
      %dma_start3A_287 = tpu.memref_slice %arg9[%dma_start3A_283, %dma_start3A_285, %dma_start3A_286] : memref<2x8x128xi32, #tpu.memory_space<vmem>> -> memref<1x8x128xi32, #tpu.memory_space<vmem>>
      %dma_start3A_288 = tpu.memref_squeeze %dma_start3A_287 : memref<1x8x128xi32, #tpu.memory_space<vmem>> -> memref<8x128xi32, #tpu.memory_space<vmem>>
      %dma_start3A_289 = arith.constant 0 : i32
      %dma_start3A_290 = tpu.memref_slice %dma_start3A_288[%dma_start3A_284, %dma_start3A_289] : memref<8x128xi32, #tpu.memory_space<vmem>> -> memref<1x128xi32, #tpu.memory_space<vmem>>
      %dma_start3A_291 = tpu.memref_squeeze %dma_start3A_290 : memref<1x128xi32, #tpu.memory_space<vmem>> -> memref<128xi32, #tpu.memory_space<vmem>>
      %dma_start3A_292 = arith.constant 0 : i32
      %dma_start3A_293 = arith.constant 0 : i32
      %dma_start3A_294 = tpu.memref_slice %arg12[%dma_start3A_292, %dma_start3A_293] : memref<10240x128xf32, #tpu.memory_space<vmem_shared>> -> memref<10240x128xf32, #tpu.memory_space<vmem_shared>>
      tpu.enqueue_indirect_dma source(%arg10 : memref<128x128xf32, #tpu.memory_space<vmem>>) target(%dma_start3A_294 : memref<10240x128xf32, #tpu.memory_space<vmem_shared>>) offsets(%dma_start3A_291 : memref<128xi32, #tpu.memory_space<vmem>>) semaphore(%arg15 : memref<!tpu.dma_semaphore, #tpu.memory_space<semaphore_mem>>) {add = true}
      %dma_start3A_295 = arith.constant 0 : i32
      %dma_start3A_296 = arith.constant 6 : i32
      %dma_start3A_297 = arith.constant 0 : i32
      %dma_start3A_298 = arith.constant 0 : i32
      %dma_start3A_299 = tpu.memref_slice %arg9[%dma_start3A_295, %dma_start3A_297, %dma_start3A_298] : memref<2x8x128xi32, #tpu.memory_space<vmem>> -> memref<1x8x128xi32, #tpu.memory_space<vmem>>
      %dma_start3A_300 = tpu.memref_squeeze %dma_start3A_299 : memref<1x8x128xi32, #tpu.memory_space<vmem>> -> memref<8x128xi32, #tpu.memory_space<vmem>>
      %dma_start3A_301 = arith.constant 0 : i32
      %dma_start3A_302 = tpu.memref_slice %dma_start3A_300[%dma_start3A_296, %dma_start3A_301] : memref<8x128xi32, #tpu.memory_space<vmem>> -> memref<1x128xi32, #tpu.memory_space<vmem>>
      %dma_start3A_303 = tpu.memref_squeeze %dma_start3A_302 : memref<1x128xi32, #tpu.memory_space<vmem>> -> memref<128xi32, #tpu.memory_space<vmem>>
      %dma_start3A_304 = arith.constant 0 : i32
      %dma_start3A_305 = arith.constant 0 : i32
      %dma_start3A_306 = tpu.memref_slice %arg12[%dma_start3A_304, %dma_start3A_305] : memref<10240x128xf32, #tpu.memory_space<vmem_shared>> -> memref<10240x128xf32, #tpu.memory_space<vmem_shared>>
      tpu.enqueue_indirect_dma source(%arg10 : memref<128x128xf32, #tpu.memory_space<vmem>>) target(%dma_start3A_306 : memref<10240x128xf32, #tpu.memory_space<vmem_shared>>) offsets(%dma_start3A_303 : memref<128xi32, #tpu.memory_space<vmem>>) semaphore(%arg15 : memref<!tpu.dma_semaphore, #tpu.memory_space<semaphore_mem>>) {add = true}
      %dma_start3A_307 = arith.constant 0 : i32
      %dma_start3A_308 = arith.constant 7 : i32
      %dma_start3A_309 = arith.constant 0 : i32
      %dma_start3A_310 = arith.constant 0 : i32
      %dma_start3A_311 = tpu.memref_slice %arg9[%dma_start3A_307, %dma_start3A_309, %dma_start3A_310] : memref<2x8x128xi32, #tpu.memory_space<vmem>> -> memref<1x8x128xi32, #tpu.memory_space<vmem>>
      %dma_start3A_312 = tpu.memref_squeeze %dma_start3A_311 : memref<1x8x128xi32, #tpu.memory_space<vmem>> -> memref<8x128xi32, #tpu.memory_space<vmem>>
      %dma_start3A_313 = arith.constant 0 : i32
      %dma_start3A_314 = tpu.memref_slice %dma_start3A_312[%dma_start3A_308, %dma_start3A_313] : memref<8x128xi32, #tpu.memory_space<vmem>> -> memref<1x128xi32, #tpu.memory_space<vmem>>
      %dma_start3A_315 = tpu.memref_squeeze %dma_start3A_314 : memref<1x128xi32, #tpu.memory_space<vmem>> -> memref<128xi32, #tpu.memory_space<vmem>>
      %dma_start3A_316 = arith.constant 0 : i32
      %dma_start3A_317 = arith.constant 0 : i32
      %dma_start3A_318 = tpu.memref_slice %arg12[%dma_start3A_316, %dma_start3A_317] : memref<10240x128xf32, #tpu.memory_space<vmem_shared>> -> memref<10240x128xf32, #tpu.memory_space<vmem_shared>>
      tpu.enqueue_indirect_dma source(%arg10 : memref<128x128xf32, #tpu.memory_space<vmem>>) target(%dma_start3A_318 : memref<10240x128xf32, #tpu.memory_space<vmem_shared>>) offsets(%dma_start3A_315 : memref<128xi32, #tpu.memory_space<vmem>>) semaphore(%arg15 : memref<!tpu.dma_semaphore, #tpu.memory_space<semaphore_mem>>) {add = true}
      %add3A_319 = arith.constant 1 : i32
      %add3A_320 = arith.addi %mul3A_201, %add3A_319 : i32
      %lt3A = arith.cmpi slt, %add3A_320, %select_n3A_20 : i32
      %convert_element_type3A_321 = arith.extui %lt3A : i1 to i32
      %cond3A_322 = arith.constant 0 : i32
      %cond3A_323 = arith.cmpi ne, %convert_element_type3A_321, %cond3A_322 : i32
      scf.if %cond3A_323 {
        %dma_wait3A_432 = arith.constant 1 : i32
        %dma_wait3A_433 = arith.constant 0 : i32
        %dma_wait3A_434 = arith.constant 0 : i32
        %dma_wait3A_435 = tpu.memref_slice %arg9[%dma_wait3A_432, %dma_wait3A_433, %dma_wait3A_434] : memref<2x8x128xi32, #tpu.memory_space<vmem>> -> memref<1x8x128xi32, #tpu.memory_space<vmem>>
        %dma_wait3A_436 = tpu.memref_squeeze %dma_wait3A_435 : memref<1x8x128xi32, #tpu.memory_space<vmem>> -> memref<8x128xi32, #tpu.memory_space<vmem>>
        %dma_wait3A_437 = arith.constant 0 : i32
        %dma_wait3A_438 = arith.constant 0 : i32
        %dma_wait3A_439 = tpu.memref_slice %arg3[%arg1, %dma_wait3A_437, %dma_wait3A_438] : memref<16x160x128xi32, #tpu.memory_space<hbm>> -> memref<1x160x128xi32, #tpu.memory_space<hbm>>
        %dma_wait3A_440 = tpu.memref_squeeze %dma_wait3A_439 : memref<1x160x128xi32, #tpu.memory_space<hbm>> -> memref<160x128xi32, #tpu.memory_space<hbm>>
        %dma_wait3A_441 = arith.constant 0 : i32
        %dma_wait3A_442 = arith.constant 0 : i32
        %dma_wait3A_443 = tpu.memref_slice %dma_wait3A_440[%dma_wait3A_441, %dma_wait3A_442] : memref<160x128xi32, #tpu.memory_space<hbm>> -> memref<8x128xi32, #tpu.memory_space<hbm>>
        %dma_wait3A_444 = arith.constant 0 : i32
        %dma_wait3A_445 = arith.constant 0 : i32
        %dma_wait3A_446 = tpu.memref_slice %arg9[%dma_wait3A_432, %dma_wait3A_444, %dma_wait3A_445] : memref<2x8x128xi32, #tpu.memory_space<vmem>> -> memref<1x8x128xi32, #tpu.memory_space<vmem>>
        %dma_wait3A_447 = tpu.memref_squeeze %dma_wait3A_446 : memref<1x8x128xi32, #tpu.memory_space<vmem>> -> memref<8x128xi32, #tpu.memory_space<vmem>>
        %dma_wait3A_448 = arith.constant 0 : i32
        %dma_wait3A_449 = arith.constant 0 : i32
        %dma_wait3A_450 = tpu.memref_slice %arg3[%arg1, %dma_wait3A_448, %dma_wait3A_449] : memref<16x160x128xi32, #tpu.memory_space<hbm>> -> memref<1x160x128xi32, #tpu.memory_space<hbm>>
        %dma_wait3A_451 = tpu.memref_squeeze %dma_wait3A_450 : memref<1x160x128xi32, #tpu.memory_space<hbm>> -> memref<160x128xi32, #tpu.memory_space<hbm>>
        %dma_wait3A_452 = arith.constant 0 : i32
        %dma_wait3A_453 = arith.constant 0 : i32
        %dma_wait3A_454 = tpu.memref_slice %dma_wait3A_451[%dma_wait3A_452, %dma_wait3A_453] : memref<160x128xi32, #tpu.memory_space<hbm>> -> memref<8x128xi32, #tpu.memory_space<hbm>>
        tpu.wait_dma2 semaphore(%arg18 : memref<!tpu.dma_semaphore, #tpu.memory_space<semaphore_mem>>) src(%dma_wait3A_454 : memref<8x128xi32, #tpu.memory_space<hbm>>) dst(%dma_wait3A_447 : memref<8x128xi32, #tpu.memory_space<vmem>>)
        %dma_start3A_455 = arith.constant 1 : i32
        %dma_start3A_456 = arith.constant 0 : i32
        %dma_start3A_457 = arith.constant 0 : i32
        %dma_start3A_458 = arith.constant 0 : i32
        %dma_start3A_459 = tpu.memref_slice %arg9[%dma_start3A_455, %dma_start3A_457, %dma_start3A_458] : memref<2x8x128xi32, #tpu.memory_space<vmem>> -> memref<1x8x128xi32, #tpu.memory_space<vmem>>
        %dma_start3A_460 = tpu.memref_squeeze %dma_start3A_459 : memref<1x8x128xi32, #tpu.memory_space<vmem>> -> memref<8x128xi32, #tpu.memory_space<vmem>>
        %dma_start3A_461 = arith.constant 0 : i32
        %dma_start3A_462 = tpu.memref_slice %dma_start3A_460[%dma_start3A_456, %dma_start3A_461] : memref<8x128xi32, #tpu.memory_space<vmem>> -> memref<1x128xi32, #tpu.memory_space<vmem>>
        %dma_start3A_463 = tpu.memref_squeeze %dma_start3A_462 : memref<1x128xi32, #tpu.memory_space<vmem>> -> memref<128xi32, #tpu.memory_space<vmem>>
        %dma_start3A_464 = arith.constant 0 : i32
        %dma_start3A_465 = arith.constant 0 : i32
        %dma_start3A_466 = tpu.memref_slice %arg12[%dma_start3A_464, %dma_start3A_465] : memref<10240x128xf32, #tpu.memory_space<vmem_shared>> -> memref<10240x128xf32, #tpu.memory_space<vmem_shared>>
        tpu.enqueue_indirect_dma source(%arg10 : memref<128x128xf32, #tpu.memory_space<vmem>>) target(%dma_start3A_466 : memref<10240x128xf32, #tpu.memory_space<vmem_shared>>) offsets(%dma_start3A_463 : memref<128xi32, #tpu.memory_space<vmem>>) semaphore(%arg16 : memref<!tpu.dma_semaphore, #tpu.memory_space<semaphore_mem>>) {add = true}
        %dma_start3A_467 = arith.constant 1 : i32
        %dma_start3A_468 = arith.constant 1 : i32
        %dma_start3A_469 = arith.constant 0 : i32
        %dma_start3A_470 = arith.constant 0 : i32
        %dma_start3A_471 = tpu.memref_slice %arg9[%dma_start3A_467, %dma_start3A_469, %dma_start3A_470] : memref<2x8x128xi32, #tpu.memory_space<vmem>> -> memref<1x8x128xi32, #tpu.memory_space<vmem>>
        %dma_start3A_472 = tpu.memref_squeeze %dma_start3A_471 : memref<1x8x128xi32, #tpu.memory_space<vmem>> -> memref<8x128xi32, #tpu.memory_space<vmem>>
        %dma_start3A_473 = arith.constant 0 : i32
        %dma_start3A_474 = tpu.memref_slice %dma_start3A_472[%dma_start3A_468, %dma_start3A_473] : memref<8x128xi32, #tpu.memory_space<vmem>> -> memref<1x128xi32, #tpu.memory_space<vmem>>
        %dma_start3A_475 = tpu.memref_squeeze %dma_start3A_474 : memref<1x128xi32, #tpu.memory_space<vmem>> -> memref<128xi32, #tpu.memory_space<vmem>>
        %dma_start3A_476 = arith.constant 0 : i32
        %dma_start3A_477 = arith.constant 0 : i32
        %dma_start3A_478 = tpu.memref_slice %arg12[%dma_start3A_476, %dma_start3A_477] : memref<10240x128xf32, #tpu.memory_space<vmem_shared>> -> memref<10240x128xf32, #tpu.memory_space<vmem_shared>>
        tpu.enqueue_indirect_dma source(%arg10 : memref<128x128xf32, #tpu.memory_space<vmem>>) target(%dma_start3A_478 : memref<10240x128xf32, #tpu.memory_space<vmem_shared>>) offsets(%dma_start3A_475 : memref<128xi32, #tpu.memory_space<vmem>>) semaphore(%arg16 : memref<!tpu.dma_semaphore, #tpu.memory_space<semaphore_mem>>) {add = true}
        %dma_start3A_479 = arith.constant 1 : i32
        %dma_start3A_480 = arith.constant 2 : i32
        %dma_start3A_481 = arith.constant 0 : i32
        %dma_start3A_482 = arith.constant 0 : i32
        %dma_start3A_483 = tpu.memref_slice %arg9[%dma_start3A_479, %dma_start3A_481, %dma_start3A_482] : memref<2x8x128xi32, #tpu.memory_space<vmem>> -> memref<1x8x128xi32, #tpu.memory_space<vmem>>
        %dma_start3A_484 = tpu.memref_squeeze %dma_start3A_483 : memref<1x8x128xi32, #tpu.memory_space<vmem>> -> memref<8x128xi32, #tpu.memory_space<vmem>>
        %dma_start3A_485 = arith.constant 0 : i32
        %dma_start3A_486 = tpu.memref_slice %dma_start3A_484[%dma_start3A_480, %dma_start3A_485] : memref<8x128xi32, #tpu.memory_space<vmem>> -> memref<1x128xi32, #tpu.memory_space<vmem>>
        %dma_start3A_487 = tpu.memref_squeeze %dma_start3A_486 : memref<1x128xi32, #tpu.memory_space<vmem>> -> memref<128xi32, #tpu.memory_space<vmem>>
        %dma_start3A_488 = arith.constant 0 : i32
        %dma_start3A_489 = arith.constant 0 : i32
        %dma_start3A_490 = tpu.memref_slice %arg12[%dma_start3A_488, %dma_start3A_489] : memref<10240x128xf32, #tpu.memory_space<vmem_shared>> -> memref<10240x128xf32, #tpu.memory_space<vmem_shared>>
        tpu.enqueue_indirect_dma source(%arg10 : memref<128x128xf32, #tpu.memory_space<vmem>>) target(%dma_start3A_490 : memref<10240x128xf32, #tpu.memory_space<vmem_shared>>) offsets(%dma_start3A_487 : memref<128xi32, #tpu.memory_space<vmem>>) semaphore(%arg16 : memref<!tpu.dma_semaphore, #tpu.memory_space<semaphore_mem>>) {add = true}
        %dma_start3A_491 = arith.constant 1 : i32
        %dma_start3A_492 = arith.constant 3 : i32
        %dma_start3A_493 = arith.constant 0 : i32
        %dma_start3A_494 = arith.constant 0 : i32
        %dma_start3A_495 = tpu.memref_slice %arg9[%dma_start3A_491, %dma_start3A_493, %dma_start3A_494] : memref<2x8x128xi32, #tpu.memory_space<vmem>> -> memref<1x8x128xi32, #tpu.memory_space<vmem>>
        %dma_start3A_496 = tpu.memref_squeeze %dma_start3A_495 : memref<1x8x128xi32, #tpu.memory_space<vmem>> -> memref<8x128xi32, #tpu.memory_space<vmem>>
        %dma_start3A_497 = arith.constant 0 : i32
        %dma_start3A_498 = tpu.memref_slice %dma_start3A_496[%dma_start3A_492, %dma_start3A_497] : memref<8x128xi32, #tpu.memory_space<vmem>> -> memref<1x128xi32, #tpu.memory_space<vmem>>
        %dma_start3A_499 = tpu.memref_squeeze %dma_start3A_498 : memref<1x128xi32, #tpu.memory_space<vmem>> -> memref<128xi32, #tpu.memory_space<vmem>>
        %dma_start3A_500 = arith.constant 0 : i32
        %dma_start3A_501 = arith.constant 0 : i32
        %dma_start3A_502 = tpu.memref_slice %arg12[%dma_start3A_500, %dma_start3A_501] : memref<10240x128xf32, #tpu.memory_space<vmem_shared>> -> memref<10240x128xf32, #tpu.memory_space<vmem_shared>>
        tpu.enqueue_indirect_dma source(%arg10 : memref<128x128xf32, #tpu.memory_space<vmem>>) target(%dma_start3A_502 : memref<10240x128xf32, #tpu.memory_space<vmem_shared>>) offsets(%dma_start3A_499 : memref<128xi32, #tpu.memory_space<vmem>>) semaphore(%arg16 : memref<!tpu.dma_semaphore, #tpu.memory_space<semaphore_mem>>) {add = true}
        %dma_start3A_503 = arith.constant 1 : i32
        %dma_start3A_504 = arith.constant 4 : i32
        %dma_start3A_505 = arith.constant 0 : i32
        %dma_start3A_506 = arith.constant 0 : i32
        %dma_start3A_507 = tpu.memref_slice %arg9[%dma_start3A_503, %dma_start3A_505, %dma_start3A_506] : memref<2x8x128xi32, #tpu.memory_space<vmem>> -> memref<1x8x128xi32, #tpu.memory_space<vmem>>
        %dma_start3A_508 = tpu.memref_squeeze %dma_start3A_507 : memref<1x8x128xi32, #tpu.memory_space<vmem>> -> memref<8x128xi32, #tpu.memory_space<vmem>>
        %dma_start3A_509 = arith.constant 0 : i32
        %dma_start3A_510 = tpu.memref_slice %dma_start3A_508[%dma_start3A_504, %dma_start3A_509] : memref<8x128xi32, #tpu.memory_space<vmem>> -> memref<1x128xi32, #tpu.memory_space<vmem>>
        %dma_start3A_511 = tpu.memref_squeeze %dma_start3A_510 : memref<1x128xi32, #tpu.memory_space<vmem>> -> memref<128xi32, #tpu.memory_space<vmem>>
        %dma_start3A_512 = arith.constant 0 : i32
        %dma_start3A_513 = arith.constant 0 : i32
        %dma_start3A_514 = tpu.memref_slice %arg12[%dma_start3A_512, %dma_start3A_513] : memref<10240x128xf32, #tpu.memory_space<vmem_shared>> -> memref<10240x128xf32, #tpu.memory_space<vmem_shared>>
        tpu.enqueue_indirect_dma source(%arg10 : memref<128x128xf32, #tpu.memory_space<vmem>>) target(%dma_start3A_514 : memref<10240x128xf32, #tpu.memory_space<vmem_shared>>) offsets(%dma_start3A_511 : memref<128xi32, #tpu.memory_space<vmem>>) semaphore(%arg16 : memref<!tpu.dma_semaphore, #tpu.memory_space<semaphore_mem>>) {add = true}
        %dma_start3A_515 = arith.constant 1 : i32
        %dma_start3A_516 = arith.constant 5 : i32
        %dma_start3A_517 = arith.constant 0 : i32
        %dma_start3A_518 = arith.constant 0 : i32
        %dma_start3A_519 = tpu.memref_slice %arg9[%dma_start3A_515, %dma_start3A_517, %dma_start3A_518] : memref<2x8x128xi32, #tpu.memory_space<vmem>> -> memref<1x8x128xi32, #tpu.memory_space<vmem>>
        %dma_start3A_520 = tpu.memref_squeeze %dma_start3A_519 : memref<1x8x128xi32, #tpu.memory_space<vmem>> -> memref<8x128xi32, #tpu.memory_space<vmem>>
        %dma_start3A_521 = arith.constant 0 : i32
        %dma_start3A_522 = tpu.memref_slice %dma_start3A_520[%dma_start3A_516, %dma_start3A_521] : memref<8x128xi32, #tpu.memory_space<vmem>> -> memref<1x128xi32, #tpu.memory_space<vmem>>
        %dma_start3A_523 = tpu.memref_squeeze %dma_start3A_522 : memref<1x128xi32, #tpu.memory_space<vmem>> -> memref<128xi32, #tpu.memory_space<vmem>>
        %dma_start3A_524 = arith.constant 0 : i32
        %dma_start3A_525 = arith.constant 0 : i32
        %dma_start3A_526 = tpu.memref_slice %arg12[%dma_start3A_524, %dma_start3A_525] : memref<10240x128xf32, #tpu.memory_space<vmem_shared>> -> memref<10240x128xf32, #tpu.memory_space<vmem_shared>>
        tpu.enqueue_indirect_dma source(%arg10 : memref<128x128xf32, #tpu.memory_space<vmem>>) target(%dma_start3A_526 : memref<10240x128xf32, #tpu.memory_space<vmem_shared>>) offsets(%dma_start3A_523 : memref<128xi32, #tpu.memory_space<vmem>>) semaphore(%arg16 : memref<!tpu.dma_semaphore, #tpu.memory_space<semaphore_mem>>) {add = true}
        %dma_start3A_527 = arith.constant 1 : i32
        %dma_start3A_528 = arith.constant 6 : i32
        %dma_start3A_529 = arith.constant 0 : i32
        %dma_start3A_530 = arith.constant 0 : i32
        %dma_start3A_531 = tpu.memref_slice %arg9[%dma_start3A_527, %dma_start3A_529, %dma_start3A_530] : memref<2x8x128xi32, #tpu.memory_space<vmem>> -> memref<1x8x128xi32, #tpu.memory_space<vmem>>
        %dma_start3A_532 = tpu.memref_squeeze %dma_start3A_531 : memref<1x8x128xi32, #tpu.memory_space<vmem>> -> memref<8x128xi32, #tpu.memory_space<vmem>>
        %dma_start3A_533 = arith.constant 0 : i32
        %dma_start3A_534 = tpu.memref_slice %dma_start3A_532[%dma_start3A_528, %dma_start3A_533] : memref<8x128xi32, #tpu.memory_space<vmem>> -> memref<1x128xi32, #tpu.memory_space<vmem>>
        %dma_start3A_535 = tpu.memref_squeeze %dma_start3A_534 : memref<1x128xi32, #tpu.memory_space<vmem>> -> memref<128xi32, #tpu.memory_space<vmem>>
        %dma_start3A_536 = arith.constant 0 : i32
        %dma_start3A_537 = arith.constant 0 : i32
        %dma_start3A_538 = tpu.memref_slice %arg12[%dma_start3A_536, %dma_start3A_537] : memref<10240x128xf32, #tpu.memory_space<vmem_shared>> -> memref<10240x128xf32, #tpu.memory_space<vmem_shared>>
        tpu.enqueue_indirect_dma source(%arg10 : memref<128x128xf32, #tpu.memory_space<vmem>>) target(%dma_start3A_538 : memref<10240x128xf32, #tpu.memory_space<vmem_shared>>) offsets(%dma_start3A_535 : memref<128xi32, #tpu.memory_space<vmem>>) semaphore(%arg16 : memref<!tpu.dma_semaphore, #tpu.memory_space<semaphore_mem>>) {add = true}
        %dma_start3A_539 = arith.constant 1 : i32
        %dma_start3A_540 = arith.constant 7 : i32
        %dma_start3A_541 = arith.constant 0 : i32
        %dma_start3A_542 = arith.constant 0 : i32
        %dma_start3A_543 = tpu.memref_slice %arg9[%dma_start3A_539, %dma_start3A_541, %dma_start3A_542] : memref<2x8x128xi32, #tpu.memory_space<vmem>> -> memref<1x8x128xi32, #tpu.memory_space<vmem>>
        %dma_start3A_544 = tpu.memref_squeeze %dma_start3A_543 : memref<1x8x128xi32, #tpu.memory_space<vmem>> -> memref<8x128xi32, #tpu.memory_space<vmem>>
        %dma_start3A_545 = arith.constant 0 : i32
        %dma_start3A_546 = tpu.memref_slice %dma_start3A_544[%dma_start3A_540, %dma_start3A_545] : memref<8x128xi32, #tpu.memory_space<vmem>> -> memref<1x128xi32, #tpu.memory_space<vmem>>
        %dma_start3A_547 = tpu.memref_squeeze %dma_start3A_546 : memref<1x128xi32, #tpu.memory_space<vmem>> -> memref<128xi32, #tpu.memory_space<vmem>>
        %dma_start3A_548 = arith.constant 0 : i32
        %dma_start3A_549 = arith.constant 0 : i32
        %dma_start3A_550 = tpu.memref_slice %arg12[%dma_start3A_548, %dma_start3A_549] : memref<10240x128xf32, #tpu.memory_space<vmem_shared>> -> memref<10240x128xf32, #tpu.memory_space<vmem_shared>>
        tpu.enqueue_indirect_dma source(%arg10 : memref<128x128xf32, #tpu.memory_space<vmem>>) target(%dma_start3A_550 : memref<10240x128xf32, #tpu.memory_space<vmem_shared>>) offsets(%dma_start3A_547 : memref<128xi32, #tpu.memory_space<vmem>>) semaphore(%arg16 : memref<!tpu.dma_semaphore, #tpu.memory_space<semaphore_mem>>) {add = true}
      } else {
      }
      %dma_wait3A_324 = arith.constant 0 : i32
      %dma_wait3A_325 = arith.constant 0 : i32
      %dma_wait3A_326 = arith.constant 0 : i32
      %dma_wait3A_327 = arith.constant 0 : i32
      %dma_wait3A_328 = tpu.memref_slice %arg9[%dma_wait3A_324, %dma_wait3A_326, %dma_wait3A_327] : memref<2x8x128xi32, #tpu.memory_space<vmem>> -> memref<1x8x128xi32, #tpu.memory_space<vmem>>
      %dma_wait3A_329 = tpu.memref_squeeze %dma_wait3A_328 : memref<1x8x128xi32, #tpu.memory_space<vmem>> -> memref<8x128xi32, #tpu.memory_space<vmem>>
      %dma_wait3A_330 = arith.constant 0 : i32
      %dma_wait3A_331 = tpu.memref_slice %dma_wait3A_329[%dma_wait3A_325, %dma_wait3A_330] : memref<8x128xi32, #tpu.memory_space<vmem>> -> memref<1x128xi32, #tpu.memory_space<vmem>>
      %dma_wait3A_332 = tpu.memref_squeeze %dma_wait3A_331 : memref<1x128xi32, #tpu.memory_space<vmem>> -> memref<128xi32, #tpu.memory_space<vmem>>
      %dma_wait3A_333 = arith.constant 0 : i32
      %dma_wait3A_334 = arith.constant 0 : i32
      %dma_wait3A_335 = tpu.memref_slice %arg12[%dma_wait3A_333, %dma_wait3A_334] : memref<10240x128xf32, #tpu.memory_space<vmem_shared>> -> memref<10240x128xf32, #tpu.memory_space<vmem_shared>>
      tpu.wait_indirect_dma semaphore(%arg15 : memref<!tpu.dma_semaphore, #tpu.memory_space<semaphore_mem>>) src(%arg10 : memref<128x128xf32, #tpu.memory_space<vmem>>) dst(%dma_wait3A_335 : memref<10240x128xf32, #tpu.memory_space<vmem_shared>>)
      %dma_wait3A_336 = arith.constant 0 : i32
      %dma_wait3A_337 = arith.constant 0 : i32
      %dma_wait3A_338 = arith.constant 0 : i32
      %dma_wait3A_339 = arith.constant 0 : i32
      %dma_wait3A_340 = tpu.memref_slice %arg9[%dma_wait3A_336, %dma_wait3A_338, %dma_wait3A_339] : memref<2x8x128xi32, #tpu.memory_space<vmem>> -> memref<1x8x128xi32, #tpu.memory_space<vmem>>
      %dma_wait3A_341 = tpu.memref_squeeze %dma_wait3A_340 : memref<1x8x128xi32, #tpu.memory_space<vmem>> -> memref<8x128xi32, #tpu.memory_space<vmem>>
      %dma_wait3A_342 = arith.constant 0 : i32
      %dma_wait3A_343 = tpu.memref_slice %dma_wait3A_341[%dma_wait3A_337, %dma_wait3A_342] : memref<8x128xi32, #tpu.memory_space<vmem>> -> memref<1x128xi32, #tpu.memory_space<vmem>>
      %dma_wait3A_344 = tpu.memref_squeeze %dma_wait3A_343 : memref<1x128xi32, #tpu.memory_space<vmem>> -> memref<128xi32, #tpu.memory_space<vmem>>
      %dma_wait3A_345 = arith.constant 0 : i32
      %dma_wait3A_346 = arith.constant 0 : i32
      %dma_wait3A_347 = tpu.memref_slice %arg12[%dma_wait3A_345, %dma_wait3A_346] : memref<10240x128xf32, #tpu.memory_space<vmem_shared>> -> memref<10240x128xf32, #tpu.memory_space<vmem_shared>>
      tpu.wait_indirect_dma semaphore(%arg15 : memref<!tpu.dma_semaphore, #tpu.memory_space<semaphore_mem>>) src(%arg10 : memref<128x128xf32, #tpu.memory_space<vmem>>) dst(%dma_wait3A_347 : memref<10240x128xf32, #tpu.memory_space<vmem_shared>>)
      %dma_wait3A_348 = arith.constant 0 : i32
      %dma_wait3A_349 = arith.constant 0 : i32
      %dma_wait3A_350 = arith.constant 0 : i32
      %dma_wait3A_351 = arith.constant 0 : i32
      %dma_wait3A_352 = tpu.memref_slice %arg9[%dma_wait3A_348, %dma_wait3A_350, %dma_wait3A_351] : memref<2x8x128xi32, #tpu.memory_space<vmem>> -> memref<1x8x128xi32, #tpu.memory_space<vmem>>
      %dma_wait3A_353 = tpu.memref_squeeze %dma_wait3A_352 : memref<1x8x128xi32, #tpu.memory_space<vmem>> -> memref<8x128xi32, #tpu.memory_space<vmem>>
      %dma_wait3A_354 = arith.constant 0 : i32
      %dma_wait3A_355 = tpu.memref_slice %dma_wait3A_353[%dma_wait3A_349, %dma_wait3A_354] : memref<8x128xi32, #tpu.memory_space<vmem>> -> memref<1x128xi32, #tpu.memory_space<vmem>>
      %dma_wait3A_356 = tpu.memref_squeeze %dma_wait3A_355 : memref<1x128xi32, #tpu.memory_space<vmem>> -> memref<128xi32, #tpu.memory_space<vmem>>
      %dma_wait3A_357 = arith.constant 0 : i32
      %dma_wait3A_358 = arith.constant 0 : i32
      %dma_wait3A_359 = tpu.memref_slice %arg12[%dma_wait3A_357, %dma_wait3A_358] : memref<10240x128xf32, #tpu.memory_space<vmem_shared>> -> memref<10240x128xf32, #tpu.memory_space<vmem_shared>>
      tpu.wait_indirect_dma semaphore(%arg15 : memref<!tpu.dma_semaphore, #tpu.memory_space<semaphore_mem>>) src(%arg10 : memref<128x128xf32, #tpu.memory_space<vmem>>) dst(%dma_wait3A_359 : memref<10240x128xf32, #tpu.memory_space<vmem_shared>>)
      %dma_wait3A_360 = arith.constant 0 : i32
      %dma_wait3A_361 = arith.constant 0 : i32
      %dma_wait3A_362 = arith.constant 0 : i32
      %dma_wait3A_363 = arith.constant 0 : i32
      %dma_wait3A_364 = tpu.memref_slice %arg9[%dma_wait3A_360, %dma_wait3A_362, %dma_wait3A_363] : memref<2x8x128xi32, #tpu.memory_space<vmem>> -> memref<1x8x128xi32, #tpu.memory_space<vmem>>
      %dma_wait3A_365 = tpu.memref_squeeze %dma_wait3A_364 : memref<1x8x128xi32, #tpu.memory_space<vmem>> -> memref<8x128xi32, #tpu.memory_space<vmem>>
      %dma_wait3A_366 = arith.constant 0 : i32
      %dma_wait3A_367 = tpu.memref_slice %dma_wait3A_365[%dma_wait3A_361, %dma_wait3A_366] : memref<8x128xi32, #tpu.memory_space<vmem>> -> memref<1x128xi32, #tpu.memory_space<vmem>>
      %dma_wait3A_368 = tpu.memref_squeeze %dma_wait3A_367 : memref<1x128xi32, #tpu.memory_space<vmem>> -> memref<128xi32, #tpu.memory_space<vmem>>
      %dma_wait3A_369 = arith.constant 0 : i32
      %dma_wait3A_370 = arith.constant 0 : i32
      %dma_wait3A_371 = tpu.memref_slice %arg12[%dma_wait3A_369, %dma_wait3A_370] : memref<10240x128xf32, #tpu.memory_space<vmem_shared>> -> memref<10240x128xf32, #tpu.memory_space<vmem_shared>>
      tpu.wait_indirect_dma semaphore(%arg15 : memref<!tpu.dma_semaphore, #tpu.memory_space<semaphore_mem>>) src(%arg10 : memref<128x128xf32, #tpu.memory_space<vmem>>) dst(%dma_wait3A_371 : memref<10240x128xf32, #tpu.memory_space<vmem_shared>>)
      %dma_wait3A_372 = arith.constant 0 : i32
      %dma_wait3A_373 = arith.constant 0 : i32
      %dma_wait3A_374 = arith.constant 0 : i32
      %dma_wait3A_375 = arith.constant 0 : i32
      %dma_wait3A_376 = tpu.memref_slice %arg9[%dma_wait3A_372, %dma_wait3A_374, %dma_wait3A_375] : memref<2x8x128xi32, #tpu.memory_space<vmem>> -> memref<1x8x128xi32, #tpu.memory_space<vmem>>
      %dma_wait3A_377 = tpu.memref_squeeze %dma_wait3A_376 : memref<1x8x128xi32, #tpu.memory_space<vmem>> -> memref<8x128xi32, #tpu.memory_space<vmem>>
      %dma_wait3A_378 = arith.constant 0 : i32
      %dma_wait3A_379 = tpu.memref_slice %dma_wait3A_377[%dma_wait3A_373, %dma_wait3A_378] : memref<8x128xi32, #tpu.memory_space<vmem>> -> memref<1x128xi32, #tpu.memory_space<vmem>>
      %dma_wait3A_380 = tpu.memref_squeeze %dma_wait3A_379 : memref<1x128xi32, #tpu.memory_space<vmem>> -> memref<128xi32, #tpu.memory_space<vmem>>
      %dma_wait3A_381 = arith.constant 0 : i32
      %dma_wait3A_382 = arith.constant 0 : i32
      %dma_wait3A_383 = tpu.memref_slice %arg12[%dma_wait3A_381, %dma_wait3A_382] : memref<10240x128xf32, #tpu.memory_space<vmem_shared>> -> memref<10240x128xf32, #tpu.memory_space<vmem_shared>>
      tpu.wait_indirect_dma semaphore(%arg15 : memref<!tpu.dma_semaphore, #tpu.memory_space<semaphore_mem>>) src(%arg10 : memref<128x128xf32, #tpu.memory_space<vmem>>) dst(%dma_wait3A_383 : memref<10240x128xf32, #tpu.memory_space<vmem_shared>>)
      %dma_wait3A_384 = arith.constant 0 : i32
      %dma_wait3A_385 = arith.constant 0 : i32
      %dma_wait3A_386 = arith.constant 0 : i32
      %dma_wait3A_387 = arith.constant 0 : i32
      %dma_wait3A_388 = tpu.memref_slice %arg9[%dma_wait3A_384, %dma_wait3A_386, %dma_wait3A_387] : memref<2x8x128xi32, #tpu.memory_space<vmem>> -> memref<1x8x128xi32, #tpu.memory_space<vmem>>
      %dma_wait3A_389 = tpu.memref_squeeze %dma_wait3A_388 : memref<1x8x128xi32, #tpu.memory_space<vmem>> -> memref<8x128xi32, #tpu.memory_space<vmem>>
      %dma_wait3A_390 = arith.constant 0 : i32
      %dma_wait3A_391 = tpu.memref_slice %dma_wait3A_389[%dma_wait3A_385, %dma_wait3A_390] : memref<8x128xi32, #tpu.memory_space<vmem>> -> memref<1x128xi32, #tpu.memory_space<vmem>>
      %dma_wait3A_392 = tpu.memref_squeeze %dma_wait3A_391 : memref<1x128xi32, #tpu.memory_space<vmem>> -> memref<128xi32, #tpu.memory_space<vmem>>
      %dma_wait3A_393 = arith.constant 0 : i32
      %dma_wait3A_394 = arith.constant 0 : i32
      %dma_wait3A_395 = tpu.memref_slice %arg12[%dma_wait3A_393, %dma_wait3A_394] : memref<10240x128xf32, #tpu.memory_space<vmem_shared>> -> memref<10240x128xf32, #tpu.memory_space<vmem_shared>>
      tpu.wait_indirect_dma semaphore(%arg15 : memref<!tpu.dma_semaphore, #tpu.memory_space<semaphore_mem>>) src(%arg10 : memref<128x128xf32, #tpu.memory_space<vmem>>) dst(%dma_wait3A_395 : memref<10240x128xf32, #tpu.memory_space<vmem_shared>>)
      %dma_wait3A_396 = arith.constant 0 : i32
      %dma_wait3A_397 = arith.constant 0 : i32
      %dma_wait3A_398 = arith.constant 0 : i32
      %dma_wait3A_399 = arith.constant 0 : i32
      %dma_wait3A_400 = tpu.memref_slice %arg9[%dma_wait3A_396, %dma_wait3A_398, %dma_wait3A_399] : memref<2x8x128xi32, #tpu.memory_space<vmem>> -> memref<1x8x128xi32, #tpu.memory_space<vmem>>
      %dma_wait3A_401 = tpu.memref_squeeze %dma_wait3A_400 : memref<1x8x128xi32, #tpu.memory_space<vmem>> -> memref<8x128xi32, #tpu.memory_space<vmem>>
      %dma_wait3A_402 = arith.constant 0 : i32
      %dma_wait3A_403 = tpu.memref_slice %dma_wait3A_401[%dma_wait3A_397, %dma_wait3A_402] : memref<8x128xi32, #tpu.memory_space<vmem>> -> memref<1x128xi32, #tpu.memory_space<vmem>>
      %dma_wait3A_404 = tpu.memref_squeeze %dma_wait3A_403 : memref<1x128xi32, #tpu.memory_space<vmem>> -> memref<128xi32, #tpu.memory_space<vmem>>
      %dma_wait3A_405 = arith.constant 0 : i32
      %dma_wait3A_406 = arith.constant 0 : i32
      %dma_wait3A_407 = tpu.memref_slice %arg12[%dma_wait3A_405, %dma_wait3A_406] : memref<10240x128xf32, #tpu.memory_space<vmem_shared>> -> memref<10240x128xf32, #tpu.memory_space<vmem_shared>>
      tpu.wait_indirect_dma semaphore(%arg15 : memref<!tpu.dma_semaphore, #tpu.memory_space<semaphore_mem>>) src(%arg10 : memref<128x128xf32, #tpu.memory_space<vmem>>) dst(%dma_wait3A_407 : memref<10240x128xf32, #tpu.memory_space<vmem_shared>>)
      %dma_wait3A_408 = arith.constant 0 : i32
      %dma_wait3A_409 = arith.constant 0 : i32
      %dma_wait3A_410 = arith.constant 0 : i32
      %dma_wait3A_411 = arith.constant 0 : i32
      %dma_wait3A_412 = tpu.memref_slice %arg9[%dma_wait3A_408, %dma_wait3A_410, %dma_wait3A_411] : memref<2x8x128xi32, #tpu.memory_space<vmem>> -> memref<1x8x128xi32, #tpu.memory_space<vmem>>
      %dma_wait3A_413 = tpu.memref_squeeze %dma_wait3A_412 : memref<1x8x128xi32, #tpu.memory_space<vmem>> -> memref<8x128xi32, #tpu.memory_space<vmem>>
      %dma_wait3A_414 = arith.constant 0 : i32
      %dma_wait3A_415 = tpu.memref_slice %dma_wait3A_413[%dma_wait3A_409, %dma_wait3A_414] : memref<8x128xi32, #tpu.memory_space<vmem>> -> memref<1x128xi32, #tpu.memory_space<vmem>>
      %dma_wait3A_416 = tpu.memref_squeeze %dma_wait3A_415 : memref<1x128xi32, #tpu.memory_space<vmem>> -> memref<128xi32, #tpu.memory_space<vmem>>
      %dma_wait3A_417 = arith.constant 0 : i32
      %dma_wait3A_418 = arith.constant 0 : i32
      %dma_wait3A_419 = tpu.memref_slice %arg12[%dma_wait3A_417, %dma_wait3A_418] : memref<10240x128xf32, #tpu.memory_space<vmem_shared>> -> memref<10240x128xf32, #tpu.memory_space<vmem_shared>>
      tpu.wait_indirect_dma semaphore(%arg15 : memref<!tpu.dma_semaphore, #tpu.memory_space<semaphore_mem>>) src(%arg10 : memref<128x128xf32, #tpu.memory_space<vmem>>) dst(%dma_wait3A_419 : memref<10240x128xf32, #tpu.memory_space<vmem_shared>>)
      %add3A_420 = arith.constant 2 : i32
      %add3A_421 = arith.addi %mul3A_201, %add3A_420 : i32
      %lt3A_422 = arith.cmpi slt, %add3A_421, %select_n3A_20 : i32
      %convert_element_type3A_423 = arith.extui %lt3A_422 : i1 to i32
      %cond3A_424 = arith.constant 0 : i32
      %cond3A_425 = arith.cmpi ne, %convert_element_type3A_423, %cond3A_424 : i32
      scf.if %cond3A_425 {
        %mul3A_432 = arith.constant 8 : i32
        %mul3A_433 = arith.muli %add3A_421, %mul3A_432 : i32
        %add3A_434 = arith.addi %mul3A_433, %mul3A_0 : i32
        %multiple_of3A = tpu.assume_multiple %add3A_434, 8 : i32
        %dma_start3A_435 = arith.constant 0 : i32
        %dma_start3A_436 = arith.constant 0 : i32
        %dma_start3A_437 = arith.constant 0 : i32
        %dma_start3A_438 = tpu.memref_slice %arg9[%dma_start3A_435, %dma_start3A_436, %dma_start3A_437] : memref<2x8x128xi32, #tpu.memory_space<vmem>> -> memref<1x8x128xi32, #tpu.memory_space<vmem>>
        %dma_start3A_439 = tpu.memref_squeeze %dma_start3A_438 : memref<1x8x128xi32, #tpu.memory_space<vmem>> -> memref<8x128xi32, #tpu.memory_space<vmem>>
        %dma_start3A_440 = arith.constant 0 : i32
        %dma_start3A_441 = arith.constant 0 : i32
        %dma_start3A_442 = tpu.memref_slice %arg3[%arg1, %dma_start3A_440, %dma_start3A_441] : memref<16x160x128xi32, #tpu.memory_space<hbm>> -> memref<1x160x128xi32, #tpu.memory_space<hbm>>
        %dma_start3A_443 = tpu.memref_squeeze %dma_start3A_442 : memref<1x160x128xi32, #tpu.memory_space<hbm>> -> memref<160x128xi32, #tpu.memory_space<hbm>>
        %dma_start3A_444 = arith.constant 0 : i32
        %dma_start3A_445 = tpu.memref_slice %dma_start3A_443[%multiple_of3A, %dma_start3A_444] : memref<160x128xi32, #tpu.memory_space<hbm>> -> memref<8x128xi32, #tpu.memory_space<hbm>>
        %dma_start3A_446 = arith.constant 0 : i32
        %dma_start3A_447 = arith.constant 0 : i32
        %dma_start3A_448 = tpu.memref_slice %arg9[%dma_start3A_435, %dma_start3A_446, %dma_start3A_447] : memref<2x8x128xi32, #tpu.memory_space<vmem>> -> memref<1x8x128xi32, #tpu.memory_space<vmem>>
        %dma_start3A_449 = tpu.memref_squeeze %dma_start3A_448 : memref<1x8x128xi32, #tpu.memory_space<vmem>> -> memref<8x128xi32, #tpu.memory_space<vmem>>
        %dma_start3A_450 = arith.constant 0 : i32
        %dma_start3A_451 = arith.constant 0 : i32
        %dma_start3A_452 = tpu.memref_slice %arg3[%arg1, %dma_start3A_450, %dma_start3A_451] : memref<16x160x128xi32, #tpu.memory_space<hbm>> -> memref<1x160x128xi32, #tpu.memory_space<hbm>>
        %dma_start3A_453 = tpu.memref_squeeze %dma_start3A_452 : memref<1x160x128xi32, #tpu.memory_space<hbm>> -> memref<160x128xi32, #tpu.memory_space<hbm>>
        %dma_start3A_454 = arith.constant 0 : i32
        %dma_start3A_455 = tpu.memref_slice %dma_start3A_453[%multiple_of3A, %dma_start3A_454] : memref<160x128xi32, #tpu.memory_space<hbm>> -> memref<8x128xi32, #tpu.memory_space<hbm>>
        tpu.enqueue_dma source(%dma_start3A_455 : memref<8x128xi32, #tpu.memory_space<hbm>>) target(%dma_start3A_449 : memref<8x128xi32, #tpu.memory_space<vmem>>) target_semaphore(%arg17 : memref<!tpu.dma_semaphore, #tpu.memory_space<semaphore_mem>>)
      } else {
      }
      %add3A_426 = arith.constant 1 : i32
      %add3A_427 = arith.addi %mul3A_201, %add3A_426 : i32
      %lt3A_428 = arith.cmpi slt, %add3A_427, %select_n3A_20 : i32
      %convert_element_type3A_429 = arith.extui %lt3A_428 : i1 to i32
      %cond3A_430 = arith.constant 0 : i32
      %cond3A_431 = arith.cmpi ne, %convert_element_type3A_429, %cond3A_430 : i32
      scf.if %cond3A_431 {
        %dma_wait3A_432 = arith.constant 1 : i32
        %dma_wait3A_433 = arith.constant 0 : i32
        %dma_wait3A_434 = arith.constant 0 : i32
        %dma_wait3A_435 = arith.constant 0 : i32
        %dma_wait3A_436 = tpu.memref_slice %arg9[%dma_wait3A_432, %dma_wait3A_434, %dma_wait3A_435] : memref<2x8x128xi32, #tpu.memory_space<vmem>> -> memref<1x8x128xi32, #tpu.memory_space<vmem>>
        %dma_wait3A_437 = tpu.memref_squeeze %dma_wait3A_436 : memref<1x8x128xi32, #tpu.memory_space<vmem>> -> memref<8x128xi32, #tpu.memory_space<vmem>>
        %dma_wait3A_438 = arith.constant 0 : i32
        %dma_wait3A_439 = tpu.memref_slice %dma_wait3A_437[%dma_wait3A_433, %dma_wait3A_438] : memref<8x128xi32, #tpu.memory_space<vmem>> -> memref<1x128xi32, #tpu.memory_space<vmem>>
        %dma_wait3A_440 = tpu.memref_squeeze %dma_wait3A_439 : memref<1x128xi32, #tpu.memory_space<vmem>> -> memref<128xi32, #tpu.memory_space<vmem>>
        %dma_wait3A_441 = arith.constant 0 : i32
        %dma_wait3A_442 = arith.constant 0 : i32
        %dma_wait3A_443 = tpu.memref_slice %arg12[%dma_wait3A_441, %dma_wait3A_442] : memref<10240x128xf32, #tpu.memory_space<vmem_shared>> -> memref<10240x128xf32, #tpu.memory_space<vmem_shared>>
        tpu.wait_indirect_dma semaphore(%arg16 : memref<!tpu.dma_semaphore, #tpu.memory_space<semaphore_mem>>) src(%arg10 : memref<128x128xf32, #tpu.memory_space<vmem>>) dst(%dma_wait3A_443 : memref<10240x128xf32, #tpu.memory_space<vmem_shared>>)
        %dma_wait3A_444 = arith.constant 1 : i32
        %dma_wait3A_445 = arith.constant 0 : i32
        %dma_wait3A_446 = arith.constant 0 : i32
        %dma_wait3A_447 = arith.constant 0 : i32
        %dma_wait3A_448 = tpu.memref_slice %arg9[%dma_wait3A_444, %dma_wait3A_446, %dma_wait3A_447] : memref<2x8x128xi32, #tpu.memory_space<vmem>> -> memref<1x8x128xi32, #tpu.memory_space<vmem>>
        %dma_wait3A_449 = tpu.memref_squeeze %dma_wait3A_448 : memref<1x8x128xi32, #tpu.memory_space<vmem>> -> memref<8x128xi32, #tpu.memory_space<vmem>>
        %dma_wait3A_450 = arith.constant 0 : i32
        %dma_wait3A_451 = tpu.memref_slice %dma_wait3A_449[%dma_wait3A_445, %dma_wait3A_450] : memref<8x128xi32, #tpu.memory_space<vmem>> -> memref<1x128xi32, #tpu.memory_space<vmem>>
        %dma_wait3A_452 = tpu.memref_squeeze %dma_wait3A_451 : memref<1x128xi32, #tpu.memory_space<vmem>> -> memref<128xi32, #tpu.memory_space<vmem>>
        %dma_wait3A_453 = arith.constant 0 : i32
        %dma_wait3A_454 = arith.constant 0 : i32
        %dma_wait3A_455 = tpu.memref_slice %arg12[%dma_wait3A_453, %dma_wait3A_454] : memref<10240x128xf32, #tpu.memory_space<vmem_shared>> -> memref<10240x128xf32, #tpu.memory_space<vmem_shared>>
        tpu.wait_indirect_dma semaphore(%arg16 : memref<!tpu.dma_semaphore, #tpu.memory_space<semaphore_mem>>) src(%arg10 : memref<128x128xf32, #tpu.memory_space<vmem>>) dst(%dma_wait3A_455 : memref<10240x128xf32, #tpu.memory_space<vmem_shared>>)
        %dma_wait3A_456 = arith.constant 1 : i32
        %dma_wait3A_457 = arith.constant 0 : i32
        %dma_wait3A_458 = arith.constant 0 : i32
        %dma_wait3A_459 = arith.constant 0 : i32
        %dma_wait3A_460 = tpu.memref_slice %arg9[%dma_wait3A_456, %dma_wait3A_458, %dma_wait3A_459] : memref<2x8x128xi32, #tpu.memory_space<vmem>> -> memref<1x8x128xi32, #tpu.memory_space<vmem>>
        %dma_wait3A_461 = tpu.memref_squeeze %dma_wait3A_460 : memref<1x8x128xi32, #tpu.memory_space<vmem>> -> memref<8x128xi32, #tpu.memory_space<vmem>>
        %dma_wait3A_462 = arith.constant 0 : i32
        %dma_wait3A_463 = tpu.memref_slice %dma_wait3A_461[%dma_wait3A_457, %dma_wait3A_462] : memref<8x128xi32, #tpu.memory_space<vmem>> -> memref<1x128xi32, #tpu.memory_space<vmem>>
        %dma_wait3A_464 = tpu.memref_squeeze %dma_wait3A_463 : memref<1x128xi32, #tpu.memory_space<vmem>> -> memref<128xi32, #tpu.memory_space<vmem>>
        %dma_wait3A_465 = arith.constant 0 : i32
        %dma_wait3A_466 = arith.constant 0 : i32
        %dma_wait3A_467 = tpu.memref_slice %arg12[%dma_wait3A_465, %dma_wait3A_466] : memref<10240x128xf32, #tpu.memory_space<vmem_shared>> -> memref<10240x128xf32, #tpu.memory_space<vmem_shared>>
        tpu.wait_indirect_dma semaphore(%arg16 : memref<!tpu.dma_semaphore, #tpu.memory_space<semaphore_mem>>) src(%arg10 : memref<128x128xf32, #tpu.memory_space<vmem>>) dst(%dma_wait3A_467 : memref<10240x128xf32, #tpu.memory_space<vmem_shared>>)
        %dma_wait3A_468 = arith.constant 1 : i32
        %dma_wait3A_469 = arith.constant 0 : i32
        %dma_wait3A_470 = arith.constant 0 : i32
        %dma_wait3A_471 = arith.constant 0 : i32
        %dma_wait3A_472 = tpu.memref_slice %arg9[%dma_wait3A_468, %dma_wait3A_470, %dma_wait3A_471] : memref<2x8x128xi32, #tpu.memory_space<vmem>> -> memref<1x8x128xi32, #tpu.memory_space<vmem>>
        %dma_wait3A_473 = tpu.memref_squeeze %dma_wait3A_472 : memref<1x8x128xi32, #tpu.memory_space<vmem>> -> memref<8x128xi32, #tpu.memory_space<vmem>>
        %dma_wait3A_474 = arith.constant 0 : i32
        %dma_wait3A_475 = tpu.memref_slice %dma_wait3A_473[%dma_wait3A_469, %dma_wait3A_474] : memref<8x128xi32, #tpu.memory_space<vmem>> -> memref<1x128xi32, #tpu.memory_space<vmem>>
        %dma_wait3A_476 = tpu.memref_squeeze %dma_wait3A_475 : memref<1x128xi32, #tpu.memory_space<vmem>> -> memref<128xi32, #tpu.memory_space<vmem>>
        %dma_wait3A_477 = arith.constant 0 : i32
        %dma_wait3A_478 = arith.constant 0 : i32
        %dma_wait3A_479 = tpu.memref_slice %arg12[%dma_wait3A_477, %dma_wait3A_478] : memref<10240x128xf32, #tpu.memory_space<vmem_shared>> -> memref<10240x128xf32, #tpu.memory_space<vmem_shared>>
        tpu.wait_indirect_dma semaphore(%arg16 : memref<!tpu.dma_semaphore, #tpu.memory_space<semaphore_mem>>) src(%arg10 : memref<128x128xf32, #tpu.memory_space<vmem>>) dst(%dma_wait3A_479 : memref<10240x128xf32, #tpu.memory_space<vmem_shared>>)
        %dma_wait3A_480 = arith.constant 1 : i32
        %dma_wait3A_481 = arith.constant 0 : i32
        %dma_wait3A_482 = arith.constant 0 : i32
        %dma_wait3A_483 = arith.constant 0 : i32
        %dma_wait3A_484 = tpu.memref_slice %arg9[%dma_wait3A_480, %dma_wait3A_482, %dma_wait3A_483] : memref<2x8x128xi32, #tpu.memory_space<vmem>> -> memref<1x8x128xi32, #tpu.memory_space<vmem>>
        %dma_wait3A_485 = tpu.memref_squeeze %dma_wait3A_484 : memref<1x8x128xi32, #tpu.memory_space<vmem>> -> memref<8x128xi32, #tpu.memory_space<vmem>>
        %dma_wait3A_486 = arith.constant 0 : i32
        %dma_wait3A_487 = tpu.memref_slice %dma_wait3A_485[%dma_wait3A_481, %dma_wait3A_486] : memref<8x128xi32, #tpu.memory_space<vmem>> -> memref<1x128xi32, #tpu.memory_space<vmem>>
        %dma_wait3A_488 = tpu.memref_squeeze %dma_wait3A_487 : memref<1x128xi32, #tpu.memory_space<vmem>> -> memref<128xi32, #tpu.memory_space<vmem>>
        %dma_wait3A_489 = arith.constant 0 : i32
        %dma_wait3A_490 = arith.constant 0 : i32
        %dma_wait3A_491 = tpu.memref_slice %arg12[%dma_wait3A_489, %dma_wait3A_490] : memref<10240x128xf32, #tpu.memory_space<vmem_shared>> -> memref<10240x128xf32, #tpu.memory_space<vmem_shared>>
        tpu.wait_indirect_dma semaphore(%arg16 : memref<!tpu.dma_semaphore, #tpu.memory_space<semaphore_mem>>) src(%arg10 : memref<128x128xf32, #tpu.memory_space<vmem>>) dst(%dma_wait3A_491 : memref<10240x128xf32, #tpu.memory_space<vmem_shared>>)
        %dma_wait3A_492 = arith.constant 1 : i32
        %dma_wait3A_493 = arith.constant 0 : i32
        %dma_wait3A_494 = arith.constant 0 : i32
        %dma_wait3A_495 = arith.constant 0 : i32
        %dma_wait3A_496 = tpu.memref_slice %arg9[%dma_wait3A_492, %dma_wait3A_494, %dma_wait3A_495] : memref<2x8x128xi32, #tpu.memory_space<vmem>> -> memref<1x8x128xi32, #tpu.memory_space<vmem>>
        %dma_wait3A_497 = tpu.memref_squeeze %dma_wait3A_496 : memref<1x8x128xi32, #tpu.memory_space<vmem>> -> memref<8x128xi32, #tpu.memory_space<vmem>>
        %dma_wait3A_498 = arith.constant 0 : i32
        %dma_wait3A_499 = tpu.memref_slice %dma_wait3A_497[%dma_wait3A_493, %dma_wait3A_498] : memref<8x128xi32, #tpu.memory_space<vmem>> -> memref<1x128xi32, #tpu.memory_space<vmem>>
        %dma_wait3A_500 = tpu.memref_squeeze %dma_wait3A_499 : memref<1x128xi32, #tpu.memory_space<vmem>> -> memref<128xi32, #tpu.memory_space<vmem>>
        %dma_wait3A_501 = arith.constant 0 : i32
        %dma_wait3A_502 = arith.constant 0 : i32
        %dma_wait3A_503 = tpu.memref_slice %arg12[%dma_wait3A_501, %dma_wait3A_502] : memref<10240x128xf32, #tpu.memory_space<vmem_shared>> -> memref<10240x128xf32, #tpu.memory_space<vmem_shared>>
        tpu.wait_indirect_dma semaphore(%arg16 : memref<!tpu.dma_semaphore, #tpu.memory_space<semaphore_mem>>) src(%arg10 : memref<128x128xf32, #tpu.memory_space<vmem>>) dst(%dma_wait3A_503 : memref<10240x128xf32, #tpu.memory_space<vmem_shared>>)
        %dma_wait3A_504 = arith.constant 1 : i32
        %dma_wait3A_505 = arith.constant 0 : i32
        %dma_wait3A_506 = arith.constant 0 : i32
        %dma_wait3A_507 = arith.constant 0 : i32
        %dma_wait3A_508 = tpu.memref_slice %arg9[%dma_wait3A_504, %dma_wait3A_506, %dma_wait3A_507] : memref<2x8x128xi32, #tpu.memory_space<vmem>> -> memref<1x8x128xi32, #tpu.memory_space<vmem>>
        %dma_wait3A_509 = tpu.memref_squeeze %dma_wait3A_508 : memref<1x8x128xi32, #tpu.memory_space<vmem>> -> memref<8x128xi32, #tpu.memory_space<vmem>>
        %dma_wait3A_510 = arith.constant 0 : i32
        %dma_wait3A_511 = tpu.memref_slice %dma_wait3A_509[%dma_wait3A_505, %dma_wait3A_510] : memref<8x128xi32, #tpu.memory_space<vmem>> -> memref<1x128xi32, #tpu.memory_space<vmem>>
        %dma_wait3A_512 = tpu.memref_squeeze %dma_wait3A_511 : memref<1x128xi32, #tpu.memory_space<vmem>> -> memref<128xi32, #tpu.memory_space<vmem>>
        %dma_wait3A_513 = arith.constant 0 : i32
        %dma_wait3A_514 = arith.constant 0 : i32
        %dma_wait3A_515 = tpu.memref_slice %arg12[%dma_wait3A_513, %dma_wait3A_514] : memref<10240x128xf32, #tpu.memory_space<vmem_shared>> -> memref<10240x128xf32, #tpu.memory_space<vmem_shared>>
        tpu.wait_indirect_dma semaphore(%arg16 : memref<!tpu.dma_semaphore, #tpu.memory_space<semaphore_mem>>) src(%arg10 : memref<128x128xf32, #tpu.memory_space<vmem>>) dst(%dma_wait3A_515 : memref<10240x128xf32, #tpu.memory_space<vmem_shared>>)
        %dma_wait3A_516 = arith.constant 1 : i32
        %dma_wait3A_517 = arith.constant 0 : i32
        %dma_wait3A_518 = arith.constant 0 : i32
        %dma_wait3A_519 = arith.constant 0 : i32
        %dma_wait3A_520 = tpu.memref_slice %arg9[%dma_wait3A_516, %dma_wait3A_518, %dma_wait3A_519] : memref<2x8x128xi32, #tpu.memory_space<vmem>> -> memref<1x8x128xi32, #tpu.memory_space<vmem>>
        %dma_wait3A_521 = tpu.memref_squeeze %dma_wait3A_520 : memref<1x8x128xi32, #tpu.memory_space<vmem>> -> memref<8x128xi32, #tpu.memory_space<vmem>>
        %dma_wait3A_522 = arith.constant 0 : i32
        %dma_wait3A_523 = tpu.memref_slice %dma_wait3A_521[%dma_wait3A_517, %dma_wait3A_522] : memref<8x128xi32, #tpu.memory_space<vmem>> -> memref<1x128xi32, #tpu.memory_space<vmem>>
        %dma_wait3A_524 = tpu.memref_squeeze %dma_wait3A_523 : memref<1x128xi32, #tpu.memory_space<vmem>> -> memref<128xi32, #tpu.memory_space<vmem>>
        %dma_wait3A_525 = arith.constant 0 : i32
        %dma_wait3A_526 = arith.constant 0 : i32
        %dma_wait3A_527 = tpu.memref_slice %arg12[%dma_wait3A_525, %dma_wait3A_526] : memref<10240x128xf32, #tpu.memory_space<vmem_shared>> -> memref<10240x128xf32, #tpu.memory_space<vmem_shared>>
        tpu.wait_indirect_dma semaphore(%arg16 : memref<!tpu.dma_semaphore, #tpu.memory_space<semaphore_mem>>) src(%arg10 : memref<128x128xf32, #tpu.memory_space<vmem>>) dst(%dma_wait3A_527 : memref<10240x128xf32, #tpu.memory_space<vmem_shared>>)
        %add3A_528 = arith.constant 3 : i32
        %add3A_529 = arith.addi %mul3A_201, %add3A_528 : i32
        %lt3A_530 = arith.cmpi slt, %add3A_529, %select_n3A_20 : i32
        %convert_element_type3A_531 = arith.extui %lt3A_530 : i1 to i32
        %cond3A_532 = arith.constant 0 : i32
        %cond3A_533 = arith.cmpi ne, %convert_element_type3A_531, %cond3A_532 : i32
        scf.if %cond3A_533 {
          %mul3A_534 = arith.constant 8 : i32
          %mul3A_535 = arith.muli %add3A_529, %mul3A_534 : i32
          %add3A_536 = arith.addi %mul3A_535, %mul3A_0 : i32
          %multiple_of3A = tpu.assume_multiple %add3A_536, 8 : i32
          %dma_start3A_537 = arith.constant 1 : i32
          %dma_start3A_538 = arith.constant 0 : i32
          %dma_start3A_539 = arith.constant 0 : i32
          %dma_start3A_540 = tpu.memref_slice %arg9[%dma_start3A_537, %dma_start3A_538, %dma_start3A_539] : memref<2x8x128xi32, #tpu.memory_space<vmem>> -> memref<1x8x128xi32, #tpu.memory_space<vmem>>
          %dma_start3A_541 = tpu.memref_squeeze %dma_start3A_540 : memref<1x8x128xi32, #tpu.memory_space<vmem>> -> memref<8x128xi32, #tpu.memory_space<vmem>>
          %dma_start3A_542 = arith.constant 0 : i32
          %dma_start3A_543 = arith.constant 0 : i32
          %dma_start3A_544 = tpu.memref_slice %arg3[%arg1, %dma_start3A_542, %dma_start3A_543] : memref<16x160x128xi32, #tpu.memory_space<hbm>> -> memref<1x160x128xi32, #tpu.memory_space<hbm>>
          %dma_start3A_545 = tpu.memref_squeeze %dma_start3A_544 : memref<1x160x128xi32, #tpu.memory_space<hbm>> -> memref<160x128xi32, #tpu.memory_space<hbm>>
          %dma_start3A_546 = arith.constant 0 : i32
          %dma_start3A_547 = tpu.memref_slice %dma_start3A_545[%multiple_of3A, %dma_start3A_546] : memref<160x128xi32, #tpu.memory_space<hbm>> -> memref<8x128xi32, #tpu.memory_space<hbm>>
          %dma_start3A_548 = arith.constant 0 : i32
          %dma_start3A_549 = arith.constant 0 : i32
          %dma_start3A_550 = tpu.memref_slice %arg9[%dma_start3A_537, %dma_start3A_548, %dma_start3A_549] : memref<2x8x128xi32, #tpu.memory_space<vmem>> -> memref<1x8x128xi32, #tpu.memory_space<vmem>>
          %dma_start3A_551 = tpu.memref_squeeze %dma_start3A_550 : memref<1x8x128xi32, #tpu.memory_space<vmem>> -> memref<8x128xi32, #tpu.memory_space<vmem>>
          %dma_start3A_552 = arith.constant 0 : i32
          %dma_start3A_553 = arith.constant 0 : i32
          %dma_start3A_554 = tpu.memref_slice %arg3[%arg1, %dma_start3A_552, %dma_start3A_553] : memref<16x160x128xi32, #tpu.memory_space<hbm>> -> memref<1x160x128xi32, #tpu.memory_space<hbm>>
          %dma_start3A_555 = tpu.memref_squeeze %dma_start3A_554 : memref<1x160x128xi32, #tpu.memory_space<hbm>> -> memref<160x128xi32, #tpu.memory_space<hbm>>
          %dma_start3A_556 = arith.constant 0 : i32
          %dma_start3A_557 = tpu.memref_slice %dma_start3A_555[%multiple_of3A, %dma_start3A_556] : memref<160x128xi32, #tpu.memory_space<hbm>> -> memref<8x128xi32, #tpu.memory_space<hbm>>
          tpu.enqueue_dma source(%dma_start3A_557 : memref<8x128xi32, #tpu.memory_space<hbm>>) target(%dma_start3A_551 : memref<8x128xi32, #tpu.memory_space<vmem>>) target_semaphore(%arg18 : memref<!tpu.dma_semaphore, #tpu.memory_space<semaphore_mem>>)
        } else {
        }
      } else {
      }
    }
    %while3A_191 = arith.constant 1 : i32
    scf.for %while3A_197 = %while3A_189 to %while3A_185 step %while3A_191  : i32 {
      %mul3A_198 = arith.muli %while3A_197, %while3A_181 : i32
      %add3A_199 = arith.addi %while3A_182, %mul3A_198 : i32
      %mul3A_200 = arith.constant 2 : i32
      %mul3A_201 = arith.muli %add3A_199, %mul3A_200 : i32
      %dma_wait3A = arith.constant 0 : i32
      %dma_wait3A_202 = arith.constant 0 : i32
      %dma_wait3A_203 = arith.constant 0 : i32
      %dma_wait3A_204 = tpu.memref_slice %arg9[%dma_wait3A, %dma_wait3A_202, %dma_wait3A_203] : memref<2x8x128xi32, #tpu.memory_space<vmem>> -> memref<1x8x128xi32, #tpu.memory_space<vmem>>
      %dma_wait3A_205 = tpu.memref_squeeze %dma_wait3A_204 : memref<1x8x128xi32, #tpu.memory_space<vmem>> -> memref<8x128xi32, #tpu.memory_space<vmem>>
      %dma_wait3A_206 = arith.constant 0 : i32
      %dma_wait3A_207 = arith.constant 0 : i32
      %dma_wait3A_208 = tpu.memref_slice %arg3[%arg1, %dma_wait3A_206, %dma_wait3A_207] : memref<16x160x128xi32, #tpu.memory_space<hbm>> -> memref<1x160x128xi32, #tpu.memory_space<hbm>>
      %dma_wait3A_209 = tpu.memref_squeeze %dma_wait3A_208 : memref<1x160x128xi32, #tpu.memory_space<hbm>> -> memref<160x128xi32, #tpu.memory_space<hbm>>
      %dma_wait3A_210 = arith.constant 0 : i32
      %dma_wait3A_211 = arith.constant 0 : i32
      %dma_wait3A_212 = tpu.memref_slice %dma_wait3A_209[%dma_wait3A_210, %dma_wait3A_211] : memref<160x128xi32, #tpu.memory_space<hbm>> -> memref<8x128xi32, #tpu.memory_space<hbm>>
      %dma_wait3A_213 = arith.constant 0 : i32
      %dma_wait3A_214 = arith.constant 0 : i32
      %dma_wait3A_215 = tpu.memref_slice %arg9[%dma_wait3A, %dma_wait3A_213, %dma_wait3A_214] : memref<2x8x128xi32, #tpu.memory_space<vmem>> -> memref<1x8x128xi32, #tpu.memory_space<vmem>>
      %dma_wait3A_216 = tpu.memref_squeeze %dma_wait3A_215 : memref<1x8x128xi32, #tpu.memory_space<vmem>> -> memref<8x128xi32, #tpu.memory_space<vmem>>
      %dma_wait3A_217 = arith.constant 0 : i32
      %dma_wait3A_218 = arith.constant 0 : i32
      %dma_wait3A_219 = tpu.memref_slice %arg3[%arg1, %dma_wait3A_217, %dma_wait3A_218] : memref<16x160x128xi32, #tpu.memory_space<hbm>> -> memref<1x160x128xi32, #tpu.memory_space<hbm>>
      %dma_wait3A_220 = tpu.memref_squeeze %dma_wait3A_219 : memref<1x160x128xi32, #tpu.memory_space<hbm>> -> memref<160x128xi32, #tpu.memory_space<hbm>>
      %dma_wait3A_221 = arith.constant 0 : i32
      %dma_wait3A_222 = arith.constant 0 : i32
      %dma_wait3A_223 = tpu.memref_slice %dma_wait3A_220[%dma_wait3A_221, %dma_wait3A_222] : memref<160x128xi32, #tpu.memory_space<hbm>> -> memref<8x128xi32, #tpu.memory_space<hbm>>
      tpu.wait_dma2 semaphore(%arg17 : memref<!tpu.dma_semaphore, #tpu.memory_space<semaphore_mem>>) src(%dma_wait3A_223 : memref<8x128xi32, #tpu.memory_space<hbm>>) dst(%dma_wait3A_216 : memref<8x128xi32, #tpu.memory_space<vmem>>)
      %dma_start3A = arith.constant 0 : i32
      %dma_start3A_224 = arith.constant 0 : i32
      %dma_start3A_225 = arith.constant 0 : i32
      %dma_start3A_226 = arith.constant 0 : i32
      %dma_start3A_227 = tpu.memref_slice %arg9[%dma_start3A, %dma_start3A_225, %dma_start3A_226] : memref<2x8x128xi32, #tpu.memory_space<vmem>> -> memref<1x8x128xi32, #tpu.memory_space<vmem>>
      %dma_start3A_228 = tpu.memref_squeeze %dma_start3A_227 : memref<1x8x128xi32, #tpu.memory_space<vmem>> -> memref<8x128xi32, #tpu.memory_space<vmem>>
      %dma_start3A_229 = arith.constant 0 : i32
      %dma_start3A_230 = tpu.memref_slice %dma_start3A_228[%dma_start3A_224, %dma_start3A_229] : memref<8x128xi32, #tpu.memory_space<vmem>> -> memref<1x128xi32, #tpu.memory_space<vmem>>
      %dma_start3A_231 = tpu.memref_squeeze %dma_start3A_230 : memref<1x128xi32, #tpu.memory_space<vmem>> -> memref<128xi32, #tpu.memory_space<vmem>>
      %dma_start3A_232 = arith.constant 0 : i32
      %dma_start3A_233 = arith.constant 0 : i32
      %dma_start3A_234 = tpu.memref_slice %arg12[%dma_start3A_232, %dma_start3A_233] : memref<10240x128xf32, #tpu.memory_space<vmem_shared>> -> memref<10240x128xf32, #tpu.memory_space<vmem_shared>>
      tpu.enqueue_indirect_dma source(%arg10 : memref<128x128xf32, #tpu.memory_space<vmem>>) target(%dma_start3A_234 : memref<10240x128xf32, #tpu.memory_space<vmem_shared>>) offsets(%dma_start3A_231 : memref<128xi32, #tpu.memory_space<vmem>>) semaphore(%arg15 : memref<!tpu.dma_semaphore, #tpu.memory_space<semaphore_mem>>) {add = true}
      %dma_start3A_235 = arith.constant 0 : i32
      %dma_start3A_236 = arith.constant 1 : i32
      %dma_start3A_237 = arith.constant 0 : i32
      %dma_start3A_238 = arith.constant 0 : i32
      %dma_start3A_239 = tpu.memref_slice %arg9[%dma_start3A_235, %dma_start3A_237, %dma_start3A_238] : memref<2x8x128xi32, #tpu.memory_space<vmem>> -> memref<1x8x128xi32, #tpu.memory_space<vmem>>
      %dma_start3A_240 = tpu.memref_squeeze %dma_start3A_239 : memref<1x8x128xi32, #tpu.memory_space<vmem>> -> memref<8x128xi32, #tpu.memory_space<vmem>>
      %dma_start3A_241 = arith.constant 0 : i32
      %dma_start3A_242 = tpu.memref_slice %dma_start3A_240[%dma_start3A_236, %dma_start3A_241] : memref<8x128xi32, #tpu.memory_space<vmem>> -> memref<1x128xi32, #tpu.memory_space<vmem>>
      %dma_start3A_243 = tpu.memref_squeeze %dma_start3A_242 : memref<1x128xi32, #tpu.memory_space<vmem>> -> memref<128xi32, #tpu.memory_space<vmem>>
      %dma_start3A_244 = arith.constant 0 : i32
      %dma_start3A_245 = arith.constant 0 : i32
      %dma_start3A_246 = tpu.memref_slice %arg12[%dma_start3A_244, %dma_start3A_245] : memref<10240x128xf32, #tpu.memory_space<vmem_shared>> -> memref<10240x128xf32, #tpu.memory_space<vmem_shared>>
      tpu.enqueue_indirect_dma source(%arg10 : memref<128x128xf32, #tpu.memory_space<vmem>>) target(%dma_start3A_246 : memref<10240x128xf32, #tpu.memory_space<vmem_shared>>) offsets(%dma_start3A_243 : memref<128xi32, #tpu.memory_space<vmem>>) semaphore(%arg15 : memref<!tpu.dma_semaphore, #tpu.memory_space<semaphore_mem>>) {add = true}
      %dma_start3A_247 = arith.constant 0 : i32
      %dma_start3A_248 = arith.constant 2 : i32
      %dma_start3A_249 = arith.constant 0 : i32
      %dma_start3A_250 = arith.constant 0 : i32
      %dma_start3A_251 = tpu.memref_slice %arg9[%dma_start3A_247, %dma_start3A_249, %dma_start3A_250] : memref<2x8x128xi32, #tpu.memory_space<vmem>> -> memref<1x8x128xi32, #tpu.memory_space<vmem>>
      %dma_start3A_252 = tpu.memref_squeeze %dma_start3A_251 : memref<1x8x128xi32, #tpu.memory_space<vmem>> -> memref<8x128xi32, #tpu.memory_space<vmem>>
      %dma_start3A_253 = arith.constant 0 : i32
      %dma_start3A_254 = tpu.memref_slice %dma_start3A_252[%dma_start3A_248, %dma_start3A_253] : memref<8x128xi32, #tpu.memory_space<vmem>> -> memref<1x128xi32, #tpu.memory_space<vmem>>
      %dma_start3A_255 = tpu.memref_squeeze %dma_start3A_254 : memref<1x128xi32, #tpu.memory_space<vmem>> -> memref<128xi32, #tpu.memory_space<vmem>>
      %dma_start3A_256 = arith.constant 0 : i32
      %dma_start3A_257 = arith.constant 0 : i32
      %dma_start3A_258 = tpu.memref_slice %arg12[%dma_start3A_256, %dma_start3A_257] : memref<10240x128xf32, #tpu.memory_space<vmem_shared>> -> memref<10240x128xf32, #tpu.memory_space<vmem_shared>>
      tpu.enqueue_indirect_dma source(%arg10 : memref<128x128xf32, #tpu.memory_space<vmem>>) target(%dma_start3A_258 : memref<10240x128xf32, #tpu.memory_space<vmem_shared>>) offsets(%dma_start3A_255 : memref<128xi32, #tpu.memory_space<vmem>>) semaphore(%arg15 : memref<!tpu.dma_semaphore, #tpu.memory_space<semaphore_mem>>) {add = true}
      %dma_start3A_259 = arith.constant 0 : i32
      %dma_start3A_260 = arith.constant 3 : i32
      %dma_start3A_261 = arith.constant 0 : i32
      %dma_start3A_262 = arith.constant 0 : i32
      %dma_start3A_263 = tpu.memref_slice %arg9[%dma_start3A_259, %dma_start3A_261, %dma_start3A_262] : memref<2x8x128xi32, #tpu.memory_space<vmem>> -> memref<1x8x128xi32, #tpu.memory_space<vmem>>
      %dma_start3A_264 = tpu.memref_squeeze %dma_start3A_263 : memref<1x8x128xi32, #tpu.memory_space<vmem>> -> memref<8x128xi32, #tpu.memory_space<vmem>>
      %dma_start3A_265 = arith.constant 0 : i32
      %dma_start3A_266 = tpu.memref_slice %dma_start3A_264[%dma_start3A_260, %dma_start3A_265] : memref<8x128xi32, #tpu.memory_space<vmem>> -> memref<1x128xi32, #tpu.memory_space<vmem>>
      %dma_start3A_267 = tpu.memref_squeeze %dma_start3A_266 : memref<1x128xi32, #tpu.memory_space<vmem>> -> memref<128xi32, #tpu.memory_space<vmem>>
      %dma_start3A_268 = arith.constant 0 : i32
      %dma_start3A_269 = arith.constant 0 : i32
      %dma_start3A_270 = tpu.memref_slice %arg12[%dma_start3A_268, %dma_start3A_269] : memref<10240x128xf32, #tpu.memory_space<vmem_shared>> -> memref<10240x128xf32, #tpu.memory_space<vmem_shared>>
      tpu.enqueue_indirect_dma source(%arg10 : memref<128x128xf32, #tpu.memory_space<vmem>>) target(%dma_start3A_270 : memref<10240x128xf32, #tpu.memory_space<vmem_shared>>) offsets(%dma_start3A_267 : memref<128xi32, #tpu.memory_space<vmem>>) semaphore(%arg15 : memref<!tpu.dma_semaphore, #tpu.memory_space<semaphore_mem>>) {add = true}
      %dma_start3A_271 = arith.constant 0 : i32
      %dma_start3A_272 = arith.constant 4 : i32
      %dma_start3A_273 = arith.constant 0 : i32
      %dma_start3A_274 = arith.constant 0 : i32
      %dma_start3A_275 = tpu.memref_slice %arg9[%dma_start3A_271, %dma_start3A_273, %dma_start3A_274] : memref<2x8x128xi32, #tpu.memory_space<vmem>> -> memref<1x8x128xi32, #tpu.memory_space<vmem>>
      %dma_start3A_276 = tpu.memref_squeeze %dma_start3A_275 : memref<1x8x128xi32, #tpu.memory_space<vmem>> -> memref<8x128xi32, #tpu.memory_space<vmem>>
      %dma_start3A_277 = arith.constant 0 : i32
      %dma_start3A_278 = tpu.memref_slice %dma_start3A_276[%dma_start3A_272, %dma_start3A_277] : memref<8x128xi32, #tpu.memory_space<vmem>> -> memref<1x128xi32, #tpu.memory_space<vmem>>
      %dma_start3A_279 = tpu.memref_squeeze %dma_start3A_278 : memref<1x128xi32, #tpu.memory_space<vmem>> -> memref<128xi32, #tpu.memory_space<vmem>>
      %dma_start3A_280 = arith.constant 0 : i32
      %dma_start3A_281 = arith.constant 0 : i32
      %dma_start3A_282 = tpu.memref_slice %arg12[%dma_start3A_280, %dma_start3A_281] : memref<10240x128xf32, #tpu.memory_space<vmem_shared>> -> memref<10240x128xf32, #tpu.memory_space<vmem_shared>>
      tpu.enqueue_indirect_dma source(%arg10 : memref<128x128xf32, #tpu.memory_space<vmem>>) target(%dma_start3A_282 : memref<10240x128xf32, #tpu.memory_space<vmem_shared>>) offsets(%dma_start3A_279 : memref<128xi32, #tpu.memory_space<vmem>>) semaphore(%arg15 : memref<!tpu.dma_semaphore, #tpu.memory_space<semaphore_mem>>) {add = true}
      %dma_start3A_283 = arith.constant 0 : i32
      %dma_start3A_284 = arith.constant 5 : i32
      %dma_start3A_285 = arith.constant 0 : i32
      %dma_start3A_286 = arith.constant 0 : i32
      %dma_start3A_287 = tpu.memref_slice %arg9[%dma_start3A_283, %dma_start3A_285, %dma_start3A_286] : memref<2x8x128xi32, #tpu.memory_space<vmem>> -> memref<1x8x128xi32, #tpu.memory_space<vmem>>
      %dma_start3A_288 = tpu.memref_squeeze %dma_start3A_287 : memref<1x8x128xi32, #tpu.memory_space<vmem>> -> memref<8x128xi32, #tpu.memory_space<vmem>>
      %dma_start3A_289 = arith.constant 0 : i32
      %dma_start3A_290 = tpu.memref_slice %dma_start3A_288[%dma_start3A_284, %dma_start3A_289] : memref<8x128xi32, #tpu.memory_space<vmem>> -> memref<1x128xi32, #tpu.memory_space<vmem>>
      %dma_start3A_291 = tpu.memref_squeeze %dma_start3A_290 : memref<1x128xi32, #tpu.memory_space<vmem>> -> memref<128xi32, #tpu.memory_space<vmem>>
      %dma_start3A_292 = arith.constant 0 : i32
      %dma_start3A_293 = arith.constant 0 : i32
      %dma_start3A_294 = tpu.memref_slice %arg12[%dma_start3A_292, %dma_start3A_293] : memref<10240x128xf32, #tpu.memory_space<vmem_shared>> -> memref<10240x128xf32, #tpu.memory_space<vmem_shared>>
      tpu.enqueue_indirect_dma source(%arg10 : memref<128x128xf32, #tpu.memory_space<vmem>>) target(%dma_start3A_294 : memref<10240x128xf32, #tpu.memory_space<vmem_shared>>) offsets(%dma_start3A_291 : memref<128xi32, #tpu.memory_space<vmem>>) semaphore(%arg15 : memref<!tpu.dma_semaphore, #tpu.memory_space<semaphore_mem>>) {add = true}
      %dma_start3A_295 = arith.constant 0 : i32
      %dma_start3A_296 = arith.constant 6 : i32
      %dma_start3A_297 = arith.constant 0 : i32
      %dma_start3A_298 = arith.constant 0 : i32
      %dma_start3A_299 = tpu.memref_slice %arg9[%dma_start3A_295, %dma_start3A_297, %dma_start3A_298] : memref<2x8x128xi32, #tpu.memory_space<vmem>> -> memref<1x8x128xi32, #tpu.memory_space<vmem>>
      %dma_start3A_300 = tpu.memref_squeeze %dma_start3A_299 : memref<1x8x128xi32, #tpu.memory_space<vmem>> -> memref<8x128xi32, #tpu.memory_space<vmem>>
      %dma_start3A_301 = arith.constant 0 : i32
      %dma_start3A_302 = tpu.memref_slice %dma_start3A_300[%dma_start3A_296, %dma_start3A_301] : memref<8x128xi32, #tpu.memory_space<vmem>> -> memref<1x128xi32, #tpu.memory_space<vmem>>
      %dma_start3A_303 = tpu.memref_squeeze %dma_start3A_302 : memref<1x128xi32, #tpu.memory_space<vmem>> -> memref<128xi32, #tpu.memory_space<vmem>>
      %dma_start3A_304 = arith.constant 0 : i32
      %dma_start3A_305 = arith.constant 0 : i32
      %dma_start3A_306 = tpu.memref_slice %arg12[%dma_start3A_304, %dma_start3A_305] : memref<10240x128xf32, #tpu.memory_space<vmem_shared>> -> memref<10240x128xf32, #tpu.memory_space<vmem_shared>>
      tpu.enqueue_indirect_dma source(%arg10 : memref<128x128xf32, #tpu.memory_space<vmem>>) target(%dma_start3A_306 : memref<10240x128xf32, #tpu.memory_space<vmem_shared>>) offsets(%dma_start3A_303 : memref<128xi32, #tpu.memory_space<vmem>>) semaphore(%arg15 : memref<!tpu.dma_semaphore, #tpu.memory_space<semaphore_mem>>) {add = true}
      %dma_start3A_307 = arith.constant 0 : i32
      %dma_start3A_308 = arith.constant 7 : i32
      %dma_start3A_309 = arith.constant 0 : i32
      %dma_start3A_310 = arith.constant 0 : i32
      %dma_start3A_311 = tpu.memref_slice %arg9[%dma_start3A_307, %dma_start3A_309, %dma_start3A_310] : memref<2x8x128xi32, #tpu.memory_space<vmem>> -> memref<1x8x128xi32, #tpu.memory_space<vmem>>
      %dma_start3A_312 = tpu.memref_squeeze %dma_start3A_311 : memref<1x8x128xi32, #tpu.memory_space<vmem>> -> memref<8x128xi32, #tpu.memory_space<vmem>>
      %dma_start3A_313 = arith.constant 0 : i32
      %dma_start3A_314 = tpu.memref_slice %dma_start3A_312[%dma_start3A_308, %dma_start3A_313] : memref<8x128xi32, #tpu.memory_space<vmem>> -> memref<1x128xi32, #tpu.memory_space<vmem>>
      %dma_start3A_315 = tpu.memref_squeeze %dma_start3A_314 : memref<1x128xi32, #tpu.memory_space<vmem>> -> memref<128xi32, #tpu.memory_space<vmem>>
      %dma_start3A_316 = arith.constant 0 : i32
      %dma_start3A_317 = arith.constant 0 : i32
      %dma_start3A_318 = tpu.memref_slice %arg12[%dma_start3A_316, %dma_start3A_317] : memref<10240x128xf32, #tpu.memory_space<vmem_shared>> -> memref<10240x128xf32, #tpu.memory_space<vmem_shared>>
      tpu.enqueue_indirect_dma source(%arg10 : memref<128x128xf32, #tpu.memory_space<vmem>>) target(%dma_start3A_318 : memref<10240x128xf32, #tpu.memory_space<vmem_shared>>) offsets(%dma_start3A_315 : memref<128xi32, #tpu.memory_space<vmem>>) semaphore(%arg15 : memref<!tpu.dma_semaphore, #tpu.memory_space<semaphore_mem>>) {add = true}
      %add3A_319 = arith.constant 1 : i32
      %add3A_320 = arith.addi %mul3A_201, %add3A_319 : i32
      %lt3A = arith.cmpi slt, %add3A_320, %select_n3A_20 : i32
      %convert_element_type3A_321 = arith.extui %lt3A : i1 to i32
      %cond3A_322 = arith.constant 0 : i32
      %cond3A_323 = arith.cmpi ne, %convert_element_type3A_321, %cond3A_322 : i32
      scf.if %cond3A_323 {
        %dma_wait3A_432 = arith.constant 1 : i32
        %dma_wait3A_433 = arith.constant 0 : i32
        %dma_wait3A_434 = arith.constant 0 : i32
        %dma_wait3A_435 = tpu.memref_slice %arg9[%dma_wait3A_432, %dma_wait3A_433, %dma_wait3A_434] : memref<2x8x128xi32, #tpu.memory_space<vmem>> -> memref<1x8x128xi32, #tpu.memory_space<vmem>>
        %dma_wait3A_436 = tpu.memref_squeeze %dma_wait3A_435 : memref<1x8x128xi32, #tpu.memory_space<vmem>> -> memref<8x128xi32, #tpu.memory_space<vmem>>
        %dma_wait3A_437 = arith.constant 0 : i32
        %dma_wait3A_438 = arith.constant 0 : i32
        %dma_wait3A_439 = tpu.memref_slice %arg3[%arg1, %dma_wait3A_437, %dma_wait3A_438] : memref<16x160x128xi32, #tpu.memory_space<hbm>> -> memref<1x160x128xi32, #tpu.memory_space<hbm>>
        %dma_wait3A_440 = tpu.memref_squeeze %dma_wait3A_439 : memref<1x160x128xi32, #tpu.memory_space<hbm>> -> memref<160x128xi32, #tpu.memory_space<hbm>>
        %dma_wait3A_441 = arith.constant 0 : i32
        %dma_wait3A_442 = arith.constant 0 : i32
        %dma_wait3A_443 = tpu.memref_slice %dma_wait3A_440[%dma_wait3A_441, %dma_wait3A_442] : memref<160x128xi32, #tpu.memory_space<hbm>> -> memref<8x128xi32, #tpu.memory_space<hbm>>
        %dma_wait3A_444 = arith.constant 0 : i32
        %dma_wait3A_445 = arith.constant 0 : i32
        %dma_wait3A_446 = tpu.memref_slice %arg9[%dma_wait3A_432, %dma_wait3A_444, %dma_wait3A_445] : memref<2x8x128xi32, #tpu.memory_space<vmem>> -> memref<1x8x128xi32, #tpu.memory_space<vmem>>
        %dma_wait3A_447 = tpu.memref_squeeze %dma_wait3A_446 : memref<1x8x128xi32, #tpu.memory_space<vmem>> -> memref<8x128xi32, #tpu.memory_space<vmem>>
        %dma_wait3A_448 = arith.constant 0 : i32
        %dma_wait3A_449 = arith.constant 0 : i32
        %dma_wait3A_450 = tpu.memref_slice %arg3[%arg1, %dma_wait3A_448, %dma_wait3A_449] : memref<16x160x128xi32, #tpu.memory_space<hbm>> -> memref<1x160x128xi32, #tpu.memory_space<hbm>>
        %dma_wait3A_451 = tpu.memref_squeeze %dma_wait3A_450 : memref<1x160x128xi32, #tpu.memory_space<hbm>> -> memref<160x128xi32, #tpu.memory_space<hbm>>
        %dma_wait3A_452 = arith.constant 0 : i32
        %dma_wait3A_453 = arith.constant 0 : i32
        %dma_wait3A_454 = tpu.memref_slice %dma_wait3A_451[%dma_wait3A_452, %dma_wait3A_453] : memref<160x128xi32, #tpu.memory_space<hbm>> -> memref<8x128xi32, #tpu.memory_space<hbm>>
        tpu.wait_dma2 semaphore(%arg18 : memref<!tpu.dma_semaphore, #tpu.memory_space<semaphore_mem>>) src(%dma_wait3A_454 : memref<8x128xi32, #tpu.memory_space<hbm>>) dst(%dma_wait3A_447 : memref<8x128xi32, #tpu.memory_space<vmem>>)
        %dma_start3A_455 = arith.constant 1 : i32
        %dma_start3A_456 = arith.constant 0 : i32
        %dma_start3A_457 = arith.constant 0 : i32
        %dma_start3A_458 = arith.constant 0 : i32
        %dma_start3A_459 = tpu.memref_slice %arg9[%dma_start3A_455, %dma_start3A_457, %dma_start3A_458] : memref<2x8x128xi32, #tpu.memory_space<vmem>> -> memref<1x8x128xi32, #tpu.memory_space<vmem>>
        %dma_start3A_460 = tpu.memref_squeeze %dma_start3A_459 : memref<1x8x128xi32, #tpu.memory_space<vmem>> -> memref<8x128xi32, #tpu.memory_space<vmem>>
        %dma_start3A_461 = arith.constant 0 : i32
        %dma_start3A_462 = tpu.memref_slice %dma_start3A_460[%dma_start3A_456, %dma_start3A_461] : memref<8x128xi32, #tpu.memory_space<vmem>> -> memref<1x128xi32, #tpu.memory_space<vmem>>
        %dma_start3A_463 = tpu.memref_squeeze %dma_start3A_462 : memref<1x128xi32, #tpu.memory_space<vmem>> -> memref<128xi32, #tpu.memory_space<vmem>>
        %dma_start3A_464 = arith.constant 0 : i32
        %dma_start3A_465 = arith.constant 0 : i32
        %dma_start3A_466 = tpu.memref_slice %arg12[%dma_start3A_464, %dma_start3A_465] : memref<10240x128xf32, #tpu.memory_space<vmem_shared>> -> memref<10240x128xf32, #tpu.memory_space<vmem_shared>>
        tpu.enqueue_indirect_dma source(%arg10 : memref<128x128xf32, #tpu.memory_space<vmem>>) target(%dma_start3A_466 : memref<10240x128xf32, #tpu.memory_space<vmem_shared>>) offsets(%dma_start3A_463 : memref<128xi32, #tpu.memory_space<vmem>>) semaphore(%arg16 : memref<!tpu.dma_semaphore, #tpu.memory_space<semaphore_mem>>) {add = true}
        %dma_start3A_467 = arith.constant 1 : i32
        %dma_start3A_468 = arith.constant 1 : i32
        %dma_start3A_469 = arith.constant 0 : i32
        %dma_start3A_470 = arith.constant 0 : i32
        %dma_start3A_471 = tpu.memref_slice %arg9[%dma_start3A_467, %dma_start3A_469, %dma_start3A_470] : memref<2x8x128xi32, #tpu.memory_space<vmem>> -> memref<1x8x128xi32, #tpu.memory_space<vmem>>
        %dma_start3A_472 = tpu.memref_squeeze %dma_start3A_471 : memref<1x8x128xi32, #tpu.memory_space<vmem>> -> memref<8x128xi32, #tpu.memory_space<vmem>>
        %dma_start3A_473 = arith.constant 0 : i32
        %dma_start3A_474 = tpu.memref_slice %dma_start3A_472[%dma_start3A_468, %dma_start3A_473] : memref<8x128xi32, #tpu.memory_space<vmem>> -> memref<1x128xi32, #tpu.memory_space<vmem>>
        %dma_start3A_475 = tpu.memref_squeeze %dma_start3A_474 : memref<1x128xi32, #tpu.memory_space<vmem>> -> memref<128xi32, #tpu.memory_space<vmem>>
        %dma_start3A_476 = arith.constant 0 : i32
        %dma_start3A_477 = arith.constant 0 : i32
        %dma_start3A_478 = tpu.memref_slice %arg12[%dma_start3A_476, %dma_start3A_477] : memref<10240x128xf32, #tpu.memory_space<vmem_shared>> -> memref<10240x128xf32, #tpu.memory_space<vmem_shared>>
        tpu.enqueue_indirect_dma source(%arg10 : memref<128x128xf32, #tpu.memory_space<vmem>>) target(%dma_start3A_478 : memref<10240x128xf32, #tpu.memory_space<vmem_shared>>) offsets(%dma_start3A_475 : memref<128xi32, #tpu.memory_space<vmem>>) semaphore(%arg16 : memref<!tpu.dma_semaphore, #tpu.memory_space<semaphore_mem>>) {add = true}
        %dma_start3A_479 = arith.constant 1 : i32
        %dma_start3A_480 = arith.constant 2 : i32
        %dma_start3A_481 = arith.constant 0 : i32
        %dma_start3A_482 = arith.constant 0 : i32
        %dma_start3A_483 = tpu.memref_slice %arg9[%dma_start3A_479, %dma_start3A_481, %dma_start3A_482] : memref<2x8x128xi32, #tpu.memory_space<vmem>> -> memref<1x8x128xi32, #tpu.memory_space<vmem>>
        %dma_start3A_484 = tpu.memref_squeeze %dma_start3A_483 : memref<1x8x128xi32, #tpu.memory_space<vmem>> -> memref<8x128xi32, #tpu.memory_space<vmem>>
        %dma_start3A_485 = arith.constant 0 : i32
        %dma_start3A_486 = tpu.memref_slice %dma_start3A_484[%dma_start3A_480, %dma_start3A_485] : memref<8x128xi32, #tpu.memory_space<vmem>> -> memref<1x128xi32, #tpu.memory_space<vmem>>
        %dma_start3A_487 = tpu.memref_squeeze %dma_start3A_486 : memref<1x128xi32, #tpu.memory_space<vmem>> -> memref<128xi32, #tpu.memory_space<vmem>>
        %dma_start3A_488 = arith.constant 0 : i32
        %dma_start3A_489 = arith.constant 0 : i32
        %dma_start3A_490 = tpu.memref_slice %arg12[%dma_start3A_488, %dma_start3A_489] : memref<10240x128xf32, #tpu.memory_space<vmem_shared>> -> memref<10240x128xf32, #tpu.memory_space<vmem_shared>>
        tpu.enqueue_indirect_dma source(%arg10 : memref<128x128xf32, #tpu.memory_space<vmem>>) target(%dma_start3A_490 : memref<10240x128xf32, #tpu.memory_space<vmem_shared>>) offsets(%dma_start3A_487 : memref<128xi32, #tpu.memory_space<vmem>>) semaphore(%arg16 : memref<!tpu.dma_semaphore, #tpu.memory_space<semaphore_mem>>) {add = true}
        %dma_start3A_491 = arith.constant 1 : i32
        %dma_start3A_492 = arith.constant 3 : i32
        %dma_start3A_493 = arith.constant 0 : i32
        %dma_start3A_494 = arith.constant 0 : i32
        %dma_start3A_495 = tpu.memref_slice %arg9[%dma_start3A_491, %dma_start3A_493, %dma_start3A_494] : memref<2x8x128xi32, #tpu.memory_space<vmem>> -> memref<1x8x128xi32, #tpu.memory_space<vmem>>
        %dma_start3A_496 = tpu.memref_squeeze %dma_start3A_495 : memref<1x8x128xi32, #tpu.memory_space<vmem>> -> memref<8x128xi32, #tpu.memory_space<vmem>>
        %dma_start3A_497 = arith.constant 0 : i32
        %dma_start3A_498 = tpu.memref_slice %dma_start3A_496[%dma_start3A_492, %dma_start3A_497] : memref<8x128xi32, #tpu.memory_space<vmem>> -> memref<1x128xi32, #tpu.memory_space<vmem>>
        %dma_start3A_499 = tpu.memref_squeeze %dma_start3A_498 : memref<1x128xi32, #tpu.memory_space<vmem>> -> memref<128xi32, #tpu.memory_space<vmem>>
        %dma_start3A_500 = arith.constant 0 : i32
        %dma_start3A_501 = arith.constant 0 : i32
        %dma_start3A_502 = tpu.memref_slice %arg12[%dma_start3A_500, %dma_start3A_501] : memref<10240x128xf32, #tpu.memory_space<vmem_shared>> -> memref<10240x128xf32, #tpu.memory_space<vmem_shared>>
        tpu.enqueue_indirect_dma source(%arg10 : memref<128x128xf32, #tpu.memory_space<vmem>>) target(%dma_start3A_502 : memref<10240x128xf32, #tpu.memory_space<vmem_shared>>) offsets(%dma_start3A_499 : memref<128xi32, #tpu.memory_space<vmem>>) semaphore(%arg16 : memref<!tpu.dma_semaphore, #tpu.memory_space<semaphore_mem>>) {add = true}
        %dma_start3A_503 = arith.constant 1 : i32
        %dma_start3A_504 = arith.constant 4 : i32
        %dma_start3A_505 = arith.constant 0 : i32
        %dma_start3A_506 = arith.constant 0 : i32
        %dma_start3A_507 = tpu.memref_slice %arg9[%dma_start3A_503, %dma_start3A_505, %dma_start3A_506] : memref<2x8x128xi32, #tpu.memory_space<vmem>> -> memref<1x8x128xi32, #tpu.memory_space<vmem>>
        %dma_start3A_508 = tpu.memref_squeeze %dma_start3A_507 : memref<1x8x128xi32, #tpu.memory_space<vmem>> -> memref<8x128xi32, #tpu.memory_space<vmem>>
        %dma_start3A_509 = arith.constant 0 : i32
        %dma_start3A_510 = tpu.memref_slice %dma_start3A_508[%dma_start3A_504, %dma_start3A_509] : memref<8x128xi32, #tpu.memory_space<vmem>> -> memref<1x128xi32, #tpu.memory_space<vmem>>
        %dma_start3A_511 = tpu.memref_squeeze %dma_start3A_510 : memref<1x128xi32, #tpu.memory_space<vmem>> -> memref<128xi32, #tpu.memory_space<vmem>>
        %dma_start3A_512 = arith.constant 0 : i32
        %dma_start3A_513 = arith.constant 0 : i32
        %dma_start3A_514 = tpu.memref_slice %arg12[%dma_start3A_512, %dma_start3A_513] : memref<10240x128xf32, #tpu.memory_space<vmem_shared>> -> memref<10240x128xf32, #tpu.memory_space<vmem_shared>>
        tpu.enqueue_indirect_dma source(%arg10 : memref<128x128xf32, #tpu.memory_space<vmem>>) target(%dma_start3A_514 : memref<10240x128xf32, #tpu.memory_space<vmem_shared>>) offsets(%dma_start3A_511 : memref<128xi32, #tpu.memory_space<vmem>>) semaphore(%arg16 : memref<!tpu.dma_semaphore, #tpu.memory_space<semaphore_mem>>) {add = true}
        %dma_start3A_515 = arith.constant 1 : i32
        %dma_start3A_516 = arith.constant 5 : i32
        %dma_start3A_517 = arith.constant 0 : i32
        %dma_start3A_518 = arith.constant 0 : i32
        %dma_start3A_519 = tpu.memref_slice %arg9[%dma_start3A_515, %dma_start3A_517, %dma_start3A_518] : memref<2x8x128xi32, #tpu.memory_space<vmem>> -> memref<1x8x128xi32, #tpu.memory_space<vmem>>
        %dma_start3A_520 = tpu.memref_squeeze %dma_start3A_519 : memref<1x8x128xi32, #tpu.memory_space<vmem>> -> memref<8x128xi32, #tpu.memory_space<vmem>>
        %dma_start3A_521 = arith.constant 0 : i32
        %dma_start3A_522 = tpu.memref_slice %dma_start3A_520[%dma_start3A_516, %dma_start3A_521] : memref<8x128xi32, #tpu.memory_space<vmem>> -> memref<1x128xi32, #tpu.memory_space<vmem>>
        %dma_start3A_523 = tpu.memref_squeeze %dma_start3A_522 : memref<1x128xi32, #tpu.memory_space<vmem>> -> memref<128xi32, #tpu.memory_space<vmem>>
        %dma_start3A_524 = arith.constant 0 : i32
        %dma_start3A_525 = arith.constant 0 : i32
        %dma_start3A_526 = tpu.memref_slice %arg12[%dma_start3A_524, %dma_start3A_525] : memref<10240x128xf32, #tpu.memory_space<vmem_shared>> -> memref<10240x128xf32, #tpu.memory_space<vmem_shared>>
        tpu.enqueue_indirect_dma source(%arg10 : memref<128x128xf32, #tpu.memory_space<vmem>>) target(%dma_start3A_526 : memref<10240x128xf32, #tpu.memory_space<vmem_shared>>) offsets(%dma_start3A_523 : memref<128xi32, #tpu.memory_space<vmem>>) semaphore(%arg16 : memref<!tpu.dma_semaphore, #tpu.memory_space<semaphore_mem>>) {add = true}
        %dma_start3A_527 = arith.constant 1 : i32
        %dma_start3A_528 = arith.constant 6 : i32
        %dma_start3A_529 = arith.constant 0 : i32
        %dma_start3A_530 = arith.constant 0 : i32
        %dma_start3A_531 = tpu.memref_slice %arg9[%dma_start3A_527, %dma_start3A_529, %dma_start3A_530] : memref<2x8x128xi32, #tpu.memory_space<vmem>> -> memref<1x8x128xi32, #tpu.memory_space<vmem>>
        %dma_start3A_532 = tpu.memref_squeeze %dma_start3A_531 : memref<1x8x128xi32, #tpu.memory_space<vmem>> -> memref<8x128xi32, #tpu.memory_space<vmem>>
        %dma_start3A_533 = arith.constant 0 : i32
        %dma_start3A_534 = tpu.memref_slice %dma_start3A_532[%dma_start3A_528, %dma_start3A_533] : memref<8x128xi32, #tpu.memory_space<vmem>> -> memref<1x128xi32, #tpu.memory_space<vmem>>
        %dma_start3A_535 = tpu.memref_squeeze %dma_start3A_534 : memref<1x128xi32, #tpu.memory_space<vmem>> -> memref<128xi32, #tpu.memory_space<vmem>>
        %dma_start3A_536 = arith.constant 0 : i32
        %dma_start3A_537 = arith.constant 0 : i32
        %dma_start3A_538 = tpu.memref_slice %arg12[%dma_start3A_536, %dma_start3A_537] : memref<10240x128xf32, #tpu.memory_space<vmem_shared>> -> memref<10240x128xf32, #tpu.memory_space<vmem_shared>>
        tpu.enqueue_indirect_dma source(%arg10 : memref<128x128xf32, #tpu.memory_space<vmem>>) target(%dma_start3A_538 : memref<10240x128xf32, #tpu.memory_space<vmem_shared>>) offsets(%dma_start3A_535 : memref<128xi32, #tpu.memory_space<vmem>>) semaphore(%arg16 : memref<!tpu.dma_semaphore, #tpu.memory_space<semaphore_mem>>) {add = true}
        %dma_start3A_539 = arith.constant 1 : i32
        %dma_start3A_540 = arith.constant 7 : i32
        %dma_start3A_541 = arith.constant 0 : i32
        %dma_start3A_542 = arith.constant 0 : i32
        %dma_start3A_543 = tpu.memref_slice %arg9[%dma_start3A_539, %dma_start3A_541, %dma_start3A_542] : memref<2x8x128xi32, #tpu.memory_space<vmem>> -> memref<1x8x128xi32, #tpu.memory_space<vmem>>
        %dma_start3A_544 = tpu.memref_squeeze %dma_start3A_543 : memref<1x8x128xi32, #tpu.memory_space<vmem>> -> memref<8x128xi32, #tpu.memory_space<vmem>>
        %dma_start3A_545 = arith.constant 0 : i32
        %dma_start3A_546 = tpu.memref_slice %dma_start3A_544[%dma_start3A_540, %dma_start3A_545] : memref<8x128xi32, #tpu.memory_space<vmem>> -> memref<1x128xi32, #tpu.memory_space<vmem>>
        %dma_start3A_547 = tpu.memref_squeeze %dma_start3A_546 : memref<1x128xi32, #tpu.memory_space<vmem>> -> memref<128xi32, #tpu.memory_space<vmem>>
        %dma_start3A_548 = arith.constant 0 : i32
        %dma_start3A_549 = arith.constant 0 : i32
        %dma_start3A_550 = tpu.memref_slice %arg12[%dma_start3A_548, %dma_start3A_549] : memref<10240x128xf32, #tpu.memory_space<vmem_shared>> -> memref<10240x128xf32, #tpu.memory_space<vmem_shared>>
        tpu.enqueue_indirect_dma source(%arg10 : memref<128x128xf32, #tpu.memory_space<vmem>>) target(%dma_start3A_550 : memref<10240x128xf32, #tpu.memory_space<vmem_shared>>) offsets(%dma_start3A_547 : memref<128xi32, #tpu.memory_space<vmem>>) semaphore(%arg16 : memref<!tpu.dma_semaphore, #tpu.memory_space<semaphore_mem>>) {add = true}
      } else {
      }
      %dma_wait3A_324 = arith.constant 0 : i32
      %dma_wait3A_325 = arith.constant 0 : i32
      %dma_wait3A_326 = arith.constant 0 : i32
      %dma_wait3A_327 = arith.constant 0 : i32
      %dma_wait3A_328 = tpu.memref_slice %arg9[%dma_wait3A_324, %dma_wait3A_326, %dma_wait3A_327] : memref<2x8x128xi32, #tpu.memory_space<vmem>> -> memref<1x8x128xi32, #tpu.memory_space<vmem>>
      %dma_wait3A_329 = tpu.memref_squeeze %dma_wait3A_328 : memref<1x8x128xi32, #tpu.memory_space<vmem>> -> memref<8x128xi32, #tpu.memory_space<vmem>>
      %dma_wait3A_330 = arith.constant 0 : i32
      %dma_wait3A_331 = tpu.memref_slice %dma_wait3A_329[%dma_wait3A_325, %dma_wait3A_330] : memref<8x128xi32, #tpu.memory_space<vmem>> -> memref<1x128xi32, #tpu.memory_space<vmem>>
      %dma_wait3A_332 = tpu.memref_squeeze %dma_wait3A_331 : memref<1x128xi32, #tpu.memory_space<vmem>> -> memref<128xi32, #tpu.memory_space<vmem>>
      %dma_wait3A_333 = arith.constant 0 : i32
      %dma_wait3A_334 = arith.constant 0 : i32
      %dma_wait3A_335 = tpu.memref_slice %arg12[%dma_wait3A_333, %dma_wait3A_334] : memref<10240x128xf32, #tpu.memory_space<vmem_shared>> -> memref<10240x128xf32, #tpu.memory_space<vmem_shared>>
      tpu.wait_indirect_dma semaphore(%arg15 : memref<!tpu.dma_semaphore, #tpu.memory_space<semaphore_mem>>) src(%arg10 : memref<128x128xf32, #tpu.memory_space<vmem>>) dst(%dma_wait3A_335 : memref<10240x128xf32, #tpu.memory_space<vmem_shared>>)
      %dma_wait3A_336 = arith.constant 0 : i32
      %dma_wait3A_337 = arith.constant 0 : i32
      %dma_wait3A_338 = arith.constant 0 : i32
      %dma_wait3A_339 = arith.constant 0 : i32
      %dma_wait3A_340 = tpu.memref_slice %arg9[%dma_wait3A_336, %dma_wait3A_338, %dma_wait3A_339] : memref<2x8x128xi32, #tpu.memory_space<vmem>> -> memref<1x8x128xi32, #tpu.memory_space<vmem>>
      %dma_wait3A_341 = tpu.memref_squeeze %dma_wait3A_340 : memref<1x8x128xi32, #tpu.memory_space<vmem>> -> memref<8x128xi32, #tpu.memory_space<vmem>>
      %dma_wait3A_342 = arith.constant 0 : i32
      %dma_wait3A_343 = tpu.memref_slice %dma_wait3A_341[%dma_wait3A_337, %dma_wait3A_342] : memref<8x128xi32, #tpu.memory_space<vmem>> -> memref<1x128xi32, #tpu.memory_space<vmem>>
      %dma_wait3A_344 = tpu.memref_squeeze %dma_wait3A_343 : memref<1x128xi32, #tpu.memory_space<vmem>> -> memref<128xi32, #tpu.memory_space<vmem>>
      %dma_wait3A_345 = arith.constant 0 : i32
      %dma_wait3A_346 = arith.constant 0 : i32
      %dma_wait3A_347 = tpu.memref_slice %arg12[%dma_wait3A_345, %dma_wait3A_346] : memref<10240x128xf32, #tpu.memory_space<vmem_shared>> -> memref<10240x128xf32, #tpu.memory_space<vmem_shared>>
      tpu.wait_indirect_dma semaphore(%arg15 : memref<!tpu.dma_semaphore, #tpu.memory_space<semaphore_mem>>) src(%arg10 : memref<128x128xf32, #tpu.memory_space<vmem>>) dst(%dma_wait3A_347 : memref<10240x128xf32, #tpu.memory_space<vmem_shared>>)
      %dma_wait3A_348 = arith.constant 0 : i32
      %dma_wait3A_349 = arith.constant 0 : i32
      %dma_wait3A_350 = arith.constant 0 : i32
      %dma_wait3A_351 = arith.constant 0 : i32
      %dma_wait3A_352 = tpu.memref_slice %arg9[%dma_wait3A_348, %dma_wait3A_350, %dma_wait3A_351] : memref<2x8x128xi32, #tpu.memory_space<vmem>> -> memref<1x8x128xi32, #tpu.memory_space<vmem>>
      %dma_wait3A_353 = tpu.memref_squeeze %dma_wait3A_352 : memref<1x8x128xi32, #tpu.memory_space<vmem>> -> memref<8x128xi32, #tpu.memory_space<vmem>>
      %dma_wait3A_354 = arith.constant 0 : i32
      %dma_wait3A_355 = tpu.memref_slice %dma_wait3A_353[%dma_wait3A_349, %dma_wait3A_354] : memref<8x128xi32, #tpu.memory_space<vmem>> -> memref<1x128xi32, #tpu.memory_space<vmem>>
      %dma_wait3A_356 = tpu.memref_squeeze %dma_wait3A_355 : memref<1x128xi32, #tpu.memory_space<vmem>> -> memref<128xi32, #tpu.memory_space<vmem>>
      %dma_wait3A_357 = arith.constant 0 : i32
      %dma_wait3A_358 = arith.constant 0 : i32
      %dma_wait3A_359 = tpu.memref_slice %arg12[%dma_wait3A_357, %dma_wait3A_358] : memref<10240x128xf32, #tpu.memory_space<vmem_shared>> -> memref<10240x128xf32, #tpu.memory_space<vmem_shared>>
      tpu.wait_indirect_dma semaphore(%arg15 : memref<!tpu.dma_semaphore, #tpu.memory_space<semaphore_mem>>) src(%arg10 : memref<128x128xf32, #tpu.memory_space<vmem>>) dst(%dma_wait3A_359 : memref<10240x128xf32, #tpu.memory_space<vmem_shared>>)
      %dma_wait3A_360 = arith.constant 0 : i32
      %dma_wait3A_361 = arith.constant 0 : i32
      %dma_wait3A_362 = arith.constant 0 : i32
      %dma_wait3A_363 = arith.constant 0 : i32
      %dma_wait3A_364 = tpu.memref_slice %arg9[%dma_wait3A_360, %dma_wait3A_362, %dma_wait3A_363] : memref<2x8x128xi32, #tpu.memory_space<vmem>> -> memref<1x8x128xi32, #tpu.memory_space<vmem>>
      %dma_wait3A_365 = tpu.memref_squeeze %dma_wait3A_364 : memref<1x8x128xi32, #tpu.memory_space<vmem>> -> memref<8x128xi32, #tpu.memory_space<vmem>>
      %dma_wait3A_366 = arith.constant 0 : i32
      %dma_wait3A_367 = tpu.memref_slice %dma_wait3A_365[%dma_wait3A_361, %dma_wait3A_366] : memref<8x128xi32, #tpu.memory_space<vmem>> -> memref<1x128xi32, #tpu.memory_space<vmem>>
      %dma_wait3A_368 = tpu.memref_squeeze %dma_wait3A_367 : memref<1x128xi32, #tpu.memory_space<vmem>> -> memref<128xi32, #tpu.memory_space<vmem>>
      %dma_wait3A_369 = arith.constant 0 : i32
      %dma_wait3A_370 = arith.constant 0 : i32
      %dma_wait3A_371 = tpu.memref_slice %arg12[%dma_wait3A_369, %dma_wait3A_370] : memref<10240x128xf32, #tpu.memory_space<vmem_shared>> -> memref<10240x128xf32, #tpu.memory_space<vmem_shared>>
      tpu.wait_indirect_dma semaphore(%arg15 : memref<!tpu.dma_semaphore, #tpu.memory_space<semaphore_mem>>) src(%arg10 : memref<128x128xf32, #tpu.memory_space<vmem>>) dst(%dma_wait3A_371 : memref<10240x128xf32, #tpu.memory_space<vmem_shared>>)
      %dma_wait3A_372 = arith.constant 0 : i32
      %dma_wait3A_373 = arith.constant 0 : i32
      %dma_wait3A_374 = arith.constant 0 : i32
      %dma_wait3A_375 = arith.constant 0 : i32
      %dma_wait3A_376 = tpu.memref_slice %arg9[%dma_wait3A_372, %dma_wait3A_374, %dma_wait3A_375] : memref<2x8x128xi32, #tpu.memory_space<vmem>> -> memref<1x8x128xi32, #tpu.memory_space<vmem>>
      %dma_wait3A_377 = tpu.memref_squeeze %dma_wait3A_376 : memref<1x8x128xi32, #tpu.memory_space<vmem>> -> memref<8x128xi32, #tpu.memory_space<vmem>>
      %dma_wait3A_378 = arith.constant 0 : i32
      %dma_wait3A_379 = tpu.memref_slice %dma_wait3A_377[%dma_wait3A_373, %dma_wait3A_378] : memref<8x128xi32, #tpu.memory_space<vmem>> -> memref<1x128xi32, #tpu.memory_space<vmem>>
      %dma_wait3A_380 = tpu.memref_squeeze %dma_wait3A_379 : memref<1x128xi32, #tpu.memory_space<vmem>> -> memref<128xi32, #tpu.memory_space<vmem>>
      %dma_wait3A_381 = arith.constant 0 : i32
      %dma_wait3A_382 = arith.constant 0 : i32
      %dma_wait3A_383 = tpu.memref_slice %arg12[%dma_wait3A_381, %dma_wait3A_382] : memref<10240x128xf32, #tpu.memory_space<vmem_shared>> -> memref<10240x128xf32, #tpu.memory_space<vmem_shared>>
      tpu.wait_indirect_dma semaphore(%arg15 : memref<!tpu.dma_semaphore, #tpu.memory_space<semaphore_mem>>) src(%arg10 : memref<128x128xf32, #tpu.memory_space<vmem>>) dst(%dma_wait3A_383 : memref<10240x128xf32, #tpu.memory_space<vmem_shared>>)
      %dma_wait3A_384 = arith.constant 0 : i32
      %dma_wait3A_385 = arith.constant 0 : i32
      %dma_wait3A_386 = arith.constant 0 : i32
      %dma_wait3A_387 = arith.constant 0 : i32
      %dma_wait3A_388 = tpu.memref_slice %arg9[%dma_wait3A_384, %dma_wait3A_386, %dma_wait3A_387] : memref<2x8x128xi32, #tpu.memory_space<vmem>> -> memref<1x8x128xi32, #tpu.memory_space<vmem>>
      %dma_wait3A_389 = tpu.memref_squeeze %dma_wait3A_388 : memref<1x8x128xi32, #tpu.memory_space<vmem>> -> memref<8x128xi32, #tpu.memory_space<vmem>>
      %dma_wait3A_390 = arith.constant 0 : i32
      %dma_wait3A_391 = tpu.memref_slice %dma_wait3A_389[%dma_wait3A_385, %dma_wait3A_390] : memref<8x128xi32, #tpu.memory_space<vmem>> -> memref<1x128xi32, #tpu.memory_space<vmem>>
      %dma_wait3A_392 = tpu.memref_squeeze %dma_wait3A_391 : memref<1x128xi32, #tpu.memory_space<vmem>> -> memref<128xi32, #tpu.memory_space<vmem>>
      %dma_wait3A_393 = arith.constant 0 : i32
      %dma_wait3A_394 = arith.constant 0 : i32
      %dma_wait3A_395 = tpu.memref_slice %arg12[%dma_wait3A_393, %dma_wait3A_394] : memref<10240x128xf32, #tpu.memory_space<vmem_shared>> -> memref<10240x128xf32, #tpu.memory_space<vmem_shared>>
      tpu.wait_indirect_dma semaphore(%arg15 : memref<!tpu.dma_semaphore, #tpu.memory_space<semaphore_mem>>) src(%arg10 : memref<128x128xf32, #tpu.memory_space<vmem>>) dst(%dma_wait3A_395 : memref<10240x128xf32, #tpu.memory_space<vmem_shared>>)
      %dma_wait3A_396 = arith.constant 0 : i32
      %dma_wait3A_397 = arith.constant 0 : i32
      %dma_wait3A_398 = arith.constant 0 : i32
      %dma_wait3A_399 = arith.constant 0 : i32
      %dma_wait3A_400 = tpu.memref_slice %arg9[%dma_wait3A_396, %dma_wait3A_398, %dma_wait3A_399] : memref<2x8x128xi32, #tpu.memory_space<vmem>> -> memref<1x8x128xi32, #tpu.memory_space<vmem>>
      %dma_wait3A_401 = tpu.memref_squeeze %dma_wait3A_400 : memref<1x8x128xi32, #tpu.memory_space<vmem>> -> memref<8x128xi32, #tpu.memory_space<vmem>>
      %dma_wait3A_402 = arith.constant 0 : i32
      %dma_wait3A_403 = tpu.memref_slice %dma_wait3A_401[%dma_wait3A_397, %dma_wait3A_402] : memref<8x128xi32, #tpu.memory_space<vmem>> -> memref<1x128xi32, #tpu.memory_space<vmem>>
      %dma_wait3A_404 = tpu.memref_squeeze %dma_wait3A_403 : memref<1x128xi32, #tpu.memory_space<vmem>> -> memref<128xi32, #tpu.memory_space<vmem>>
      %dma_wait3A_405 = arith.constant 0 : i32
      %dma_wait3A_406 = arith.constant 0 : i32
      %dma_wait3A_407 = tpu.memref_slice %arg12[%dma_wait3A_405, %dma_wait3A_406] : memref<10240x128xf32, #tpu.memory_space<vmem_shared>> -> memref<10240x128xf32, #tpu.memory_space<vmem_shared>>
      tpu.wait_indirect_dma semaphore(%arg15 : memref<!tpu.dma_semaphore, #tpu.memory_space<semaphore_mem>>) src(%arg10 : memref<128x128xf32, #tpu.memory_space<vmem>>) dst(%dma_wait3A_407 : memref<10240x128xf32, #tpu.memory_space<vmem_shared>>)
      %dma_wait3A_408 = arith.constant 0 : i32
      %dma_wait3A_409 = arith.constant 0 : i32
      %dma_wait3A_410 = arith.constant 0 : i32
      %dma_wait3A_411 = arith.constant 0 : i32
      %dma_wait3A_412 = tpu.memref_slice %arg9[%dma_wait3A_408, %dma_wait3A_410, %dma_wait3A_411] : memref<2x8x128xi32, #tpu.memory_space<vmem>> -> memref<1x8x128xi32, #tpu.memory_space<vmem>>
      %dma_wait3A_413 = tpu.memref_squeeze %dma_wait3A_412 : memref<1x8x128xi32, #tpu.memory_space<vmem>> -> memref<8x128xi32, #tpu.memory_space<vmem>>
      %dma_wait3A_414 = arith.constant 0 : i32
      %dma_wait3A_415 = tpu.memref_slice %dma_wait3A_413[%dma_wait3A_409, %dma_wait3A_414] : memref<8x128xi32, #tpu.memory_space<vmem>> -> memref<1x128xi32, #tpu.memory_space<vmem>>
      %dma_wait3A_416 = tpu.memref_squeeze %dma_wait3A_415 : memref<1x128xi32, #tpu.memory_space<vmem>> -> memref<128xi32, #tpu.memory_space<vmem>>
      %dma_wait3A_417 = arith.constant 0 : i32
      %dma_wait3A_418 = arith.constant 0 : i32
      %dma_wait3A_419 = tpu.memref_slice %arg12[%dma_wait3A_417, %dma_wait3A_418] : memref<10240x128xf32, #tpu.memory_space<vmem_shared>> -> memref<10240x128xf32, #tpu.memory_space<vmem_shared>>
      tpu.wait_indirect_dma semaphore(%arg15 : memref<!tpu.dma_semaphore, #tpu.memory_space<semaphore_mem>>) src(%arg10 : memref<128x128xf32, #tpu.memory_space<vmem>>) dst(%dma_wait3A_419 : memref<10240x128xf32, #tpu.memory_space<vmem_shared>>)
      %add3A_420 = arith.constant 2 : i32
      %add3A_421 = arith.addi %mul3A_201, %add3A_420 : i32
      %lt3A_422 = arith.cmpi slt, %add3A_421, %select_n3A_20 : i32
      %convert_element_type3A_423 = arith.extui %lt3A_422 : i1 to i32
      %cond3A_424 = arith.constant 0 : i32
      %cond3A_425 = arith.cmpi ne, %convert_element_type3A_423, %cond3A_424 : i32
      scf.if %cond3A_425 {
        %mul3A_432 = arith.constant 8 : i32
        %mul3A_433 = arith.muli %add3A_421, %mul3A_432 : i32
        %add3A_434 = arith.addi %mul3A_433, %mul3A_0 : i32
        %multiple_of3A = tpu.assume_multiple %add3A_434, 8 : i32
        %dma_start3A_435 = arith.constant 0 : i32
        %dma_start3A_436 = arith.constant 0 : i32
        %dma_start3A_437 = arith.constant 0 : i32
        %dma_start3A_438 = tpu.memref_slice %arg9[%dma_start3A_435, %dma_start3A_436, %dma_start3A_437] : memref<2x8x128xi32, #tpu.memory_space<vmem>> -> memref<1x8x128xi32, #tpu.memory_space<vmem>>
        %dma_start3A_439 = tpu.memref_squeeze %dma_start3A_438 : memref<1x8x128xi32, #tpu.memory_space<vmem>> -> memref<8x128xi32, #tpu.memory_space<vmem>>
        %dma_start3A_440 = arith.constant 0 : i32
        %dma_start3A_441 = arith.constant 0 : i32
        %dma_start3A_442 = tpu.memref_slice %arg3[%arg1, %dma_start3A_440, %dma_start3A_441] : memref<16x160x128xi32, #tpu.memory_space<hbm>> -> memref<1x160x128xi32, #tpu.memory_space<hbm>>
        %dma_start3A_443 = tpu.memref_squeeze %dma_start3A_442 : memref<1x160x128xi32, #tpu.memory_space<hbm>> -> memref<160x128xi32, #tpu.memory_space<hbm>>
        %dma_start3A_444 = arith.constant 0 : i32
        %dma_start3A_445 = tpu.memref_slice %dma_start3A_443[%multiple_of3A, %dma_start3A_444] : memref<160x128xi32, #tpu.memory_space<hbm>> -> memref<8x128xi32, #tpu.memory_space<hbm>>
        %dma_start3A_446 = arith.constant 0 : i32
        %dma_start3A_447 = arith.constant 0 : i32
        %dma_start3A_448 = tpu.memref_slice %arg9[%dma_start3A_435, %dma_start3A_446, %dma_start3A_447] : memref<2x8x128xi32, #tpu.memory_space<vmem>> -> memref<1x8x128xi32, #tpu.memory_space<vmem>>
        %dma_start3A_449 = tpu.memref_squeeze %dma_start3A_448 : memref<1x8x128xi32, #tpu.memory_space<vmem>> -> memref<8x128xi32, #tpu.memory_space<vmem>>
        %dma_start3A_450 = arith.constant 0 : i32
        %dma_start3A_451 = arith.constant 0 : i32
        %dma_start3A_452 = tpu.memref_slice %arg3[%arg1, %dma_start3A_450, %dma_start3A_451] : memref<16x160x128xi32, #tpu.memory_space<hbm>> -> memref<1x160x128xi32, #tpu.memory_space<hbm>>
        %dma_start3A_453 = tpu.memref_squeeze %dma_start3A_452 : memref<1x160x128xi32, #tpu.memory_space<hbm>> -> memref<160x128xi32, #tpu.memory_space<hbm>>
        %dma_start3A_454 = arith.constant 0 : i32
        %dma_start3A_455 = tpu.memref_slice %dma_start3A_453[%multiple_of3A, %dma_start3A_454] : memref<160x128xi32, #tpu.memory_space<hbm>> -> memref<8x128xi32, #tpu.memory_space<hbm>>
        tpu.enqueue_dma source(%dma_start3A_455 : memref<8x128xi32, #tpu.memory_space<hbm>>) target(%dma_start3A_449 : memref<8x128xi32, #tpu.memory_space<vmem>>) target_semaphore(%arg17 : memref<!tpu.dma_semaphore, #tpu.memory_space<semaphore_mem>>)
      } else {
      }
      %add3A_426 = arith.constant 1 : i32
      %add3A_427 = arith.addi %mul3A_201, %add3A_426 : i32
      %lt3A_428 = arith.cmpi slt, %add3A_427, %select_n3A_20 : i32
      %convert_element_type3A_429 = arith.extui %lt3A_428 : i1 to i32
      %cond3A_430 = arith.constant 0 : i32
      %cond3A_431 = arith.cmpi ne, %convert_element_type3A_429, %cond3A_430 : i32
      scf.if %cond3A_431 {
        %dma_wait3A_432 = arith.constant 1 : i32
        %dma_wait3A_433 = arith.constant 0 : i32
        %dma_wait3A_434 = arith.constant 0 : i32
        %dma_wait3A_435 = arith.constant 0 : i32
        %dma_wait3A_436 = tpu.memref_slice %arg9[%dma_wait3A_432, %dma_wait3A_434, %dma_wait3A_435] : memref<2x8x128xi32, #tpu.memory_space<vmem>> -> memref<1x8x128xi32, #tpu.memory_space<vmem>>
        %dma_wait3A_437 = tpu.memref_squeeze %dma_wait3A_436 : memref<1x8x128xi32, #tpu.memory_space<vmem>> -> memref<8x128xi32, #tpu.memory_space<vmem>>
        %dma_wait3A_438 = arith.constant 0 : i32
        %dma_wait3A_439 = tpu.memref_slice %dma_wait3A_437[%dma_wait3A_433, %dma_wait3A_438] : memref<8x128xi32, #tpu.memory_space<vmem>> -> memref<1x128xi32, #tpu.memory_space<vmem>>
        %dma_wait3A_440 = tpu.memref_squeeze %dma_wait3A_439 : memref<1x128xi32, #tpu.memory_space<vmem>> -> memref<128xi32, #tpu.memory_space<vmem>>
        %dma_wait3A_441 = arith.constant 0 : i32
        %dma_wait3A_442 = arith.constant 0 : i32
        %dma_wait3A_443 = tpu.memref_slice %arg12[%dma_wait3A_441, %dma_wait3A_442] : memref<10240x128xf32, #tpu.memory_space<vmem_shared>> -> memref<10240x128xf32, #tpu.memory_space<vmem_shared>>
        tpu.wait_indirect_dma semaphore(%arg16 : memref<!tpu.dma_semaphore, #tpu.memory_space<semaphore_mem>>) src(%arg10 : memref<128x128xf32, #tpu.memory_space<vmem>>) dst(%dma_wait3A_443 : memref<10240x128xf32, #tpu.memory_space<vmem_shared>>)
        %dma_wait3A_444 = arith.constant 1 : i32
        %dma_wait3A_445 = arith.constant 0 : i32
        %dma_wait3A_446 = arith.constant 0 : i32
        %dma_wait3A_447 = arith.constant 0 : i32
        %dma_wait3A_448 = tpu.memref_slice %arg9[%dma_wait3A_444, %dma_wait3A_446, %dma_wait3A_447] : memref<2x8x128xi32, #tpu.memory_space<vmem>> -> memref<1x8x128xi32, #tpu.memory_space<vmem>>
        %dma_wait3A_449 = tpu.memref_squeeze %dma_wait3A_448 : memref<1x8x128xi32, #tpu.memory_space<vmem>> -> memref<8x128xi32, #tpu.memory_space<vmem>>
        %dma_wait3A_450 = arith.constant 0 : i32
        %dma_wait3A_451 = tpu.memref_slice %dma_wait3A_449[%dma_wait3A_445, %dma_wait3A_450] : memref<8x128xi32, #tpu.memory_space<vmem>> -> memref<1x128xi32, #tpu.memory_space<vmem>>
        %dma_wait3A_452 = tpu.memref_squeeze %dma_wait3A_451 : memref<1x128xi32, #tpu.memory_space<vmem>> -> memref<128xi32, #tpu.memory_space<vmem>>
        %dma_wait3A_453 = arith.constant 0 : i32
        %dma_wait3A_454 = arith.constant 0 : i32
        %dma_wait3A_455 = tpu.memref_slice %arg12[%dma_wait3A_453, %dma_wait3A_454] : memref<10240x128xf32, #tpu.memory_space<vmem_shared>> -> memref<10240x128xf32, #tpu.memory_space<vmem_shared>>
        tpu.wait_indirect_dma semaphore(%arg16 : memref<!tpu.dma_semaphore, #tpu.memory_space<semaphore_mem>>) src(%arg10 : memref<128x128xf32, #tpu.memory_space<vmem>>) dst(%dma_wait3A_455 : memref<10240x128xf32, #tpu.memory_space<vmem_shared>>)
        %dma_wait3A_456 = arith.constant 1 : i32
        %dma_wait3A_457 = arith.constant 0 : i32
        %dma_wait3A_458 = arith.constant 0 : i32
        %dma_wait3A_459 = arith.constant 0 : i32
        %dma_wait3A_460 = tpu.memref_slice %arg9[%dma_wait3A_456, %dma_wait3A_458, %dma_wait3A_459] : memref<2x8x128xi32, #tpu.memory_space<vmem>> -> memref<1x8x128xi32, #tpu.memory_space<vmem>>
        %dma_wait3A_461 = tpu.memref_squeeze %dma_wait3A_460 : memref<1x8x128xi32, #tpu.memory_space<vmem>> -> memref<8x128xi32, #tpu.memory_space<vmem>>
        %dma_wait3A_462 = arith.constant 0 : i32
        %dma_wait3A_463 = tpu.memref_slice %dma_wait3A_461[%dma_wait3A_457, %dma_wait3A_462] : memref<8x128xi32, #tpu.memory_space<vmem>> -> memref<1x128xi32, #tpu.memory_space<vmem>>
        %dma_wait3A_464 = tpu.memref_squeeze %dma_wait3A_463 : memref<1x128xi32, #tpu.memory_space<vmem>> -> memref<128xi32, #tpu.memory_space<vmem>>
        %dma_wait3A_465 = arith.constant 0 : i32
        %dma_wait3A_466 = arith.constant 0 : i32
        %dma_wait3A_467 = tpu.memref_slice %arg12[%dma_wait3A_465, %dma_wait3A_466] : memref<10240x128xf32, #tpu.memory_space<vmem_shared>> -> memref<10240x128xf32, #tpu.memory_space<vmem_shared>>
        tpu.wait_indirect_dma semaphore(%arg16 : memref<!tpu.dma_semaphore, #tpu.memory_space<semaphore_mem>>) src(%arg10 : memref<128x128xf32, #tpu.memory_space<vmem>>) dst(%dma_wait3A_467 : memref<10240x128xf32, #tpu.memory_space<vmem_shared>>)
        %dma_wait3A_468 = arith.constant 1 : i32
        %dma_wait3A_469 = arith.constant 0 : i32
        %dma_wait3A_470 = arith.constant 0 : i32
        %dma_wait3A_471 = arith.constant 0 : i32
        %dma_wait3A_472 = tpu.memref_slice %arg9[%dma_wait3A_468, %dma_wait3A_470, %dma_wait3A_471] : memref<2x8x128xi32, #tpu.memory_space<vmem>> -> memref<1x8x128xi32, #tpu.memory_space<vmem>>
        %dma_wait3A_473 = tpu.memref_squeeze %dma_wait3A_472 : memref<1x8x128xi32, #tpu.memory_space<vmem>> -> memref<8x128xi32, #tpu.memory_space<vmem>>
        %dma_wait3A_474 = arith.constant 0 : i32
        %dma_wait3A_475 = tpu.memref_slice %dma_wait3A_473[%dma_wait3A_469, %dma_wait3A_474] : memref<8x128xi32, #tpu.memory_space<vmem>> -> memref<1x128xi32, #tpu.memory_space<vmem>>
        %dma_wait3A_476 = tpu.memref_squeeze %dma_wait3A_475 : memref<1x128xi32, #tpu.memory_space<vmem>> -> memref<128xi32, #tpu.memory_space<vmem>>
        %dma_wait3A_477 = arith.constant 0 : i32
        %dma_wait3A_478 = arith.constant 0 : i32
        %dma_wait3A_479 = tpu.memref_slice %arg12[%dma_wait3A_477, %dma_wait3A_478] : memref<10240x128xf32, #tpu.memory_space<vmem_shared>> -> memref<10240x128xf32, #tpu.memory_space<vmem_shared>>
        tpu.wait_indirect_dma semaphore(%arg16 : memref<!tpu.dma_semaphore, #tpu.memory_space<semaphore_mem>>) src(%arg10 : memref<128x128xf32, #tpu.memory_space<vmem>>) dst(%dma_wait3A_479 : memref<10240x128xf32, #tpu.memory_space<vmem_shared>>)
        %dma_wait3A_480 = arith.constant 1 : i32
        %dma_wait3A_481 = arith.constant 0 : i32
        %dma_wait3A_482 = arith.constant 0 : i32
        %dma_wait3A_483 = arith.constant 0 : i32
        %dma_wait3A_484 = tpu.memref_slice %arg9[%dma_wait3A_480, %dma_wait3A_482, %dma_wait3A_483] : memref<2x8x128xi32, #tpu.memory_space<vmem>> -> memref<1x8x128xi32, #tpu.memory_space<vmem>>
        %dma_wait3A_485 = tpu.memref_squeeze %dma_wait3A_484 : memref<1x8x128xi32, #tpu.memory_space<vmem>> -> memref<8x128xi32, #tpu.memory_space<vmem>>
        %dma_wait3A_486 = arith.constant 0 : i32
        %dma_wait3A_487 = tpu.memref_slice %dma_wait3A_485[%dma_wait3A_481, %dma_wait3A_486] : memref<8x128xi32, #tpu.memory_space<vmem>> -> memref<1x128xi32, #tpu.memory_space<vmem>>
        %dma_wait3A_488 = tpu.memref_squeeze %dma_wait3A_487 : memref<1x128xi32, #tpu.memory_space<vmem>> -> memref<128xi32, #tpu.memory_space<vmem>>
        %dma_wait3A_489 = arith.constant 0 : i32
        %dma_wait3A_490 = arith.constant 0 : i32
        %dma_wait3A_491 = tpu.memref_slice %arg12[%dma_wait3A_489, %dma_wait3A_490] : memref<10240x128xf32, #tpu.memory_space<vmem_shared>> -> memref<10240x128xf32, #tpu.memory_space<vmem_shared>>
        tpu.wait_indirect_dma semaphore(%arg16 : memref<!tpu.dma_semaphore, #tpu.memory_space<semaphore_mem>>) src(%arg10 : memref<128x128xf32, #tpu.memory_space<vmem>>) dst(%dma_wait3A_491 : memref<10240x128xf32, #tpu.memory_space<vmem_shared>>)
        %dma_wait3A_492 = arith.constant 1 : i32
        %dma_wait3A_493 = arith.constant 0 : i32
        %dma_wait3A_494 = arith.constant 0 : i32
        %dma_wait3A_495 = arith.constant 0 : i32
        %dma_wait3A_496 = tpu.memref_slice %arg9[%dma_wait3A_492, %dma_wait3A_494, %dma_wait3A_495] : memref<2x8x128xi32, #tpu.memory_space<vmem>> -> memref<1x8x128xi32, #tpu.memory_space<vmem>>
        %dma_wait3A_497 = tpu.memref_squeeze %dma_wait3A_496 : memref<1x8x128xi32, #tpu.memory_space<vmem>> -> memref<8x128xi32, #tpu.memory_space<vmem>>
        %dma_wait3A_498 = arith.constant 0 : i32
        %dma_wait3A_499 = tpu.memref_slice %dma_wait3A_497[%dma_wait3A_493, %dma_wait3A_498] : memref<8x128xi32, #tpu.memory_space<vmem>> -> memref<1x128xi32, #tpu.memory_space<vmem>>
        %dma_wait3A_500 = tpu.memref_squeeze %dma_wait3A_499 : memref<1x128xi32, #tpu.memory_space<vmem>> -> memref<128xi32, #tpu.memory_space<vmem>>
        %dma_wait3A_501 = arith.constant 0 : i32
        %dma_wait3A_502 = arith.constant 0 : i32
        %dma_wait3A_503 = tpu.memref_slice %arg12[%dma_wait3A_501, %dma_wait3A_502] : memref<10240x128xf32, #tpu.memory_space<vmem_shared>> -> memref<10240x128xf32, #tpu.memory_space<vmem_shared>>
        tpu.wait_indirect_dma semaphore(%arg16 : memref<!tpu.dma_semaphore, #tpu.memory_space<semaphore_mem>>) src(%arg10 : memref<128x128xf32, #tpu.memory_space<vmem>>) dst(%dma_wait3A_503 : memref<10240x128xf32, #tpu.memory_space<vmem_shared>>)
        %dma_wait3A_504 = arith.constant 1 : i32
        %dma_wait3A_505 = arith.constant 0 : i32
        %dma_wait3A_506 = arith.constant 0 : i32
        %dma_wait3A_507 = arith.constant 0 : i32
        %dma_wait3A_508 = tpu.memref_slice %arg9[%dma_wait3A_504, %dma_wait3A_506, %dma_wait3A_507] : memref<2x8x128xi32, #tpu.memory_space<vmem>> -> memref<1x8x128xi32, #tpu.memory_space<vmem>>
        %dma_wait3A_509 = tpu.memref_squeeze %dma_wait3A_508 : memref<1x8x128xi32, #tpu.memory_space<vmem>> -> memref<8x128xi32, #tpu.memory_space<vmem>>
        %dma_wait3A_510 = arith.constant 0 : i32
        %dma_wait3A_511 = tpu.memref_slice %dma_wait3A_509[%dma_wait3A_505, %dma_wait3A_510] : memref<8x128xi32, #tpu.memory_space<vmem>> -> memref<1x128xi32, #tpu.memory_space<vmem>>
        %dma_wait3A_512 = tpu.memref_squeeze %dma_wait3A_511 : memref<1x128xi32, #tpu.memory_space<vmem>> -> memref<128xi32, #tpu.memory_space<vmem>>
        %dma_wait3A_513 = arith.constant 0 : i32
        %dma_wait3A_514 = arith.constant 0 : i32
        %dma_wait3A_515 = tpu.memref_slice %arg12[%dma_wait3A_513, %dma_wait3A_514] : memref<10240x128xf32, #tpu.memory_space<vmem_shared>> -> memref<10240x128xf32, #tpu.memory_space<vmem_shared>>
        tpu.wait_indirect_dma semaphore(%arg16 : memref<!tpu.dma_semaphore, #tpu.memory_space<semaphore_mem>>) src(%arg10 : memref<128x128xf32, #tpu.memory_space<vmem>>) dst(%dma_wait3A_515 : memref<10240x128xf32, #tpu.memory_space<vmem_shared>>)
        %dma_wait3A_516 = arith.constant 1 : i32
        %dma_wait3A_517 = arith.constant 0 : i32
        %dma_wait3A_518 = arith.constant 0 : i32
        %dma_wait3A_519 = arith.constant 0 : i32
        %dma_wait3A_520 = tpu.memref_slice %arg9[%dma_wait3A_516, %dma_wait3A_518, %dma_wait3A_519] : memref<2x8x128xi32, #tpu.memory_space<vmem>> -> memref<1x8x128xi32, #tpu.memory_space<vmem>>
        %dma_wait3A_521 = tpu.memref_squeeze %dma_wait3A_520 : memref<1x8x128xi32, #tpu.memory_space<vmem>> -> memref<8x128xi32, #tpu.memory_space<vmem>>
        %dma_wait3A_522 = arith.constant 0 : i32
        %dma_wait3A_523 = tpu.memref_slice %dma_wait3A_521[%dma_wait3A_517, %dma_wait3A_522] : memref<8x128xi32, #tpu.memory_space<vmem>> -> memref<1x128xi32, #tpu.memory_space<vmem>>
        %dma_wait3A_524 = tpu.memref_squeeze %dma_wait3A_523 : memref<1x128xi32, #tpu.memory_space<vmem>> -> memref<128xi32, #tpu.memory_space<vmem>>
        %dma_wait3A_525 = arith.constant 0 : i32
        %dma_wait3A_526 = arith.constant 0 : i32
        %dma_wait3A_527 = tpu.memref_slice %arg12[%dma_wait3A_525, %dma_wait3A_526] : memref<10240x128xf32, #tpu.memory_space<vmem_shared>> -> memref<10240x128xf32, #tpu.memory_space<vmem_shared>>
        tpu.wait_indirect_dma semaphore(%arg16 : memref<!tpu.dma_semaphore, #tpu.memory_space<semaphore_mem>>) src(%arg10 : memref<128x128xf32, #tpu.memory_space<vmem>>) dst(%dma_wait3A_527 : memref<10240x128xf32, #tpu.memory_space<vmem_shared>>)
        %add3A_528 = arith.constant 3 : i32
        %add3A_529 = arith.addi %mul3A_201, %add3A_528 : i32
        %lt3A_530 = arith.cmpi slt, %add3A_529, %select_n3A_20 : i32
        %convert_element_type3A_531 = arith.extui %lt3A_530 : i1 to i32
        %cond3A_532 = arith.constant 0 : i32
        %cond3A_533 = arith.cmpi ne, %convert_element_type3A_531, %cond3A_532 : i32
        scf.if %cond3A_533 {
          %mul3A_534 = arith.constant 8 : i32
          %mul3A_535 = arith.muli %add3A_529, %mul3A_534 : i32
          %add3A_536 = arith.addi %mul3A_535, %mul3A_0 : i32
          %multiple_of3A = tpu.assume_multiple %add3A_536, 8 : i32
          %dma_start3A_537 = arith.constant 1 : i32
          %dma_start3A_538 = arith.constant 0 : i32
          %dma_start3A_539 = arith.constant 0 : i32
          %dma_start3A_540 = tpu.memref_slice %arg9[%dma_start3A_537, %dma_start3A_538, %dma_start3A_539] : memref<2x8x128xi32, #tpu.memory_space<vmem>> -> memref<1x8x128xi32, #tpu.memory_space<vmem>>
          %dma_start3A_541 = tpu.memref_squeeze %dma_start3A_540 : memref<1x8x128xi32, #tpu.memory_space<vmem>> -> memref<8x128xi32, #tpu.memory_space<vmem>>
          %dma_start3A_542 = arith.constant 0 : i32
          %dma_start3A_543 = arith.constant 0 : i32
          %dma_start3A_544 = tpu.memref_slice %arg3[%arg1, %dma_start3A_542, %dma_start3A_543] : memref<16x160x128xi32, #tpu.memory_space<hbm>> -> memref<1x160x128xi32, #tpu.memory_space<hbm>>
          %dma_start3A_545 = tpu.memref_squeeze %dma_start3A_544 : memref<1x160x128xi32, #tpu.memory_space<hbm>> -> memref<160x128xi32, #tpu.memory_space<hbm>>
          %dma_start3A_546 = arith.constant 0 : i32
          %dma_start3A_547 = tpu.memref_slice %dma_start3A_545[%multiple_of3A, %dma_start3A_546] : memref<160x128xi32, #tpu.memory_space<hbm>> -> memref<8x128xi32, #tpu.memory_space<hbm>>
          %dma_start3A_548 = arith.constant 0 : i32
          %dma_start3A_549 = arith.constant 0 : i32
          %dma_start3A_550 = tpu.memref_slice %arg9[%dma_start3A_537, %dma_start3A_548, %dma_start3A_549] : memref<2x8x128xi32, #tpu.memory_space<vmem>> -> memref<1x8x128xi32, #tpu.memory_space<vmem>>
          %dma_start3A_551 = tpu.memref_squeeze %dma_start3A_550 : memref<1x8x128xi32, #tpu.memory_space<vmem>> -> memref<8x128xi32, #tpu.memory_space<vmem>>
          %dma_start3A_552 = arith.constant 0 : i32
          %dma_start3A_553 = arith.constant 0 : i32
          %dma_start3A_554 = tpu.memref_slice %arg3[%arg1, %dma_start3A_552, %dma_start3A_553] : memref<16x160x128xi32, #tpu.memory_space<hbm>> -> memref<1x160x128xi32, #tpu.memory_space<hbm>>
          %dma_start3A_555 = tpu.memref_squeeze %dma_start3A_554 : memref<1x160x128xi32, #tpu.memory_space<hbm>> -> memref<160x128xi32, #tpu.memory_space<hbm>>
          %dma_start3A_556 = arith.constant 0 : i32
          %dma_start3A_557 = tpu.memref_slice %dma_start3A_555[%multiple_of3A, %dma_start3A_556] : memref<160x128xi32, #tpu.memory_space<hbm>> -> memref<8x128xi32, #tpu.memory_space<hbm>>
          tpu.enqueue_dma source(%dma_start3A_557 : memref<8x128xi32, #tpu.memory_space<hbm>>) target(%dma_start3A_551 : memref<8x128xi32, #tpu.memory_space<vmem>>) target_semaphore(%arg18 : memref<!tpu.dma_semaphore, #tpu.memory_space<semaphore_mem>>)
        } else {
        }
      } else {
      }
    }
    %barrier3A_192 = arith.constant 0 : index
    tpu.barrier barrier_id(%barrier3A_192)
    %mul3A_193 = arith.constant 640 : i32
    %mul3A_194 = arith.muli %arg1, %mul3A_193 : i32
    %mul3A_195 = arith.constant 640 : i32
    %mul3A_196 = arith.muli %arg1, %mul3A_195 : i32
    "tpu.region"() ({
      %run_scoped3A = tpu.sem_alloc : memref<!tpu.dma_semaphore, #tpu.memory_space<semaphore_mem>>
      %dma_start3A = arith.constant 0 : i32
      %dma_start3A_197 = arith.constant 0 : i32
      %dma_start3A_198 = tpu.memref_slice %arg7[%arg0, %dma_start3A, %dma_start3A_197] : memref<2x10240x128xf32, #tpu.memory_space<hbm>> -> memref<1x10240x128xf32, #tpu.memory_space<hbm>>
      %dma_start3A_199 = tpu.memref_squeeze %dma_start3A_198 : memref<1x10240x128xf32, #tpu.memory_space<hbm>> -> memref<10240x128xf32, #tpu.memory_space<hbm>>
      %dma_start3A_200 = arith.constant 0 : i32
      %dma_start3A_201 = tpu.memref_slice %dma_start3A_199[%mul3A_196, %dma_start3A_200] : memref<10240x128xf32, #tpu.memory_space<hbm>> -> memref<640x128xf32, #tpu.memory_space<hbm>>
      %dma_start3A_202 = arith.constant 0 : i32
      %dma_start3A_203 = tpu.memref_slice %arg12[%mul3A_194, %dma_start3A_202] : memref<10240x128xf32, #tpu.memory_space<vmem_shared>> -> memref<640x128xf32, #tpu.memory_space<vmem_shared>>
      tpu.enqueue_dma source(%dma_start3A_203 : memref<640x128xf32, #tpu.memory_space<vmem_shared>>) target(%dma_start3A_201 : memref<640x128xf32, #tpu.memory_space<hbm>>) target_semaphore(%run_scoped3A : memref<!tpu.dma_semaphore, #tpu.memory_space<semaphore_mem>>)
      %dma_wait3A = arith.constant 0 : i32
      %dma_wait3A_204 = arith.constant 0 : i32
      %dma_wait3A_205 = tpu.memref_slice %arg7[%arg0, %dma_wait3A, %dma_wait3A_204] : memref<2x10240x128xf32, #tpu.memory_space<hbm>> -> memref<1x10240x128xf32, #tpu.memory_space<hbm>>
      %dma_wait3A_206 = tpu.memref_squeeze %dma_wait3A_205 : memref<1x10240x128xf32, #tpu.memory_space<hbm>> -> memref<10240x128xf32, #tpu.memory_space<hbm>>
      %dma_wait3A_207 = arith.constant 0 : i32
      %dma_wait3A_208 = tpu.memref_slice %dma_wait3A_206[%mul3A_196, %dma_wait3A_207] : memref<10240x128xf32, #tpu.memory_space<hbm>> -> memref<640x128xf32, #tpu.memory_space<hbm>>
      %dma_wait3A_209 = arith.constant 0 : i32
      %dma_wait3A_210 = tpu.memref_slice %arg12[%mul3A_194, %dma_wait3A_209] : memref<10240x128xf32, #tpu.memory_space<vmem_shared>> -> memref<640x128xf32, #tpu.memory_space<vmem_shared>>
      tpu.wait_dma2 semaphore(%run_scoped3A : memref<!tpu.dma_semaphore, #tpu.memory_space<semaphore_mem>>) src(%dma_wait3A_210 : memref<640x128xf32, #tpu.memory_space<vmem_shared>>) dst(%dma_wait3A_208 : memref<640x128xf32, #tpu.memory_space<hbm>>)
      tpu.yield
    }) : () -> ()
    return
  }
}

module attributes {stable_mosaic.version = 14 : i64} {
  func.func @_tc_forward_body(%arg0: i32, %arg1: memref<2x2000x128xf32, #tpu.memory_space<vmem>>, %arg2: memref<2x2000x128xf32, #tpu.memory_space<vmem>>, %arg3: memref<2000x128xf32, #tpu.memory_space<vmem>>, %arg4: memref<128x128xf32, #tpu.memory_space<vmem>>, %arg5: memref<1x128xf32, #tpu.memory_space<vmem>>, %arg6: memref<128x128xf32, #tpu.memory_space<vmem>>, %arg7: memref<128x128xf32, #tpu.memory_space<vmem>>, %arg8: memref<1x128xf32, #tpu.memory_space<vmem>>, %arg9: memref<2000x128xf32, #tpu.memory_space<vmem>>) attributes {dimension_semantics = [#tpu.dimension_semantics<arbitrary>], iteration_bounds = array<i64: 5>, scalar_prefetch = 0 : i64, scratch_operands = 0 : i64, tpu.core_type = #tpu.core_type<tc>, window_params = [{transform_indices = @transform_0, window_bounds = array<i64: 2, 2000, 128>}, {transform_indices = @transform_1, window_bounds = array<i64: 2, 2000, 128>}, {transform_indices = @transform_2, window_bounds = array<i64: 2000, 128>}, {pipeline_mode = #tpu.pipeline_mode<synchronous>, transform_indices = @transform_3, window_bounds = array<i64: 128, 128>}, {pipeline_mode = #tpu.pipeline_mode<synchronous>, transform_indices = @transform_4, window_bounds = array<i64: 1, 128>}, {pipeline_mode = #tpu.pipeline_mode<synchronous>, transform_indices = @transform_5, window_bounds = array<i64: 128, 128>}, {pipeline_mode = #tpu.pipeline_mode<synchronous>, transform_indices = @transform_6, window_bounds = array<i64: 128, 128>}, {pipeline_mode = #tpu.pipeline_mode<synchronous>, transform_indices = @transform_7, window_bounds = array<i64: 1, 128>}, {transform_indices = @transform_8, window_bounds = array<i64: 2000, 128>}]} {
    %get3A = arith.constant 0 : index
    %get3A_0 = arith.constant 0 : index
    %get3A_1 = arith.constant 0 : index
    %get3A_2 = vector.load %arg1[%get3A, %get3A_0, %get3A_1] : memref<2x2000x128xf32, #tpu.memory_space<vmem>>, vector<1x2000x128xf32>
    %get3A_3 = vector.shape_cast %get3A_2 : vector<1x2000x128xf32> to vector<2000x128xf32>
    %get3A_4 = arith.constant 1 : index
    %get3A_5 = arith.constant 0 : index
    %get3A_6 = arith.constant 0 : index
    %get3A_7 = vector.load %arg1[%get3A_4, %get3A_5, %get3A_6] : memref<2x2000x128xf32, #tpu.memory_space<vmem>>, vector<1x2000x128xf32>
    %get3A_8 = vector.shape_cast %get3A_7 : vector<1x2000x128xf32> to vector<2000x128xf32>
    %add3A = arith.addf %get3A_3, %get3A_8 : vector<2000x128xf32>
    %get3A_9 = arith.constant 0 : index
    %get3A_10 = arith.constant 0 : index
    %get3A_11 = arith.constant 0 : index
    %get3A_12 = vector.load %arg2[%get3A_9, %get3A_10, %get3A_11] : memref<2x2000x128xf32, #tpu.memory_space<vmem>>, vector<1x2000x1xf32>
    %get3A_13 = vector.shape_cast %get3A_12 : vector<1x2000x1xf32> to vector<2000x1xf32>
    %get3A_14 = arith.constant 1 : index
    %get3A_15 = arith.constant 0 : index
    %get3A_16 = arith.constant 0 : index
    %get3A_17 = vector.load %arg2[%get3A_14, %get3A_15, %get3A_16] : memref<2x2000x128xf32, #tpu.memory_space<vmem>>, vector<1x2000x1xf32>
    %get3A_18 = vector.shape_cast %get3A_17 : vector<1x2000x1xf32> to vector<2000x1xf32>
    %add3A_19 = arith.addf %get3A_13, %get3A_18 : vector<2000x1xf32>
    %max3A = arith.constant 1.000000e+00 : f32
    %max3A_20 = vector.broadcast %max3A : f32 to vector<2000x1xf32>
    %max3A_21 = arith.maximumf %add3A_19, %max3A_20 : vector<2000x1xf32>
    %div3A = arith.constant 1.000000e+00 : f32
    %div3A_22 = vector.broadcast %div3A : f32 to vector<2000x1xf32>
    %div3A_23 = arith.divf %div3A_22, %max3A_21 : vector<2000x1xf32>
    %mul3A = vector.broadcast %div3A_23 : vector<2000x1xf32> to vector<2000x128xf32>
    %mul3A_24 = arith.mulf %add3A, %mul3A : vector<2000x128xf32>
    %get3A_25 = arith.constant 0 : index
    %get3A_26 = arith.constant 0 : index
    %get3A_27 = vector.load %arg4[%get3A_25, %get3A_26] : memref<128x128xf32, #tpu.memory_space<vmem>>, vector<128x128xf32>
    %dot_general3A = arith.constant dense<0.000000e+00> : vector<2000x128xf32>
    %dot_general3A_28 = tpu.matmul %mul3A_24, %get3A_27, %dot_general3A {dimension_numbers = #tpu.dot_dimension_numbers<[1], [0], [0], [1], [0, 0, 1, 1], [], []>, transpose_lhs_hint = false} : vector<2000x128xf32>, vector<128x128xf32>, vector<2000x128xf32> -> vector<2000x128xf32>
    %get3A_29 = arith.constant 0 : index
    %get3A_30 = arith.constant 0 : index
    %get3A_31 = vector.load %arg5[%get3A_29, %get3A_30] : memref<1x128xf32, #tpu.memory_space<vmem>>, vector<1x128xf32>
    %add3A_32 = vector.broadcast %get3A_31 : vector<1x128xf32> to vector<2000x128xf32>
    %add3A_33 = arith.addf %dot_general3A_28, %add3A_32 : vector<2000x128xf32>
    %get3A_34 = arith.constant 0 : index
    %get3A_35 = arith.constant 0 : index
    %get3A_36 = vector.load %arg3[%get3A_34, %get3A_35] : memref<2000x128xf32, #tpu.memory_space<vmem>>, vector<2000x128xf32>
    %get3A_37 = arith.constant 0 : index
    %get3A_38 = arith.constant 0 : index
    %get3A_39 = vector.load %arg6[%get3A_37, %get3A_38] : memref<128x128xf32, #tpu.memory_space<vmem>>, vector<128x128xf32>
    %dot_general3A_40 = arith.constant dense<0.000000e+00> : vector<2000x128xf32>
    %dot_general3A_41 = tpu.matmul %get3A_36, %get3A_39, %dot_general3A_40 {dimension_numbers = #tpu.dot_dimension_numbers<[1], [0], [0], [1], [0, 0, 1, 1], [], []>, transpose_lhs_hint = false} : vector<2000x128xf32>, vector<128x128xf32>, vector<2000x128xf32> -> vector<2000x128xf32>
    %add3A_42 = arith.addf %add3A_33, %dot_general3A_41 : vector<2000x128xf32>
    %max3A_43 = arith.constant 0.000000e+00 : f32
    %max3A_44 = vector.broadcast %max3A_43 : f32 to vector<2000x128xf32>
    %max3A_45 = arith.maximumf %add3A_42, %max3A_44 : vector<2000x128xf32>
    %get3A_46 = arith.constant 0 : index
    %get3A_47 = arith.constant 0 : index
    %get3A_48 = vector.load %arg7[%get3A_46, %get3A_47] : memref<128x128xf32, #tpu.memory_space<vmem>>, vector<128x128xf32>
    %dot_general3A_49 = arith.constant dense<0.000000e+00> : vector<2000x128xf32>
    %dot_general3A_50 = tpu.matmul %max3A_45, %get3A_48, %dot_general3A_49 {dimension_numbers = #tpu.dot_dimension_numbers<[1], [0], [0], [1], [0, 0, 1, 1], [], []>, transpose_lhs_hint = false} : vector<2000x128xf32>, vector<128x128xf32>, vector<2000x128xf32> -> vector<2000x128xf32>
    %get3A_51 = arith.constant 0 : index
    %get3A_52 = arith.constant 0 : index
    %get3A_53 = vector.load %arg8[%get3A_51, %get3A_52] : memref<1x128xf32, #tpu.memory_space<vmem>>, vector<1x128xf32>
    %add3A_54 = vector.broadcast %get3A_53 : vector<1x128xf32> to vector<2000x128xf32>
    %add3A_55 = arith.addf %dot_general3A_50, %add3A_54 : vector<2000x128xf32>
    %swap3A = arith.constant 0 : index
    %swap3A_56 = arith.constant 0 : index
    %swap3A_57 = vector.load %arg9[%swap3A, %swap3A_56] : memref<2000x128xf32, #tpu.memory_space<vmem>>, vector<2000x128xf32>
    tpu.vector_store %arg9[%swap3A, %swap3A_56], %add3A_55 {strides = array<i32>} : memref<2000x128xf32, #tpu.memory_space<vmem>>, vector<2000x128xf32>,
    return
  }
  func.func @transform_0(%arg0: i32) -> (i32, i32, i32) {
    %c0_i32 = arith.constant 0 : i32
    %c0_i32_0 = arith.constant 0 : i32
    %c0_i32_1 = arith.constant 0 : i32
    return %c0_i32, %arg0, %c0_i32_0 : i32, i32, i32
  }
  func.func @transform_1(%arg0: i32) -> (i32, i32, i32) {
    %c0_i32 = arith.constant 0 : i32
    %c0_i32_0 = arith.constant 0 : i32
    %c0_i32_1 = arith.constant 0 : i32
    return %c0_i32, %arg0, %c0_i32_0 : i32, i32, i32
  }
  func.func @transform_2(%arg0: i32) -> (i32, i32) {
    %c0_i32 = arith.constant 0 : i32
    %c0_i32_0 = arith.constant 0 : i32
    return %arg0, %c0_i32 : i32, i32
  }
  func.func @transform_3(%arg0: i32) -> (i32, i32) {
    %c0_i32 = arith.constant 0 : i32
    %c0_i32_0 = arith.constant 0 : i32
    %c0_i32_1 = arith.constant 0 : i32
    return %c0_i32, %c0_i32_0 : i32, i32
  }
  func.func @transform_4(%arg0: i32) -> (i32, i32) {
    %c0_i32 = arith.constant 0 : i32
    %c0_i32_0 = arith.constant 0 : i32
    %c0_i32_1 = arith.constant 0 : i32
    return %c0_i32, %c0_i32_0 : i32, i32
  }
  func.func @transform_5(%arg0: i32) -> (i32, i32) {
    %c0_i32 = arith.constant 0 : i32
    %c0_i32_0 = arith.constant 0 : i32
    %c0_i32_1 = arith.constant 0 : i32
    return %c0_i32, %c0_i32_0 : i32, i32
  }
  func.func @transform_6(%arg0: i32) -> (i32, i32) {
    %c0_i32 = arith.constant 0 : i32
    %c0_i32_0 = arith.constant 0 : i32
    %c0_i32_1 = arith.constant 0 : i32
    return %c0_i32, %c0_i32_0 : i32, i32
  }
  func.func @transform_7(%arg0: i32) -> (i32, i32) {
    %c0_i32 = arith.constant 0 : i32
    %c0_i32_0 = arith.constant 0 : i32
    %c0_i32_1 = arith.constant 0 : i32
    return %c0_i32, %c0_i32_0 : i32, i32
  }
  func.func @transform_8(%arg0: i32) -> (i32, i32) {
    %c0_i32 = arith.constant 0 : i32
    %c0_i32_0 = arith.constant 0 : i32
    return %arg0, %c0_i32 : i32, i32
  }
}

</mosaic_0001>

<sc_bundles>
// kernel: kernel.4.cloned.1.call-start
scs
__scs_entry_jumppad:
0x0: {  	(pc) =	sbr.rel $0x88, $3  }
0x1: {  	(tag) =	ssettag $0x0;
	lr =	simm.s32 $0x1  }
0x2: {  	[smem:$0x3F9A] =	sst lr;
	_ =	strace $0xD0000000  }
0x3: {  	_ = 	snop  }
0x4: {  	_ = 	snop  }
0x5: {  	_ = 	snop  }
0x6: {  	_ = 	snop  }
0x7: {  	_ = 	snop  }
__scs_overlays_trampoline_lowered:
0x8: {  	[smem:$0x3FA9] =	sst s0  }
0x9: {  	[smem:$0x3FAA] =	sst s1  }
0xa: {  	[smem:$0x3FAB] =	sst s2  }
0xb: {  	[smem:$0x3FAC] =	sst s3  }
0xc: {  	[smem:$0x3FAD] =	sst s4  }
0xd: {  	[smem:$0x3FAE] =	sst s5  }
0xe: {  	[smem:$0x3FAF] =	sst s6  }
0xf: {  	[smem:$0x3FB0] =	sst s7  }
0x10: {  	[smem:$0x3FB1] =	sst s8  }
0x11: {  	[smem:$0x3FB2] =	sst s9;
	s0 =	simm.s32 @!p0 $0x0  }
0x12: {  	s1 =	sld [smem:$0x3F98];
	s0 =	simm.s32 @p0 $0x1  }
0x13: {  	[smem:$0x3FB3] =	sst s0;
	s0 =	simm.s32 @!p1 $0x0  }
0x14: {  	s2 =	sld [smem:$0x3F97];
	s0 =	simm.s32 @p1 $0x1  }
0x15: {  	[smem:$0x3FB4] =	sst s0;
	s0 =	simm.s32 @!p2 $0x0  }
0x16: {  	s3 =	sld [smem:$0x3FDB];
	s0 =	simm.s32 @p2 $0x1  }
0x17: {  	s4 =	simm.s32 $0x1BF5;
	[smem:$0x3FB6] =	sst s0  }
0x18: {  	s0 =	sld [smem:$0x3F99];
	_ =	swait.ge [sflag:s4], $0x0  }
0x19: {  	s7 =	sld [smem:$0x3F9A]  }
0x1a: {  	s8 =	sadd.s32 $0xFFFFE003, lr  }
0x1b: {  	s9 =	sadd.s32 $0xFFFFFEF7, lr;
	s5 =	simm.s32 $0xFFFFFFFF;
	p2 =	slt.u32 s8, $0xFFFFF086  }
0x1c: {  	p1 =	slt.u32 s9, $0xF7A;
	s5 =	simm.s32 @!p2 $0x0  }
0x1d: {  	s5 =	simm.s32 @p1 $0x1;
	p0 =	seq.s32 s7, s2  }
0x1e: {  	s7 =	smul.u32 @!p0 $0xF7A, s2;
	p2 =	seq.s32 @!p0 s5, $0x0  }
0x1f: {  	s9 =	smul.u32 $0xF7A, s1;
	s8 =	simm.s32 @!p0 $0x1BF5;
	p2 =	por !p2, p0  }
0x20: {  	[sflag:s8] =	ssyncset.s32 @!p0 $0xFFFFF086;
	s6 =	sadd.s32 @!p0 s3, s7;
	s7 =	simm.s32 @!p0 $0x108  }
0x21: {  	s3 =	sadd.s32 s3, s9;
	s6 =	sadd.s32 @!p0 $0x88, s6;
	s7 =	simm.s32 @p2 $0x1082  }
0x22: {  	[simem:s7], [sflag:s8] =	dma.local @!p0 [hbm:s6], $0xF7A  }
0x23: {  	s9 =	sor.u32 $0xD0000000, s2;
	s6 =	simm.s32 $0x108;
	_ =	swait.ge @!p0 [sflag:s8], $0x0  }
0x24: {  	s3 =	sadd.s32 $0x88, s3;
	s6 =	simm.s32 @!p1 $0x1082;
	[sflag:s4] =	ssyncset.s32 $0xFFFFF086  }
0x25: {  	[simem:s6], [sflag:s4] =	dma.local [hbm:s3], $0xF7A  }
0x26: {  	[smem:$0x3F9A] =	sst s1;
	(tag) =	ssettag s2;
	_ =	strace s9  }
0x27: {  	s1 =	sld [smem:$0x3FAA]  }
0x28: {  	s2 =	sld [smem:$0x3FAB]  }
0x29: {  	s4 =	sld [smem:$0x3FAD]  }
0x2a: {  	p0 =	seq.s32 s5, $0x0;
	s5 =	sld [smem:$0x3FAE]  }
0x2b: {  	s6 =	sld [smem:$0x3FAF]  }
0x2c: {  	s7 =	sld [smem:$0x3FB0]  }
0x2d: {  	s3 =	simm.s32 $0x108;
	s8 =	sld [smem:$0x3FB1]  }
0x2e: {  	s3 =	simm.s32 @!p0 $0x1082;
	s9 =	sld [smem:$0x3FB2]  }
0x2f: {  	lr =	sadd.s32 s0, s3;
	s0 =	sld [smem:$0x3FA9]  }
0x30: {  	s3 =	sld [smem:$0x3FAC]  }
0x31: {  	[smem:$0x3FB5] =	sst s10  }
0x32: {  	s10 =	sld [smem:$0x3FB3];
	_ =	sdelay $0x3  }
0x33: {  	p0 =	seq.s32 s10, $0x1;
	s10 =	sld [smem:$0x3FB5];
	_ =	sdelay $0x3  }
0x34: {  	[smem:$0x3FB5] =	sst s10  }
0x35: {  	s10 =	sld [smem:$0x3FB4];
	_ =	sdelay $0x3  }
0x36: {  	p1 =	seq.s32 s10, $0x1;
	s10 =	sld [smem:$0x3FB5];
	_ =	sdelay $0x3  }
0x37: {  	[smem:$0x3FB5] =	sst s10  }
0x38: {  	s10 =	sld [smem:$0x3FB6]  }
0x39: {  	_ = 	snop;
	(pc) =	sbr.ind lr, $3  }
0x3a: {  	_ = 	snop  }
0x3b: {  	_ = 	snop  }
0x3c: {  	p2 =	seq.s32 s10, $0x1;
	s10 =	sld [smem:$0x3FB5]  }
0x3d: {  	_ =	shalt  }
0x3e: {  	_ =	shalt  }
0x3f: {  	_ =	shalt  }
0x40: {  	_ =	shalt  }
0x41: {  	_ =	shalt  }
0x42: {  	_ =	shalt  }
0x43: {  	_ =	shalt  }
0x44: {  	_ =	shalt  }
0x45: {  	_ =	shalt  }
0x46: {  	_ =	shalt  }
0x47: {  	_ =	shalt  }
0x48: {  	_ =	shalt  }
0x49: {  	_ =	shalt  }
0x4a: {  	_ =	shalt  }
0x4b: {  	_ =	shalt  }
0x4c: {  	_ =	shalt  }
0x4d: {  	_ =	shalt  }
0x4e: {  	_ =	shalt  }
0x4f: {  	_ =	shalt  }
0x50: {  	_ =	shalt  }
0x51: {  	_ =	shalt  }
0x52: {  	_ =	shalt  }
0x53: {  	_ =	shalt  }
0x54: {  	_ =	shalt  }
0x55: {  	_ =	shalt  }
0x56: {  	_ =	shalt  }
0x57: {  	_ =	shalt  }
0x58: {  	_ =	shalt  }
0x59: {  	_ =	shalt  }
0x5a: {  	_ =	shalt  }
0x5b: {  	_ =	shalt  }
0x5c: {  	_ =	shalt  }
0x5d: {  	_ =	shalt  }
0x5e: {  	_ =	shalt  }
0x5f: {  	_ =	shalt  }
0x60: {  	_ =	shalt  }
0x61: {  	_ =	shalt  }
0x62: {  	_ =	shalt  }
0x63: {  	_ =	shalt  }
0x64: {  	_ =	shalt  }
0x65: {  	_ =	shalt  }
0x66: {  	_ =	shalt  }
0x67: {  	_ =	shalt  }
0x68: {  	_ =	shalt  }
0x69: {  	_ =	shalt  }
0x6a: {  	_ =	shalt  }
0x6b: {  	_ =	shalt  }
0x6c: {  	_ =	shalt  }
0x6d: {  	_ =	shalt  }
0x6e: {  	_ =	shalt  }
0x6f: {  	_ =	shalt  }
0x70: {  	_ =	shalt  }
0x71: {  	_ =	shalt  }
0x72: {  	_ =	shalt  }
0x73: {  	_ =	shalt  }
0x74: {  	_ =	shalt  }
0x75: {  	_ =	shalt  }
0x76: {  	_ =	shalt  }
0x77: {  	_ =	shalt  }
0x78: {  	_ =	shalt  }
0x79: {  	_ =	shalt  }
0x7a: {  	_ =	shalt  }
0x7b: {  	_ =	shalt  }
0x7c: {  	_ =	shalt  }
0x7d: {  	_ =	shalt  }
0x7e: {  	_ =	shalt  }
0x7f: {  	_ =	shalt  }
0x80: {  	_ =	shalt  }
0x81: {  	_ =	shalt  }
0x82: {  	_ =	shalt  }
0x83: {  	_ =	shalt  }
0x84: {  	_ =	shalt  }
0x85: {  	_ =	shalt  }
0x86: {  	_ =	shalt  }
0x87: {  	_ =	shalt  }
.Lfunc_end0:
.L_simem_size_0:
called_computation_lowered:
.L_overlay_start_0:
0x88: {  	s2 =	sld [smem:$0x3FD9]  }
0x89: {  	s3 =	sld [smem:$0x3FFE];
	_ =	sdelay $0x1  }
0x8a: {  	s1 =	srdreg.scid  }
0x8b: {  	s0 =	sand.u32 $0x1, s1  }
0x8c: {  	s17 =	sshll.u32 s0, $0xA;
	s2 =	sadd.s32 s3, s2  }
0x8d: {  	s2 =	sadd.s32 s2, s17  }
0x8e: {  	[smem:$0x3FC1] =	sst s2  }
0x8f: {  	_ = 	snop  }
0x90: {  	s2 =	sld [smem:$0x3FC9]  }
0x91: {  	s18 =	sld [smem:$0x3FD0];
	(tm) =	ssettm $0x1  }
0x92: {  	s4 =	sld [smem:$0x3FFB];
	_ =	sdelay $0x3  }
0x93: {  	_ =	strace s4  }
0x94: {  	s4 =	sld [smem:$0x3FFC];
	_ =	sdelay $0x3  }
0x95: {  	_ =	strace s4  }
0x96: {  	s4 =	sld [smem:$0x3FFD];
	_ =	sdelay $0x3  }
0x97: {  	_ =	strace s4  }
0x98: {  	_ =	strace $0x8FFFFFFF  }
0x99: {  	s19 =	sld [smem:$0x3FDB];
	_ =	sdelay $0x1  }
0x9a: {  	s5 =	simm.s32 $_scs_section_size  }
0x9b: {  	s6 =	simm.s32 $_size__tile_overlayer_lowered;
	s7 =	simm.s32 $_tile_overlayer_lowered  }
0x9c: {  	s22 =	simm.s32 $0x1BFF;
	s21 =	sshll.u32 s7, $0x1;
	s4 =	sadd.s32 s5, s19  }
0x9d: {  	s8 =	simm.s32 $0x0;
	s20 =	sshll.u32 s6, $0x1;
	s6 =	sadd.s32 s21, s4  }
0x9e: {  	[timem:s8], [sflag:s22] =	dma.local [hbm:s6], s20  }
0x9f: {  	_ =	swait.ge [sflag:s22], s20  }
0xa0: {  	s5 =	ssub.s32 $0x0, s20;
	[sflag:s22] =	ssyncset.done $0x0  }
0xa1: {  	[sflag:s22] =	ssyncadd.s32 s5;
	_ =	sdelay $0x1  }
0xa2: {  	s23 =	simm.s32 $0x1B8B  }
0xa3: {  	_ =	swait.ge [sflag:s23], $0x1  }
0xa4: {  	[sflag:s23] =	ssyncset.done $0x0  }
0xa5: {  	s25 =	simm.s32 $0x1B8E;
	s24 =	sld [smem:$0x3FFE];
	[sflag:s23] =	ssyncadd.s32 $0xFFFFFFFF  }
0xa6: {  	s26 =	simm.s32 $execute0_lowered;
	[smem:$0x3FD2] =	sst s25  }
0xa7: {  	s6 =	sshll.u32 s26, $0x1;
	_ =	strace $0x80000046;
	[dreg:$0x1] =	wrdreg $0xFFFFFFFF  }
0xa8: {  	s28 =	simm.s32 $_size_execute0_lowered;
	s4 =	sadd.s32 s4, s6;
	[dreg:$0x0] =	wrdreg $0x0  }
0xa9: {  	s6 =	sshll.u32 s28, $0x1;
	[dreg:$0x2] =	wrdreg s4  }
0xaa: {  	[dreg:$0x3] =	wrdreg s6  }
0xab: {  	[dreg:$0x4] =	wrdreg $0xC0  }
0xac: {  	_ =	task [dreg:s8], $0x5FFFF  }
0xad: {  	[dreg:$0x1] =	wrdreg $0xFFFFFFFF  }
0xae: {  	[dreg:$0x0] =	wrdreg $0x60  }
0xaf: {  	[dreg:$0x2] =	wrdreg s18  }
0xb0: {  	[dreg:$0x3] =	wrdreg s24  }
0xb1: {  	[dreg:$0x4] =	wrdreg s2  }
0xb2: {  	[dreg:$0x5] =	wrdreg $0x90000  }
0xb3: {  	[dreg:$0x6] =	wrdreg $0x9  }
0xb4: {  	_ =	task.clear_ibuf [dreg:s8], $0x7FFFF;
	_ =	strace $0x90000046  }
0xb5: {  	s29 =	simm.s32 $0x9;
	_ =	strace $0x80000048  }
0xb6: {  	_ =	swait.ge [sflag:s29], $0x1  }
0xb7: {  	[sflag:s29] =	ssyncadd.s32 $0xFFFFFFFF  }
0xb8: {  	_ =	strace $0x90000048  }
0xb9: {  	_ =	sfence  }
0xba: {  	s30 =	sld [smem:$0x0];
	_ =	sdelay $0x2  }
0xbb: {  	s31 =	sshll.u32 s1, $0xD;
	s1 =	sshrl.u32 s1, $0x2  }
0xbc: {  	s3 =	sand.u32 $0x4000, s31;
	s1 =	sadd.s32 s1, s30  }
0xbd: {  	s0 =	sor.u32 s3, s0;
	s1 =	sshll.u32 s1, $0x11  }
0xbe: {  	s0 =	sor.u32 s1, s0  }
0xbf: {  	s0 =	sadd.s32 $0x8F2B, s0  }
0xc0: {  	[sflag:s0] =	ssyncadd.remote.s32 $0x1  }
0xc1: {  	_ =	sfence.sel $0xFFFF  }
0xc2: {  	[dreg:$0x0] =	wrdreg $0xFFFFFFFF;
	(pc) =	sbr.abs _section_cstart, $3  }
0xc3: {  	[dreg:$0x1] =	wrdreg $0xFFFFFFFF  }
0xc4: {  	_ =	task.clear_ibuf [dreg:s8], $0x2FFFF;
	_ =	strace $0x9FFFFFFF  }
0xc5: {  	(tm) =	ssettm $0x7FFFFFFF  }
tec
execute0_lowered:
.L_overlay_start_1:
0x0: {  	(tag) =	ssettag $0x1  }
0x1: {  	s0 =	rddreg [dreg:$0x0]  }
0x2: {  	s1 =	rddreg [dreg:$0x1]  }
0x3: {  	s2 =	rddreg [dreg:$0x2]  }
0x4: {  	s3 =	rddreg [dreg:$0x3];
	s15 =	stileid.u32;
	s4 =	simm.s32 $0x0  }
0x5: {  	s5 =	srdreg.scid;
	s28 =	simm.s32 $0x80;
	s29 =	simm.s32 $0x1000  }
0x6: {  	s30 =	simm.s32 $0x5000;
	s31 =	simm.s32 $0x1;
	s6 =	smul.u32 $0xA00, s15  }
0x7: {  	[smem:$0x7FF] =	sst s4;
	s7 =	smul.u32 $0x2800, s15;
	s8 =	sand.u32 $0x1, s5  }
0x8: {  	s5 =	simm.s32 $0xE;
	s14 =	smul.u32 $0x50000, s15;
	s23 =	sshll.u32 s15, $0x6  }
0x9: {  	_ =	strace $0x80000047;
	s10 =	ssub.s32 $0x2, s8;
	s12 =	smul.u32 $0x28000, s8  }
0xa: {  	p0 =	seq.s32 s8, $0x0;
	s24 =	smul.u32 $0x700, s8;
	s21 =	sor.u32 $0x1C07, s23  }
0xb: {  	s23 =	simm.s32 $0x7;
	s8 =	simm.s32 $0xB00;
	s9 =	sadd.s32 s6, s1  }
0xc: {  	s11 =	sadd.s32 s7, s1;
	s13 =	sshrl.u32 s10, $0x1;
	s5 =	simm.s32 @!p0 $0x6  }
0xd: {  	s22 =	sshrl.u32 s14, $0x2;
	s14 =	simm.s32 $0x2;
	[dreg:$0x7] =	wrdreg s21  }
0xe: {  	s1 =	sadd.s32 s12, s1;
	s10 =	ssub.s32 s10, s13;
	s26 =	sadd.s32 s22, s3  }
0xf: {  	s25 =	sadd.s32 $0xB400, s11;
	s12 =	sadd.s32 s0, s6;
	s9 =	sadd.s32 $0x1400, s9  }
0x10: {  	s16 =	sor.u32 $0x80, s24;
	s17 =	sshrl.u32 s5, $0x1;
	[dreg:$0x5] =	wrdreg s24  }
0x11: {  	s13 =	sadd.s32 $0xFFFFFFFF, s5;
	s19 =	sadd.s32 $0x180, s24;
	[dreg:$0xa] =	wrdreg s16  }
0x12: {  	s11 =	simm.s32 $0x980;
	s6 =	simm.s32 $0xA80;
	[dreg:$0xb] =	wrdreg s17  }
0x13: {  	s18 =	sadd.s32 $0x33400, s1;
	s1 =	sadd.s32 $0x83400, s1;
	[dreg:$0x8] =	wrdreg s12  }
0x14: {  	s10 =	smax.u32 s10, $0x1;
	s15 =	sshll.u32 s17, $0x8;
	[dreg:$0x9] =	wrdreg s9  }
0x15: {  	s20 =	sadd.s32 s24, s12;
	s22 =	sadd.s32 s24, s9;
	[dreg:$0x6] =	wrdreg s25  }
0x16: {  	s12 =	simm.s32 $0x900;
	s16 =	simm.s32 $0xB80;
	[dreg:$0xc] =	wrdreg s10  }
0x17: {  	s17 =	simm.s32 $0x6;
	s10 =	sshrl.u32 s26, $0x3;
	[dreg:$0xe] =	wrdreg s20  }
0x18: {  	[dreg:$0xf] =	wrdreg s22;
	s20 =	simm.s32 $0x800;
	s0 =	sadd.s32 s7, s18  }
0x19: {  	s24 =	sadd.s32 s7, s1;
	s26 =	sadd.s32 s9, s19;
	[dreg:$0x10] =	wrdreg s0  }
0x1a: {  	s18 =	simm.s32 $0x880;
	s22 =	simm.s32 $0x4;
	[dreg:$0x11] =	wrdreg s24  }
0x1b: {  	s19 =	simm.s32 $0xA00;
	s7 =	simm.s32 $0x0;
	[dreg:$0x12] =	wrdreg s26  }
0x1c: {  	v0 =	vimm.f32 $1.000000000e+00;
	s26 =	simm.s32 $0x5;
	s0 =	simm.s32 $0x3;
	[dreg:$0xd] =	wrdreg s10  }
.LBB2_1:
0x1d: {  	[dreg:$0x13] =	wrdreg s7  }
0x1e: {  	[spmem:s10], [sflag:s21] =	dma.local [hbm:s25], $0x2800  }
0x1f: {  	_ =	swait.ge [sflag:s23], $0x2800  }
0x20: {  	[sflag:s23] =	ssyncset.done $0x0  }
0x21: {  	[sflag:s23] =	ssyncadd.s32 $0xFFFFD800  }
0x22: {  	[bflag:$0x0] =	sbarrier.arrive $0xFFFF  }
0x23: {  	s1 =	rddreg [dreg:$0xe]  }
0x24: {  	s10 =	rddreg [dreg:$0xf]  }
0x25: {  	s9 =	rddreg [dreg:$0x8]  }
0x26: {  	[tilespmem:s4], [sflag:$0x5] =	stream.linear.gather [hbm4b:s1+s4], $0x400, $0x38;
	[tilespmem:$0x1D000] =	vst v63  }
0x27: {  	s21 =	rddreg [dreg:$0xa]  }
0x28: {  	[tilespmem:s20], [sflag:$0x5] =	stream.linear.gather [hbm4b:s10+s4], $0x400, $0x38;
	[tilespmem:$0x1D000] =	vst v63  }
0x29: {  	s24 =	simm.s32 $0x400;
	s23 =	sadd.s32 s21, s9  }
0x2a: {  	[tilespmem:s24], [sflag:$0x6] =	stream.linear.gather [hbm4b:s23+s4], $0x400, $0x38;
	[tilespmem:$0x1D000] =	vst v63  }
.Ltmp0:
0x2b: {  	s1 =	rddreg [dreg:$0x9];
	(pc) =	sbr.rel .LBB2_2-.Ltmp0, $4  }
0x2c: {  	s21 =	sadd.s32 s21, s1;
	s24 =	rddreg [dreg:$0x5]  }
0x2d: {  	[dreg:$0x14] =	wrdreg s21;
	s23 =	simm.s32 $0xC00;
	s1 =	sadd.s32 s1, s24  }
0x2e: {  	[tilespmem:s23], [sflag:$0x6] =	stream.linear.gather [hbm4b:s21+s4], $0x400, $0x38;
	[tilespmem:$0x1D000] =	vst v63  }
0x2f: {  	s21 =	sadd.s32 s9, s24;
	s23 =	simm.s32 $0x3;
	s24 =	simm.s32 $0x0  }
.LBB2_4:
0x30: {  	s24 =	sadd.s32 $0x100, s24  }
0x31: {  	p0 =	sne.s32 s15, s24  }
.Ltmp1:
0x32: {  	_ = 	snop;
	(pc) =	sbr.rel @!p0 .LBB2_5-.Ltmp1, $2  }
0x33: {  	_ =	sdelay $0x2  }
0x34: {  	s23 =	sadd.s32 $0x2, s23  }
.LBB2_2:
0x35: {  	_ =	swait.ge [sflag:s26], $0x400  }
0x36: {  	[sflag:s26] =	ssyncset.done $0x0  }
0x37: {  	[sflag:s26] =	ssyncadd.s32 $0xFFFFFC00  }
0x38: {  	_ =	swait.ge [sflag:s26], $0x400  }
0x39: {  	[sflag:s26] =	ssyncset.done $0x0  }
0x3a: {  	[sflag:s26] =	ssyncadd.s32 $0xFFFFFC00  }
0x3b: {  	[tilespmem:s29], [sflag:$0x1] =	stream.indirect.gather [hbm4b:s2+s28], $0x80, s4, s28, $0xb8;
	[tilespmem:$0x1D000] =	vst v63  }
0x3c: {  	_ = 	snop  }
0x3d: {  	[tilespmem:s30], [sflag:$0x2] =	stream.indirect.gather [hbm4b:s2+s28], $0x80, s28, s28, $0xb8;
	[tilespmem:$0x1D000] =	vst v63  }
0x3e: {  	_ =	swait.ge [sflag:s31], $0x4000  }
0x3f: {  	[sflag:s31] =	ssyncset.done $0x0  }
0x40: {  	[sflag:s31] =	ssyncadd.s32 $0xFFFFC000  }
0x41: {  	[spmem:s3] =	stream.indirect.scatter.add.f32 [tilespmem:s29], [sflag:$0x3], $0x80, s20, s28, $0xb8;
	[tilespmem:$0x1D000] =	vst v63  }
0x42: {  	_ =	swait.ge [sflag:s0], $0x4000  }
0x43: {  	[sflag:s0] =	ssyncset.done $0x0  }
0x44: {  	s7 =	simm.s32 $0x100;
	[sflag:s0] =	ssyncadd.s32 $0xFFFFC000  }
0x45: {  	[tilespmem:s29], [sflag:$0x1] =	stream.indirect.gather [hbm4b:s2+s28], $0x80, s7, s28, $0xb8;
	[tilespmem:$0x1D000] =	vst v63  }
0x46: {  	_ =	swait.ge [sflag:s14], $0x4000  }
0x47: {  	[sflag:s14] =	ssyncset.done $0x0  }
0x48: {  	[sflag:s14] =	ssyncadd.s32 $0xFFFFC000  }
0x49: {  	[spmem:s3] =	stream.indirect.scatter.add.f32 [tilespmem:s30], [sflag:$0x4], $0x80, s18, s28, $0xb8;
	[tilespmem:$0x1D000] =	vst v63  }
0x4a: {  	_ =	swait.ge [sflag:s22], $0x4000  }
0x4b: {  	[sflag:s22] =	ssyncset.done $0x0  }
0x4c: {  	s10 =	simm.s32 $0x180;
	[sflag:s22] =	ssyncadd.s32 $0xFFFFC000  }
0x4d: {  	[tilespmem:s30], [sflag:$0x2] =	stream.indirect.gather [hbm4b:s2+s28], $0x80, s10, s28, $0xb8;
	[tilespmem:$0x1D000] =	vst v63  }
0x4e: {  	_ =	swait.ge [sflag:s31], $0x4000  }
0x4f: {  	[sflag:s31] =	ssyncset.done $0x0  }
0x50: {  	[sflag:s31] =	ssyncadd.s32 $0xFFFFC000  }
0x51: {  	[spmem:s3] =	stream.indirect.scatter.add.f32 [tilespmem:s29], [sflag:$0x3], $0x80, s12, s28, $0xb8;
	[tilespmem:$0x1D000] =	vst v63  }
0x52: {  	_ =	swait.ge [sflag:s0], $0x4000  }
0x53: {  	[sflag:s0] =	ssyncset.done $0x0  }
0x54: {  	s9 =	simm.s32 $0x200;
	[sflag:s0] =	ssyncadd.s32 $0xFFFFC000  }
0x55: {  	[tilespmem:s29], [sflag:$0x1] =	stream.indirect.gather [hbm4b:s2+s28], $0x80, s9, s28, $0xb8;
	[tilespmem:$0x1D000] =	vst v63  }
0x56: {  	_ =	swait.ge [sflag:s14], $0x4000  }
0x57: {  	[sflag:s14] =	ssyncset.done $0x0  }
0x58: {  	[sflag:s14] =	ssyncadd.s32 $0xFFFFC000  }
0x59: {  	[spmem:s3] =	stream.indirect.scatter.add.f32 [tilespmem:s30], [sflag:$0x4], $0x80, s11, s28, $0xb8;
	[tilespmem:$0x1D000] =	vst v63  }
0x5a: {  	_ =	swait.ge [sflag:s22], $0x4000  }
0x5b: {  	[sflag:s22] =	ssyncset.done $0x0  }
0x5c: {  	s10 =	simm.s32 $0x280;
	[sflag:s22] =	ssyncadd.s32 $0xFFFFC000  }
0x5d: {  	[tilespmem:s30], [sflag:$0x2] =	stream.indirect.gather [hbm4b:s2+s28], $0x80, s10, s28, $0xb8;
	[tilespmem:$0x1D000] =	vst v63  }
0x5e: {  	_ =	swait.ge [sflag:s31], $0x4000  }
0x5f: {  	[sflag:s31] =	ssyncset.done $0x0  }
0x60: {  	[sflag:s31] =	ssyncadd.s32 $0xFFFFC000  }
0x61: {  	[spmem:s3] =	stream.indirect.scatter.add.f32 [tilespmem:s29], [sflag:$0x3], $0x80, s19, s28, $0xb8;
	[tilespmem:$0x1D000] =	vst v63  }
0x62: {  	_ =	swait.ge [sflag:s0], $0x4000  }
0x63: {  	[sflag:s0] =	ssyncset.done $0x0  }
0x64: {  	s9 =	simm.s32 $0x300;
	[sflag:s0] =	ssyncadd.s32 $0xFFFFC000  }
0x65: {  	[tilespmem:s29], [sflag:$0x1] =	stream.indirect.gather [hbm4b:s2+s28], $0x80, s9, s28, $0xb8;
	[tilespmem:$0x1D000] =	vst v63  }
0x66: {  	_ =	swait.ge [sflag:s14], $0x4000  }
0x67: {  	[sflag:s14] =	ssyncset.done $0x0  }
0x68: {  	[sflag:s14] =	ssyncadd.s32 $0xFFFFC000  }
0x69: {  	[spmem:s3] =	stream.indirect.scatter.add.f32 [tilespmem:s30], [sflag:$0x4], $0x80, s6, s28, $0xb8;
	[tilespmem:$0x1D000] =	vst v63  }
0x6a: {  	_ =	swait.ge [sflag:s22], $0x4000  }
0x6b: {  	[sflag:s22] =	ssyncset.done $0x0  }
0x6c: {  	s10 =	simm.s32 $0x380;
	[sflag:s22] =	ssyncadd.s32 $0xFFFFC000  }
0x6d: {  	[tilespmem:s30], [sflag:$0x2] =	stream.indirect.gather [hbm4b:s2+s28], $0x80, s10, s28, $0xb8;
	[tilespmem:$0x1D000] =	vst v63  }
0x6e: {  	_ =	swait.ge [sflag:s31], $0x4000  }
0x6f: {  	[sflag:s31] =	ssyncset.done $0x0  }
0x70: {  	[sflag:s31] =	ssyncadd.s32 $0xFFFFC000  }
0x71: {  	[spmem:s3] =	stream.indirect.scatter.add.f32 [tilespmem:s29], [sflag:$0x3], $0x80, s8, s28, $0xb8;
	[tilespmem:$0x1D000] =	vst v63  }
0x72: {  	_ =	swait.ge [sflag:s14], $0x4000  }
0x73: {  	[sflag:s14] =	ssyncset.done $0x0  }
0x74: {  	[sflag:s14] =	ssyncadd.s32 $0xFFFFC000  }
0x75: {  	[spmem:s3] =	stream.indirect.scatter.add.f32 [tilespmem:s30], [sflag:$0x4], $0x80, s16, s28, $0xb8;
	[tilespmem:$0x1D000] =	vst v63  }
0x76: {  	_ =	swait.ge [sflag:s0], $0x4000  }
0x77: {  	[sflag:s0] =	ssyncset.done $0x0  }
0x78: {  	s9 =	sadd.s32 $0xFFFFFFFF, s23;
	[sflag:s0] =	ssyncadd.s32 $0xFFFFC000  }
0x79: {  	p0 =	sge.u32 s9, s5;
	_ =	swait.ge [sflag:s22], $0x4000  }
0x7a: {  	s7 =	sadd.s32 @!p0 s24, s21;
	[sflag:s22] =	ssyncset.done $0x0  }
0x7b: {  	s9 =	simm.s32 @!p0 $0x0;
	s7 =	sadd.s32 @!p0 $0x100, s7;
	[sflag:s22] =	ssyncadd.s32 $0xFFFFC000  }
0x7c: {  	[tilespmem:s9], [sflag:$0x5] =	stream.linear.gather @!p0 [hbm4b:s7+s9], $0x400, $0x38;
	[tilespmem:$0x1D000] =	vst v63  }
0x7d: {  	s7 =	sadd.s32 @!p0 s24, s1  }
0x7e: {  	s10 =	simm.s32 @!p0 $0x800;
	s7 =	sadd.s32 @!p0 $0x100, s7  }
0x7f: {  	[tilespmem:s10], [sflag:$0x5] =	stream.linear.gather @!p0 [hbm4b:s7+s9], $0x400, $0x38;
	[tilespmem:$0x1D000] =	vst v63  }
0x80: {  	s10 =	sadd.s32 $0xFFFFFFFD, s23  }
0x81: {  	p0 =	sge.u32 s10, s13  }
.Ltmp2:
0x82: {  	_ = 	snop;
	(pc) =	sbr.rel @p0 .LBB2_4-.Ltmp2, $1  }
0x83: {  	_ =	sdelay $0x3  }
0x84: {  	_ =	swait.ge [sflag:s17], $0x400  }
0x85: {  	[sflag:s17] =	ssyncset.done $0x0  }
0x86: {  	[sflag:s17] =	ssyncadd.s32 $0xFFFFFC00  }
0x87: {  	_ =	swait.ge [sflag:s17], $0x400  }
0x88: {  	[sflag:s17] =	ssyncset.done $0x0  }
0x89: {  	s7 =	simm.s32 $0x400;
	[sflag:s17] =	ssyncadd.s32 $0xFFFFFC00  }
0x8a: {  	[tilespmem:s29], [sflag:$0x1] =	stream.indirect.gather [hbm4b:s2+s28], $0x80, s7, s28, $0xb8;
	[tilespmem:$0x1D000] =	vst v63  }
0x8b: {  	s10 =	simm.s32 $0x480  }
0x8c: {  	[tilespmem:s30], [sflag:$0x2] =	stream.indirect.gather [hbm4b:s2+s28], $0x80, s10, s28, $0xb8;
	[tilespmem:$0x1D000] =	vst v63  }
0x8d: {  	_ =	swait.ge [sflag:s31], $0x4000  }
0x8e: {  	[sflag:s31] =	ssyncset.done $0x0  }
0x8f: {  	s9 =	simm.s32 $0xC00;
	[sflag:s31] =	ssyncadd.s32 $0xFFFFC000  }
0x90: {  	[spmem:s3] =	stream.indirect.scatter.add.f32 [tilespmem:s29], [sflag:$0x3], $0x80, s9, s28, $0xb8;
	[tilespmem:$0x1D000] =	vst v63  }
0x91: {  	_ =	swait.ge [sflag:s0], $0x4000  }
0x92: {  	[sflag:s0] =	ssyncset.done $0x0  }
0x93: {  	s10 =	simm.s32 $0x500;
	[sflag:s0] =	ssyncadd.s32 $0xFFFFC000  }
0x94: {  	[tilespmem:s29], [sflag:$0x1] =	stream.indirect.gather [hbm4b:s2+s28], $0x80, s10, s28, $0xb8;
	[tilespmem:$0x1D000] =	vst v63  }
0x95: {  	_ =	swait.ge [sflag:s14], $0x4000  }
0x96: {  	[sflag:s14] =	ssyncset.done $0x0  }
0x97: {  	s9 =	simm.s32 $0xC80;
	[sflag:s14] =	ssyncadd.s32 $0xFFFFC000  }
0x98: {  	[spmem:s3] =	stream.indirect.scatter.add.f32 [tilespmem:s30], [sflag:$0x4], $0x80, s9, s28, $0xb8;
	[tilespmem:$0x1D000] =	vst v63  }
0x99: {  	_ =	swait.ge [sflag:s22], $0x4000  }
0x9a: {  	[sflag:s22] =	ssyncset.done $0x0  }
0x9b: {  	s10 =	simm.s32 $0x580;
	[sflag:s22] =	ssyncadd.s32 $0xFFFFC000  }
0x9c: {  	[tilespmem:s30], [sflag:$0x2] =	stream.indirect.gather [hbm4b:s2+s28], $0x80, s10, s28, $0xb8;
	[tilespmem:$0x1D000] =	vst v63  }
0x9d: {  	_ =	swait.ge [sflag:s31], $0x4000  }
0x9e: {  	[sflag:s31] =	ssyncset.done $0x0  }
0x9f: {  	s9 =	simm.s32 $0xD00;
	[sflag:s31] =	ssyncadd.s32 $0xFFFFC000  }
0xa0: {  	[spmem:s3] =	stream.indirect.scatter.add.f32 [tilespmem:s29], [sflag:$0x3], $0x80, s9, s28, $0xb8;
	[tilespmem:$0x1D000] =	vst v63  }
0xa1: {  	_ =	swait.ge [sflag:s0], $0x4000  }
0xa2: {  	[sflag:s0] =	ssyncset.done $0x0  }
0xa3: {  	s10 =	simm.s32 $0x600;
	[sflag:s0] =	ssyncadd.s32 $0xFFFFC000  }
0xa4: {  	[tilespmem:s29], [sflag:$0x1] =	stream.indirect.gather [hbm4b:s2+s28], $0x80, s10, s28, $0xb8;
	[tilespmem:$0x1D000] =	vst v63  }
0xa5: {  	_ =	swait.ge [sflag:s14], $0x4000  }
0xa6: {  	[sflag:s14] =	ssyncset.done $0x0  }
0xa7: {  	s9 =	simm.s32 $0xD80;
	[sflag:s14] =	ssyncadd.s32 $0xFFFFC000  }
0xa8: {  	[spmem:s3] =	stream.indirect.scatter.add.f32 [tilespmem:s30], [sflag:$0x4], $0x80, s9, s28, $0xb8;
	[tilespmem:$0x1D000] =	vst v63  }
0xa9: {  	_ =	swait.ge [sflag:s22], $0x4000  }
0xaa: {  	[sflag:s22] =	ssyncset.done $0x0  }
0xab: {  	s10 =	simm.s32 $0x680;
	[sflag:s22] =	ssyncadd.s32 $0xFFFFC000  }
0xac: {  	[tilespmem:s30], [sflag:$0x2] =	stream.indirect.gather [hbm4b:s2+s28], $0x80, s10, s28, $0xb8;
	[tilespmem:$0x1D000] =	vst v63  }
0xad: {  	_ =	swait.ge [sflag:s31], $0x4000  }
0xae: {  	[sflag:s31] =	ssyncset.done $0x0  }
0xaf: {  	s9 =	simm.s32 $0xE00;
	[sflag:s31] =	ssyncadd.s32 $0xFFFFC000  }
0xb0: {  	[spmem:s3] =	stream.indirect.scatter.add.f32 [tilespmem:s29], [sflag:$0x3], $0x80, s9, s28, $0xb8;
	[tilespmem:$0x1D000] =	vst v63  }
0xb1: {  	_ =	swait.ge [sflag:s0], $0x4000  }
0xb2: {  	[sflag:s0] =	ssyncset.done $0x0  }
0xb3: {  	s10 =	simm.s32 $0x700;
	[sflag:s0] =	ssyncadd.s32 $0xFFFFC000  }
0xb4: {  	[tilespmem:s29], [sflag:$0x1] =	stream.indirect.gather [hbm4b:s2+s28], $0x80, s10, s28, $0xb8;
	[tilespmem:$0x1D000] =	vst v63  }
0xb5: {  	_ =	swait.ge [sflag:s14], $0x4000  }
0xb6: {  	[sflag:s14] =	ssyncset.done $0x0  }
0xb7: {  	s9 =	simm.s32 $0xE80;
	[sflag:s14] =	ssyncadd.s32 $0xFFFFC000  }
0xb8: {  	[spmem:s3] =	stream.indirect.scatter.add.f32 [tilespmem:s30], [sflag:$0x4], $0x80, s9, s28, $0xb8;
	[tilespmem:$0x1D000] =	vst v63  }
0xb9: {  	_ =	swait.ge [sflag:s22], $0x4000  }
0xba: {  	[sflag:s22] =	ssyncset.done $0x0  }
0xbb: {  	s10 =	simm.s32 $0x780;
	[sflag:s22] =	ssyncadd.s32 $0xFFFFC000  }
0xbc: {  	[tilespmem:s30], [sflag:$0x2] =	stream.indirect.gather [hbm4b:s2+s28], $0x80, s10, s28, $0xb8;
	[tilespmem:$0x1D000] =	vst v63  }
0xbd: {  	_ =	swait.ge [sflag:s31], $0x4000  }
0xbe: {  	[sflag:s31] =	ssyncset.done $0x0  }
0xbf: {  	s9 =	simm.s32 $0xF00;
	[sflag:s31] =	ssyncadd.s32 $0xFFFFC000  }
0xc0: {  	[spmem:s3] =	stream.indirect.scatter.add.f32 [tilespmem:s29], [sflag:$0x3], $0x80, s9, s28, $0xb8;
	[tilespmem:$0x1D000] =	vst v63  }
0xc1: {  	_ =	swait.ge [sflag:s14], $0x4000  }
0xc2: {  	[sflag:s14] =	ssyncset.done $0x0  }
0xc3: {  	s10 =	simm.s32 $0xF80;
	[sflag:s14] =	ssyncadd.s32 $0xFFFFC000  }
0xc4: {  	[spmem:s3] =	stream.indirect.scatter.add.f32 [tilespmem:s30], [sflag:$0x4], $0x80, s10, s28, $0xb8;
	[tilespmem:$0x1D000] =	vst v63  }
0xc5: {  	_ =	swait.ge [sflag:s0], $0x4000  }
0xc6: {  	[sflag:s0] =	ssyncset.done $0x0  }
0xc7: {  	p0 =	sge.u32 s23, s5;
	[sflag:s0] =	ssyncadd.s32 $0xFFFFC000  }
0xc8: {  	s7 =	sadd.s32 @!p0 s24, s21;
	_ =	swait.ge [sflag:s22], $0x4000  }
0xc9: {  	s7 =	sadd.s32 @!p0 $0x180, s7;
	s9 =	simm.s32 @!p0 $0x0;
	[sflag:s22] =	ssyncset.done $0x0  }
.Ltmp3:
0xca: {  	s10 =	simm.s32 @!p0 $0x400;
	[sflag:s22] =	ssyncadd.s32 $0xFFFFC000;
	(pc) =	sbr.rel .LBB2_4-.Ltmp3, $4  }
0xcb: {  	[tilespmem:s10], [sflag:$0x6] =	stream.linear.gather @!p0 [hbm4b:s7+s9], $0x400, $0x38;
	[tilespmem:$0x1D000] =	vst v63  }
0xcc: {  	s7 =	sadd.s32 @!p0 s24, s1  }
0xcd: {  	s10 =	simm.s32 @!p0 $0xC00;
	s7 =	sadd.s32 @!p0 $0x180, s7  }
0xce: {  	[tilespmem:s10], [sflag:$0x6] =	stream.linear.gather @!p0 [hbm4b:s7+s9], $0x400, $0x38;
	[tilespmem:$0x1D000] =	vst v63  }
.LBB2_5:
0xcf: {  	[bflag:$0x0] =	sbarrier.arrive $0xFFFF  }
0xd0: {  	s1 =	rddreg [dreg:$0x7]  }
0xd1: {  	s7 =	rddreg [dreg:$0xd]  }
0xd2: {  	s24 =	simm.s32 $0x7;
	s9 =	rddreg [dreg:$0x10]  }
0xd3: {  	[hbm:s9], [sflag:s1] =	dma.local [spmem:s7], $0x2800  }
0xd4: {  	_ =	swait.ge [sflag:s24], $0x2800  }
0xd5: {  	[sflag:s24] =	ssyncset.done $0x0  }
0xd6: {  	[sflag:s24] =	ssyncadd.s32 $0xFFFFD800  }
0xd7: {  	[spmem:s7], [sflag:s1] =	dma.local [hbm:s25], $0x2800  }
0xd8: {  	_ =	swait.ge [sflag:s24], $0x2800  }
0xd9: {  	[sflag:s24] =	ssyncset.done $0x0  }
0xda: {  	s1 =	simm.s32 $0x0;
	s7 =	simm.s32 $0x200;
	[sflag:s24] =	ssyncadd.s32 $0xFFFFD800  }
.LBB2_6:
0xdb: {  	p0 =	sne.s32 s7, $0xFE00;
	[tilespmem:s1+$0x1070] =	vst v0  }
0xdc: {  	[tilespmem:s1+$0x1000] =	vst v0  }
0xdd: {  	[tilespmem:s1+$0x1010] =	vst v0  }
.Ltmp4:
0xde: {  	[tilespmem:s1+$0x1020] =	vst v0;
	(pc) =	sbr.rel @p0 .LBB2_6-.Ltmp4, $4  }
0xdf: {  	[tilespmem:s1+$0x1030] =	vst v0  }
0xe0: {  	[tilespmem:s1+$0x1040] =	vst v0  }
0xe1: {  	[tilespmem:s1+$0x1050] =	vst v0  }
0xe2: {  	[tilespmem:s1+$0x1060] =	vst v0;
	s1 =	sshra.s32 s7, $0x2;
	s7 =	sadd.s32 $0x200, s7  }
0xe3: {  	[tilespmem:s1+$0x1070] =	vst v0  }
0xe4: {  	[tilespmem:s1+$0x1000] =	vst v0  }
0xe5: {  	[tilespmem:s1+$0x1010] =	vst v0  }
0xe6: {  	[tilespmem:s1+$0x1020] =	vst v0  }
0xe7: {  	[tilespmem:s1+$0x1030] =	vst v0  }
0xe8: {  	[tilespmem:s1+$0x1040] =	vst v0  }
0xe9: {  	[tilespmem:s1+$0x1050] =	vst v0  }
0xea: {  	[tilespmem:s1+$0x1060] =	vst v0  }
0xeb: {  	[bflag:$0x0] =	sbarrier.arrive $0xFFFF  }
0xec: {  	s23 =	rddreg [dreg:$0xf]  }
0xed: {  	[tilespmem:s20], [sflag:$0x5] =	stream.linear.gather [hbm4b:s23+s4], $0x400, $0x38;
	[tilespmem:$0x1D000] =	vst v63  }
0xee: {  	s24 =	simm.s32 $0xC00;
	s7 =	rddreg [dreg:$0x14]  }
0xef: {  	[tilespmem:s24], [sflag:$0x6] =	stream.linear.gather [hbm4b:s7+s4], $0x400, $0x38;
	[tilespmem:$0x1D000] =	vst v63  }
0xf0: {  	_ =	swait.ge [sflag:s26], $0x400  }
0xf1: {  	[sflag:s26] =	ssyncset.done $0x0  }
0xf2: {  	[sflag:s26] =	ssyncadd.s32 $0xFFFFFC00  }
0xf3: {  	[spmem:s3] =	stream.indirect.scatter.add.f32 [tilespmem:s29], [sflag:$0x3], $0x80, s20, s28, $0xb8;
	[tilespmem:$0x1D000] =	vst v63  }
0xf4: {  	_ = 	snop  }
0xf5: {  	[spmem:s3] =	stream.indirect.scatter.add.f32 [tilespmem:s29], [sflag:$0x3], $0x80, s18, s28, $0xb8;
	[tilespmem:$0x1D000] =	vst v63  }
0xf6: {  	_ = 	snop  }
0xf7: {  	[spmem:s3] =	stream.indirect.scatter.add.f32 [tilespmem:s29], [sflag:$0x3], $0x80, s12, s28, $0xb8;
	[tilespmem:$0x1D000] =	vst v63  }
0xf8: {  	_ = 	snop  }
0xf9: {  	[spmem:s3] =	stream.indirect.scatter.add.f32 [tilespmem:s29], [sflag:$0x3], $0x80, s11, s28, $0xb8;
	[tilespmem:$0x1D000] =	vst v63  }
0xfa: {  	_ = 	snop  }
0xfb: {  	[spmem:s3] =	stream.indirect.scatter.add.f32 [tilespmem:s29], [sflag:$0x3], $0x80, s19, s28, $0xb8;
	[tilespmem:$0x1D000] =	vst v63  }
0xfc: {  	_ = 	snop  }
0xfd: {  	[spmem:s3] =	stream.indirect.scatter.add.f32 [tilespmem:s29], [sflag:$0x3], $0x80, s6, s28, $0xb8;
	[tilespmem:$0x1D000] =	vst v63  }
0xfe: {  	p0 =	sle.u32 s13, $0x0  }
0xff: {  	[spmem:s3] =	stream.indirect.scatter.add.f32 [tilespmem:s29], [sflag:$0x3], $0x80, s8, s28, $0xb8;
	[tilespmem:$0x1D000] =	vst v63  }
0x100: {  	s1 =	simm.s32 @!p0 $0x6  }
0x101: {  	[spmem:s3] =	stream.indirect.scatter.add.f32 [tilespmem:s29], [sflag:$0x3], $0x80, s16, s28, $0xb8;
	[tilespmem:$0x1D000] =	vst v63  }
0x102: {  	_ =	swait.ge @!p0 [sflag:s1], $0x400  }
0x103: {  	s9 =	simm.s32 @!p0 $0x80;
	[sflag:s1] =	ssyncset.done @!p0 $0x0  }
0x104: {  	s10 =	simm.s32 @!p0 $0xC00;
	s7 =	simm.s32 @!p0 $0x1000;
	[sflag:s1] =	ssyncadd.s32 @!p0 $0xFFFFFC00  }
0x105: {  	[spmem:s3] =	stream.indirect.scatter.add.f32 @!p0 [tilespmem:s7], [sflag:$0x4], $0x80, s10, s9, $0xb8;
	[tilespmem:$0x1D000] =	vst v63  }
0x106: {  	s1 =	simm.s32 @!p0 $0xC80  }
0x107: {  	[spmem:s3] =	stream.indirect.scatter.add.f32 @!p0 [tilespmem:s7], [sflag:$0x4], $0x80, s1, s9, $0xb8;
	[tilespmem:$0x1D000] =	vst v63  }
0x108: {  	s1 =	simm.s32 @!p0 $0xD00  }
0x109: {  	[spmem:s3] =	stream.indirect.scatter.add.f32 @!p0 [tilespmem:s7], [sflag:$0x4], $0x80, s1, s9, $0xb8;
	[tilespmem:$0x1D000] =	vst v63  }
0x10a: {  	s1 =	simm.s32 @!p0 $0xD80  }
0x10b: {  	[spmem:s3] =	stream.indirect.scatter.add.f32 @!p0 [tilespmem:s7], [sflag:$0x4], $0x80, s1, s9, $0xb8;
	[tilespmem:$0x1D000] =	vst v63  }
0x10c: {  	s1 =	simm.s32 @!p0 $0xE00  }
0x10d: {  	[spmem:s3] =	stream.indirect.scatter.add.f32 @!p0 [tilespmem:s7], [sflag:$0x4], $0x80, s1, s9, $0xb8;
	[tilespmem:$0x1D000] =	vst v63  }
0x10e: {  	s1 =	simm.s32 @!p0 $0xE80  }
0x10f: {  	[spmem:s3] =	stream.indirect.scatter.add.f32 @!p0 [tilespmem:s7], [sflag:$0x4], $0x80, s1, s9, $0xb8;
	[tilespmem:$0x1D000] =	vst v63  }
0x110: {  	s1 =	simm.s32 @!p0 $0xF00  }
0x111: {  	[spmem:s3] =	stream.indirect.scatter.add.f32 @!p0 [tilespmem:s7], [sflag:$0x4], $0x80, s1, s9, $0xb8;
	[tilespmem:$0x1D000] =	vst v63  }
0x112: {  	s1 =	simm.s32 @!p0 $0xF80  }
0x113: {  	[spmem:s3] =	stream.indirect.scatter.add.f32 @!p0 [tilespmem:s7], [sflag:$0x4], $0x80, s1, s9, $0xb8;
	[tilespmem:$0x1D000] =	vst v63  }
0x114: {  	_ =	swait.ge [sflag:s0], $0x4000  }
0x115: {  	[sflag:s0] =	ssyncset.done $0x0  }
0x116: {  	[sflag:s0] =	ssyncadd.s32 $0xFFFFC000  }
0x117: {  	_ =	swait.ge [sflag:s0], $0x4000  }
0x118: {  	[sflag:s0] =	ssyncset.done $0x0  }
0x119: {  	[sflag:s0] =	ssyncadd.s32 $0xFFFFC000  }
0x11a: {  	_ =	swait.ge [sflag:s0], $0x4000  }
0x11b: {  	[sflag:s0] =	ssyncset.done $0x0  }
0x11c: {  	[sflag:s0] =	ssyncadd.s32 $0xFFFFC000  }
0x11d: {  	_ =	swait.ge [sflag:s0], $0x4000  }
0x11e: {  	[sflag:s0] =	ssyncset.done $0x0  }
0x11f: {  	[sflag:s0] =	ssyncadd.s32 $0xFFFFC000  }
0x120: {  	_ =	swait.ge [sflag:s0], $0x4000  }
0x121: {  	[sflag:s0] =	ssyncset.done $0x0  }
0x122: {  	[sflag:s0] =	ssyncadd.s32 $0xFFFFC000  }
0x123: {  	_ =	swait.ge [sflag:s0], $0x4000  }
0x124: {  	[sflag:s0] =	ssyncset.done $0x0  }
0x125: {  	[sflag:s0] =	ssyncadd.s32 $0xFFFFC000  }
0x126: {  	_ =	swait.ge [sflag:s0], $0x4000  }
0x127: {  	[sflag:s0] =	ssyncset.done $0x0  }
0x128: {  	p1 =	sle.u32 s5, $0x2;
	[sflag:s0] =	ssyncadd.s32 $0xFFFFC000  }
0x129: {  	s10 =	simm.s32 @!p1 $0x0;
	_ =	swait.ge [sflag:s0], $0x4000  }
0x12a: {  	s9 =	simm.s32 @!p1 $0x800;
	[sflag:s0] =	ssyncset.done $0x0;
	s23 =	rddreg [dreg:$0x12]  }
0x12b: {  	s7 =	simm.s32 @!p0 $0x4;
	s1 =	sadd.s32 @!p1 $0xFFFFFF80, s23;
	[sflag:s0] =	ssyncadd.s32 $0xFFFFC000  }
0x12c: {  	[tilespmem:s9], [sflag:$0x5] =	stream.linear.gather @!p1 [hbm4b:s1+s10], $0x400, $0x38;
	[tilespmem:$0x1D000] =	vst v63  }
0x12d: {  	_ =	swait.ge @!p0 [sflag:s7], $0x4000  }
0x12e: {  	[sflag:s7] =	ssyncset.done @!p0 $0x0  }
0x12f: {  	[sflag:s7] =	ssyncadd.s32 @!p0 $0xFFFFC000  }
0x130: {  	_ =	swait.ge @!p0 [sflag:s7], $0x4000  }
0x131: {  	[sflag:s7] =	ssyncset.done @!p0 $0x0  }
0x132: {  	[sflag:s7] =	ssyncadd.s32 @!p0 $0xFFFFC000  }
0x133: {  	_ =	swait.ge @!p0 [sflag:s7], $0x4000  }
0x134: {  	[sflag:s7] =	ssyncset.done @!p0 $0x0  }
0x135: {  	[sflag:s7] =	ssyncadd.s32 @!p0 $0xFFFFC000  }
0x136: {  	_ =	swait.ge @!p0 [sflag:s7], $0x4000  }
0x137: {  	[sflag:s7] =	ssyncset.done @!p0 $0x0  }
0x138: {  	[sflag:s7] =	ssyncadd.s32 @!p0 $0xFFFFC000  }
0x139: {  	_ =	swait.ge @!p0 [sflag:s7], $0x4000  }
0x13a: {  	[sflag:s7] =	ssyncset.done @!p0 $0x0  }
0x13b: {  	[sflag:s7] =	ssyncadd.s32 @!p0 $0xFFFFC000  }
0x13c: {  	_ =	swait.ge @!p0 [sflag:s7], $0x4000  }
0x13d: {  	[sflag:s7] =	ssyncset.done @!p0 $0x0  }
0x13e: {  	[sflag:s7] =	ssyncadd.s32 @!p0 $0xFFFFC000  }
0x13f: {  	_ =	swait.ge @!p0 [sflag:s7], $0x4000  }
0x140: {  	s25 =	rddreg [dreg:$0xb]  }
0x141: {  	s21 =	sadd.s32 $0xFFFFFFFF, s25  }
0x142: {  	p1 =	sne.s32 s21, $0x0  }
.Ltmp5:
0x143: {  	_ = 	snop;
	(pc) =	sbr.rel @!p1 .LBB2_9-.Ltmp5, $4  }
0x144: {  	p2 =	sle.u32 @!p0 s5, $0x3;
	[sflag:s7] =	ssyncset.done @!p0 $0x0  }
0x145: {  	p2 =	por p2, p0;
	[sflag:s7] =	ssyncadd.s32 @!p0 $0xFFFFC000  }
0x146: {  	s24 =	simm.s32 $0x5;
	s9 =	simm.s32 @!p2 $0x0;
	_ =	swait.ge @!p0 [sflag:s7], $0x4000  }
0x147: {  	s10 =	simm.s32 @!p2 $0xC00;
	s1 =	smov.u32 s23;
	[sflag:s7] =	ssyncset.done @!p0 $0x0  }
.LBB2_8:
0x148: {  	s21 =	sadd.s32 $0xFFFFFFFF, s21;
	[sflag:s7] =	ssyncadd.s32 @!p0 $0xFFFFC000;
	s1 =	sadd.s32 $0x100, s1  }
0x149: {  	[tilespmem:s10], [sflag:$0x6] =	stream.linear.gather @!p2 [hbm4b:s23+s9], $0x400, $0x38;
	[tilespmem:$0x1D000] =	vst v63  }
0x14a: {  	p1 =	sne.s32 s21, $0x0;
	s23 =	smov.u32 s1;
	_ =	swait.ge [sflag:s26], $0x400  }
0x14b: {  	[sflag:s26] =	ssyncset.done $0x0  }
0x14c: {  	[sflag:s26] =	ssyncadd.s32 $0xFFFFFC00  }
0x14d: {  	[spmem:s3] =	stream.indirect.scatter.add.f32 [tilespmem:s29], [sflag:$0x3], $0x80, s20, s28, $0xb8;
	[tilespmem:$0x1D000] =	vst v63  }
0x14e: {  	_ = 	snop  }
0x14f: {  	[spmem:s3] =	stream.indirect.scatter.add.f32 [tilespmem:s29], [sflag:$0x3], $0x80, s18, s28, $0xb8;
	[tilespmem:$0x1D000] =	vst v63  }
0x150: {  	_ = 	snop  }
0x151: {  	[spmem:s3] =	stream.indirect.scatter.add.f32 [tilespmem:s29], [sflag:$0x3], $0x80, s12, s28, $0xb8;
	[tilespmem:$0x1D000] =	vst v63  }
0x152: {  	_ = 	snop  }
0x153: {  	[spmem:s3] =	stream.indirect.scatter.add.f32 [tilespmem:s29], [sflag:$0x3], $0x80, s11, s28, $0xb8;
	[tilespmem:$0x1D000] =	vst v63  }
0x154: {  	_ = 	snop  }
0x155: {  	[spmem:s3] =	stream.indirect.scatter.add.f32 [tilespmem:s29], [sflag:$0x3], $0x80, s19, s28, $0xb8;
	[tilespmem:$0x1D000] =	vst v63  }
0x156: {  	_ = 	snop  }
0x157: {  	[spmem:s3] =	stream.indirect.scatter.add.f32 [tilespmem:s29], [sflag:$0x3], $0x80, s6, s28, $0xb8;
	[tilespmem:$0x1D000] =	vst v63  }
0x158: {  	s7 =	sadd.s32 $0xFFFFFFFD, s24  }
0x159: {  	[spmem:s3] =	stream.indirect.scatter.add.f32 [tilespmem:s29], [sflag:$0x3], $0x80, s8, s28, $0xb8;
	[tilespmem:$0x1D000] =	vst v63  }
0x15a: {  	p0 =	sge.u32 s7, s13  }
0x15b: {  	[spmem:s3] =	stream.indirect.scatter.add.f32 [tilespmem:s29], [sflag:$0x3], $0x80, s16, s28, $0xb8;
	[tilespmem:$0x1D000] =	vst v63  }
0x15c: {  	s7 =	simm.s32 @!p0 $0x6;
	p2 =	sge.u32 @!p0 s24, s5  }
0x15d: {  	s9 =	simm.s32 @!p0 $0x1000;
	p2 =	por p2, p0;
	_ =	swait.ge @!p0 [sflag:s7], $0x400  }
0x15e: {  	s10 =	simm.s32 @!p0 $0x80;
	s25 =	simm.s32 @!p0 $0xC00;
	[sflag:s7] =	ssyncset.done @!p0 $0x0  }
0x15f: {  	[sflag:s7] =	ssyncadd.s32 @!p0 $0xFFFFFC00;
	s7 =	simm.s32 @!p0 $0xC80  }
0x160: {  	[spmem:s3] =	stream.indirect.scatter.add.f32 @!p0 [tilespmem:s9], [sflag:$0x4], $0x80, s25, s10, $0xb8;
	[tilespmem:$0x1D000] =	vst v63  }
0x161: {  	s25 =	simm.s32 @!p0 $0xD00  }
0x162: {  	[spmem:s3] =	stream.indirect.scatter.add.f32 @!p0 [tilespmem:s9], [sflag:$0x4], $0x80, s7, s10, $0xb8;
	[tilespmem:$0x1D000] =	vst v63  }
0x163: {  	s7 =	simm.s32 @!p0 $0xD80  }
0x164: {  	[spmem:s3] =	stream.indirect.scatter.add.f32 @!p0 [tilespmem:s9], [sflag:$0x4], $0x80, s25, s10, $0xb8;
	[tilespmem:$0x1D000] =	vst v63  }
0x165: {  	s25 =	simm.s32 @!p0 $0xE00  }
0x166: {  	[spmem:s3] =	stream.indirect.scatter.add.f32 @!p0 [tilespmem:s9], [sflag:$0x4], $0x80, s7, s10, $0xb8;
	[tilespmem:$0x1D000] =	vst v63  }
0x167: {  	s7 =	simm.s32 @!p0 $0xE80  }
0x168: {  	[spmem:s3] =	stream.indirect.scatter.add.f32 @!p0 [tilespmem:s9], [sflag:$0x4], $0x80, s25, s10, $0xb8;
	[tilespmem:$0x1D000] =	vst v63  }
0x169: {  	s25 =	simm.s32 @!p0 $0xF00  }
0x16a: {  	[spmem:s3] =	stream.indirect.scatter.add.f32 @!p0 [tilespmem:s9], [sflag:$0x4], $0x80, s7, s10, $0xb8;
	[tilespmem:$0x1D000] =	vst v63  }
0x16b: {  	s7 =	simm.s32 @!p0 $0xF80  }
0x16c: {  	[spmem:s3] =	stream.indirect.scatter.add.f32 @!p0 [tilespmem:s9], [sflag:$0x4], $0x80, s25, s10, $0xb8;
	[tilespmem:$0x1D000] =	vst v63  }
0x16d: {  	_ = 	snop  }
0x16e: {  	[spmem:s3] =	stream.indirect.scatter.add.f32 @!p0 [tilespmem:s9], [sflag:$0x4], $0x80, s7, s10, $0xb8;
	[tilespmem:$0x1D000] =	vst v63  }
0x16f: {  	_ =	swait.ge [sflag:s0], $0x4000  }
0x170: {  	[sflag:s0] =	ssyncset.done $0x0  }
0x171: {  	[sflag:s0] =	ssyncadd.s32 $0xFFFFC000  }
0x172: {  	_ =	swait.ge [sflag:s0], $0x4000  }
0x173: {  	[sflag:s0] =	ssyncset.done $0x0  }
0x174: {  	[sflag:s0] =	ssyncadd.s32 $0xFFFFC000  }
0x175: {  	_ =	swait.ge [sflag:s0], $0x4000  }
0x176: {  	[sflag:s0] =	ssyncset.done $0x0  }
0x177: {  	[sflag:s0] =	ssyncadd.s32 $0xFFFFC000  }
0x178: {  	_ =	swait.ge [sflag:s0], $0x4000  }
0x179: {  	[sflag:s0] =	ssyncset.done $0x0  }
0x17a: {  	[sflag:s0] =	ssyncadd.s32 $0xFFFFC000  }
0x17b: {  	_ =	swait.ge [sflag:s0], $0x4000  }
0x17c: {  	[sflag:s0] =	ssyncset.done $0x0  }
0x17d: {  	[sflag:s0] =	ssyncadd.s32 $0xFFFFC000  }
0x17e: {  	_ =	swait.ge [sflag:s0], $0x4000  }
0x17f: {  	[sflag:s0] =	ssyncset.done $0x0  }
0x180: {  	[sflag:s0] =	ssyncadd.s32 $0xFFFFC000  }
0x181: {  	_ =	swait.ge [sflag:s0], $0x4000  }
0x182: {  	[sflag:s0] =	ssyncset.done $0x0  }
0x183: {  	s7 =	sadd.s32 $0xFFFFFFFF, s24;
	[sflag:s0] =	ssyncadd.s32 $0xFFFFC000  }
0x184: {  	p3 =	sge.u32 s7, s5;
	_ =	swait.ge [sflag:s0], $0x4000  }
0x185: {  	s9 =	sadd.s32 @!p3 $0xFFFFFF80, s1;
	s10 =	simm.s32 @!p3 $0x800;
	[sflag:s0] =	ssyncset.done $0x0  }
0x186: {  	s7 =	simm.s32 @!p0 $0x4;
	s25 =	simm.s32 @!p3 $0x0;
	[sflag:s0] =	ssyncadd.s32 $0xFFFFC000  }
0x187: {  	[tilespmem:s10], [sflag:$0x5] =	stream.linear.gather @!p3 [hbm4b:s9+s25], $0x400, $0x38;
	[tilespmem:$0x1D000] =	vst v63  }
0x188: {  	_ =	swait.ge @!p0 [sflag:s7], $0x4000  }
0x189: {  	[sflag:s7] =	ssyncset.done @!p0 $0x0  }
0x18a: {  	[sflag:s7] =	ssyncadd.s32 @!p0 $0xFFFFC000  }
0x18b: {  	_ =	swait.ge @!p0 [sflag:s7], $0x4000  }
0x18c: {  	[sflag:s7] =	ssyncset.done @!p0 $0x0  }
0x18d: {  	[sflag:s7] =	ssyncadd.s32 @!p0 $0xFFFFC000  }
0x18e: {  	_ =	swait.ge @!p0 [sflag:s7], $0x4000  }
0x18f: {  	[sflag:s7] =	ssyncset.done @!p0 $0x0  }
0x190: {  	[sflag:s7] =	ssyncadd.s32 @!p0 $0xFFFFC000  }
0x191: {  	_ =	swait.ge @!p0 [sflag:s7], $0x4000  }
0x192: {  	[sflag:s7] =	ssyncset.done @!p0 $0x0  }
0x193: {  	[sflag:s7] =	ssyncadd.s32 @!p0 $0xFFFFC000  }
0x194: {  	_ =	swait.ge @!p0 [sflag:s7], $0x4000  }
0x195: {  	[sflag:s7] =	ssyncset.done @!p0 $0x0  }
0x196: {  	[sflag:s7] =	ssyncadd.s32 @!p0 $0xFFFFC000  }
0x197: {  	_ =	swait.ge @!p0 [sflag:s7], $0x4000  }
0x198: {  	[sflag:s7] =	ssyncset.done @!p0 $0x0  }
0x199: {  	[sflag:s7] =	ssyncadd.s32 @!p0 $0xFFFFC000  }
.Ltmp6:
0x19a: {  	_ =	swait.ge @!p0 [sflag:s7], $0x4000;
	(pc) =	sbr.rel @p1 .LBB2_8-.Ltmp6, $4  }
0x19b: {  	[sflag:s7] =	ssyncset.done @!p0 $0x0  }
0x19c: {  	[sflag:s7] =	ssyncadd.s32 @!p0 $0xFFFFC000  }
0x19d: {  	s24 =	sadd.s32 $0x2, s24;
	_ =	swait.ge @!p0 [sflag:s7], $0x4000  }
0x19e: {  	s9 =	simm.s32 @!p2 $0x0;
	s10 =	simm.s32 @!p2 $0xC00;
	[sflag:s7] =	ssyncset.done @!p0 $0x0  }
.LBB2_9:
0x19f: {  	[sflag:s7] =	ssyncadd.s32 @!p0 $0xFFFFC000  }
0x1a0: {  	[tilespmem:s10], [sflag:$0x6] =	stream.linear.gather @!p2 [hbm4b:s23+s9], $0x400, $0x38;
	[tilespmem:$0x1D000] =	vst v63  }
0x1a1: {  	[bflag:$0x0] =	sbarrier.arrive $0xFFFF  }
0x1a2: {  	s21 =	rddreg [dreg:$0x7]  }
0x1a3: {  	s10 =	rddreg [dreg:$0xd]  }
0x1a4: {  	s23 =	simm.s32 $0x7;
	s1 =	rddreg [dreg:$0x11]  }
0x1a5: {  	[hbm:s1], [sflag:s21] =	dma.local [spmem:s10], $0x2800  }
0x1a6: {  	_ =	swait.ge [sflag:s23], $0x2800  }
0x1a7: {  	s24 =	rddreg [dreg:$0x13]  }
0x1a8: {  	s25 =	rddreg [dreg:$0xc];
	s7 =	sadd.s32 $0x1, s24  }
0x1a9: {  	p0 =	sne.s32 s7, s25  }
.Ltmp7:
0x1aa: {  	_ = 	snop;
	(pc) =	sbr.rel @p0 .LBB2_1-.Ltmp7, $3  }
0x1ab: {  	_ =	sdelay $0x1  }
0x1ac: {  	[sflag:s23] =	ssyncset.done $0x0  }
0x1ad: {  	[sflag:s23] =	ssyncadd.s32 $0xFFFFD800;
	s25 =	rddreg [dreg:$0x6]  }
0x1ae: {  	_ =	sfence.sel $0x180000  }
0x1af: {  	[bflag:$0x0] =	sbarrier.arrive $0xFFFF  }
0x1b0: {  	_ =	strace $0x90000047  }
0x1b1: {  	s0 =	stileid.u32;
	[bflag:$0x2] =	sbarrier.arrive $0xFFFF  }
0x1b2: {  	p0 =	sne.s32 s0, $0x0;
	s0 =	rddreg [dreg:$0x4]  }
0x1b3: {  	s0 =	sadd.s32 @!p0 $0x100000, s0  }
0x1b4: {  	[sflag:s0] =	ssyncadd.tile.s32 @!p0 $0x1;
	_ =	shalt  }
.Lfunc_end2:
_tile_overlayer_lowered:
.L_overlay_start_2:
0x1b5: {  	(tag) =	ssettag $0x2  }
0x1b6: {  	s0 =	rddreg [dreg:$0x0];
	s2 =	stileid.u32  }
0x1b7: {  	s1 =	rddreg [dreg:$0x1];
	p0 =	sne.s32 s2, $0x0  }
0x1b8: {  	s3 =	rddreg [dreg:$0x2];
	[bflag:$0x3] =	sbarrier.arrive $0xFFFF;
	s2 =	simm.s32 @!p0 $0x1C07  }
0x1b9: {  	[timem:s3], [sflag:s2] =	dma.local @!p0 [hbm:s0], s1  }
0x1ba: {  	s0 =	simm.s32 @!p0 $0x7  }
0x1bb: {  	_ =	swait.ge @!p0 [sflag:s0], s1  }
0x1bc: {  	s1 =	ssub.s32 @!p0 $0x0, s1;
	[sflag:s0] =	ssyncset.done @!p0 $0x0  }
0x1bd: {  	[sflag:s0] =	ssyncadd.s32 @!p0 s1  }
0x1be: {  	[bflag:$0x3] =	sbarrier.arrive $0xFFFF  }
0x1bf: {  	_ =	shalt  }

</sc_bundles>
